<compile_context>
chip_gen: v7x
topology: tpu7x:2x2x1
jax: 0.10.2.dev20260603
libtpu: 0.0.44.dev20260713+nightly
codegen_flags: <defaults>
</compile_context>

<pallas_src>
import jax
import jax.numpy as jnp
from jax import lax
from jax.experimental import pallas as pl
from jax.experimental.pallas import tpu as pltpu
from jax.experimental.pallas import tpu_sc as plsc

DIM = 64
NUM_RELS = 1000
B = 16384
NEG = 10
S = 1024
REG_SCALE = 0.0005
P_NEG = 1.0
P_PSL = 0.2

NC = 2
NS = 16
NW = NC * NS
L = 16

CH = 128
NSETS = 3
NEGT = 2 * B * NEG

POS_PER_W = B // NW
NEG_PER_W = NEGT // NW
PSL_PER_W = S // NW

NEG_CHUNKS_W = NEG_PER_W // CH
NEG_FULL_ROUNDS = NEG_CHUNKS_W // NSETS
NEG_REM = NEG_CHUNKS_W - NEG_FULL_ROUNDS * NSETS
POS_CHUNKS_W = POS_PER_W // CH

C_POS = 1.0 / B
C_NEG = P_NEG / (2.0 * NEG * B)
C_REG = REG_SCALE / (2.0 * B)
C_PSL = P_PSL / S

_KIND_POS, _KIND_NEG, _KIND_PSL = 0, 1, 2


def _sc_body(h_hbm, r_hbm, t_hbm, w_hbm, nh_hbm, nr_hbm, nt_hbm,
             sh_hbm, sr_hbm, st_hbm, sw_hbm,
             sub_hbm, rel_hbm, obj_hbm, av_hbm, bv_hbm,
             out_hbm, *scr):
    idxs = [scr[3 * k:3 * k + 3] for k in range(NSETS)]
    o = 3 * NSETS
    rows = [scr[o + 2 * k:o + 2 * k + 2] for k in range(NSETS)]
    o += 2 * NSETS
    relbuf, wall, accbuf, avbuf, bvbuf = scr[o:o + 5]
    o += 5
    sem_i = scr[o:o + NSETS]
    sem_g = scr[o + NSETS:o + 2 * NSETS]

    cid = lax.axis_index("c")
    sid = lax.axis_index("s")
    wid = sid * NC + cid

    pltpu.sync_copy(w_hbm.at[pl.ds(wid * POS_PER_W, POS_PER_W)],
                    wall.at[pl.ds(0, POS_PER_W)])
    pltpu.sync_copy(sw_hbm.at[pl.ds(wid * PSL_PER_W, PSL_PER_W)],
                    wall.at[pl.ds(POS_PER_W, PSL_PER_W)])
    pltpu.sync_copy(av_hbm, avbuf)
    pltpu.sync_copy(bv_hbm, bvbuf)
    pltpu.sync_copy(rel_hbm, relbuf)
    accbuf[...] = jnp.zeros((L,), jnp.float32)

    av = avbuf[...]
    bv = bvbuf[...]
    lanes = lax.iota(jnp.int32, L)

    def compute(kind, kset, woff, n_groups):
        rh, rt = rows[kset]
        ir = idxs[kset][1]
        zero = jnp.zeros((L,), jnp.float32)

        NACC = 8

        def group_body(g, _):
            rvec = lanes + g * L
            rid = ir[pl.ds(g * L, L)]

            def blk_body(i, carry):
                accs, sqs = [list(c) for c in carry]
                for j in range(NACC):
                    cols = (i * NACC + (j + lanes)) & (DIM - 1)
                    hv = plsc.load_gather(rh, [rvec, cols])
                    rv = plsc.load_gather(relbuf, [rid, cols])
                    tv = plsc.load_gather(rt, [rvec, cols])
                    accs[j] = accs[j] + rv * (hv * tv)
                    if kind == _KIND_POS:
                        sqs[j] = sqs[j] + hv * hv + tv * tv + rv * rv
                return tuple(accs), tuple(sqs)

            accs, sqs = lax.fori_loop(0, DIM // NACC, blk_body,
                                      (tuple([zero] * NACC),
                                       tuple([zero] * NACC)))
            accs = list(accs)
            sqs = list(sqs)
            while len(accs) > 1:
                accs = [a + b for a, b in zip(accs[::2], accs[1::2])]
            while len(sqs) > 1:
                sqs = [a + b for a, b in zip(sqs[::2], sqs[1::2])]
            acc = accs[0]
            sq = sqs[0]
            x = av * acc + bv
            if kind == _KIND_NEG:
                p = 1.0 / (1.0 + jnp.exp(-x))
                contrib = p * p * C_NEG
            else:
                wv = wall[pl.ds(woff + g * L, L)]
                if kind == _KIND_POS:
                    p = 1.0 / (1.0 + jnp.exp(-x))
                    dif = p - wv
                    contrib = dif * dif * C_POS + sq * C_REG
                else:
                    e = jnp.maximum(wv - x, 0.0)
                    contrib = e * e * C_PSL
            accbuf[...] = accbuf[...] + contrib
            return 0

        lax.fori_loop(0, n_groups, group_body, 0)

    def round_n(specs):
        di = []
        for k, (kind, s_h_, s_r_, s_t_, base, woff) in enumerate(specs):
            ih, ir, it = idxs[k]
            di.append([
                pltpu.async_copy(s_h_.at[pl.ds(base, CH)], ih, sem_i[k]),
                pltpu.async_copy(s_r_.at[pl.ds(base, CH)], ir, sem_i[k]),
                pltpu.async_copy(s_t_.at[pl.ds(base, CH)], it, sem_i[k]),
            ])
        dg = []
        for k in range(len(specs)):
            for d in di[k]:
                d.wait()
            ih, ir, it = idxs[k]
            rh, rt = rows[k]
            dg.append([
                pltpu.async_copy(sub_hbm.at[ih], rh, sem_g[k]),
                pltpu.async_copy(obj_hbm.at[it], rt, sem_g[k]),
            ])
        for k, (kind, s_h_, s_r_, s_t_, base, woff) in enumerate(specs):
            for d in dg[k]:
                d.wait()
            compute(kind, k, woff, CH // L)

    nbase = wid * NEG_PER_W

    def neg_round(i, _):
        base = nbase + i * (NSETS * CH)
        round_n([(_KIND_NEG, nh_hbm, nr_hbm, nt_hbm, base + k * CH, 0)
                 for k in range(NSETS)])
        return 0

    lax.fori_loop(0, NEG_FULL_ROUNDS, neg_round, 0)
    rembase = nbase + NEG_FULL_ROUNDS * NSETS * CH
    round_n([(_KIND_NEG, nh_hbm, nr_hbm, nt_hbm, rembase + k * CH, 0)
             for k in range(NEG_REM)])

    pbase = wid * POS_PER_W
    round_n([(_KIND_POS, h_hbm, r_hbm, t_hbm, pbase + k * CH, k * CH)
             for k in range(NSETS)])
    round_n([(_KIND_POS, h_hbm, r_hbm, t_hbm, pbase + NSETS * CH,
              NSETS * CH)])

    ih, ir, it = idxs[0]
    rh, rt = rows[0]
    zi = jnp.zeros((L,), jnp.int32)
    for k in range(PSL_PER_W, CH, L):
        ih[pl.ds(k, L)] = zi
        ir[pl.ds(k, L)] = zi
        it[pl.ds(k, L)] = zi
    sbase = wid * PSL_PER_W
    pltpu.sync_copy(sh_hbm.at[pl.ds(sbase, PSL_PER_W)],
                    ih.at[pl.ds(0, PSL_PER_W)])
    pltpu.sync_copy(sr_hbm.at[pl.ds(sbase, PSL_PER_W)],
                    ir.at[pl.ds(0, PSL_PER_W)])
    pltpu.sync_copy(st_hbm.at[pl.ds(sbase, PSL_PER_W)],
                    it.at[pl.ds(0, PSL_PER_W)])
    dg = [pltpu.async_copy(sub_hbm.at[ih], rh, sem_g[0]),
          pltpu.async_copy(obj_hbm.at[it], rt, sem_g[0])]
    for d in dg:
        d.wait()
    compute(_KIND_PSL, 0, POS_PER_W, PSL_PER_W // L)

    pltpu.sync_copy(accbuf, out_hbm.at[wid])


@jax.jit
def _sc_call(h, r, t, w, nh, nr, nt, sh, sr, st, sw,
             sub_emb, rel_emb, obj_emb, av, bv):
    mesh = plsc.VectorSubcoreMesh(core_axis_name="c", subcore_axis_name="s",
                                  num_cores=NC, num_subcores=NS)
    f32 = jnp.float32
    i32 = jnp.int32
    scratch = (
        [pltpu.VMEM((CH,), i32) for _ in range(3 * NSETS)]
        + [pltpu.VMEM((CH, DIM), f32) for _ in range(2 * NSETS)]
        + [pltpu.VMEM((NUM_RELS, DIM), f32),
           pltpu.VMEM((POS_PER_W + PSL_PER_W,), f32),
           pltpu.VMEM((L,), f32),
           pltpu.VMEM((L,), f32),
           pltpu.VMEM((L,), f32)]
        + [pltpu.SemaphoreType.DMA for _ in range(2 * NSETS)]
    )
    run = pl.kernel(
        _sc_body,
        out_type=jax.ShapeDtypeStruct((NW, L), f32),
        mesh=mesh,
        compiler_params=pltpu.CompilerParams(
            use_tc_tiling_on_sc=False, needs_layout_passes=False),
        scratch_types=scratch,
    )
    return run(h, r, t, w, nh, nr, nt, sh, sr, st, sw,
               sub_emb, rel_emb, obj_emb, av, bv)


def kernel(h, r, t, w, n_hn, n_rel_hn, n_t, n_h, n_rel_tn, n_tn,
           s_h, s_r, s_t, s_w, sub_emb, rel_emb, obj_emb, lin_w, lin_b):
    i32 = jnp.int32
    f32 = jnp.float32
    nh = jnp.concatenate([n_hn.reshape(-1), n_h.reshape(-1)]).astype(i32)
    nr = jnp.concatenate(
        [n_rel_hn.reshape(-1), n_rel_tn.reshape(-1)]).astype(i32)
    nt = jnp.concatenate([n_t.reshape(-1), n_tn.reshape(-1)]).astype(i32)
    av = jnp.full((L,), lin_w[0, 0], f32)
    bv = jnp.full((L,), lin_b[0], f32)
    out = _sc_call(h.astype(i32), r.astype(i32), t.astype(i32),
                   w.astype(f32), nh, nr, nt,
                   s_h.astype(i32), s_r.astype(i32), s_t.astype(i32),
                   s_w.astype(f32),
                   sub_emb.astype(f32), rel_emb.astype(f32),
                   obj_emb.astype(f32), av, bv)
    return jnp.sum(out)

# --- scband reference (transcript-rebuilt; emitter-appended) ---
"""Pipeline reference for scband-u-cp-16338055594523 (READ-ONLY COPY).

The authoritative reference and input builder live on the scoring server;
editing this copy changes nothing except your own understanding.
"""

import jax, jax.numpy as jnp
import numpy as np

NUM_CONS = 1000000
NUM_RELS = 1000
DIM = 64
B = 16384
NEG = 10
S = 1024
REG_SCALE = 0.0005
P_NEG = 1.0
P_PSL = 0.2
PRIOR_PSL = 0.0


def _xavier(key, shape):
    fan_in, fan_out = shape[0], shape[1]
    limit = np.sqrt(6.0 / (fan_in + fan_out))
    return jax.random.uniform(key, shape, dtype=jnp.float32, minval=-limit, maxval=limit)


def setup_inputs(seed: int = 0) -> dict:
    key = jax.random.key(seed)
    ks = jax.random.split(key, 20)
    inp = {}
    inp['h'] = jax.random.randint(ks[0], (B,), 0, NUM_CONS)
    inp['r'] = jax.random.randint(ks[1], (B,), 0, NUM_RELS)
    inp['t'] = jax.random.randint(ks[2], (B,), 0, NUM_CONS)
    inp['w'] = jax.random.uniform(ks[3], (B,), dtype=jnp.float32)
    inp['n_hn'] = jax.random.randint(ks[4], (B, NEG), 0, NUM_CONS)
    inp['n_rel_hn'] = jax.random.randint(ks[5], (B, NEG), 0, NUM_RELS)
    inp['n_t'] = jax.random.randint(ks[6], (B, NEG), 0, NUM_CONS)
    inp['n_h'] = jax.random.randint(ks[7], (B, NEG), 0, NUM_CONS)
    inp['n_rel_tn'] = jax.random.randint(ks[8], (B, NEG), 0, NUM_RELS)
    inp['n_tn'] = jax.random.randint(ks[9], (B, NEG), 0, NUM_CONS)
    inp['s_h'] = jax.random.randint(ks[10], (S,), 0, NUM_CONS)
    inp['s_r'] = jax.random.randint(ks[11], (S,), 0, NUM_RELS)
    inp['s_t'] = jax.random.randint(ks[12], (S,), 0, NUM_CONS)
    inp['s_w'] = jax.random.uniform(ks[13], (S,), dtype=jnp.float32)
    inp['sub_emb'] = _xavier(ks[14], (NUM_CONS, DIM))
    inp['rel_emb'] = _xavier(ks[15], (NUM_RELS, DIM))
    inp['obj_emb'] = _xavier(ks[16], (NUM_CONS, DIM))
    inp['lin_w'] = jax.random.normal(ks[17], (1, 1), dtype=jnp.float32) * 0.3
    inp['lin_b'] = jax.random.normal(ks[18], (1,), dtype=jnp.float32) * 0.3
    return inp


def _liner(x, lin_w, lin_b):
    # nn.Linear(1, 1): x[..., 1] -> x[..., 1]
    return x * lin_w[0, 0] + lin_b[0]


def reference(h, r, t, w, n_hn, n_rel_hn, n_t, n_h, n_rel_tn, n_tn,
              s_h, s_r, s_t, s_w, sub_emb, rel_emb, obj_emb, lin_w, lin_b):
    # embed(h, r, t)
    head = jnp.take(sub_emb, h, axis=0)
    rel = jnp.take(rel_emb, r, axis=0)
    tail = jnp.take(obj_emb, t, axis=0)
    e_n_hn = jnp.take(sub_emb, n_hn, axis=0)
    e_n_rel_hn = jnp.take(rel_emb, n_rel_hn, axis=0)
    e_n_t = jnp.take(obj_emb, n_t, axis=0)
    e_n_h = jnp.take(sub_emb, n_h, axis=0)
    e_n_rel_tn = jnp.take(rel_emb, n_rel_tn, axis=0)
    e_n_tn = jnp.take(obj_emb, n_tn, axis=0)

    htr = jnp.sum(rel * (head * tail), axis=1)[:, None]
    f_prob_h = _liner(htr, lin_w, lin_b)
    f_prob_hn = _liner(jnp.sum(e_n_rel_hn * (e_n_hn * e_n_t), axis=2)[..., None], lin_w, lin_b)
    f_prob_tn = _liner(jnp.sum(e_n_rel_tn * (e_n_h * e_n_tn), axis=2)[..., None], lin_w, lin_b)
    # function == 'logi'
    f_prob_h = jax.nn.sigmoid(f_prob_h)
    f_prob_hn = jax.nn.sigmoid(f_prob_hn)
    f_prob_tn = jax.nn.sigmoid(f_prob_tn)

    f_prob_h = jnp.squeeze(f_prob_h, axis=-1)
    f_score_h = jnp.square(f_prob_h - w)
    f_prob_hn = jnp.squeeze(f_prob_hn, axis=-1)
    f_score_hn = jnp.mean(jnp.square(f_prob_hn), axis=1)
    f_prob_tn = jnp.squeeze(f_prob_tn, axis=-1)
    f_score_tn = jnp.mean(jnp.square(f_prob_tn), axis=1)

    this_loss = jnp.sum((f_score_tn + f_score_hn) / 2.0 * P_NEG + f_score_h) / B
    regularizer = (jnp.sum(jnp.square(head)) / 2.0 / B
                   + jnp.sum(jnp.square(tail)) / 2.0 / B
                   + jnp.sum(jnp.square(rel)) / 2.0 / B)
    main_loss = this_loss + REG_SCALE * regularizer

    # PSL loss
    e_s_h = jnp.take(sub_emb, s_h, axis=0)
    e_s_r = jnp.take(rel_emb, s_r, axis=0)
    e_s_t = jnp.take(obj_emb, s_t, axis=0)
    psl_prob = jnp.squeeze(_liner(jnp.sum(e_s_r * (e_s_h * e_s_t), axis=1)[:, None], lin_w, lin_b), axis=-1)
    psl_error_each = jnp.square(jnp.maximum(s_w + PRIOR_PSL - psl_prob, 0.0))
    psl_mse = jnp.mean(psl_error_each)
    psl_loss = psl_mse * P_PSL

    return main_loss + psl_loss

if __name__ == "__main__":
    import jax
    _d = setup_inputs()
    print(jax.jit(kernel)(*tuple(_d.values())))

</pallas_src>

<mosaic_0001>
#map = affine_map<(d0, d1) -> (0)>
#map1 = affine_map<(d0, d1) -> (0, 0)>
module attributes {stable_mosaic.version = 14 : i64} {
  func.func @_sc_body(%arg0: i32, %arg1: i32, %arg2: memref<16384xi32, #tpu.memory_space<hbm>>, %arg3: memref<16384xi32, #tpu.memory_space<hbm>>, %arg4: memref<16384xi32, #tpu.memory_space<hbm>>, %arg5: memref<16384xf32, #tpu.memory_space<hbm>>, %arg6: memref<327680xi32, #tpu.memory_space<hbm>>, %arg7: memref<327680xi32, #tpu.memory_space<hbm>>, %arg8: memref<327680xi32, #tpu.memory_space<hbm>>, %arg9: memref<1024xi32, #tpu.memory_space<hbm>>, %arg10: memref<1024xi32, #tpu.memory_space<hbm>>, %arg11: memref<1024xi32, #tpu.memory_space<hbm>>, %arg12: memref<1024xf32, #tpu.memory_space<hbm>>, %arg13: memref<1000000x64xf32, #tpu.memory_space<hbm>>, %arg14: memref<1000x64xf32, #tpu.memory_space<hbm>>, %arg15: memref<1000000x64xf32, #tpu.memory_space<hbm>>, %arg16: memref<16xf32, #tpu.memory_space<hbm>>, %arg17: memref<16xf32, #tpu.memory_space<hbm>>, %arg18: memref<32x16xf32, #tpu.memory_space<hbm>>, %arg19: memref<128xi32, #tpu.memory_space<vmem>>, %arg20: memref<128xi32, #tpu.memory_space<vmem>>, %arg21: memref<128xi32, #tpu.memory_space<vmem>>, %arg22: memref<128xi32, #tpu.memory_space<vmem>>, %arg23: memref<128xi32, #tpu.memory_space<vmem>>, %arg24: memref<128xi32, #tpu.memory_space<vmem>>, %arg25: memref<128xi32, #tpu.memory_space<vmem>>, %arg26: memref<128xi32, #tpu.memory_space<vmem>>, %arg27: memref<128xi32, #tpu.memory_space<vmem>>, %arg28: memref<128x64xf32, #tpu.memory_space<vmem>>, %arg29: memref<128x64xf32, #tpu.memory_space<vmem>>, %arg30: memref<128x64xf32, #tpu.memory_space<vmem>>, %arg31: memref<128x64xf32, #tpu.memory_space<vmem>>, %arg32: memref<128x64xf32, #tpu.memory_space<vmem>>, %arg33: memref<128x64xf32, #tpu.memory_space<vmem>>, %arg34: memref<1000x64xf32, #tpu.memory_space<vmem>>, %arg35: memref<544xf32, #tpu.memory_space<vmem>>, %arg36: memref<16xf32, #tpu.memory_space<vmem>>, %arg37: memref<16xf32, #tpu.memory_space<vmem>>, %arg38: memref<16xf32, #tpu.memory_space<vmem>>, %arg39: memref<!tpu.dma_semaphore, #tpu.memory_space<semaphore_mem>>, %arg40: memref<!tpu.dma_semaphore, #tpu.memory_space<semaphore_mem>>, %arg41: memref<!tpu.dma_semaphore, #tpu.memory_space<semaphore_mem>>, %arg42: memref<!tpu.dma_semaphore, #tpu.memory_space<semaphore_mem>>, %arg43: memref<!tpu.dma_semaphore, #tpu.memory_space<semaphore_mem>>, %arg44: memref<!tpu.dma_semaphore, #tpu.memory_space<semaphore_mem>>) attributes {dimension_semantics = [#tpu.dimension_semantics<core_parallel>, #tpu.dimension_semantics<subcore_parallel>], iteration_bounds = array<i64: 2, 16>, scalar_prefetch = 0 : i64, scratch_operands = 26 : i64, tpu.core_type = #tpu.core_type<sc_vector_subcore>, window_params = [{transform_indices = #map}, {transform_indices = #map}, {transform_indices = #map}, {transform_indices = #map}, {transform_indices = #map}, {transform_indices = #map}, {transform_indices = #map}, {transform_indices = #map}, {transform_indices = #map}, {transform_indices = #map}, {transform_indices = #map}, {transform_indices = #map1}, {transform_indices = #map1}, {transform_indices = #map1}, {transform_indices = #map}, {transform_indices = #map}, {transform_indices = #map1}]} {
    %mul3A = arith.constant 2 : i32
    %mul3A_0 = arith.muli %arg1, %mul3A : i32
    %add3A = arith.addi %mul3A_0, %arg0 : i32
    %mul3A_1 = arith.constant 512 : i32
    %mul3A_2 = arith.muli %add3A, %mul3A_1 : i32
    "tpu.region"() ({
      %run_scoped3A = tpu.sem_alloc : memref<!tpu.dma_semaphore, #tpu.memory_space<semaphore_mem>>
      %dma_start3A_291 = arith.constant 0 : i32
      %dma_start3A_292 = tpu.memref_slice %arg35[%dma_start3A_291] : memref<544xf32, #tpu.memory_space<vmem>> -> memref<512xf32, #tpu.memory_space<vmem>>
      %dma_start3A_293 = tpu.memref_slice %arg5[%mul3A_2] : memref<16384xf32, #tpu.memory_space<hbm>> -> memref<512xf32, #tpu.memory_space<hbm>>
      %dma_start3A_294 = arith.constant 0 : i32
      %dma_start3A_295 = tpu.memref_slice %arg35[%dma_start3A_294] : memref<544xf32, #tpu.memory_space<vmem>> -> memref<512xf32, #tpu.memory_space<vmem>>
      %dma_start3A_296 = tpu.memref_slice %arg5[%mul3A_2] : memref<16384xf32, #tpu.memory_space<hbm>> -> memref<512xf32, #tpu.memory_space<hbm>>
      tpu.enqueue_dma source(%dma_start3A_296 : memref<512xf32, #tpu.memory_space<hbm>>) target(%dma_start3A_295 : memref<512xf32, #tpu.memory_space<vmem>>) target_semaphore(%run_scoped3A : memref<!tpu.dma_semaphore, #tpu.memory_space<semaphore_mem>>)
      %dma_wait3A_297 = arith.constant 0 : i32
      %dma_wait3A_298 = tpu.memref_slice %arg35[%dma_wait3A_297] : memref<544xf32, #tpu.memory_space<vmem>> -> memref<512xf32, #tpu.memory_space<vmem>>
      %dma_wait3A_299 = tpu.memref_slice %arg5[%mul3A_2] : memref<16384xf32, #tpu.memory_space<hbm>> -> memref<512xf32, #tpu.memory_space<hbm>>
      %dma_wait3A_300 = arith.constant 0 : i32
      %dma_wait3A_301 = tpu.memref_slice %arg35[%dma_wait3A_300] : memref<544xf32, #tpu.memory_space<vmem>> -> memref<512xf32, #tpu.memory_space<vmem>>
      %dma_wait3A_302 = tpu.memref_slice %arg5[%mul3A_2] : memref<16384xf32, #tpu.memory_space<hbm>> -> memref<512xf32, #tpu.memory_space<hbm>>
      tpu.wait_dma2 semaphore(%run_scoped3A : memref<!tpu.dma_semaphore, #tpu.memory_space<semaphore_mem>>) src(%dma_wait3A_302 : memref<512xf32, #tpu.memory_space<hbm>>) dst(%dma_wait3A_301 : memref<512xf32, #tpu.memory_space<vmem>>)
      tpu.yield
    }) : () -> ()
    %mul3A_3 = arith.constant 32 : i32
    %mul3A_4 = arith.muli %add3A, %mul3A_3 : i32
    "tpu.region"() ({
      %run_scoped3A = tpu.sem_alloc : memref<!tpu.dma_semaphore, #tpu.memory_space<semaphore_mem>>
      %dma_start3A_291 = arith.constant 512 : i32
      %dma_start3A_292 = tpu.memref_slice %arg35[%dma_start3A_291] : memref<544xf32, #tpu.memory_space<vmem>> -> memref<32xf32, #tpu.memory_space<vmem>>
      %dma_start3A_293 = tpu.memref_slice %arg12[%mul3A_4] : memref<1024xf32, #tpu.memory_space<hbm>> -> memref<32xf32, #tpu.memory_space<hbm>>
      %dma_start3A_294 = arith.constant 512 : i32
      %dma_start3A_295 = tpu.memref_slice %arg35[%dma_start3A_294] : memref<544xf32, #tpu.memory_space<vmem>> -> memref<32xf32, #tpu.memory_space<vmem>>
      %dma_start3A_296 = tpu.memref_slice %arg12[%mul3A_4] : memref<1024xf32, #tpu.memory_space<hbm>> -> memref<32xf32, #tpu.memory_space<hbm>>
      tpu.enqueue_dma source(%dma_start3A_296 : memref<32xf32, #tpu.memory_space<hbm>>) target(%dma_start3A_295 : memref<32xf32, #tpu.memory_space<vmem>>) target_semaphore(%run_scoped3A : memref<!tpu.dma_semaphore, #tpu.memory_space<semaphore_mem>>)
      %dma_wait3A_297 = arith.constant 512 : i32
      %dma_wait3A_298 = tpu.memref_slice %arg35[%dma_wait3A_297] : memref<544xf32, #tpu.memory_space<vmem>> -> memref<32xf32, #tpu.memory_space<vmem>>
      %dma_wait3A_299 = tpu.memref_slice %arg12[%mul3A_4] : memref<1024xf32, #tpu.memory_space<hbm>> -> memref<32xf32, #tpu.memory_space<hbm>>
      %dma_wait3A_300 = arith.constant 512 : i32
      %dma_wait3A_301 = tpu.memref_slice %arg35[%dma_wait3A_300] : memref<544xf32, #tpu.memory_space<vmem>> -> memref<32xf32, #tpu.memory_space<vmem>>
      %dma_wait3A_302 = tpu.memref_slice %arg12[%mul3A_4] : memref<1024xf32, #tpu.memory_space<hbm>> -> memref<32xf32, #tpu.memory_space<hbm>>
      tpu.wait_dma2 semaphore(%run_scoped3A : memref<!tpu.dma_semaphore, #tpu.memory_space<semaphore_mem>>) src(%dma_wait3A_302 : memref<32xf32, #tpu.memory_space<hbm>>) dst(%dma_wait3A_301 : memref<32xf32, #tpu.memory_space<vmem>>)
      tpu.yield
    }) : () -> ()
    "tpu.region"() ({
      %run_scoped3A = tpu.sem_alloc : memref<!tpu.dma_semaphore, #tpu.memory_space<semaphore_mem>>
      tpu.enqueue_dma source(%arg16 : memref<16xf32, #tpu.memory_space<hbm>>) target(%arg37 : memref<16xf32, #tpu.memory_space<vmem>>) target_semaphore(%run_scoped3A : memref<!tpu.dma_semaphore, #tpu.memory_space<semaphore_mem>>)
      tpu.wait_dma2 semaphore(%run_scoped3A : memref<!tpu.dma_semaphore, #tpu.memory_space<semaphore_mem>>) src(%arg16 : memref<16xf32, #tpu.memory_space<hbm>>) dst(%arg37 : memref<16xf32, #tpu.memory_space<vmem>>)
      tpu.yield
    }) : () -> ()
    "tpu.region"() ({
      %run_scoped3A = tpu.sem_alloc : memref<!tpu.dma_semaphore, #tpu.memory_space<semaphore_mem>>
      tpu.enqueue_dma source(%arg17 : memref<16xf32, #tpu.memory_space<hbm>>) target(%arg38 : memref<16xf32, #tpu.memory_space<vmem>>) target_semaphore(%run_scoped3A : memref<!tpu.dma_semaphore, #tpu.memory_space<semaphore_mem>>)
      tpu.wait_dma2 semaphore(%run_scoped3A : memref<!tpu.dma_semaphore, #tpu.memory_space<semaphore_mem>>) src(%arg17 : memref<16xf32, #tpu.memory_space<hbm>>) dst(%arg38 : memref<16xf32, #tpu.memory_space<vmem>>)
      tpu.yield
    }) : () -> ()
    "tpu.region"() ({
      %run_scoped3A = tpu.sem_alloc : memref<!tpu.dma_semaphore, #tpu.memory_space<semaphore_mem>>
      tpu.enqueue_dma source(%arg14 : memref<1000x64xf32, #tpu.memory_space<hbm>>) target(%arg34 : memref<1000x64xf32, #tpu.memory_space<vmem>>) target_semaphore(%run_scoped3A : memref<!tpu.dma_semaphore, #tpu.memory_space<semaphore_mem>>)
      tpu.wait_dma2 semaphore(%run_scoped3A : memref<!tpu.dma_semaphore, #tpu.memory_space<semaphore_mem>>) src(%arg14 : memref<1000x64xf32, #tpu.memory_space<hbm>>) dst(%arg34 : memref<1000x64xf32, #tpu.memory_space<vmem>>)
      tpu.yield
    }) : () -> ()
    %broadcast_in_dim3A = arith.constant 0.000000e+00 : f32
    %broadcast_in_dim3A_5 = vector.broadcast %broadcast_in_dim3A : f32 to vector<16xf32>
    %swap3A = arith.constant 0 : index
    %swap3A_6 = tpu.vector_load %arg36[%swap3A] {strides = array<i32>} : memref<16xf32, #tpu.memory_space<vmem>>, vector<16xf32>,
    tpu.vector_store %arg36[%swap3A], %broadcast_in_dim3A_5 {strides = array<i32>} : memref<16xf32, #tpu.memory_space<vmem>>, vector<16xf32>,
    %get3A = arith.constant 0 : index
    %get3A_7 = tpu.vector_load %arg37[%get3A] {strides = array<i32>} : memref<16xf32, #tpu.memory_space<vmem>>, vector<16xf32>,
    %get3A_8 = arith.constant 0 : index
    %get3A_9 = tpu.vector_load %arg38[%get3A_8] {strides = array<i32>} : memref<16xf32, #tpu.memory_space<vmem>>, vector<16xf32>,
    %iota3A = tpu.iota {dimensions = array<i32: 0>} : vector<16xi32>
    %mul3A_10 = arith.constant 10240 : i32
    %mul3A_11 = arith.muli %add3A, %mul3A_10 : i32
    %scan3A = arith.constant 0 : i32
    %scan3A_12 = arith.constant 0 : i32
    %scan3A_13 = arith.constant 26 : i32
    %scan3A_14 = arith.addi %scan3A_12, %scan3A_13 : i32
    %scan3A_15 = arith.constant 1 : i32
    %scan3A_16 = scf.for %scan3A_291 = %scan3A_12 to %scan3A_14 step %scan3A_15 iter_args(%scan3A_292 = %scan3A) -> (i32)  : i32 {
      %mul3A_293 = arith.constant 384 : i32
      %mul3A_294 = arith.muli %scan3A_291, %mul3A_293 : i32
      %add3A_295 = arith.addi %mul3A_11, %mul3A_294 : i32
      %add3A_296 = arith.constant 0 : i32
      %add3A_297 = arith.addi %add3A_295, %add3A_296 : i32
      %add3A_298 = arith.constant 128 : i32
      %add3A_299 = arith.addi %add3A_295, %add3A_298 : i32
      %add3A_300 = arith.constant 256 : i32
      %add3A_301 = arith.addi %add3A_295, %add3A_300 : i32
      %dma_start3A_302 = tpu.memref_slice %arg6[%add3A_297] : memref<327680xi32, #tpu.memory_space<hbm>> -> memref<128xi32, #tpu.memory_space<hbm>>
      %dma_start3A_303 = tpu.memref_slice %arg6[%add3A_297] : memref<327680xi32, #tpu.memory_space<hbm>> -> memref<128xi32, #tpu.memory_space<hbm>>
      tpu.enqueue_dma source(%dma_start3A_303 : memref<128xi32, #tpu.memory_space<hbm>>) target(%arg19 : memref<128xi32, #tpu.memory_space<vmem>>) target_semaphore(%arg39 : memref<!tpu.dma_semaphore, #tpu.memory_space<semaphore_mem>>)
      %dma_start3A_304 = tpu.memref_slice %arg7[%add3A_297] : memref<327680xi32, #tpu.memory_space<hbm>> -> memref<128xi32, #tpu.memory_space<hbm>>
      %dma_start3A_305 = tpu.memref_slice %arg7[%add3A_297] : memref<327680xi32, #tpu.memory_space<hbm>> -> memref<128xi32, #tpu.memory_space<hbm>>
      tpu.enqueue_dma source(%dma_start3A_305 : memref<128xi32, #tpu.memory_space<hbm>>) target(%arg20 : memref<128xi32, #tpu.memory_space<vmem>>) target_semaphore(%arg39 : memref<!tpu.dma_semaphore, #tpu.memory_space<semaphore_mem>>)
      %dma_start3A_306 = tpu.memref_slice %arg8[%add3A_297] : memref<327680xi32, #tpu.memory_space<hbm>> -> memref<128xi32, #tpu.memory_space<hbm>>
      %dma_start3A_307 = tpu.memref_slice %arg8[%add3A_297] : memref<327680xi32, #tpu.memory_space<hbm>> -> memref<128xi32, #tpu.memory_space<hbm>>
      tpu.enqueue_dma source(%dma_start3A_307 : memref<128xi32, #tpu.memory_space<hbm>>) target(%arg21 : memref<128xi32, #tpu.memory_space<vmem>>) target_semaphore(%arg39 : memref<!tpu.dma_semaphore, #tpu.memory_space<semaphore_mem>>)
      %dma_start3A_308 = tpu.memref_slice %arg6[%add3A_299] : memref<327680xi32, #tpu.memory_space<hbm>> -> memref<128xi32, #tpu.memory_space<hbm>>
      %dma_start3A_309 = tpu.memref_slice %arg6[%add3A_299] : memref<327680xi32, #tpu.memory_space<hbm>> -> memref<128xi32, #tpu.memory_space<hbm>>
      tpu.enqueue_dma source(%dma_start3A_309 : memref<128xi32, #tpu.memory_space<hbm>>) target(%arg22 : memref<128xi32, #tpu.memory_space<vmem>>) target_semaphore(%arg40 : memref<!tpu.dma_semaphore, #tpu.memory_space<semaphore_mem>>)
      %dma_start3A_310 = tpu.memref_slice %arg7[%add3A_299] : memref<327680xi32, #tpu.memory_space<hbm>> -> memref<128xi32, #tpu.memory_space<hbm>>
      %dma_start3A_311 = tpu.memref_slice %arg7[%add3A_299] : memref<327680xi32, #tpu.memory_space<hbm>> -> memref<128xi32, #tpu.memory_space<hbm>>
      tpu.enqueue_dma source(%dma_start3A_311 : memref<128xi32, #tpu.memory_space<hbm>>) target(%arg23 : memref<128xi32, #tpu.memory_space<vmem>>) target_semaphore(%arg40 : memref<!tpu.dma_semaphore, #tpu.memory_space<semaphore_mem>>)
      %dma_start3A_312 = tpu.memref_slice %arg8[%add3A_299] : memref<327680xi32, #tpu.memory_space<hbm>> -> memref<128xi32, #tpu.memory_space<hbm>>
      %dma_start3A_313 = tpu.memref_slice %arg8[%add3A_299] : memref<327680xi32, #tpu.memory_space<hbm>> -> memref<128xi32, #tpu.memory_space<hbm>>
      tpu.enqueue_dma source(%dma_start3A_313 : memref<128xi32, #tpu.memory_space<hbm>>) target(%arg24 : memref<128xi32, #tpu.memory_space<vmem>>) target_semaphore(%arg40 : memref<!tpu.dma_semaphore, #tpu.memory_space<semaphore_mem>>)
      %dma_start3A_314 = tpu.memref_slice %arg6[%add3A_301] : memref<327680xi32, #tpu.memory_space<hbm>> -> memref<128xi32, #tpu.memory_space<hbm>>
      %dma_start3A_315 = tpu.memref_slice %arg6[%add3A_301] : memref<327680xi32, #tpu.memory_space<hbm>> -> memref<128xi32, #tpu.memory_space<hbm>>
      tpu.enqueue_dma source(%dma_start3A_315 : memref<128xi32, #tpu.memory_space<hbm>>) target(%arg25 : memref<128xi32, #tpu.memory_space<vmem>>) target_semaphore(%arg41 : memref<!tpu.dma_semaphore, #tpu.memory_space<semaphore_mem>>)
      %dma_start3A_316 = tpu.memref_slice %arg7[%add3A_301] : memref<327680xi32, #tpu.memory_space<hbm>> -> memref<128xi32, #tpu.memory_space<hbm>>
      %dma_start3A_317 = tpu.memref_slice %arg7[%add3A_301] : memref<327680xi32, #tpu.memory_space<hbm>> -> memref<128xi32, #tpu.memory_space<hbm>>
      tpu.enqueue_dma source(%dma_start3A_317 : memref<128xi32, #tpu.memory_space<hbm>>) target(%arg26 : memref<128xi32, #tpu.memory_space<vmem>>) target_semaphore(%arg41 : memref<!tpu.dma_semaphore, #tpu.memory_space<semaphore_mem>>)
      %dma_start3A_318 = tpu.memref_slice %arg8[%add3A_301] : memref<327680xi32, #tpu.memory_space<hbm>> -> memref<128xi32, #tpu.memory_space<hbm>>
      %dma_start3A_319 = tpu.memref_slice %arg8[%add3A_301] : memref<327680xi32, #tpu.memory_space<hbm>> -> memref<128xi32, #tpu.memory_space<hbm>>
      tpu.enqueue_dma source(%dma_start3A_319 : memref<128xi32, #tpu.memory_space<hbm>>) target(%arg27 : memref<128xi32, #tpu.memory_space<vmem>>) target_semaphore(%arg41 : memref<!tpu.dma_semaphore, #tpu.memory_space<semaphore_mem>>)
      %dma_wait3A_320 = tpu.memref_slice %arg6[%add3A_297] : memref<327680xi32, #tpu.memory_space<hbm>> -> memref<128xi32, #tpu.memory_space<hbm>>
      %dma_wait3A_321 = tpu.memref_slice %arg6[%add3A_297] : memref<327680xi32, #tpu.memory_space<hbm>> -> memref<128xi32, #tpu.memory_space<hbm>>
      tpu.wait_dma2 semaphore(%arg39 : memref<!tpu.dma_semaphore, #tpu.memory_space<semaphore_mem>>) src(%dma_wait3A_321 : memref<128xi32, #tpu.memory_space<hbm>>) dst(%arg19 : memref<128xi32, #tpu.memory_space<vmem>>)
      %dma_wait3A_322 = tpu.memref_slice %arg7[%add3A_297] : memref<327680xi32, #tpu.memory_space<hbm>> -> memref<128xi32, #tpu.memory_space<hbm>>
      %dma_wait3A_323 = tpu.memref_slice %arg7[%add3A_297] : memref<327680xi32, #tpu.memory_space<hbm>> -> memref<128xi32, #tpu.memory_space<hbm>>
      tpu.wait_dma2 semaphore(%arg39 : memref<!tpu.dma_semaphore, #tpu.memory_space<semaphore_mem>>) src(%dma_wait3A_323 : memref<128xi32, #tpu.memory_space<hbm>>) dst(%arg20 : memref<128xi32, #tpu.memory_space<vmem>>)
      %dma_wait3A_324 = tpu.memref_slice %arg8[%add3A_297] : memref<327680xi32, #tpu.memory_space<hbm>> -> memref<128xi32, #tpu.memory_space<hbm>>
      %dma_wait3A_325 = tpu.memref_slice %arg8[%add3A_297] : memref<327680xi32, #tpu.memory_space<hbm>> -> memref<128xi32, #tpu.memory_space<hbm>>
      tpu.wait_dma2 semaphore(%arg39 : memref<!tpu.dma_semaphore, #tpu.memory_space<semaphore_mem>>) src(%dma_wait3A_325 : memref<128xi32, #tpu.memory_space<hbm>>) dst(%arg21 : memref<128xi32, #tpu.memory_space<vmem>>)
      %dma_start3A_326 = arith.constant 0 : i32
      %dma_start3A_327 = arith.constant 0 : i32
      %dma_start3A_328 = tpu.memref_slice %arg13[%dma_start3A_326, %dma_start3A_327] : memref<1000000x64xf32, #tpu.memory_space<hbm>> -> memref<1000000x64xf32, #tpu.memory_space<hbm>>
      tpu.enqueue_indirect_dma source(%dma_start3A_328 : memref<1000000x64xf32, #tpu.memory_space<hbm>>) target(%arg28 : memref<128x64xf32, #tpu.memory_space<vmem>>) offsets(%arg19 : memref<128xi32, #tpu.memory_space<vmem>>) semaphore(%arg42 : memref<!tpu.dma_semaphore, #tpu.memory_space<semaphore_mem>>)
      %dma_start3A_329 = arith.constant 0 : i32
      %dma_start3A_330 = arith.constant 0 : i32
      %dma_start3A_331 = tpu.memref_slice %arg15[%dma_start3A_329, %dma_start3A_330] : memref<1000000x64xf32, #tpu.memory_space<hbm>> -> memref<1000000x64xf32, #tpu.memory_space<hbm>>
      tpu.enqueue_indirect_dma source(%dma_start3A_331 : memref<1000000x64xf32, #tpu.memory_space<hbm>>) target(%arg29 : memref<128x64xf32, #tpu.memory_space<vmem>>) offsets(%arg21 : memref<128xi32, #tpu.memory_space<vmem>>) semaphore(%arg42 : memref<!tpu.dma_semaphore, #tpu.memory_space<semaphore_mem>>)
      %dma_wait3A_332 = tpu.memref_slice %arg6[%add3A_299] : memref<327680xi32, #tpu.memory_space<hbm>> -> memref<128xi32, #tpu.memory_space<hbm>>
      %dma_wait3A_333 = tpu.memref_slice %arg6[%add3A_299] : memref<327680xi32, #tpu.memory_space<hbm>> -> memref<128xi32, #tpu.memory_space<hbm>>
      tpu.wait_dma2 semaphore(%arg40 : memref<!tpu.dma_semaphore, #tpu.memory_space<semaphore_mem>>) src(%dma_wait3A_333 : memref<128xi32, #tpu.memory_space<hbm>>) dst(%arg22 : memref<128xi32, #tpu.memory_space<vmem>>)
      %dma_wait3A_334 = tpu.memref_slice %arg7[%add3A_299] : memref<327680xi32, #tpu.memory_space<hbm>> -> memref<128xi32, #tpu.memory_space<hbm>>
      %dma_wait3A_335 = tpu.memref_slice %arg7[%add3A_299] : memref<327680xi32, #tpu.memory_space<hbm>> -> memref<128xi32, #tpu.memory_space<hbm>>
      tpu.wait_dma2 semaphore(%arg40 : memref<!tpu.dma_semaphore, #tpu.memory_space<semaphore_mem>>) src(%dma_wait3A_335 : memref<128xi32, #tpu.memory_space<hbm>>) dst(%arg23 : memref<128xi32, #tpu.memory_space<vmem>>)
      %dma_wait3A_336 = tpu.memref_slice %arg8[%add3A_299] : memref<327680xi32, #tpu.memory_space<hbm>> -> memref<128xi32, #tpu.memory_space<hbm>>
      %dma_wait3A_337 = tpu.memref_slice %arg8[%add3A_299] : memref<327680xi32, #tpu.memory_space<hbm>> -> memref<128xi32, #tpu.memory_space<hbm>>
      tpu.wait_dma2 semaphore(%arg40 : memref<!tpu.dma_semaphore, #tpu.memory_space<semaphore_mem>>) src(%dma_wait3A_337 : memref<128xi32, #tpu.memory_space<hbm>>) dst(%arg24 : memref<128xi32, #tpu.memory_space<vmem>>)
      %dma_start3A_338 = arith.constant 0 : i32
      %dma_start3A_339 = arith.constant 0 : i32
      %dma_start3A_340 = tpu.memref_slice %arg13[%dma_start3A_338, %dma_start3A_339] : memref<1000000x64xf32, #tpu.memory_space<hbm>> -> memref<1000000x64xf32, #tpu.memory_space<hbm>>
      tpu.enqueue_indirect_dma source(%dma_start3A_340 : memref<1000000x64xf32, #tpu.memory_space<hbm>>) target(%arg30 : memref<128x64xf32, #tpu.memory_space<vmem>>) offsets(%arg22 : memref<128xi32, #tpu.memory_space<vmem>>) semaphore(%arg43 : memref<!tpu.dma_semaphore, #tpu.memory_space<semaphore_mem>>)
      %dma_start3A_341 = arith.constant 0 : i32
      %dma_start3A_342 = arith.constant 0 : i32
      %dma_start3A_343 = tpu.memref_slice %arg15[%dma_start3A_341, %dma_start3A_342] : memref<1000000x64xf32, #tpu.memory_space<hbm>> -> memref<1000000x64xf32, #tpu.memory_space<hbm>>
      tpu.enqueue_indirect_dma source(%dma_start3A_343 : memref<1000000x64xf32, #tpu.memory_space<hbm>>) target(%arg31 : memref<128x64xf32, #tpu.memory_space<vmem>>) offsets(%arg24 : memref<128xi32, #tpu.memory_space<vmem>>) semaphore(%arg43 : memref<!tpu.dma_semaphore, #tpu.memory_space<semaphore_mem>>)
      %dma_wait3A_344 = tpu.memref_slice %arg6[%add3A_301] : memref<327680xi32, #tpu.memory_space<hbm>> -> memref<128xi32, #tpu.memory_space<hbm>>
      %dma_wait3A_345 = tpu.memref_slice %arg6[%add3A_301] : memref<327680xi32, #tpu.memory_space<hbm>> -> memref<128xi32, #tpu.memory_space<hbm>>
      tpu.wait_dma2 semaphore(%arg41 : memref<!tpu.dma_semaphore, #tpu.memory_space<semaphore_mem>>) src(%dma_wait3A_345 : memref<128xi32, #tpu.memory_space<hbm>>) dst(%arg25 : memref<128xi32, #tpu.memory_space<vmem>>)
      %dma_wait3A_346 = tpu.memref_slice %arg7[%add3A_301] : memref<327680xi32, #tpu.memory_space<hbm>> -> memref<128xi32, #tpu.memory_space<hbm>>
      %dma_wait3A_347 = tpu.memref_slice %arg7[%add3A_301] : memref<327680xi32, #tpu.memory_space<hbm>> -> memref<128xi32, #tpu.memory_space<hbm>>
      tpu.wait_dma2 semaphore(%arg41 : memref<!tpu.dma_semaphore, #tpu.memory_space<semaphore_mem>>) src(%dma_wait3A_347 : memref<128xi32, #tpu.memory_space<hbm>>) dst(%arg26 : memref<128xi32, #tpu.memory_space<vmem>>)
      %dma_wait3A_348 = tpu.memref_slice %arg8[%add3A_301] : memref<327680xi32, #tpu.memory_space<hbm>> -> memref<128xi32, #tpu.memory_space<hbm>>
      %dma_wait3A_349 = tpu.memref_slice %arg8[%add3A_301] : memref<327680xi32, #tpu.memory_space<hbm>> -> memref<128xi32, #tpu.memory_space<hbm>>
      tpu.wait_dma2 semaphore(%arg41 : memref<!tpu.dma_semaphore, #tpu.memory_space<semaphore_mem>>) src(%dma_wait3A_349 : memref<128xi32, #tpu.memory_space<hbm>>) dst(%arg27 : memref<128xi32, #tpu.memory_space<vmem>>)
      %dma_start3A_350 = arith.constant 0 : i32
      %dma_start3A_351 = arith.constant 0 : i32
      %dma_start3A_352 = tpu.memref_slice %arg13[%dma_start3A_350, %dma_start3A_351] : memref<1000000x64xf32, #tpu.memory_space<hbm>> -> memref<1000000x64xf32, #tpu.memory_space<hbm>>
      tpu.enqueue_indirect_dma source(%dma_start3A_352 : memref<1000000x64xf32, #tpu.memory_space<hbm>>) target(%arg32 : memref<128x64xf32, #tpu.memory_space<vmem>>) offsets(%arg25 : memref<128xi32, #tpu.memory_space<vmem>>) semaphore(%arg44 : memref<!tpu.dma_semaphore, #tpu.memory_space<semaphore_mem>>)
      %dma_start3A_353 = arith.constant 0 : i32
      %dma_start3A_354 = arith.constant 0 : i32
      %dma_start3A_355 = tpu.memref_slice %arg15[%dma_start3A_353, %dma_start3A_354] : memref<1000000x64xf32, #tpu.memory_space<hbm>> -> memref<1000000x64xf32, #tpu.memory_space<hbm>>
      tpu.enqueue_indirect_dma source(%dma_start3A_355 : memref<1000000x64xf32, #tpu.memory_space<hbm>>) target(%arg33 : memref<128x64xf32, #tpu.memory_space<vmem>>) offsets(%arg27 : memref<128xi32, #tpu.memory_space<vmem>>) semaphore(%arg44 : memref<!tpu.dma_semaphore, #tpu.memory_space<semaphore_mem>>)
      %dma_wait3A_356 = arith.constant 0 : i32
      %dma_wait3A_357 = arith.constant 0 : i32
      %dma_wait3A_358 = tpu.memref_slice %arg13[%dma_wait3A_356, %dma_wait3A_357] : memref<1000000x64xf32, #tpu.memory_space<hbm>> -> memref<1000000x64xf32, #tpu.memory_space<hbm>>
      tpu.wait_indirect_dma semaphore(%arg42 : memref<!tpu.dma_semaphore, #tpu.memory_space<semaphore_mem>>) src(%dma_wait3A_358 : memref<1000000x64xf32, #tpu.memory_space<hbm>>) dst(%arg28 : memref<128x64xf32, #tpu.memory_space<vmem>>)
      %dma_wait3A_359 = arith.constant 0 : i32
      %dma_wait3A_360 = arith.constant 0 : i32
      %dma_wait3A_361 = tpu.memref_slice %arg15[%dma_wait3A_359, %dma_wait3A_360] : memref<1000000x64xf32, #tpu.memory_space<hbm>> -> memref<1000000x64xf32, #tpu.memory_space<hbm>>
      tpu.wait_indirect_dma semaphore(%arg42 : memref<!tpu.dma_semaphore, #tpu.memory_space<semaphore_mem>>) src(%dma_wait3A_361 : memref<1000000x64xf32, #tpu.memory_space<hbm>>) dst(%arg29 : memref<128x64xf32, #tpu.memory_space<vmem>>)
      %broadcast_in_dim3A_362 = arith.constant 0.000000e+00 : f32
      %broadcast_in_dim3A_363 = vector.broadcast %broadcast_in_dim3A_362 : f32 to vector<16xf32>
      %scan3A_364 = arith.constant 0 : i32
      %scan3A_365 = arith.constant 0 : i32
      %scan3A_366 = arith.constant 8 : i32
      %scan3A_367 = arith.addi %scan3A_365, %scan3A_366 : i32
      %scan3A_368 = arith.constant 1 : i32
      %scan3A_369 = scf.for %scan3A_402 = %scan3A_365 to %scan3A_367 step %scan3A_368 iter_args(%scan3A_403 = %scan3A_364) -> (i32)  : i32 {
        %mul3A_404 = arith.constant 16 : i32
        %mul3A_405 = arith.muli %scan3A_402, %mul3A_404 : i32
        %add3A_406 = vector.broadcast %mul3A_405 : i32 to vector<16xi32>
        %add3A_407 = arith.addi %iota3A, %add3A_406 : vector<16xi32>
        %mul3A_408 = arith.constant 16 : i32
        %mul3A_409 = arith.muli %scan3A_402, %mul3A_408 : i32
        %get3A_410 = arith.index_cast %mul3A_409 : i32 to index
        %get3A_411 = tpu.vector_load %arg20[%get3A_410] {strides = array<i32>} : memref<128xi32, #tpu.memory_space<vmem>>, vector<16xi32>,
        %scan3A_412 = arith.constant 0 : i32
        %scan3A_413 = arith.constant 8 : i32
        %scan3A_414 = arith.addi %scan3A_412, %scan3A_413 : i32
        %scan3A_415 = arith.constant 1 : i32
        %scan3A_416:8 = scf.for %scan3A_451 = %scan3A_412 to %scan3A_414 step %scan3A_415 iter_args(%scan3A_452 = %broadcast_in_dim3A_363, %scan3A_453 = %broadcast_in_dim3A_363, %scan3A_454 = %broadcast_in_dim3A_363, %scan3A_455 = %broadcast_in_dim3A_363, %scan3A_456 = %broadcast_in_dim3A_363, %scan3A_457 = %broadcast_in_dim3A_363, %scan3A_458 = %broadcast_in_dim3A_363, %scan3A_459 = %broadcast_in_dim3A_363) -> (vector<16xf32>, vector<16xf32>, vector<16xf32>, vector<16xf32>, vector<16xf32>, vector<16xf32>, vector<16xf32>, vector<16xf32>)  : i32 {
          %mul3A_460 = arith.constant 8 : i32
          %mul3A_461 = arith.muli %scan3A_451, %mul3A_460 : i32
          %add3A_462 = arith.constant 0 : i32
          %add3A_463 = vector.broadcast %add3A_462 : i32 to vector<16xi32>
          %add3A_464 = arith.addi %add3A_463, %iota3A : vector<16xi32>
          %add3A_465 = vector.broadcast %mul3A_461 : i32 to vector<16xi32>
          %add3A_466 = arith.addi %add3A_465, %add3A_464 : vector<16xi32>
          %and3A = arith.constant 63 : i32
          %and3A_467 = vector.broadcast %and3A : i32 to vector<16xi32>
          %and3A_468 = arith.andi %add3A_466, %and3A_467 : vector<16xi32>
          %gather3A = tpu.vector_load_idx %arg28[%add3A_407, %and3A_468] : memref<128x64xf32, #tpu.memory_space<vmem>>[vector<16xi32>, vector<16xi32>], vector<16xf32>,
          %gather3A_469 = tpu.vector_load_idx %arg34[%get3A_411, %and3A_468] : memref<1000x64xf32, #tpu.memory_space<vmem>>[vector<16xi32>, vector<16xi32>], vector<16xf32>,
          %gather3A_470 = tpu.vector_load_idx %arg29[%add3A_407, %and3A_468] : memref<128x64xf32, #tpu.memory_space<vmem>>[vector<16xi32>, vector<16xi32>], vector<16xf32>,
          %mul3A_471 = arith.mulf %gather3A, %gather3A_470 : vector<16xf32>
          %mul3A_472 = arith.mulf %gather3A_469, %mul3A_471 : vector<16xf32>
          %add3A_473 = arith.addf %scan3A_452, %mul3A_472 : vector<16xf32>
          %mul3A_474 = arith.constant 8 : i32
          %mul3A_475 = arith.muli %scan3A_451, %mul3A_474 : i32
          %add3A_476 = arith.constant 1 : i32
          %add3A_477 = vector.broadcast %add3A_476 : i32 to vector<16xi32>
          %add3A_478 = arith.addi %add3A_477, %iota3A : vector<16xi32>
          %add3A_479 = vector.broadcast %mul3A_475 : i32 to vector<16xi32>
          %add3A_480 = arith.addi %add3A_479, %add3A_478 : vector<16xi32>
          %and3A_481 = arith.constant 63 : i32
          %and3A_482 = vector.broadcast %and3A_481 : i32 to vector<16xi32>
          %and3A_483 = arith.andi %add3A_480, %and3A_482 : vector<16xi32>
          %gather3A_484 = tpu.vector_load_idx %arg28[%add3A_407, %and3A_483] : memref<128x64xf32, #tpu.memory_space<vmem>>[vector<16xi32>, vector<16xi32>], vector<16xf32>,
          %gather3A_485 = tpu.vector_load_idx %arg34[%get3A_411, %and3A_483] : memref<1000x64xf32, #tpu.memory_space<vmem>>[vector<16xi32>, vector<16xi32>], vector<16xf32>,
          %gather3A_486 = tpu.vector_load_idx %arg29[%add3A_407, %and3A_483] : memref<128x64xf32, #tpu.memory_space<vmem>>[vector<16xi32>, vector<16xi32>], vector<16xf32>,
          %mul3A_487 = arith.mulf %gather3A_484, %gather3A_486 : vector<16xf32>
          %mul3A_488 = arith.mulf %gather3A_485, %mul3A_487 : vector<16xf32>
          %add3A_489 = arith.addf %scan3A_453, %mul3A_488 : vector<16xf32>
          %mul3A_490 = arith.constant 8 : i32
          %mul3A_491 = arith.muli %scan3A_451, %mul3A_490 : i32
          %add3A_492 = arith.constant 2 : i32
          %add3A_493 = vector.broadcast %add3A_492 : i32 to vector<16xi32>
          %add3A_494 = arith.addi %add3A_493, %iota3A : vector<16xi32>
          %add3A_495 = vector.broadcast %mul3A_491 : i32 to vector<16xi32>
          %add3A_496 = arith.addi %add3A_495, %add3A_494 : vector<16xi32>
          %and3A_497 = arith.constant 63 : i32
          %and3A_498 = vector.broadcast %and3A_497 : i32 to vector<16xi32>
          %and3A_499 = arith.andi %add3A_496, %and3A_498 : vector<16xi32>
          %gather3A_500 = tpu.vector_load_idx %arg28[%add3A_407, %and3A_499] : memref<128x64xf32, #tpu.memory_space<vmem>>[vector<16xi32>, vector<16xi32>], vector<16xf32>,
          %gather3A_501 = tpu.vector_load_idx %arg34[%get3A_411, %and3A_499] : memref<1000x64xf32, #tpu.memory_space<vmem>>[vector<16xi32>, vector<16xi32>], vector<16xf32>,
          %gather3A_502 = tpu.vector_load_idx %arg29[%add3A_407, %and3A_499] : memref<128x64xf32, #tpu.memory_space<vmem>>[vector<16xi32>, vector<16xi32>], vector<16xf32>,
          %mul3A_503 = arith.mulf %gather3A_500, %gather3A_502 : vector<16xf32>
          %mul3A_504 = arith.mulf %gather3A_501, %mul3A_503 : vector<16xf32>
          %add3A_505 = arith.addf %scan3A_454, %mul3A_504 : vector<16xf32>
          %mul3A_506 = arith.constant 8 : i32
          %mul3A_507 = arith.muli %scan3A_451, %mul3A_506 : i32
          %add3A_508 = arith.constant 3 : i32
          %add3A_509 = vector.broadcast %add3A_508 : i32 to vector<16xi32>
          %add3A_510 = arith.addi %add3A_509, %iota3A : vector<16xi32>
          %add3A_511 = vector.broadcast %mul3A_507 : i32 to vector<16xi32>
          %add3A_512 = arith.addi %add3A_511, %add3A_510 : vector<16xi32>
          %and3A_513 = arith.constant 63 : i32
          %and3A_514 = vector.broadcast %and3A_513 : i32 to vector<16xi32>
          %and3A_515 = arith.andi %add3A_512, %and3A_514 : vector<16xi32>
          %gather3A_516 = tpu.vector_load_idx %arg28[%add3A_407, %and3A_515] : memref<128x64xf32, #tpu.memory_space<vmem>>[vector<16xi32>, vector<16xi32>], vector<16xf32>,
          %gather3A_517 = tpu.vector_load_idx %arg34[%get3A_411, %and3A_515] : memref<1000x64xf32, #tpu.memory_space<vmem>>[vector<16xi32>, vector<16xi32>], vector<16xf32>,
          %gather3A_518 = tpu.vector_load_idx %arg29[%add3A_407, %and3A_515] : memref<128x64xf32, #tpu.memory_space<vmem>>[vector<16xi32>, vector<16xi32>], vector<16xf32>,
          %mul3A_519 = arith.mulf %gather3A_516, %gather3A_518 : vector<16xf32>
          %mul3A_520 = arith.mulf %gather3A_517, %mul3A_519 : vector<16xf32>
          %add3A_521 = arith.addf %scan3A_455, %mul3A_520 : vector<16xf32>
          %mul3A_522 = arith.constant 8 : i32
          %mul3A_523 = arith.muli %scan3A_451, %mul3A_522 : i32
          %add3A_524 = arith.constant 4 : i32
          %add3A_525 = vector.broadcast %add3A_524 : i32 to vector<16xi32>
          %add3A_526 = arith.addi %add3A_525, %iota3A : vector<16xi32>
          %add3A_527 = vector.broadcast %mul3A_523 : i32 to vector<16xi32>
          %add3A_528 = arith.addi %add3A_527, %add3A_526 : vector<16xi32>
          %and3A_529 = arith.constant 63 : i32
          %and3A_530 = vector.broadcast %and3A_529 : i32 to vector<16xi32>
          %and3A_531 = arith.andi %add3A_528, %and3A_530 : vector<16xi32>
          %gather3A_532 = tpu.vector_load_idx %arg28[%add3A_407, %and3A_531] : memref<128x64xf32, #tpu.memory_space<vmem>>[vector<16xi32>, vector<16xi32>], vector<16xf32>,
          %gather3A_533 = tpu.vector_load_idx %arg34[%get3A_411, %and3A_531] : memref<1000x64xf32, #tpu.memory_space<vmem>>[vector<16xi32>, vector<16xi32>], vector<16xf32>,
          %gather3A_534 = tpu.vector_load_idx %arg29[%add3A_407, %and3A_531] : memref<128x64xf32, #tpu.memory_space<vmem>>[vector<16xi32>, vector<16xi32>], vector<16xf32>,
          %mul3A_535 = arith.mulf %gather3A_532, %gather3A_534 : vector<16xf32>
          %mul3A_536 = arith.mulf %gather3A_533, %mul3A_535 : vector<16xf32>
          %add3A_537 = arith.addf %scan3A_456, %mul3A_536 : vector<16xf32>
          %mul3A_538 = arith.constant 8 : i32
          %mul3A_539 = arith.muli %scan3A_451, %mul3A_538 : i32
          %add3A_540 = arith.constant 5 : i32
          %add3A_541 = vector.broadcast %add3A_540 : i32 to vector<16xi32>
          %add3A_542 = arith.addi %add3A_541, %iota3A : vector<16xi32>
          %add3A_543 = vector.broadcast %mul3A_539 : i32 to vector<16xi32>
          %add3A_544 = arith.addi %add3A_543, %add3A_542 : vector<16xi32>
          %and3A_545 = arith.constant 63 : i32
          %and3A_546 = vector.broadcast %and3A_545 : i32 to vector<16xi32>
          %and3A_547 = arith.andi %add3A_544, %and3A_546 : vector<16xi32>
          %gather3A_548 = tpu.vector_load_idx %arg28[%add3A_407, %and3A_547] : memref<128x64xf32, #tpu.memory_space<vmem>>[vector<16xi32>, vector<16xi32>], vector<16xf32>,
          %gather3A_549 = tpu.vector_load_idx %arg34[%get3A_411, %and3A_547] : memref<1000x64xf32, #tpu.memory_space<vmem>>[vector<16xi32>, vector<16xi32>], vector<16xf32>,
          %gather3A_550 = tpu.vector_load_idx %arg29[%add3A_407, %and3A_547] : memref<128x64xf32, #tpu.memory_space<vmem>>[vector<16xi32>, vector<16xi32>], vector<16xf32>,
          %mul3A_551 = arith.mulf %gather3A_548, %gather3A_550 : vector<16xf32>
          %mul3A_552 = arith.mulf %gather3A_549, %mul3A_551 : vector<16xf32>
          %add3A_553 = arith.addf %scan3A_457, %mul3A_552 : vector<16xf32>
          %mul3A_554 = arith.constant 8 : i32
          %mul3A_555 = arith.muli %scan3A_451, %mul3A_554 : i32
          %add3A_556 = arith.constant 6 : i32
          %add3A_557 = vector.broadcast %add3A_556 : i32 to vector<16xi32>
          %add3A_558 = arith.addi %add3A_557, %iota3A : vector<16xi32>
          %add3A_559 = vector.broadcast %mul3A_555 : i32 to vector<16xi32>
          %add3A_560 = arith.addi %add3A_559, %add3A_558 : vector<16xi32>
          %and3A_561 = arith.constant 63 : i32
          %and3A_562 = vector.broadcast %and3A_561 : i32 to vector<16xi32>
          %and3A_563 = arith.andi %add3A_560, %and3A_562 : vector<16xi32>
          %gather3A_564 = tpu.vector_load_idx %arg28[%add3A_407, %and3A_563] : memref<128x64xf32, #tpu.memory_space<vmem>>[vector<16xi32>, vector<16xi32>], vector<16xf32>,
          %gather3A_565 = tpu.vector_load_idx %arg34[%get3A_411, %and3A_563] : memref<1000x64xf32, #tpu.memory_space<vmem>>[vector<16xi32>, vector<16xi32>], vector<16xf32>,
          %gather3A_566 = tpu.vector_load_idx %arg29[%add3A_407, %and3A_563] : memref<128x64xf32, #tpu.memory_space<vmem>>[vector<16xi32>, vector<16xi32>], vector<16xf32>,
          %mul3A_567 = arith.mulf %gather3A_564, %gather3A_566 : vector<16xf32>
          %mul3A_568 = arith.mulf %gather3A_565, %mul3A_567 : vector<16xf32>
          %add3A_569 = arith.addf %scan3A_458, %mul3A_568 : vector<16xf32>
          %mul3A_570 = arith.constant 8 : i32
          %mul3A_571 = arith.muli %scan3A_451, %mul3A_570 : i32
          %add3A_572 = arith.constant 7 : i32
          %add3A_573 = vector.broadcast %add3A_572 : i32 to vector<16xi32>
          %add3A_574 = arith.addi %add3A_573, %iota3A : vector<16xi32>
          %add3A_575 = vector.broadcast %mul3A_571 : i32 to vector<16xi32>
          %add3A_576 = arith.addi %add3A_575, %add3A_574 : vector<16xi32>
          %and3A_577 = arith.constant 63 : i32
          %and3A_578 = vector.broadcast %and3A_577 : i32 to vector<16xi32>
          %and3A_579 = arith.andi %add3A_576, %and3A_578 : vector<16xi32>
          %gather3A_580 = tpu.vector_load_idx %arg28[%add3A_407, %and3A_579] : memref<128x64xf32, #tpu.memory_space<vmem>>[vector<16xi32>, vector<16xi32>], vector<16xf32>,
          %gather3A_581 = tpu.vector_load_idx %arg34[%get3A_411, %and3A_579] : memref<1000x64xf32, #tpu.memory_space<vmem>>[vector<16xi32>, vector<16xi32>], vector<16xf32>,
          %gather3A_582 = tpu.vector_load_idx %arg29[%add3A_407, %and3A_579] : memref<128x64xf32, #tpu.memory_space<vmem>>[vector<16xi32>, vector<16xi32>], vector<16xf32>,
          %mul3A_583 = arith.mulf %gather3A_580, %gather3A_582 : vector<16xf32>
          %mul3A_584 = arith.mulf %gather3A_581, %mul3A_583 : vector<16xf32>
          %add3A_585 = arith.addf %scan3A_459, %mul3A_584 : vector<16xf32>
          scf.yield %add3A_473, %add3A_489, %add3A_505, %add3A_521, %add3A_537, %add3A_553, %add3A_569, %add3A_585 : vector<16xf32>, vector<16xf32>, vector<16xf32>, vector<16xf32>, vector<16xf32>, vector<16xf32>, vector<16xf32>, vector<16xf32>
        }
        %scan3A_417 = arith.constant 8 : i32
        %add3A_418 = arith.addf %scan3A_416#0, %scan3A_416#1 : vector<16xf32>
        %add3A_419 = arith.addf %scan3A_416#2, %scan3A_416#3 : vector<16xf32>
        %add3A_420 = arith.addf %scan3A_416#4, %scan3A_416#5 : vector<16xf32>
        %add3A_421 = arith.addf %scan3A_416#6, %scan3A_416#7 : vector<16xf32>
        %add3A_422 = arith.addf %add3A_418, %add3A_419 : vector<16xf32>
        %add3A_423 = arith.addf %add3A_420, %add3A_421 : vector<16xf32>
        %add3A_424 = arith.addf %add3A_422, %add3A_423 : vector<16xf32>
        %add3A_425 = arith.addf %broadcast_in_dim3A_363, %broadcast_in_dim3A_363 : vector<16xf32>
        %add3A_426 = arith.addf %broadcast_in_dim3A_363, %broadcast_in_dim3A_363 : vector<16xf32>
        %add3A_427 = arith.addf %broadcast_in_dim3A_363, %broadcast_in_dim3A_363 : vector<16xf32>
        %add3A_428 = arith.addf %broadcast_in_dim3A_363, %broadcast_in_dim3A_363 : vector<16xf32>
        %add3A_429 = arith.addf %add3A_425, %add3A_426 : vector<16xf32>
        %add3A_430 = arith.addf %add3A_427, %add3A_428 : vector<16xf32>
        %add3A_431 = arith.addf %add3A_429, %add3A_430 : vector<16xf32>
        %mul3A_432 = arith.mulf %get3A_7, %add3A_424 : vector<16xf32>
        %add3A_433 = arith.addf %mul3A_432, %get3A_9 : vector<16xf32>
        %neg3A = arith.constant 0.000000e+00 : f32
        %neg3A_434 = vector.broadcast %neg3A : f32 to vector<16xf32>
        %neg3A_435 = arith.subf %neg3A_434, %add3A_433 : vector<16xf32>
        %exp3A = math.exp %neg3A_435 : vector<16xf32>
        %add3A_436 = arith.constant 1.000000e+00 : f32
        %add3A_437 = vector.broadcast %add3A_436 : f32 to vector<16xf32>
        %add3A_438 = arith.addf %add3A_437, %exp3A : vector<16xf32>
        %div3A = arith.constant 1.000000e+00 : f32
        %div3A_439 = vector.broadcast %div3A : f32 to vector<16xf32>
        %div3A_440 = arith.divf %div3A_439, %add3A_438 : vector<16xf32>
        %mul3A_441 = arith.mulf %div3A_440, %div3A_440 : vector<16xf32>
        %mul3A_442 = arith.constant 3.05175786E-6 : f32
        %mul3A_443 = vector.broadcast %mul3A_442 : f32 to vector<16xf32>
        %mul3A_444 = arith.mulf %mul3A_441, %mul3A_443 : vector<16xf32>
        %get3A_445 = arith.constant 0 : index
        %get3A_446 = tpu.vector_load %arg36[%get3A_445] {strides = array<i32>} : memref<16xf32, #tpu.memory_space<vmem>>, vector<16xf32>,
        %add3A_447 = arith.addf %get3A_446, %mul3A_444 : vector<16xf32>
        %swap3A_448 = arith.constant 0 : index
        %swap3A_449 = tpu.vector_load %arg36[%swap3A_448] {strides = array<i32>} : memref<16xf32, #tpu.memory_space<vmem>>, vector<16xf32>,
        tpu.vector_store %arg36[%swap3A_448], %add3A_447 {strides = array<i32>} : memref<16xf32, #tpu.memory_space<vmem>>, vector<16xf32>,
        %scan3A_450 = arith.constant 0 : i32
        scf.yield %scan3A_450 : i32
      }
      %scan3A_370 = arith.constant 8 : i32
      %dma_wait3A_371 = arith.constant 0 : i32
      %dma_wait3A_372 = arith.constant 0 : i32
      %dma_wait3A_373 = tpu.memref_slice %arg13[%dma_wait3A_371, %dma_wait3A_372] : memref<1000000x64xf32, #tpu.memory_space<hbm>> -> memref<1000000x64xf32, #tpu.memory_space<hbm>>
      tpu.wait_indirect_dma semaphore(%arg43 : memref<!tpu.dma_semaphore, #tpu.memory_space<semaphore_mem>>) src(%dma_wait3A_373 : memref<1000000x64xf32, #tpu.memory_space<hbm>>) dst(%arg30 : memref<128x64xf32, #tpu.memory_space<vmem>>)
      %dma_wait3A_374 = arith.constant 0 : i32
      %dma_wait3A_375 = arith.constant 0 : i32
      %dma_wait3A_376 = tpu.memref_slice %arg15[%dma_wait3A_374, %dma_wait3A_375] : memref<1000000x64xf32, #tpu.memory_space<hbm>> -> memref<1000000x64xf32, #tpu.memory_space<hbm>>
      tpu.wait_indirect_dma semaphore(%arg43 : memref<!tpu.dma_semaphore, #tpu.memory_space<semaphore_mem>>) src(%dma_wait3A_376 : memref<1000000x64xf32, #tpu.memory_space<hbm>>) dst(%arg31 : memref<128x64xf32, #tpu.memory_space<vmem>>)
      %broadcast_in_dim3A_377 = arith.constant 0.000000e+00 : f32
      %broadcast_in_dim3A_378 = vector.broadcast %broadcast_in_dim3A_377 : f32 to vector<16xf32>
      %scan3A_379 = arith.constant 0 : i32
      %scan3A_380 = arith.constant 0 : i32
      %scan3A_381 = arith.constant 8 : i32
      %scan3A_382 = arith.addi %scan3A_380, %scan3A_381 : i32
      %scan3A_383 = arith.constant 1 : i32
      %scan3A_384 = scf.for %scan3A_402 = %scan3A_380 to %scan3A_382 step %scan3A_383 iter_args(%scan3A_403 = %scan3A_379) -> (i32)  : i32 {
        %mul3A_404 = arith.constant 16 : i32
        %mul3A_405 = arith.muli %scan3A_402, %mul3A_404 : i32
        %add3A_406 = vector.broadcast %mul3A_405 : i32 to vector<16xi32>
        %add3A_407 = arith.addi %iota3A, %add3A_406 : vector<16xi32>
        %mul3A_408 = arith.constant 16 : i32
        %mul3A_409 = arith.muli %scan3A_402, %mul3A_408 : i32
        %get3A_410 = arith.index_cast %mul3A_409 : i32 to index
        %get3A_411 = tpu.vector_load %arg23[%get3A_410] {strides = array<i32>} : memref<128xi32, #tpu.memory_space<vmem>>, vector<16xi32>,
        %scan3A_412 = arith.constant 0 : i32
        %scan3A_413 = arith.constant 8 : i32
        %scan3A_414 = arith.addi %scan3A_412, %scan3A_413 : i32
        %scan3A_415 = arith.constant 1 : i32
        %scan3A_416:8 = scf.for %scan3A_451 = %scan3A_412 to %scan3A_414 step %scan3A_415 iter_args(%scan3A_452 = %broadcast_in_dim3A_378, %scan3A_453 = %broadcast_in_dim3A_378, %scan3A_454 = %broadcast_in_dim3A_378, %scan3A_455 = %broadcast_in_dim3A_378, %scan3A_456 = %broadcast_in_dim3A_378, %scan3A_457 = %broadcast_in_dim3A_378, %scan3A_458 = %broadcast_in_dim3A_378, %scan3A_459 = %broadcast_in_dim3A_378) -> (vector<16xf32>, vector<16xf32>, vector<16xf32>, vector<16xf32>, vector<16xf32>, vector<16xf32>, vector<16xf32>, vector<16xf32>)  : i32 {
          %mul3A_460 = arith.constant 8 : i32
          %mul3A_461 = arith.muli %scan3A_451, %mul3A_460 : i32
          %add3A_462 = arith.constant 0 : i32
          %add3A_463 = vector.broadcast %add3A_462 : i32 to vector<16xi32>
          %add3A_464 = arith.addi %add3A_463, %iota3A : vector<16xi32>
          %add3A_465 = vector.broadcast %mul3A_461 : i32 to vector<16xi32>
          %add3A_466 = arith.addi %add3A_465, %add3A_464 : vector<16xi32>
          %and3A = arith.constant 63 : i32
          %and3A_467 = vector.broadcast %and3A : i32 to vector<16xi32>
          %and3A_468 = arith.andi %add3A_466, %and3A_467 : vector<16xi32>
          %gather3A = tpu.vector_load_idx %arg30[%add3A_407, %and3A_468] : memref<128x64xf32, #tpu.memory_space<vmem>>[vector<16xi32>, vector<16xi32>], vector<16xf32>,
          %gather3A_469 = tpu.vector_load_idx %arg34[%get3A_411, %and3A_468] : memref<1000x64xf32, #tpu.memory_space<vmem>>[vector<16xi32>, vector<16xi32>], vector<16xf32>,
          %gather3A_470 = tpu.vector_load_idx %arg31[%add3A_407, %and3A_468] : memref<128x64xf32, #tpu.memory_space<vmem>>[vector<16xi32>, vector<16xi32>], vector<16xf32>,
          %mul3A_471 = arith.mulf %gather3A, %gather3A_470 : vector<16xf32>
          %mul3A_472 = arith.mulf %gather3A_469, %mul3A_471 : vector<16xf32>
          %add3A_473 = arith.addf %scan3A_452, %mul3A_472 : vector<16xf32>
          %mul3A_474 = arith.constant 8 : i32
          %mul3A_475 = arith.muli %scan3A_451, %mul3A_474 : i32
          %add3A_476 = arith.constant 1 : i32
          %add3A_477 = vector.broadcast %add3A_476 : i32 to vector<16xi32>
          %add3A_478 = arith.addi %add3A_477, %iota3A : vector<16xi32>
          %add3A_479 = vector.broadcast %mul3A_475 : i32 to vector<16xi32>
          %add3A_480 = arith.addi %add3A_479, %add3A_478 : vector<16xi32>
          %and3A_481 = arith.constant 63 : i32
          %and3A_482 = vector.broadcast %and3A_481 : i32 to vector<16xi32>
          %and3A_483 = arith.andi %add3A_480, %and3A_482 : vector<16xi32>
          %gather3A_484 = tpu.vector_load_idx %arg30[%add3A_407, %and3A_483] : memref<128x64xf32, #tpu.memory_space<vmem>>[vector<16xi32>, vector<16xi32>], vector<16xf32>,
          %gather3A_485 = tpu.vector_load_idx %arg34[%get3A_411, %and3A_483] : memref<1000x64xf32, #tpu.memory_space<vmem>>[vector<16xi32>, vector<16xi32>], vector<16xf32>,
          %gather3A_486 = tpu.vector_load_idx %arg31[%add3A_407, %and3A_483] : memref<128x64xf32, #tpu.memory_space<vmem>>[vector<16xi32>, vector<16xi32>], vector<16xf32>,
          %mul3A_487 = arith.mulf %gather3A_484, %gather3A_486 : vector<16xf32>
          %mul3A_488 = arith.mulf %gather3A_485, %mul3A_487 : vector<16xf32>
          %add3A_489 = arith.addf %scan3A_453, %mul3A_488 : vector<16xf32>
          %mul3A_490 = arith.constant 8 : i32
          %mul3A_491 = arith.muli %scan3A_451, %mul3A_490 : i32
          %add3A_492 = arith.constant 2 : i32
          %add3A_493 = vector.broadcast %add3A_492 : i32 to vector<16xi32>
          %add3A_494 = arith.addi %add3A_493, %iota3A : vector<16xi32>
          %add3A_495 = vector.broadcast %mul3A_491 : i32 to vector<16xi32>
          %add3A_496 = arith.addi %add3A_495, %add3A_494 : vector<16xi32>
          %and3A_497 = arith.constant 63 : i32
          %and3A_498 = vector.broadcast %and3A_497 : i32 to vector<16xi32>
          %and3A_499 = arith.andi %add3A_496, %and3A_498 : vector<16xi32>
          %gather3A_500 = tpu.vector_load_idx %arg30[%add3A_407, %and3A_499] : memref<128x64xf32, #tpu.memory_space<vmem>>[vector<16xi32>, vector<16xi32>], vector<16xf32>,
          %gather3A_501 = tpu.vector_load_idx %arg34[%get3A_411, %and3A_499] : memref<1000x64xf32, #tpu.memory_space<vmem>>[vector<16xi32>, vector<16xi32>], vector<16xf32>,
          %gather3A_502 = tpu.vector_load_idx %arg31[%add3A_407, %and3A_499] : memref<128x64xf32, #tpu.memory_space<vmem>>[vector<16xi32>, vector<16xi32>], vector<16xf32>,
          %mul3A_503 = arith.mulf %gather3A_500, %gather3A_502 : vector<16xf32>
          %mul3A_504 = arith.mulf %gather3A_501, %mul3A_503 : vector<16xf32>
          %add3A_505 = arith.addf %scan3A_454, %mul3A_504 : vector<16xf32>
          %mul3A_506 = arith.constant 8 : i32
          %mul3A_507 = arith.muli %scan3A_451, %mul3A_506 : i32
          %add3A_508 = arith.constant 3 : i32
          %add3A_509 = vector.broadcast %add3A_508 : i32 to vector<16xi32>
          %add3A_510 = arith.addi %add3A_509, %iota3A : vector<16xi32>
          %add3A_511 = vector.broadcast %mul3A_507 : i32 to vector<16xi32>
          %add3A_512 = arith.addi %add3A_511, %add3A_510 : vector<16xi32>
          %and3A_513 = arith.constant 63 : i32
          %and3A_514 = vector.broadcast %and3A_513 : i32 to vector<16xi32>
          %and3A_515 = arith.andi %add3A_512, %and3A_514 : vector<16xi32>
          %gather3A_516 = tpu.vector_load_idx %arg30[%add3A_407, %and3A_515] : memref<128x64xf32, #tpu.memory_space<vmem>>[vector<16xi32>, vector<16xi32>], vector<16xf32>,
          %gather3A_517 = tpu.vector_load_idx %arg34[%get3A_411, %and3A_515] : memref<1000x64xf32, #tpu.memory_space<vmem>>[vector<16xi32>, vector<16xi32>], vector<16xf32>,
          %gather3A_518 = tpu.vector_load_idx %arg31[%add3A_407, %and3A_515] : memref<128x64xf32, #tpu.memory_space<vmem>>[vector<16xi32>, vector<16xi32>], vector<16xf32>,
          %mul3A_519 = arith.mulf %gather3A_516, %gather3A_518 : vector<16xf32>
          %mul3A_520 = arith.mulf %gather3A_517, %mul3A_519 : vector<16xf32>
          %add3A_521 = arith.addf %scan3A_455, %mul3A_520 : vector<16xf32>
          %mul3A_522 = arith.constant 8 : i32
          %mul3A_523 = arith.muli %scan3A_451, %mul3A_522 : i32
          %add3A_524 = arith.constant 4 : i32
          %add3A_525 = vector.broadcast %add3A_524 : i32 to vector<16xi32>
          %add3A_526 = arith.addi %add3A_525, %iota3A : vector<16xi32>
          %add3A_527 = vector.broadcast %mul3A_523 : i32 to vector<16xi32>
          %add3A_528 = arith.addi %add3A_527, %add3A_526 : vector<16xi32>
          %and3A_529 = arith.constant 63 : i32
          %and3A_530 = vector.broadcast %and3A_529 : i32 to vector<16xi32>
          %and3A_531 = arith.andi %add3A_528, %and3A_530 : vector<16xi32>
          %gather3A_532 = tpu.vector_load_idx %arg30[%add3A_407, %and3A_531] : memref<128x64xf32, #tpu.memory_space<vmem>>[vector<16xi32>, vector<16xi32>], vector<16xf32>,
          %gather3A_533 = tpu.vector_load_idx %arg34[%get3A_411, %and3A_531] : memref<1000x64xf32, #tpu.memory_space<vmem>>[vector<16xi32>, vector<16xi32>], vector<16xf32>,
          %gather3A_534 = tpu.vector_load_idx %arg31[%add3A_407, %and3A_531] : memref<128x64xf32, #tpu.memory_space<vmem>>[vector<16xi32>, vector<16xi32>], vector<16xf32>,
          %mul3A_535 = arith.mulf %gather3A_532, %gather3A_534 : vector<16xf32>
          %mul3A_536 = arith.mulf %gather3A_533, %mul3A_535 : vector<16xf32>
          %add3A_537 = arith.addf %scan3A_456, %mul3A_536 : vector<16xf32>
          %mul3A_538 = arith.constant 8 : i32
          %mul3A_539 = arith.muli %scan3A_451, %mul3A_538 : i32
          %add3A_540 = arith.constant 5 : i32
          %add3A_541 = vector.broadcast %add3A_540 : i32 to vector<16xi32>
          %add3A_542 = arith.addi %add3A_541, %iota3A : vector<16xi32>
          %add3A_543 = vector.broadcast %mul3A_539 : i32 to vector<16xi32>
          %add3A_544 = arith.addi %add3A_543, %add3A_542 : vector<16xi32>
          %and3A_545 = arith.constant 63 : i32
          %and3A_546 = vector.broadcast %and3A_545 : i32 to vector<16xi32>
          %and3A_547 = arith.andi %add3A_544, %and3A_546 : vector<16xi32>
          %gather3A_548 = tpu.vector_load_idx %arg30[%add3A_407, %and3A_547] : memref<128x64xf32, #tpu.memory_space<vmem>>[vector<16xi32>, vector<16xi32>], vector<16xf32>,
          %gather3A_549 = tpu.vector_load_idx %arg34[%get3A_411, %and3A_547] : memref<1000x64xf32, #tpu.memory_space<vmem>>[vector<16xi32>, vector<16xi32>], vector<16xf32>,
          %gather3A_550 = tpu.vector_load_idx %arg31[%add3A_407, %and3A_547] : memref<128x64xf32, #tpu.memory_space<vmem>>[vector<16xi32>, vector<16xi32>], vector<16xf32>,
          %mul3A_551 = arith.mulf %gather3A_548, %gather3A_550 : vector<16xf32>
          %mul3A_552 = arith.mulf %gather3A_549, %mul3A_551 : vector<16xf32>
          %add3A_553 = arith.addf %scan3A_457, %mul3A_552 : vector<16xf32>
          %mul3A_554 = arith.constant 8 : i32
          %mul3A_555 = arith.muli %scan3A_451, %mul3A_554 : i32
          %add3A_556 = arith.constant 6 : i32
          %add3A_557 = vector.broadcast %add3A_556 : i32 to vector<16xi32>
          %add3A_558 = arith.addi %add3A_557, %iota3A : vector<16xi32>
          %add3A_559 = vector.broadcast %mul3A_555 : i32 to vector<16xi32>
          %add3A_560 = arith.addi %add3A_559, %add3A_558 : vector<16xi32>
          %and3A_561 = arith.constant 63 : i32
          %and3A_562 = vector.broadcast %and3A_561 : i32 to vector<16xi32>
          %and3A_563 = arith.andi %add3A_560, %and3A_562 : vector<16xi32>
          %gather3A_564 = tpu.vector_load_idx %arg30[%add3A_407, %and3A_563] : memref<128x64xf32, #tpu.memory_space<vmem>>[vector<16xi32>, vector<16xi32>], vector<16xf32>,
          %gather3A_565 = tpu.vector_load_idx %arg34[%get3A_411, %and3A_563] : memref<1000x64xf32, #tpu.memory_space<vmem>>[vector<16xi32>, vector<16xi32>], vector<16xf32>,
          %gather3A_566 = tpu.vector_load_idx %arg31[%add3A_407, %and3A_563] : memref<128x64xf32, #tpu.memory_space<vmem>>[vector<16xi32>, vector<16xi32>], vector<16xf32>,
          %mul3A_567 = arith.mulf %gather3A_564, %gather3A_566 : vector<16xf32>
          %mul3A_568 = arith.mulf %gather3A_565, %mul3A_567 : vector<16xf32>
          %add3A_569 = arith.addf %scan3A_458, %mul3A_568 : vector<16xf32>
          %mul3A_570 = arith.constant 8 : i32
          %mul3A_571 = arith.muli %scan3A_451, %mul3A_570 : i32
          %add3A_572 = arith.constant 7 : i32
          %add3A_573 = vector.broadcast %add3A_572 : i32 to vector<16xi32>
          %add3A_574 = arith.addi %add3A_573, %iota3A : vector<16xi32>
          %add3A_575 = vector.broadcast %mul3A_571 : i32 to vector<16xi32>
          %add3A_576 = arith.addi %add3A_575, %add3A_574 : vector<16xi32>
          %and3A_577 = arith.constant 63 : i32
          %and3A_578 = vector.broadcast %and3A_577 : i32 to vector<16xi32>
          %and3A_579 = arith.andi %add3A_576, %and3A_578 : vector<16xi32>
          %gather3A_580 = tpu.vector_load_idx %arg30[%add3A_407, %and3A_579] : memref<128x64xf32, #tpu.memory_space<vmem>>[vector<16xi32>, vector<16xi32>], vector<16xf32>,
          %gather3A_581 = tpu.vector_load_idx %arg34[%get3A_411, %and3A_579] : memref<1000x64xf32, #tpu.memory_space<vmem>>[vector<16xi32>, vector<16xi32>], vector<16xf32>,
          %gather3A_582 = tpu.vector_load_idx %arg31[%add3A_407, %and3A_579] : memref<128x64xf32, #tpu.memory_space<vmem>>[vector<16xi32>, vector<16xi32>], vector<16xf32>,
          %mul3A_583 = arith.mulf %gather3A_580, %gather3A_582 : vector<16xf32>
          %mul3A_584 = arith.mulf %gather3A_581, %mul3A_583 : vector<16xf32>
          %add3A_585 = arith.addf %scan3A_459, %mul3A_584 : vector<16xf32>
          scf.yield %add3A_473, %add3A_489, %add3A_505, %add3A_521, %add3A_537, %add3A_553, %add3A_569, %add3A_585 : vector<16xf32>, vector<16xf32>, vector<16xf32>, vector<16xf32>, vector<16xf32>, vector<16xf32>, vector<16xf32>, vector<16xf32>
        }
        %scan3A_417 = arith.constant 8 : i32
        %add3A_418 = arith.addf %scan3A_416#0, %scan3A_416#1 : vector<16xf32>
        %add3A_419 = arith.addf %scan3A_416#2, %scan3A_416#3 : vector<16xf32>
        %add3A_420 = arith.addf %scan3A_416#4, %scan3A_416#5 : vector<16xf32>
        %add3A_421 = arith.addf %scan3A_416#6, %scan3A_416#7 : vector<16xf32>
        %add3A_422 = arith.addf %add3A_418, %add3A_419 : vector<16xf32>
        %add3A_423 = arith.addf %add3A_420, %add3A_421 : vector<16xf32>
        %add3A_424 = arith.addf %add3A_422, %add3A_423 : vector<16xf32>
        %add3A_425 = arith.addf %broadcast_in_dim3A_378, %broadcast_in_dim3A_378 : vector<16xf32>
        %add3A_426 = arith.addf %broadcast_in_dim3A_378, %broadcast_in_dim3A_378 : vector<16xf32>
        %add3A_427 = arith.addf %broadcast_in_dim3A_378, %broadcast_in_dim3A_378 : vector<16xf32>
        %add3A_428 = arith.addf %broadcast_in_dim3A_378, %broadcast_in_dim3A_378 : vector<16xf32>
        %add3A_429 = arith.addf %add3A_425, %add3A_426 : vector<16xf32>
        %add3A_430 = arith.addf %add3A_427, %add3A_428 : vector<16xf32>
        %add3A_431 = arith.addf %add3A_429, %add3A_430 : vector<16xf32>
        %mul3A_432 = arith.mulf %get3A_7, %add3A_424 : vector<16xf32>
        %add3A_433 = arith.addf %mul3A_432, %get3A_9 : vector<16xf32>
        %neg3A = arith.constant 0.000000e+00 : f32
        %neg3A_434 = vector.broadcast %neg3A : f32 to vector<16xf32>
        %neg3A_435 = arith.subf %neg3A_434, %add3A_433 : vector<16xf32>
        %exp3A = math.exp %neg3A_435 : vector<16xf32>
        %add3A_436 = arith.constant 1.000000e+00 : f32
        %add3A_437 = vector.broadcast %add3A_436 : f32 to vector<16xf32>
        %add3A_438 = arith.addf %add3A_437, %exp3A : vector<16xf32>
        %div3A = arith.constant 1.000000e+00 : f32
        %div3A_439 = vector.broadcast %div3A : f32 to vector<16xf32>
        %div3A_440 = arith.divf %div3A_439, %add3A_438 : vector<16xf32>
        %mul3A_441 = arith.mulf %div3A_440, %div3A_440 : vector<16xf32>
        %mul3A_442 = arith.constant 3.05175786E-6 : f32
        %mul3A_443 = vector.broadcast %mul3A_442 : f32 to vector<16xf32>
        %mul3A_444 = arith.mulf %mul3A_441, %mul3A_443 : vector<16xf32>
        %get3A_445 = arith.constant 0 : index
        %get3A_446 = tpu.vector_load %arg36[%get3A_445] {strides = array<i32>} : memref<16xf32, #tpu.memory_space<vmem>>, vector<16xf32>,
        %add3A_447 = arith.addf %get3A_446, %mul3A_444 : vector<16xf32>
        %swap3A_448 = arith.constant 0 : index
        %swap3A_449 = tpu.vector_load %arg36[%swap3A_448] {strides = array<i32>} : memref<16xf32, #tpu.memory_space<vmem>>, vector<16xf32>,
        tpu.vector_store %arg36[%swap3A_448], %add3A_447 {strides = array<i32>} : memref<16xf32, #tpu.memory_space<vmem>>, vector<16xf32>,
        %scan3A_450 = arith.constant 0 : i32
        scf.yield %scan3A_450 : i32
      }
      %scan3A_385 = arith.constant 8 : i32
      %dma_wait3A_386 = arith.constant 0 : i32
      %dma_wait3A_387 = arith.constant 0 : i32
      %dma_wait3A_388 = tpu.memref_slice %arg13[%dma_wait3A_386, %dma_wait3A_387] : memref<1000000x64xf32, #tpu.memory_space<hbm>> -> memref<1000000x64xf32, #tpu.memory_space<hbm>>
      tpu.wait_indirect_dma semaphore(%arg44 : memref<!tpu.dma_semaphore, #tpu.memory_space<semaphore_mem>>) src(%dma_wait3A_388 : memref<1000000x64xf32, #tpu.memory_space<hbm>>) dst(%arg32 : memref<128x64xf32, #tpu.memory_space<vmem>>)
      %dma_wait3A_389 = arith.constant 0 : i32
      %dma_wait3A_390 = arith.constant 0 : i32
      %dma_wait3A_391 = tpu.memref_slice %arg15[%dma_wait3A_389, %dma_wait3A_390] : memref<1000000x64xf32, #tpu.memory_space<hbm>> -> memref<1000000x64xf32, #tpu.memory_space<hbm>>
      tpu.wait_indirect_dma semaphore(%arg44 : memref<!tpu.dma_semaphore, #tpu.memory_space<semaphore_mem>>) src(%dma_wait3A_391 : memref<1000000x64xf32, #tpu.memory_space<hbm>>) dst(%arg33 : memref<128x64xf32, #tpu.memory_space<vmem>>)
      %broadcast_in_dim3A_392 = arith.constant 0.000000e+00 : f32
      %broadcast_in_dim3A_393 = vector.broadcast %broadcast_in_dim3A_392 : f32 to vector<16xf32>
      %scan3A_394 = arith.constant 0 : i32
      %scan3A_395 = arith.constant 0 : i32
      %scan3A_396 = arith.constant 8 : i32
      %scan3A_397 = arith.addi %scan3A_395, %scan3A_396 : i32
      %scan3A_398 = arith.constant 1 : i32
      %scan3A_399 = scf.for %scan3A_402 = %scan3A_395 to %scan3A_397 step %scan3A_398 iter_args(%scan3A_403 = %scan3A_394) -> (i32)  : i32 {
        %mul3A_404 = arith.constant 16 : i32
        %mul3A_405 = arith.muli %scan3A_402, %mul3A_404 : i32
        %add3A_406 = vector.broadcast %mul3A_405 : i32 to vector<16xi32>
        %add3A_407 = arith.addi %iota3A, %add3A_406 : vector<16xi32>
        %mul3A_408 = arith.constant 16 : i32
        %mul3A_409 = arith.muli %scan3A_402, %mul3A_408 : i32
        %get3A_410 = arith.index_cast %mul3A_409 : i32 to index
        %get3A_411 = tpu.vector_load %arg26[%get3A_410] {strides = array<i32>} : memref<128xi32, #tpu.memory_space<vmem>>, vector<16xi32>,
        %scan3A_412 = arith.constant 0 : i32
        %scan3A_413 = arith.constant 8 : i32
        %scan3A_414 = arith.addi %scan3A_412, %scan3A_413 : i32
        %scan3A_415 = arith.constant 1 : i32
        %scan3A_416:8 = scf.for %scan3A_451 = %scan3A_412 to %scan3A_414 step %scan3A_415 iter_args(%scan3A_452 = %broadcast_in_dim3A_393, %scan3A_453 = %broadcast_in_dim3A_393, %scan3A_454 = %broadcast_in_dim3A_393, %scan3A_455 = %broadcast_in_dim3A_393, %scan3A_456 = %broadcast_in_dim3A_393, %scan3A_457 = %broadcast_in_dim3A_393, %scan3A_458 = %broadcast_in_dim3A_393, %scan3A_459 = %broadcast_in_dim3A_393) -> (vector<16xf32>, vector<16xf32>, vector<16xf32>, vector<16xf32>, vector<16xf32>, vector<16xf32>, vector<16xf32>, vector<16xf32>)  : i32 {
          %mul3A_460 = arith.constant 8 : i32
          %mul3A_461 = arith.muli %scan3A_451, %mul3A_460 : i32
          %add3A_462 = arith.constant 0 : i32
          %add3A_463 = vector.broadcast %add3A_462 : i32 to vector<16xi32>
          %add3A_464 = arith.addi %add3A_463, %iota3A : vector<16xi32>
          %add3A_465 = vector.broadcast %mul3A_461 : i32 to vector<16xi32>
          %add3A_466 = arith.addi %add3A_465, %add3A_464 : vector<16xi32>
          %and3A = arith.constant 63 : i32
          %and3A_467 = vector.broadcast %and3A : i32 to vector<16xi32>
          %and3A_468 = arith.andi %add3A_466, %and3A_467 : vector<16xi32>
          %gather3A = tpu.vector_load_idx %arg32[%add3A_407, %and3A_468] : memref<128x64xf32, #tpu.memory_space<vmem>>[vector<16xi32>, vector<16xi32>], vector<16xf32>,
          %gather3A_469 = tpu.vector_load_idx %arg34[%get3A_411, %and3A_468] : memref<1000x64xf32, #tpu.memory_space<vmem>>[vector<16xi32>, vector<16xi32>], vector<16xf32>,
          %gather3A_470 = tpu.vector_load_idx %arg33[%add3A_407, %and3A_468] : memref<128x64xf32, #tpu.memory_space<vmem>>[vector<16xi32>, vector<16xi32>], vector<16xf32>,
          %mul3A_471 = arith.mulf %gather3A, %gather3A_470 : vector<16xf32>
          %mul3A_472 = arith.mulf %gather3A_469, %mul3A_471 : vector<16xf32>
          %add3A_473 = arith.addf %scan3A_452, %mul3A_472 : vector<16xf32>
          %mul3A_474 = arith.constant 8 : i32
          %mul3A_475 = arith.muli %scan3A_451, %mul3A_474 : i32
          %add3A_476 = arith.constant 1 : i32
          %add3A_477 = vector.broadcast %add3A_476 : i32 to vector<16xi32>
          %add3A_478 = arith.addi %add3A_477, %iota3A : vector<16xi32>
          %add3A_479 = vector.broadcast %mul3A_475 : i32 to vector<16xi32>
          %add3A_480 = arith.addi %add3A_479, %add3A_478 : vector<16xi32>
          %and3A_481 = arith.constant 63 : i32
          %and3A_482 = vector.broadcast %and3A_481 : i32 to vector<16xi32>
          %and3A_483 = arith.andi %add3A_480, %and3A_482 : vector<16xi32>
          %gather3A_484 = tpu.vector_load_idx %arg32[%add3A_407, %and3A_483] : memref<128x64xf32, #tpu.memory_space<vmem>>[vector<16xi32>, vector<16xi32>], vector<16xf32>,
          %gather3A_485 = tpu.vector_load_idx %arg34[%get3A_411, %and3A_483] : memref<1000x64xf32, #tpu.memory_space<vmem>>[vector<16xi32>, vector<16xi32>], vector<16xf32>,
          %gather3A_486 = tpu.vector_load_idx %arg33[%add3A_407, %and3A_483] : memref<128x64xf32, #tpu.memory_space<vmem>>[vector<16xi32>, vector<16xi32>], vector<16xf32>,
          %mul3A_487 = arith.mulf %gather3A_484, %gather3A_486 : vector<16xf32>
          %mul3A_488 = arith.mulf %gather3A_485, %mul3A_487 : vector<16xf32>
          %add3A_489 = arith.addf %scan3A_453, %mul3A_488 : vector<16xf32>
          %mul3A_490 = arith.constant 8 : i32
          %mul3A_491 = arith.muli %scan3A_451, %mul3A_490 : i32
          %add3A_492 = arith.constant 2 : i32
          %add3A_493 = vector.broadcast %add3A_492 : i32 to vector<16xi32>
          %add3A_494 = arith.addi %add3A_493, %iota3A : vector<16xi32>
          %add3A_495 = vector.broadcast %mul3A_491 : i32 to vector<16xi32>
          %add3A_496 = arith.addi %add3A_495, %add3A_494 : vector<16xi32>
          %and3A_497 = arith.constant 63 : i32
          %and3A_498 = vector.broadcast %and3A_497 : i32 to vector<16xi32>
          %and3A_499 = arith.andi %add3A_496, %and3A_498 : vector<16xi32>
          %gather3A_500 = tpu.vector_load_idx %arg32[%add3A_407, %and3A_499] : memref<128x64xf32, #tpu.memory_space<vmem>>[vector<16xi32>, vector<16xi32>], vector<16xf32>,
          %gather3A_501 = tpu.vector_load_idx %arg34[%get3A_411, %and3A_499] : memref<1000x64xf32, #tpu.memory_space<vmem>>[vector<16xi32>, vector<16xi32>], vector<16xf32>,
          %gather3A_502 = tpu.vector_load_idx %arg33[%add3A_407, %and3A_499] : memref<128x64xf32, #tpu.memory_space<vmem>>[vector<16xi32>, vector<16xi32>], vector<16xf32>,
          %mul3A_503 = arith.mulf %gather3A_500, %gather3A_502 : vector<16xf32>
          %mul3A_504 = arith.mulf %gather3A_501, %mul3A_503 : vector<16xf32>
          %add3A_505 = arith.addf %scan3A_454, %mul3A_504 : vector<16xf32>
          %mul3A_506 = arith.constant 8 : i32
          %mul3A_507 = arith.muli %scan3A_451, %mul3A_506 : i32
          %add3A_508 = arith.constant 3 : i32
          %add3A_509 = vector.broadcast %add3A_508 : i32 to vector<16xi32>
          %add3A_510 = arith.addi %add3A_509, %iota3A : vector<16xi32>
          %add3A_511 = vector.broadcast %mul3A_507 : i32 to vector<16xi32>
          %add3A_512 = arith.addi %add3A_511, %add3A_510 : vector<16xi32>
          %and3A_513 = arith.constant 63 : i32
          %and3A_514 = vector.broadcast %and3A_513 : i32 to vector<16xi32>
          %and3A_515 = arith.andi %add3A_512, %and3A_514 : vector<16xi32>
          %gather3A_516 = tpu.vector_load_idx %arg32[%add3A_407, %and3A_515] : memref<128x64xf32, #tpu.memory_space<vmem>>[vector<16xi32>, vector<16xi32>], vector<16xf32>,
          %gather3A_517 = tpu.vector_load_idx %arg34[%get3A_411, %and3A_515] : memref<1000x64xf32, #tpu.memory_space<vmem>>[vector<16xi32>, vector<16xi32>], vector<16xf32>,
          %gather3A_518 = tpu.vector_load_idx %arg33[%add3A_407, %and3A_515] : memref<128x64xf32, #tpu.memory_space<vmem>>[vector<16xi32>, vector<16xi32>], vector<16xf32>,
          %mul3A_519 = arith.mulf %gather3A_516, %gather3A_518 : vector<16xf32>
          %mul3A_520 = arith.mulf %gather3A_517, %mul3A_519 : vector<16xf32>
          %add3A_521 = arith.addf %scan3A_455, %mul3A_520 : vector<16xf32>
          %mul3A_522 = arith.constant 8 : i32
          %mul3A_523 = arith.muli %scan3A_451, %mul3A_522 : i32
          %add3A_524 = arith.constant 4 : i32
          %add3A_525 = vector.broadcast %add3A_524 : i32 to vector<16xi32>
          %add3A_526 = arith.addi %add3A_525, %iota3A : vector<16xi32>
          %add3A_527 = vector.broadcast %mul3A_523 : i32 to vector<16xi32>
          %add3A_528 = arith.addi %add3A_527, %add3A_526 : vector<16xi32>
          %and3A_529 = arith.constant 63 : i32
          %and3A_530 = vector.broadcast %and3A_529 : i32 to vector<16xi32>
          %and3A_531 = arith.andi %add3A_528, %and3A_530 : vector<16xi32>
          %gather3A_532 = tpu.vector_load_idx %arg32[%add3A_407, %and3A_531] : memref<128x64xf32, #tpu.memory_space<vmem>>[vector<16xi32>, vector<16xi32>], vector<16xf32>,
          %gather3A_533 = tpu.vector_load_idx %arg34[%get3A_411, %and3A_531] : memref<1000x64xf32, #tpu.memory_space<vmem>>[vector<16xi32>, vector<16xi32>], vector<16xf32>,
          %gather3A_534 = tpu.vector_load_idx %arg33[%add3A_407, %and3A_531] : memref<128x64xf32, #tpu.memory_space<vmem>>[vector<16xi32>, vector<16xi32>], vector<16xf32>,
          %mul3A_535 = arith.mulf %gather3A_532, %gather3A_534 : vector<16xf32>
          %mul3A_536 = arith.mulf %gather3A_533, %mul3A_535 : vector<16xf32>
          %add3A_537 = arith.addf %scan3A_456, %mul3A_536 : vector<16xf32>
          %mul3A_538 = arith.constant 8 : i32
          %mul3A_539 = arith.muli %scan3A_451, %mul3A_538 : i32
          %add3A_540 = arith.constant 5 : i32
          %add3A_541 = vector.broadcast %add3A_540 : i32 to vector<16xi32>
          %add3A_542 = arith.addi %add3A_541, %iota3A : vector<16xi32>
          %add3A_543 = vector.broadcast %mul3A_539 : i32 to vector<16xi32>
          %add3A_544 = arith.addi %add3A_543, %add3A_542 : vector<16xi32>
          %and3A_545 = arith.constant 63 : i32
          %and3A_546 = vector.broadcast %and3A_545 : i32 to vector<16xi32>
          %and3A_547 = arith.andi %add3A_544, %and3A_546 : vector<16xi32>
          %gather3A_548 = tpu.vector_load_idx %arg32[%add3A_407, %and3A_547] : memref<128x64xf32, #tpu.memory_space<vmem>>[vector<16xi32>, vector<16xi32>], vector<16xf32>,
          %gather3A_549 = tpu.vector_load_idx %arg34[%get3A_411, %and3A_547] : memref<1000x64xf32, #tpu.memory_space<vmem>>[vector<16xi32>, vector<16xi32>], vector<16xf32>,
          %gather3A_550 = tpu.vector_load_idx %arg33[%add3A_407, %and3A_547] : memref<128x64xf32, #tpu.memory_space<vmem>>[vector<16xi32>, vector<16xi32>], vector<16xf32>,
          %mul3A_551 = arith.mulf %gather3A_548, %gather3A_550 : vector<16xf32>
          %mul3A_552 = arith.mulf %gather3A_549, %mul3A_551 : vector<16xf32>
          %add3A_553 = arith.addf %scan3A_457, %mul3A_552 : vector<16xf32>
          %mul3A_554 = arith.constant 8 : i32
          %mul3A_555 = arith.muli %scan3A_451, %mul3A_554 : i32
          %add3A_556 = arith.constant 6 : i32
          %add3A_557 = vector.broadcast %add3A_556 : i32 to vector<16xi32>
          %add3A_558 = arith.addi %add3A_557, %iota3A : vector<16xi32>
          %add3A_559 = vector.broadcast %mul3A_555 : i32 to vector<16xi32>
          %add3A_560 = arith.addi %add3A_559, %add3A_558 : vector<16xi32>
          %and3A_561 = arith.constant 63 : i32
          %and3A_562 = vector.broadcast %and3A_561 : i32 to vector<16xi32>
          %and3A_563 = arith.andi %add3A_560, %and3A_562 : vector<16xi32>
          %gather3A_564 = tpu.vector_load_idx %arg32[%add3A_407, %and3A_563] : memref<128x64xf32, #tpu.memory_space<vmem>>[vector<16xi32>, vector<16xi32>], vector<16xf32>,
          %gather3A_565 = tpu.vector_load_idx %arg34[%get3A_411, %and3A_563] : memref<1000x64xf32, #tpu.memory_space<vmem>>[vector<16xi32>, vector<16xi32>], vector<16xf32>,
          %gather3A_566 = tpu.vector_load_idx %arg33[%add3A_407, %and3A_563] : memref<128x64xf32, #tpu.memory_space<vmem>>[vector<16xi32>, vector<16xi32>], vector<16xf32>,
          %mul3A_567 = arith.mulf %gather3A_564, %gather3A_566 : vector<16xf32>
          %mul3A_568 = arith.mulf %gather3A_565, %mul3A_567 : vector<16xf32>
          %add3A_569 = arith.addf %scan3A_458, %mul3A_568 : vector<16xf32>
          %mul3A_570 = arith.constant 8 : i32
          %mul3A_571 = arith.muli %scan3A_451, %mul3A_570 : i32
          %add3A_572 = arith.constant 7 : i32
          %add3A_573 = vector.broadcast %add3A_572 : i32 to vector<16xi32>
          %add3A_574 = arith.addi %add3A_573, %iota3A : vector<16xi32>
          %add3A_575 = vector.broadcast %mul3A_571 : i32 to vector<16xi32>
          %add3A_576 = arith.addi %add3A_575, %add3A_574 : vector<16xi32>
          %and3A_577 = arith.constant 63 : i32
          %and3A_578 = vector.broadcast %and3A_577 : i32 to vector<16xi32>
          %and3A_579 = arith.andi %add3A_576, %and3A_578 : vector<16xi32>
          %gather3A_580 = tpu.vector_load_idx %arg32[%add3A_407, %and3A_579] : memref<128x64xf32, #tpu.memory_space<vmem>>[vector<16xi32>, vector<16xi32>], vector<16xf32>,
          %gather3A_581 = tpu.vector_load_idx %arg34[%get3A_411, %and3A_579] : memref<1000x64xf32, #tpu.memory_space<vmem>>[vector<16xi32>, vector<16xi32>], vector<16xf32>,
          %gather3A_582 = tpu.vector_load_idx %arg33[%add3A_407, %and3A_579] : memref<128x64xf32, #tpu.memory_space<vmem>>[vector<16xi32>, vector<16xi32>], vector<16xf32>,
          %mul3A_583 = arith.mulf %gather3A_580, %gather3A_582 : vector<16xf32>
          %mul3A_584 = arith.mulf %gather3A_581, %mul3A_583 : vector<16xf32>
          %add3A_585 = arith.addf %scan3A_459, %mul3A_584 : vector<16xf32>
          scf.yield %add3A_473, %add3A_489, %add3A_505, %add3A_521, %add3A_537, %add3A_553, %add3A_569, %add3A_585 : vector<16xf32>, vector<16xf32>, vector<16xf32>, vector<16xf32>, vector<16xf32>, vector<16xf32>, vector<16xf32>, vector<16xf32>
        }
        %scan3A_417 = arith.constant 8 : i32
        %add3A_418 = arith.addf %scan3A_416#0, %scan3A_416#1 : vector<16xf32>
        %add3A_419 = arith.addf %scan3A_416#2, %scan3A_416#3 : vector<16xf32>
        %add3A_420 = arith.addf %scan3A_416#4, %scan3A_416#5 : vector<16xf32>
        %add3A_421 = arith.addf %scan3A_416#6, %scan3A_416#7 : vector<16xf32>
        %add3A_422 = arith.addf %add3A_418, %add3A_419 : vector<16xf32>
        %add3A_423 = arith.addf %add3A_420, %add3A_421 : vector<16xf32>
        %add3A_424 = arith.addf %add3A_422, %add3A_423 : vector<16xf32>
        %add3A_425 = arith.addf %broadcast_in_dim3A_393, %broadcast_in_dim3A_393 : vector<16xf32>
        %add3A_426 = arith.addf %broadcast_in_dim3A_393, %broadcast_in_dim3A_393 : vector<16xf32>
        %add3A_427 = arith.addf %broadcast_in_dim3A_393, %broadcast_in_dim3A_393 : vector<16xf32>
        %add3A_428 = arith.addf %broadcast_in_dim3A_393, %broadcast_in_dim3A_393 : vector<16xf32>
        %add3A_429 = arith.addf %add3A_425, %add3A_426 : vector<16xf32>
        %add3A_430 = arith.addf %add3A_427, %add3A_428 : vector<16xf32>
        %add3A_431 = arith.addf %add3A_429, %add3A_430 : vector<16xf32>
        %mul3A_432 = arith.mulf %get3A_7, %add3A_424 : vector<16xf32>
        %add3A_433 = arith.addf %mul3A_432, %get3A_9 : vector<16xf32>
        %neg3A = arith.constant 0.000000e+00 : f32
        %neg3A_434 = vector.broadcast %neg3A : f32 to vector<16xf32>
        %neg3A_435 = arith.subf %neg3A_434, %add3A_433 : vector<16xf32>
        %exp3A = math.exp %neg3A_435 : vector<16xf32>
        %add3A_436 = arith.constant 1.000000e+00 : f32
        %add3A_437 = vector.broadcast %add3A_436 : f32 to vector<16xf32>
        %add3A_438 = arith.addf %add3A_437, %exp3A : vector<16xf32>
        %div3A = arith.constant 1.000000e+00 : f32
        %div3A_439 = vector.broadcast %div3A : f32 to vector<16xf32>
        %div3A_440 = arith.divf %div3A_439, %add3A_438 : vector<16xf32>
        %mul3A_441 = arith.mulf %div3A_440, %div3A_440 : vector<16xf32>
        %mul3A_442 = arith.constant 3.05175786E-6 : f32
        %mul3A_443 = vector.broadcast %mul3A_442 : f32 to vector<16xf32>
        %mul3A_444 = arith.mulf %mul3A_441, %mul3A_443 : vector<16xf32>
        %get3A_445 = arith.constant 0 : index
        %get3A_446 = tpu.vector_load %arg36[%get3A_445] {strides = array<i32>} : memref<16xf32, #tpu.memory_space<vmem>>, vector<16xf32>,
        %add3A_447 = arith.addf %get3A_446, %mul3A_444 : vector<16xf32>
        %swap3A_448 = arith.constant 0 : index
        %swap3A_449 = tpu.vector_load %arg36[%swap3A_448] {strides = array<i32>} : memref<16xf32, #tpu.memory_space<vmem>>, vector<16xf32>,
        tpu.vector_store %arg36[%swap3A_448], %add3A_447 {strides = array<i32>} : memref<16xf32, #tpu.memory_space<vmem>>, vector<16xf32>,
        %scan3A_450 = arith.constant 0 : i32
        scf.yield %scan3A_450 : i32
      }
      %scan3A_400 = arith.constant 8 : i32
      %scan3A_401 = arith.constant 0 : i32
      scf.yield %scan3A_401 : i32
    }
    %scan3A_17 = arith.constant 26 : i32
    %add3A_18 = arith.constant 9984 : i32
    %add3A_19 = arith.addi %mul3A_11, %add3A_18 : i32
    %add3A_20 = arith.constant 0 : i32
    %add3A_21 = arith.addi %add3A_19, %add3A_20 : i32
    %add3A_22 = arith.constant 128 : i32
    %add3A_23 = arith.addi %add3A_19, %add3A_22 : i32
    %dma_start3A = tpu.memref_slice %arg6[%add3A_21] : memref<327680xi32, #tpu.memory_space<hbm>> -> memref<128xi32, #tpu.memory_space<hbm>>
    %dma_start3A_24 = tpu.memref_slice %arg6[%add3A_21] : memref<327680xi32, #tpu.memory_space<hbm>> -> memref<128xi32, #tpu.memory_space<hbm>>
    tpu.enqueue_dma source(%dma_start3A_24 : memref<128xi32, #tpu.memory_space<hbm>>) target(%arg19 : memref<128xi32, #tpu.memory_space<vmem>>) target_semaphore(%arg39 : memref<!tpu.dma_semaphore, #tpu.memory_space<semaphore_mem>>)
    %dma_start3A_25 = tpu.memref_slice %arg7[%add3A_21] : memref<327680xi32, #tpu.memory_space<hbm>> -> memref<128xi32, #tpu.memory_space<hbm>>
    %dma_start3A_26 = tpu.memref_slice %arg7[%add3A_21] : memref<327680xi32, #tpu.memory_space<hbm>> -> memref<128xi32, #tpu.memory_space<hbm>>
    tpu.enqueue_dma source(%dma_start3A_26 : memref<128xi32, #tpu.memory_space<hbm>>) target(%arg20 : memref<128xi32, #tpu.memory_space<vmem>>) target_semaphore(%arg39 : memref<!tpu.dma_semaphore, #tpu.memory_space<semaphore_mem>>)
    %dma_start3A_27 = tpu.memref_slice %arg8[%add3A_21] : memref<327680xi32, #tpu.memory_space<hbm>> -> memref<128xi32, #tpu.memory_space<hbm>>
    %dma_start3A_28 = tpu.memref_slice %arg8[%add3A_21] : memref<327680xi32, #tpu.memory_space<hbm>> -> memref<128xi32, #tpu.memory_space<hbm>>
    tpu.enqueue_dma source(%dma_start3A_28 : memref<128xi32, #tpu.memory_space<hbm>>) target(%arg21 : memref<128xi32, #tpu.memory_space<vmem>>) target_semaphore(%arg39 : memref<!tpu.dma_semaphore, #tpu.memory_space<semaphore_mem>>)
    %dma_start3A_29 = tpu.memref_slice %arg6[%add3A_23] : memref<327680xi32, #tpu.memory_space<hbm>> -> memref<128xi32, #tpu.memory_space<hbm>>
    %dma_start3A_30 = tpu.memref_slice %arg6[%add3A_23] : memref<327680xi32, #tpu.memory_space<hbm>> -> memref<128xi32, #tpu.memory_space<hbm>>
    tpu.enqueue_dma source(%dma_start3A_30 : memref<128xi32, #tpu.memory_space<hbm>>) target(%arg22 : memref<128xi32, #tpu.memory_space<vmem>>) target_semaphore(%arg40 : memref<!tpu.dma_semaphore, #tpu.memory_space<semaphore_mem>>)
    %dma_start3A_31 = tpu.memref_slice %arg7[%add3A_23] : memref<327680xi32, #tpu.memory_space<hbm>> -> memref<128xi32, #tpu.memory_space<hbm>>
    %dma_start3A_32 = tpu.memref_slice %arg7[%add3A_23] : memref<327680xi32, #tpu.memory_space<hbm>> -> memref<128xi32, #tpu.memory_space<hbm>>
    tpu.enqueue_dma source(%dma_start3A_32 : memref<128xi32, #tpu.memory_space<hbm>>) target(%arg23 : memref<128xi32, #tpu.memory_space<vmem>>) target_semaphore(%arg40 : memref<!tpu.dma_semaphore, #tpu.memory_space<semaphore_mem>>)
    %dma_start3A_33 = tpu.memref_slice %arg8[%add3A_23] : memref<327680xi32, #tpu.memory_space<hbm>> -> memref<128xi32, #tpu.memory_space<hbm>>
    %dma_start3A_34 = tpu.memref_slice %arg8[%add3A_23] : memref<327680xi32, #tpu.memory_space<hbm>> -> memref<128xi32, #tpu.memory_space<hbm>>
    tpu.enqueue_dma source(%dma_start3A_34 : memref<128xi32, #tpu.memory_space<hbm>>) target(%arg24 : memref<128xi32, #tpu.memory_space<vmem>>) target_semaphore(%arg40 : memref<!tpu.dma_semaphore, #tpu.memory_space<semaphore_mem>>)
    %dma_wait3A = tpu.memref_slice %arg6[%add3A_21] : memref<327680xi32, #tpu.memory_space<hbm>> -> memref<128xi32, #tpu.memory_space<hbm>>
    %dma_wait3A_35 = tpu.memref_slice %arg6[%add3A_21] : memref<327680xi32, #tpu.memory_space<hbm>> -> memref<128xi32, #tpu.memory_space<hbm>>
    tpu.wait_dma2 semaphore(%arg39 : memref<!tpu.dma_semaphore, #tpu.memory_space<semaphore_mem>>) src(%dma_wait3A_35 : memref<128xi32, #tpu.memory_space<hbm>>) dst(%arg19 : memref<128xi32, #tpu.memory_space<vmem>>)
    %dma_wait3A_36 = tpu.memref_slice %arg7[%add3A_21] : memref<327680xi32, #tpu.memory_space<hbm>> -> memref<128xi32, #tpu.memory_space<hbm>>
    %dma_wait3A_37 = tpu.memref_slice %arg7[%add3A_21] : memref<327680xi32, #tpu.memory_space<hbm>> -> memref<128xi32, #tpu.memory_space<hbm>>
    tpu.wait_dma2 semaphore(%arg39 : memref<!tpu.dma_semaphore, #tpu.memory_space<semaphore_mem>>) src(%dma_wait3A_37 : memref<128xi32, #tpu.memory_space<hbm>>) dst(%arg20 : memref<128xi32, #tpu.memory_space<vmem>>)
    %dma_wait3A_38 = tpu.memref_slice %arg8[%add3A_21] : memref<327680xi32, #tpu.memory_space<hbm>> -> memref<128xi32, #tpu.memory_space<hbm>>
    %dma_wait3A_39 = tpu.memref_slice %arg8[%add3A_21] : memref<327680xi32, #tpu.memory_space<hbm>> -> memref<128xi32, #tpu.memory_space<hbm>>
    tpu.wait_dma2 semaphore(%arg39 : memref<!tpu.dma_semaphore, #tpu.memory_space<semaphore_mem>>) src(%dma_wait3A_39 : memref<128xi32, #tpu.memory_space<hbm>>) dst(%arg21 : memref<128xi32, #tpu.memory_space<vmem>>)
    %dma_start3A_40 = arith.constant 0 : i32
    %dma_start3A_41 = arith.constant 0 : i32
    %dma_start3A_42 = tpu.memref_slice %arg13[%dma_start3A_40, %dma_start3A_41] : memref<1000000x64xf32, #tpu.memory_space<hbm>> -> memref<1000000x64xf32, #tpu.memory_space<hbm>>
    tpu.enqueue_indirect_dma source(%dma_start3A_42 : memref<1000000x64xf32, #tpu.memory_space<hbm>>) target(%arg28 : memref<128x64xf32, #tpu.memory_space<vmem>>) offsets(%arg19 : memref<128xi32, #tpu.memory_space<vmem>>) semaphore(%arg42 : memref<!tpu.dma_semaphore, #tpu.memory_space<semaphore_mem>>)
    %dma_start3A_43 = arith.constant 0 : i32
    %dma_start3A_44 = arith.constant 0 : i32
    %dma_start3A_45 = tpu.memref_slice %arg15[%dma_start3A_43, %dma_start3A_44] : memref<1000000x64xf32, #tpu.memory_space<hbm>> -> memref<1000000x64xf32, #tpu.memory_space<hbm>>
    tpu.enqueue_indirect_dma source(%dma_start3A_45 : memref<1000000x64xf32, #tpu.memory_space<hbm>>) target(%arg29 : memref<128x64xf32, #tpu.memory_space<vmem>>) offsets(%arg21 : memref<128xi32, #tpu.memory_space<vmem>>) semaphore(%arg42 : memref<!tpu.dma_semaphore, #tpu.memory_space<semaphore_mem>>)
    %dma_wait3A_46 = tpu.memref_slice %arg6[%add3A_23] : memref<327680xi32, #tpu.memory_space<hbm>> -> memref<128xi32, #tpu.memory_space<hbm>>
    %dma_wait3A_47 = tpu.memref_slice %arg6[%add3A_23] : memref<327680xi32, #tpu.memory_space<hbm>> -> memref<128xi32, #tpu.memory_space<hbm>>
    tpu.wait_dma2 semaphore(%arg40 : memref<!tpu.dma_semaphore, #tpu.memory_space<semaphore_mem>>) src(%dma_wait3A_47 : memref<128xi32, #tpu.memory_space<hbm>>) dst(%arg22 : memref<128xi32, #tpu.memory_space<vmem>>)
    %dma_wait3A_48 = tpu.memref_slice %arg7[%add3A_23] : memref<327680xi32, #tpu.memory_space<hbm>> -> memref<128xi32, #tpu.memory_space<hbm>>
    %dma_wait3A_49 = tpu.memref_slice %arg7[%add3A_23] : memref<327680xi32, #tpu.memory_space<hbm>> -> memref<128xi32, #tpu.memory_space<hbm>>
    tpu.wait_dma2 semaphore(%arg40 : memref<!tpu.dma_semaphore, #tpu.memory_space<semaphore_mem>>) src(%dma_wait3A_49 : memref<128xi32, #tpu.memory_space<hbm>>) dst(%arg23 : memref<128xi32, #tpu.memory_space<vmem>>)
    %dma_wait3A_50 = tpu.memref_slice %arg8[%add3A_23] : memref<327680xi32, #tpu.memory_space<hbm>> -> memref<128xi32, #tpu.memory_space<hbm>>
    %dma_wait3A_51 = tpu.memref_slice %arg8[%add3A_23] : memref<327680xi32, #tpu.memory_space<hbm>> -> memref<128xi32, #tpu.memory_space<hbm>>
    tpu.wait_dma2 semaphore(%arg40 : memref<!tpu.dma_semaphore, #tpu.memory_space<semaphore_mem>>) src(%dma_wait3A_51 : memref<128xi32, #tpu.memory_space<hbm>>) dst(%arg24 : memref<128xi32, #tpu.memory_space<vmem>>)
    %dma_start3A_52 = arith.constant 0 : i32
    %dma_start3A_53 = arith.constant 0 : i32
    %dma_start3A_54 = tpu.memref_slice %arg13[%dma_start3A_52, %dma_start3A_53] : memref<1000000x64xf32, #tpu.memory_space<hbm>> -> memref<1000000x64xf32, #tpu.memory_space<hbm>>
    tpu.enqueue_indirect_dma source(%dma_start3A_54 : memref<1000000x64xf32, #tpu.memory_space<hbm>>) target(%arg30 : memref<128x64xf32, #tpu.memory_space<vmem>>) offsets(%arg22 : memref<128xi32, #tpu.memory_space<vmem>>) semaphore(%arg43 : memref<!tpu.dma_semaphore, #tpu.memory_space<semaphore_mem>>)
    %dma_start3A_55 = arith.constant 0 : i32
    %dma_start3A_56 = arith.constant 0 : i32
    %dma_start3A_57 = tpu.memref_slice %arg15[%dma_start3A_55, %dma_start3A_56] : memref<1000000x64xf32, #tpu.memory_space<hbm>> -> memref<1000000x64xf32, #tpu.memory_space<hbm>>
    tpu.enqueue_indirect_dma source(%dma_start3A_57 : memref<1000000x64xf32, #tpu.memory_space<hbm>>) target(%arg31 : memref<128x64xf32, #tpu.memory_space<vmem>>) offsets(%arg24 : memref<128xi32, #tpu.memory_space<vmem>>) semaphore(%arg43 : memref<!tpu.dma_semaphore, #tpu.memory_space<semaphore_mem>>)
    %dma_wait3A_58 = arith.constant 0 : i32
    %dma_wait3A_59 = arith.constant 0 : i32
    %dma_wait3A_60 = tpu.memref_slice %arg13[%dma_wait3A_58, %dma_wait3A_59] : memref<1000000x64xf32, #tpu.memory_space<hbm>> -> memref<1000000x64xf32, #tpu.memory_space<hbm>>
    tpu.wait_indirect_dma semaphore(%arg42 : memref<!tpu.dma_semaphore, #tpu.memory_space<semaphore_mem>>) src(%dma_wait3A_60 : memref<1000000x64xf32, #tpu.memory_space<hbm>>) dst(%arg28 : memref<128x64xf32, #tpu.memory_space<vmem>>)
    %dma_wait3A_61 = arith.constant 0 : i32
    %dma_wait3A_62 = arith.constant 0 : i32
    %dma_wait3A_63 = tpu.memref_slice %arg15[%dma_wait3A_61, %dma_wait3A_62] : memref<1000000x64xf32, #tpu.memory_space<hbm>> -> memref<1000000x64xf32, #tpu.memory_space<hbm>>
    tpu.wait_indirect_dma semaphore(%arg42 : memref<!tpu.dma_semaphore, #tpu.memory_space<semaphore_mem>>) src(%dma_wait3A_63 : memref<1000000x64xf32, #tpu.memory_space<hbm>>) dst(%arg29 : memref<128x64xf32, #tpu.memory_space<vmem>>)
    %broadcast_in_dim3A_64 = arith.constant 0.000000e+00 : f32
    %broadcast_in_dim3A_65 = vector.broadcast %broadcast_in_dim3A_64 : f32 to vector<16xf32>
    %scan3A_66 = arith.constant 0 : i32
    %scan3A_67 = arith.constant 0 : i32
    %scan3A_68 = arith.constant 8 : i32
    %scan3A_69 = arith.addi %scan3A_67, %scan3A_68 : i32
    %scan3A_70 = arith.constant 1 : i32
    %scan3A_71 = scf.for %scan3A_291 = %scan3A_67 to %scan3A_69 step %scan3A_70 iter_args(%scan3A_292 = %scan3A_66) -> (i32)  : i32 {
      %mul3A_293 = arith.constant 16 : i32
      %mul3A_294 = arith.muli %scan3A_291, %mul3A_293 : i32
      %add3A_295 = vector.broadcast %mul3A_294 : i32 to vector<16xi32>
      %add3A_296 = arith.addi %iota3A, %add3A_295 : vector<16xi32>
      %mul3A_297 = arith.constant 16 : i32
      %mul3A_298 = arith.muli %scan3A_291, %mul3A_297 : i32
      %get3A_299 = arith.index_cast %mul3A_298 : i32 to index
      %get3A_300 = tpu.vector_load %arg20[%get3A_299] {strides = array<i32>} : memref<128xi32, #tpu.memory_space<vmem>>, vector<16xi32>,
      %scan3A_301 = arith.constant 0 : i32
      %scan3A_302 = arith.constant 8 : i32
      %scan3A_303 = arith.addi %scan3A_301, %scan3A_302 : i32
      %scan3A_304 = arith.constant 1 : i32
      %scan3A_305:8 = scf.for %scan3A_340 = %scan3A_301 to %scan3A_303 step %scan3A_304 iter_args(%scan3A_341 = %broadcast_in_dim3A_65, %scan3A_342 = %broadcast_in_dim3A_65, %scan3A_343 = %broadcast_in_dim3A_65, %scan3A_344 = %broadcast_in_dim3A_65, %scan3A_345 = %broadcast_in_dim3A_65, %scan3A_346 = %broadcast_in_dim3A_65, %scan3A_347 = %broadcast_in_dim3A_65, %scan3A_348 = %broadcast_in_dim3A_65) -> (vector<16xf32>, vector<16xf32>, vector<16xf32>, vector<16xf32>, vector<16xf32>, vector<16xf32>, vector<16xf32>, vector<16xf32>)  : i32 {
        %mul3A_349 = arith.constant 8 : i32
        %mul3A_350 = arith.muli %scan3A_340, %mul3A_349 : i32
        %add3A_351 = arith.constant 0 : i32
        %add3A_352 = vector.broadcast %add3A_351 : i32 to vector<16xi32>
        %add3A_353 = arith.addi %add3A_352, %iota3A : vector<16xi32>
        %add3A_354 = vector.broadcast %mul3A_350 : i32 to vector<16xi32>
        %add3A_355 = arith.addi %add3A_354, %add3A_353 : vector<16xi32>
        %and3A = arith.constant 63 : i32
        %and3A_356 = vector.broadcast %and3A : i32 to vector<16xi32>
        %and3A_357 = arith.andi %add3A_355, %and3A_356 : vector<16xi32>
        %gather3A = tpu.vector_load_idx %arg28[%add3A_296, %and3A_357] : memref<128x64xf32, #tpu.memory_space<vmem>>[vector<16xi32>, vector<16xi32>], vector<16xf32>,
        %gather3A_358 = tpu.vector_load_idx %arg34[%get3A_300, %and3A_357] : memref<1000x64xf32, #tpu.memory_space<vmem>>[vector<16xi32>, vector<16xi32>], vector<16xf32>,
        %gather3A_359 = tpu.vector_load_idx %arg29[%add3A_296, %and3A_357] : memref<128x64xf32, #tpu.memory_space<vmem>>[vector<16xi32>, vector<16xi32>], vector<16xf32>,
        %mul3A_360 = arith.mulf %gather3A, %gather3A_359 : vector<16xf32>
        %mul3A_361 = arith.mulf %gather3A_358, %mul3A_360 : vector<16xf32>
        %add3A_362 = arith.addf %scan3A_341, %mul3A_361 : vector<16xf32>
        %mul3A_363 = arith.constant 8 : i32
        %mul3A_364 = arith.muli %scan3A_340, %mul3A_363 : i32
        %add3A_365 = arith.constant 1 : i32
        %add3A_366 = vector.broadcast %add3A_365 : i32 to vector<16xi32>
        %add3A_367 = arith.addi %add3A_366, %iota3A : vector<16xi32>
        %add3A_368 = vector.broadcast %mul3A_364 : i32 to vector<16xi32>
        %add3A_369 = arith.addi %add3A_368, %add3A_367 : vector<16xi32>
        %and3A_370 = arith.constant 63 : i32
        %and3A_371 = vector.broadcast %and3A_370 : i32 to vector<16xi32>
        %and3A_372 = arith.andi %add3A_369, %and3A_371 : vector<16xi32>
        %gather3A_373 = tpu.vector_load_idx %arg28[%add3A_296, %and3A_372] : memref<128x64xf32, #tpu.memory_space<vmem>>[vector<16xi32>, vector<16xi32>], vector<16xf32>,
        %gather3A_374 = tpu.vector_load_idx %arg34[%get3A_300, %and3A_372] : memref<1000x64xf32, #tpu.memory_space<vmem>>[vector<16xi32>, vector<16xi32>], vector<16xf32>,
        %gather3A_375 = tpu.vector_load_idx %arg29[%add3A_296, %and3A_372] : memref<128x64xf32, #tpu.memory_space<vmem>>[vector<16xi32>, vector<16xi32>], vector<16xf32>,
        %mul3A_376 = arith.mulf %gather3A_373, %gather3A_375 : vector<16xf32>
        %mul3A_377 = arith.mulf %gather3A_374, %mul3A_376 : vector<16xf32>
        %add3A_378 = arith.addf %scan3A_342, %mul3A_377 : vector<16xf32>
        %mul3A_379 = arith.constant 8 : i32
        %mul3A_380 = arith.muli %scan3A_340, %mul3A_379 : i32
        %add3A_381 = arith.constant 2 : i32
        %add3A_382 = vector.broadcast %add3A_381 : i32 to vector<16xi32>
        %add3A_383 = arith.addi %add3A_382, %iota3A : vector<16xi32>
        %add3A_384 = vector.broadcast %mul3A_380 : i32 to vector<16xi32>
        %add3A_385 = arith.addi %add3A_384, %add3A_383 : vector<16xi32>
        %and3A_386 = arith.constant 63 : i32
        %and3A_387 = vector.broadcast %and3A_386 : i32 to vector<16xi32>
        %and3A_388 = arith.andi %add3A_385, %and3A_387 : vector<16xi32>
        %gather3A_389 = tpu.vector_load_idx %arg28[%add3A_296, %and3A_388] : memref<128x64xf32, #tpu.memory_space<vmem>>[vector<16xi32>, vector<16xi32>], vector<16xf32>,
        %gather3A_390 = tpu.vector_load_idx %arg34[%get3A_300, %and3A_388] : memref<1000x64xf32, #tpu.memory_space<vmem>>[vector<16xi32>, vector<16xi32>], vector<16xf32>,
        %gather3A_391 = tpu.vector_load_idx %arg29[%add3A_296, %and3A_388] : memref<128x64xf32, #tpu.memory_space<vmem>>[vector<16xi32>, vector<16xi32>], vector<16xf32>,
        %mul3A_392 = arith.mulf %gather3A_389, %gather3A_391 : vector<16xf32>
        %mul3A_393 = arith.mulf %gather3A_390, %mul3A_392 : vector<16xf32>
        %add3A_394 = arith.addf %scan3A_343, %mul3A_393 : vector<16xf32>
        %mul3A_395 = arith.constant 8 : i32
        %mul3A_396 = arith.muli %scan3A_340, %mul3A_395 : i32
        %add3A_397 = arith.constant 3 : i32
        %add3A_398 = vector.broadcast %add3A_397 : i32 to vector<16xi32>
        %add3A_399 = arith.addi %add3A_398, %iota3A : vector<16xi32>
        %add3A_400 = vector.broadcast %mul3A_396 : i32 to vector<16xi32>
        %add3A_401 = arith.addi %add3A_400, %add3A_399 : vector<16xi32>
        %and3A_402 = arith.constant 63 : i32
        %and3A_403 = vector.broadcast %and3A_402 : i32 to vector<16xi32>
        %and3A_404 = arith.andi %add3A_401, %and3A_403 : vector<16xi32>
        %gather3A_405 = tpu.vector_load_idx %arg28[%add3A_296, %and3A_404] : memref<128x64xf32, #tpu.memory_space<vmem>>[vector<16xi32>, vector<16xi32>], vector<16xf32>,
        %gather3A_406 = tpu.vector_load_idx %arg34[%get3A_300, %and3A_404] : memref<1000x64xf32, #tpu.memory_space<vmem>>[vector<16xi32>, vector<16xi32>], vector<16xf32>,
        %gather3A_407 = tpu.vector_load_idx %arg29[%add3A_296, %and3A_404] : memref<128x64xf32, #tpu.memory_space<vmem>>[vector<16xi32>, vector<16xi32>], vector<16xf32>,
        %mul3A_408 = arith.mulf %gather3A_405, %gather3A_407 : vector<16xf32>
        %mul3A_409 = arith.mulf %gather3A_406, %mul3A_408 : vector<16xf32>
        %add3A_410 = arith.addf %scan3A_344, %mul3A_409 : vector<16xf32>
        %mul3A_411 = arith.constant 8 : i32
        %mul3A_412 = arith.muli %scan3A_340, %mul3A_411 : i32
        %add3A_413 = arith.constant 4 : i32
        %add3A_414 = vector.broadcast %add3A_413 : i32 to vector<16xi32>
        %add3A_415 = arith.addi %add3A_414, %iota3A : vector<16xi32>
        %add3A_416 = vector.broadcast %mul3A_412 : i32 to vector<16xi32>
        %add3A_417 = arith.addi %add3A_416, %add3A_415 : vector<16xi32>
        %and3A_418 = arith.constant 63 : i32
        %and3A_419 = vector.broadcast %and3A_418 : i32 to vector<16xi32>
        %and3A_420 = arith.andi %add3A_417, %and3A_419 : vector<16xi32>
        %gather3A_421 = tpu.vector_load_idx %arg28[%add3A_296, %and3A_420] : memref<128x64xf32, #tpu.memory_space<vmem>>[vector<16xi32>, vector<16xi32>], vector<16xf32>,
        %gather3A_422 = tpu.vector_load_idx %arg34[%get3A_300, %and3A_420] : memref<1000x64xf32, #tpu.memory_space<vmem>>[vector<16xi32>, vector<16xi32>], vector<16xf32>,
        %gather3A_423 = tpu.vector_load_idx %arg29[%add3A_296, %and3A_420] : memref<128x64xf32, #tpu.memory_space<vmem>>[vector<16xi32>, vector<16xi32>], vector<16xf32>,
        %mul3A_424 = arith.mulf %gather3A_421, %gather3A_423 : vector<16xf32>
        %mul3A_425 = arith.mulf %gather3A_422, %mul3A_424 : vector<16xf32>
        %add3A_426 = arith.addf %scan3A_345, %mul3A_425 : vector<16xf32>
        %mul3A_427 = arith.constant 8 : i32
        %mul3A_428 = arith.muli %scan3A_340, %mul3A_427 : i32
        %add3A_429 = arith.constant 5 : i32
        %add3A_430 = vector.broadcast %add3A_429 : i32 to vector<16xi32>
        %add3A_431 = arith.addi %add3A_430, %iota3A : vector<16xi32>
        %add3A_432 = vector.broadcast %mul3A_428 : i32 to vector<16xi32>
        %add3A_433 = arith.addi %add3A_432, %add3A_431 : vector<16xi32>
        %and3A_434 = arith.constant 63 : i32
        %and3A_435 = vector.broadcast %and3A_434 : i32 to vector<16xi32>
        %and3A_436 = arith.andi %add3A_433, %and3A_435 : vector<16xi32>
        %gather3A_437 = tpu.vector_load_idx %arg28[%add3A_296, %and3A_436] : memref<128x64xf32, #tpu.memory_space<vmem>>[vector<16xi32>, vector<16xi32>], vector<16xf32>,
        %gather3A_438 = tpu.vector_load_idx %arg34[%get3A_300, %and3A_436] : memref<1000x64xf32, #tpu.memory_space<vmem>>[vector<16xi32>, vector<16xi32>], vector<16xf32>,
        %gather3A_439 = tpu.vector_load_idx %arg29[%add3A_296, %and3A_436] : memref<128x64xf32, #tpu.memory_space<vmem>>[vector<16xi32>, vector<16xi32>], vector<16xf32>,
        %mul3A_440 = arith.mulf %gather3A_437, %gather3A_439 : vector<16xf32>
        %mul3A_441 = arith.mulf %gather3A_438, %mul3A_440 : vector<16xf32>
        %add3A_442 = arith.addf %scan3A_346, %mul3A_441 : vector<16xf32>
        %mul3A_443 = arith.constant 8 : i32
        %mul3A_444 = arith.muli %scan3A_340, %mul3A_443 : i32
        %add3A_445 = arith.constant 6 : i32
        %add3A_446 = vector.broadcast %add3A_445 : i32 to vector<16xi32>
        %add3A_447 = arith.addi %add3A_446, %iota3A : vector<16xi32>
        %add3A_448 = vector.broadcast %mul3A_444 : i32 to vector<16xi32>
        %add3A_449 = arith.addi %add3A_448, %add3A_447 : vector<16xi32>
        %and3A_450 = arith.constant 63 : i32
        %and3A_451 = vector.broadcast %and3A_450 : i32 to vector<16xi32>
        %and3A_452 = arith.andi %add3A_449, %and3A_451 : vector<16xi32>
        %gather3A_453 = tpu.vector_load_idx %arg28[%add3A_296, %and3A_452] : memref<128x64xf32, #tpu.memory_space<vmem>>[vector<16xi32>, vector<16xi32>], vector<16xf32>,
        %gather3A_454 = tpu.vector_load_idx %arg34[%get3A_300, %and3A_452] : memref<1000x64xf32, #tpu.memory_space<vmem>>[vector<16xi32>, vector<16xi32>], vector<16xf32>,
        %gather3A_455 = tpu.vector_load_idx %arg29[%add3A_296, %and3A_452] : memref<128x64xf32, #tpu.memory_space<vmem>>[vector<16xi32>, vector<16xi32>], vector<16xf32>,
        %mul3A_456 = arith.mulf %gather3A_453, %gather3A_455 : vector<16xf32>
        %mul3A_457 = arith.mulf %gather3A_454, %mul3A_456 : vector<16xf32>
        %add3A_458 = arith.addf %scan3A_347, %mul3A_457 : vector<16xf32>
        %mul3A_459 = arith.constant 8 : i32
        %mul3A_460 = arith.muli %scan3A_340, %mul3A_459 : i32
        %add3A_461 = arith.constant 7 : i32
        %add3A_462 = vector.broadcast %add3A_461 : i32 to vector<16xi32>
        %add3A_463 = arith.addi %add3A_462, %iota3A : vector<16xi32>
        %add3A_464 = vector.broadcast %mul3A_460 : i32 to vector<16xi32>
        %add3A_465 = arith.addi %add3A_464, %add3A_463 : vector<16xi32>
        %and3A_466 = arith.constant 63 : i32
        %and3A_467 = vector.broadcast %and3A_466 : i32 to vector<16xi32>
        %and3A_468 = arith.andi %add3A_465, %and3A_467 : vector<16xi32>
        %gather3A_469 = tpu.vector_load_idx %arg28[%add3A_296, %and3A_468] : memref<128x64xf32, #tpu.memory_space<vmem>>[vector<16xi32>, vector<16xi32>], vector<16xf32>,
        %gather3A_470 = tpu.vector_load_idx %arg34[%get3A_300, %and3A_468] : memref<1000x64xf32, #tpu.memory_space<vmem>>[vector<16xi32>, vector<16xi32>], vector<16xf32>,
        %gather3A_471 = tpu.vector_load_idx %arg29[%add3A_296, %and3A_468] : memref<128x64xf32, #tpu.memory_space<vmem>>[vector<16xi32>, vector<16xi32>], vector<16xf32>,
        %mul3A_472 = arith.mulf %gather3A_469, %gather3A_471 : vector<16xf32>
        %mul3A_473 = arith.mulf %gather3A_470, %mul3A_472 : vector<16xf32>
        %add3A_474 = arith.addf %scan3A_348, %mul3A_473 : vector<16xf32>
        scf.yield %add3A_362, %add3A_378, %add3A_394, %add3A_410, %add3A_426, %add3A_442, %add3A_458, %add3A_474 : vector<16xf32>, vector<16xf32>, vector<16xf32>, vector<16xf32>, vector<16xf32>, vector<16xf32>, vector<16xf32>, vector<16xf32>
      }
      %scan3A_306 = arith.constant 8 : i32
      %add3A_307 = arith.addf %scan3A_305#0, %scan3A_305#1 : vector<16xf32>
      %add3A_308 = arith.addf %scan3A_305#2, %scan3A_305#3 : vector<16xf32>
      %add3A_309 = arith.addf %scan3A_305#4, %scan3A_305#5 : vector<16xf32>
      %add3A_310 = arith.addf %scan3A_305#6, %scan3A_305#7 : vector<16xf32>
      %add3A_311 = arith.addf %add3A_307, %add3A_308 : vector<16xf32>
      %add3A_312 = arith.addf %add3A_309, %add3A_310 : vector<16xf32>
      %add3A_313 = arith.addf %add3A_311, %add3A_312 : vector<16xf32>
      %add3A_314 = arith.addf %broadcast_in_dim3A_65, %broadcast_in_dim3A_65 : vector<16xf32>
      %add3A_315 = arith.addf %broadcast_in_dim3A_65, %broadcast_in_dim3A_65 : vector<16xf32>
      %add3A_316 = arith.addf %broadcast_in_dim3A_65, %broadcast_in_dim3A_65 : vector<16xf32>
      %add3A_317 = arith.addf %broadcast_in_dim3A_65, %broadcast_in_dim3A_65 : vector<16xf32>
      %add3A_318 = arith.addf %add3A_314, %add3A_315 : vector<16xf32>
      %add3A_319 = arith.addf %add3A_316, %add3A_317 : vector<16xf32>
      %add3A_320 = arith.addf %add3A_318, %add3A_319 : vector<16xf32>
      %mul3A_321 = arith.mulf %get3A_7, %add3A_313 : vector<16xf32>
      %add3A_322 = arith.addf %mul3A_321, %get3A_9 : vector<16xf32>
      %neg3A = arith.constant 0.000000e+00 : f32
      %neg3A_323 = vector.broadcast %neg3A : f32 to vector<16xf32>
      %neg3A_324 = arith.subf %neg3A_323, %add3A_322 : vector<16xf32>
      %exp3A = math.exp %neg3A_324 : vector<16xf32>
      %add3A_325 = arith.constant 1.000000e+00 : f32
      %add3A_326 = vector.broadcast %add3A_325 : f32 to vector<16xf32>
      %add3A_327 = arith.addf %add3A_326, %exp3A : vector<16xf32>
      %div3A = arith.constant 1.000000e+00 : f32
      %div3A_328 = vector.broadcast %div3A : f32 to vector<16xf32>
      %div3A_329 = arith.divf %div3A_328, %add3A_327 : vector<16xf32>
      %mul3A_330 = arith.mulf %div3A_329, %div3A_329 : vector<16xf32>
      %mul3A_331 = arith.constant 3.05175786E-6 : f32
      %mul3A_332 = vector.broadcast %mul3A_331 : f32 to vector<16xf32>
      %mul3A_333 = arith.mulf %mul3A_330, %mul3A_332 : vector<16xf32>
      %get3A_334 = arith.constant 0 : index
      %get3A_335 = tpu.vector_load %arg36[%get3A_334] {strides = array<i32>} : memref<16xf32, #tpu.memory_space<vmem>>, vector<16xf32>,
      %add3A_336 = arith.addf %get3A_335, %mul3A_333 : vector<16xf32>
      %swap3A_337 = arith.constant 0 : index
      %swap3A_338 = tpu.vector_load %arg36[%swap3A_337] {strides = array<i32>} : memref<16xf32, #tpu.memory_space<vmem>>, vector<16xf32>,
      tpu.vector_store %arg36[%swap3A_337], %add3A_336 {strides = array<i32>} : memref<16xf32, #tpu.memory_space<vmem>>, vector<16xf32>,
      %scan3A_339 = arith.constant 0 : i32
      scf.yield %scan3A_339 : i32
    }
    %scan3A_72 = arith.constant 8 : i32
    %dma_wait3A_73 = arith.constant 0 : i32
    %dma_wait3A_74 = arith.constant 0 : i32
    %dma_wait3A_75 = tpu.memref_slice %arg13[%dma_wait3A_73, %dma_wait3A_74] : memref<1000000x64xf32, #tpu.memory_space<hbm>> -> memref<1000000x64xf32, #tpu.memory_space<hbm>>
    tpu.wait_indirect_dma semaphore(%arg43 : memref<!tpu.dma_semaphore, #tpu.memory_space<semaphore_mem>>) src(%dma_wait3A_75 : memref<1000000x64xf32, #tpu.memory_space<hbm>>) dst(%arg30 : memref<128x64xf32, #tpu.memory_space<vmem>>)
    %dma_wait3A_76 = arith.constant 0 : i32
    %dma_wait3A_77 = arith.constant 0 : i32
    %dma_wait3A_78 = tpu.memref_slice %arg15[%dma_wait3A_76, %dma_wait3A_77] : memref<1000000x64xf32, #tpu.memory_space<hbm>> -> memref<1000000x64xf32, #tpu.memory_space<hbm>>
    tpu.wait_indirect_dma semaphore(%arg43 : memref<!tpu.dma_semaphore, #tpu.memory_space<semaphore_mem>>) src(%dma_wait3A_78 : memref<1000000x64xf32, #tpu.memory_space<hbm>>) dst(%arg31 : memref<128x64xf32, #tpu.memory_space<vmem>>)
    %broadcast_in_dim3A_79 = arith.constant 0.000000e+00 : f32
    %broadcast_in_dim3A_80 = vector.broadcast %broadcast_in_dim3A_79 : f32 to vector<16xf32>
    %scan3A_81 = arith.constant 0 : i32
    %scan3A_82 = arith.constant 0 : i32
    %scan3A_83 = arith.constant 8 : i32
    %scan3A_84 = arith.addi %scan3A_82, %scan3A_83 : i32
    %scan3A_85 = arith.constant 1 : i32
    %scan3A_86 = scf.for %scan3A_291 = %scan3A_82 to %scan3A_84 step %scan3A_85 iter_args(%scan3A_292 = %scan3A_81) -> (i32)  : i32 {
      %mul3A_293 = arith.constant 16 : i32
      %mul3A_294 = arith.muli %scan3A_291, %mul3A_293 : i32
      %add3A_295 = vector.broadcast %mul3A_294 : i32 to vector<16xi32>
      %add3A_296 = arith.addi %iota3A, %add3A_295 : vector<16xi32>
      %mul3A_297 = arith.constant 16 : i32
      %mul3A_298 = arith.muli %scan3A_291, %mul3A_297 : i32
      %get3A_299 = arith.index_cast %mul3A_298 : i32 to index
      %get3A_300 = tpu.vector_load %arg23[%get3A_299] {strides = array<i32>} : memref<128xi32, #tpu.memory_space<vmem>>, vector<16xi32>,
      %scan3A_301 = arith.constant 0 : i32
      %scan3A_302 = arith.constant 8 : i32
      %scan3A_303 = arith.addi %scan3A_301, %scan3A_302 : i32
      %scan3A_304 = arith.constant 1 : i32
      %scan3A_305:8 = scf.for %scan3A_340 = %scan3A_301 to %scan3A_303 step %scan3A_304 iter_args(%scan3A_341 = %broadcast_in_dim3A_80, %scan3A_342 = %broadcast_in_dim3A_80, %scan3A_343 = %broadcast_in_dim3A_80, %scan3A_344 = %broadcast_in_dim3A_80, %scan3A_345 = %broadcast_in_dim3A_80, %scan3A_346 = %broadcast_in_dim3A_80, %scan3A_347 = %broadcast_in_dim3A_80, %scan3A_348 = %broadcast_in_dim3A_80) -> (vector<16xf32>, vector<16xf32>, vector<16xf32>, vector<16xf32>, vector<16xf32>, vector<16xf32>, vector<16xf32>, vector<16xf32>)  : i32 {
        %mul3A_349 = arith.constant 8 : i32
        %mul3A_350 = arith.muli %scan3A_340, %mul3A_349 : i32
        %add3A_351 = arith.constant 0 : i32
        %add3A_352 = vector.broadcast %add3A_351 : i32 to vector<16xi32>
        %add3A_353 = arith.addi %add3A_352, %iota3A : vector<16xi32>
        %add3A_354 = vector.broadcast %mul3A_350 : i32 to vector<16xi32>
        %add3A_355 = arith.addi %add3A_354, %add3A_353 : vector<16xi32>
        %and3A = arith.constant 63 : i32
        %and3A_356 = vector.broadcast %and3A : i32 to vector<16xi32>
        %and3A_357 = arith.andi %add3A_355, %and3A_356 : vector<16xi32>
        %gather3A = tpu.vector_load_idx %arg30[%add3A_296, %and3A_357] : memref<128x64xf32, #tpu.memory_space<vmem>>[vector<16xi32>, vector<16xi32>], vector<16xf32>,
        %gather3A_358 = tpu.vector_load_idx %arg34[%get3A_300, %and3A_357] : memref<1000x64xf32, #tpu.memory_space<vmem>>[vector<16xi32>, vector<16xi32>], vector<16xf32>,
        %gather3A_359 = tpu.vector_load_idx %arg31[%add3A_296, %and3A_357] : memref<128x64xf32, #tpu.memory_space<vmem>>[vector<16xi32>, vector<16xi32>], vector<16xf32>,
        %mul3A_360 = arith.mulf %gather3A, %gather3A_359 : vector<16xf32>
        %mul3A_361 = arith.mulf %gather3A_358, %mul3A_360 : vector<16xf32>
        %add3A_362 = arith.addf %scan3A_341, %mul3A_361 : vector<16xf32>
        %mul3A_363 = arith.constant 8 : i32
        %mul3A_364 = arith.muli %scan3A_340, %mul3A_363 : i32
        %add3A_365 = arith.constant 1 : i32
        %add3A_366 = vector.broadcast %add3A_365 : i32 to vector<16xi32>
        %add3A_367 = arith.addi %add3A_366, %iota3A : vector<16xi32>
        %add3A_368 = vector.broadcast %mul3A_364 : i32 to vector<16xi32>
        %add3A_369 = arith.addi %add3A_368, %add3A_367 : vector<16xi32>
        %and3A_370 = arith.constant 63 : i32
        %and3A_371 = vector.broadcast %and3A_370 : i32 to vector<16xi32>
        %and3A_372 = arith.andi %add3A_369, %and3A_371 : vector<16xi32>
        %gather3A_373 = tpu.vector_load_idx %arg30[%add3A_296, %and3A_372] : memref<128x64xf32, #tpu.memory_space<vmem>>[vector<16xi32>, vector<16xi32>], vector<16xf32>,
        %gather3A_374 = tpu.vector_load_idx %arg34[%get3A_300, %and3A_372] : memref<1000x64xf32, #tpu.memory_space<vmem>>[vector<16xi32>, vector<16xi32>], vector<16xf32>,
        %gather3A_375 = tpu.vector_load_idx %arg31[%add3A_296, %and3A_372] : memref<128x64xf32, #tpu.memory_space<vmem>>[vector<16xi32>, vector<16xi32>], vector<16xf32>,
        %mul3A_376 = arith.mulf %gather3A_373, %gather3A_375 : vector<16xf32>
        %mul3A_377 = arith.mulf %gather3A_374, %mul3A_376 : vector<16xf32>
        %add3A_378 = arith.addf %scan3A_342, %mul3A_377 : vector<16xf32>
        %mul3A_379 = arith.constant 8 : i32
        %mul3A_380 = arith.muli %scan3A_340, %mul3A_379 : i32
        %add3A_381 = arith.constant 2 : i32
        %add3A_382 = vector.broadcast %add3A_381 : i32 to vector<16xi32>
        %add3A_383 = arith.addi %add3A_382, %iota3A : vector<16xi32>
        %add3A_384 = vector.broadcast %mul3A_380 : i32 to vector<16xi32>
        %add3A_385 = arith.addi %add3A_384, %add3A_383 : vector<16xi32>
        %and3A_386 = arith.constant 63 : i32
        %and3A_387 = vector.broadcast %and3A_386 : i32 to vector<16xi32>
        %and3A_388 = arith.andi %add3A_385, %and3A_387 : vector<16xi32>
        %gather3A_389 = tpu.vector_load_idx %arg30[%add3A_296, %and3A_388] : memref<128x64xf32, #tpu.memory_space<vmem>>[vector<16xi32>, vector<16xi32>], vector<16xf32>,
        %gather3A_390 = tpu.vector_load_idx %arg34[%get3A_300, %and3A_388] : memref<1000x64xf32, #tpu.memory_space<vmem>>[vector<16xi32>, vector<16xi32>], vector<16xf32>,
        %gather3A_391 = tpu.vector_load_idx %arg31[%add3A_296, %and3A_388] : memref<128x64xf32, #tpu.memory_space<vmem>>[vector<16xi32>, vector<16xi32>], vector<16xf32>,
        %mul3A_392 = arith.mulf %gather3A_389, %gather3A_391 : vector<16xf32>
        %mul3A_393 = arith.mulf %gather3A_390, %mul3A_392 : vector<16xf32>
        %add3A_394 = arith.addf %scan3A_343, %mul3A_393 : vector<16xf32>
        %mul3A_395 = arith.constant 8 : i32
        %mul3A_396 = arith.muli %scan3A_340, %mul3A_395 : i32
        %add3A_397 = arith.constant 3 : i32
        %add3A_398 = vector.broadcast %add3A_397 : i32 to vector<16xi32>
        %add3A_399 = arith.addi %add3A_398, %iota3A : vector<16xi32>
        %add3A_400 = vector.broadcast %mul3A_396 : i32 to vector<16xi32>
        %add3A_401 = arith.addi %add3A_400, %add3A_399 : vector<16xi32>
        %and3A_402 = arith.constant 63 : i32
        %and3A_403 = vector.broadcast %and3A_402 : i32 to vector<16xi32>
        %and3A_404 = arith.andi %add3A_401, %and3A_403 : vector<16xi32>
        %gather3A_405 = tpu.vector_load_idx %arg30[%add3A_296, %and3A_404] : memref<128x64xf32, #tpu.memory_space<vmem>>[vector<16xi32>, vector<16xi32>], vector<16xf32>,
        %gather3A_406 = tpu.vector_load_idx %arg34[%get3A_300, %and3A_404] : memref<1000x64xf32, #tpu.memory_space<vmem>>[vector<16xi32>, vector<16xi32>], vector<16xf32>,
        %gather3A_407 = tpu.vector_load_idx %arg31[%add3A_296, %and3A_404] : memref<128x64xf32, #tpu.memory_space<vmem>>[vector<16xi32>, vector<16xi32>], vector<16xf32>,
        %mul3A_408 = arith.mulf %gather3A_405, %gather3A_407 : vector<16xf32>
        %mul3A_409 = arith.mulf %gather3A_406, %mul3A_408 : vector<16xf32>
        %add3A_410 = arith.addf %scan3A_344, %mul3A_409 : vector<16xf32>
        %mul3A_411 = arith.constant 8 : i32
        %mul3A_412 = arith.muli %scan3A_340, %mul3A_411 : i32
        %add3A_413 = arith.constant 4 : i32
        %add3A_414 = vector.broadcast %add3A_413 : i32 to vector<16xi32>
        %add3A_415 = arith.addi %add3A_414, %iota3A : vector<16xi32>
        %add3A_416 = vector.broadcast %mul3A_412 : i32 to vector<16xi32>
        %add3A_417 = arith.addi %add3A_416, %add3A_415 : vector<16xi32>
        %and3A_418 = arith.constant 63 : i32
        %and3A_419 = vector.broadcast %and3A_418 : i32 to vector<16xi32>
        %and3A_420 = arith.andi %add3A_417, %and3A_419 : vector<16xi32>
        %gather3A_421 = tpu.vector_load_idx %arg30[%add3A_296, %and3A_420] : memref<128x64xf32, #tpu.memory_space<vmem>>[vector<16xi32>, vector<16xi32>], vector<16xf32>,
        %gather3A_422 = tpu.vector_load_idx %arg34[%get3A_300, %and3A_420] : memref<1000x64xf32, #tpu.memory_space<vmem>>[vector<16xi32>, vector<16xi32>], vector<16xf32>,
        %gather3A_423 = tpu.vector_load_idx %arg31[%add3A_296, %and3A_420] : memref<128x64xf32, #tpu.memory_space<vmem>>[vector<16xi32>, vector<16xi32>], vector<16xf32>,
        %mul3A_424 = arith.mulf %gather3A_421, %gather3A_423 : vector<16xf32>
        %mul3A_425 = arith.mulf %gather3A_422, %mul3A_424 : vector<16xf32>
        %add3A_426 = arith.addf %scan3A_345, %mul3A_425 : vector<16xf32>
        %mul3A_427 = arith.constant 8 : i32
        %mul3A_428 = arith.muli %scan3A_340, %mul3A_427 : i32
        %add3A_429 = arith.constant 5 : i32
        %add3A_430 = vector.broadcast %add3A_429 : i32 to vector<16xi32>
        %add3A_431 = arith.addi %add3A_430, %iota3A : vector<16xi32>
        %add3A_432 = vector.broadcast %mul3A_428 : i32 to vector<16xi32>
        %add3A_433 = arith.addi %add3A_432, %add3A_431 : vector<16xi32>
        %and3A_434 = arith.constant 63 : i32
        %and3A_435 = vector.broadcast %and3A_434 : i32 to vector<16xi32>
        %and3A_436 = arith.andi %add3A_433, %and3A_435 : vector<16xi32>
        %gather3A_437 = tpu.vector_load_idx %arg30[%add3A_296, %and3A_436] : memref<128x64xf32, #tpu.memory_space<vmem>>[vector<16xi32>, vector<16xi32>], vector<16xf32>,
        %gather3A_438 = tpu.vector_load_idx %arg34[%get3A_300, %and3A_436] : memref<1000x64xf32, #tpu.memory_space<vmem>>[vector<16xi32>, vector<16xi32>], vector<16xf32>,
        %gather3A_439 = tpu.vector_load_idx %arg31[%add3A_296, %and3A_436] : memref<128x64xf32, #tpu.memory_space<vmem>>[vector<16xi32>, vector<16xi32>], vector<16xf32>,
        %mul3A_440 = arith.mulf %gather3A_437, %gather3A_439 : vector<16xf32>
        %mul3A_441 = arith.mulf %gather3A_438, %mul3A_440 : vector<16xf32>
        %add3A_442 = arith.addf %scan3A_346, %mul3A_441 : vector<16xf32>
        %mul3A_443 = arith.constant 8 : i32
        %mul3A_444 = arith.muli %scan3A_340, %mul3A_443 : i32
        %add3A_445 = arith.constant 6 : i32
        %add3A_446 = vector.broadcast %add3A_445 : i32 to vector<16xi32>
        %add3A_447 = arith.addi %add3A_446, %iota3A : vector<16xi32>
        %add3A_448 = vector.broadcast %mul3A_444 : i32 to vector<16xi32>
        %add3A_449 = arith.addi %add3A_448, %add3A_447 : vector<16xi32>
        %and3A_450 = arith.constant 63 : i32
        %and3A_451 = vector.broadcast %and3A_450 : i32 to vector<16xi32>
        %and3A_452 = arith.andi %add3A_449, %and3A_451 : vector<16xi32>
        %gather3A_453 = tpu.vector_load_idx %arg30[%add3A_296, %and3A_452] : memref<128x64xf32, #tpu.memory_space<vmem>>[vector<16xi32>, vector<16xi32>], vector<16xf32>,
        %gather3A_454 = tpu.vector_load_idx %arg34[%get3A_300, %and3A_452] : memref<1000x64xf32, #tpu.memory_space<vmem>>[vector<16xi32>, vector<16xi32>], vector<16xf32>,
        %gather3A_455 = tpu.vector_load_idx %arg31[%add3A_296, %and3A_452] : memref<128x64xf32, #tpu.memory_space<vmem>>[vector<16xi32>, vector<16xi32>], vector<16xf32>,
        %mul3A_456 = arith.mulf %gather3A_453, %gather3A_455 : vector<16xf32>
        %mul3A_457 = arith.mulf %gather3A_454, %mul3A_456 : vector<16xf32>
        %add3A_458 = arith.addf %scan3A_347, %mul3A_457 : vector<16xf32>
        %mul3A_459 = arith.constant 8 : i32
        %mul3A_460 = arith.muli %scan3A_340, %mul3A_459 : i32
        %add3A_461 = arith.constant 7 : i32
        %add3A_462 = vector.broadcast %add3A_461 : i32 to vector<16xi32>
        %add3A_463 = arith.addi %add3A_462, %iota3A : vector<16xi32>
        %add3A_464 = vector.broadcast %mul3A_460 : i32 to vector<16xi32>
        %add3A_465 = arith.addi %add3A_464, %add3A_463 : vector<16xi32>
        %and3A_466 = arith.constant 63 : i32
        %and3A_467 = vector.broadcast %and3A_466 : i32 to vector<16xi32>
        %and3A_468 = arith.andi %add3A_465, %and3A_467 : vector<16xi32>
        %gather3A_469 = tpu.vector_load_idx %arg30[%add3A_296, %and3A_468] : memref<128x64xf32, #tpu.memory_space<vmem>>[vector<16xi32>, vector<16xi32>], vector<16xf32>,
        %gather3A_470 = tpu.vector_load_idx %arg34[%get3A_300, %and3A_468] : memref<1000x64xf32, #tpu.memory_space<vmem>>[vector<16xi32>, vector<16xi32>], vector<16xf32>,
        %gather3A_471 = tpu.vector_load_idx %arg31[%add3A_296, %and3A_468] : memref<128x64xf32, #tpu.memory_space<vmem>>[vector<16xi32>, vector<16xi32>], vector<16xf32>,
        %mul3A_472 = arith.mulf %gather3A_469, %gather3A_471 : vector<16xf32>
        %mul3A_473 = arith.mulf %gather3A_470, %mul3A_472 : vector<16xf32>
        %add3A_474 = arith.addf %scan3A_348, %mul3A_473 : vector<16xf32>
        scf.yield %add3A_362, %add3A_378, %add3A_394, %add3A_410, %add3A_426, %add3A_442, %add3A_458, %add3A_474 : vector<16xf32>, vector<16xf32>, vector<16xf32>, vector<16xf32>, vector<16xf32>, vector<16xf32>, vector<16xf32>, vector<16xf32>
      }
      %scan3A_306 = arith.constant 8 : i32
      %add3A_307 = arith.addf %scan3A_305#0, %scan3A_305#1 : vector<16xf32>
      %add3A_308 = arith.addf %scan3A_305#2, %scan3A_305#3 : vector<16xf32>
      %add3A_309 = arith.addf %scan3A_305#4, %scan3A_305#5 : vector<16xf32>
      %add3A_310 = arith.addf %scan3A_305#6, %scan3A_305#7 : vector<16xf32>
      %add3A_311 = arith.addf %add3A_307, %add3A_308 : vector<16xf32>
      %add3A_312 = arith.addf %add3A_309, %add3A_310 : vector<16xf32>
      %add3A_313 = arith.addf %add3A_311, %add3A_312 : vector<16xf32>
      %add3A_314 = arith.addf %broadcast_in_dim3A_80, %broadcast_in_dim3A_80 : vector<16xf32>
      %add3A_315 = arith.addf %broadcast_in_dim3A_80, %broadcast_in_dim3A_80 : vector<16xf32>
      %add3A_316 = arith.addf %broadcast_in_dim3A_80, %broadcast_in_dim3A_80 : vector<16xf32>
      %add3A_317 = arith.addf %broadcast_in_dim3A_80, %broadcast_in_dim3A_80 : vector<16xf32>
      %add3A_318 = arith.addf %add3A_314, %add3A_315 : vector<16xf32>
      %add3A_319 = arith.addf %add3A_316, %add3A_317 : vector<16xf32>
      %add3A_320 = arith.addf %add3A_318, %add3A_319 : vector<16xf32>
      %mul3A_321 = arith.mulf %get3A_7, %add3A_313 : vector<16xf32>
      %add3A_322 = arith.addf %mul3A_321, %get3A_9 : vector<16xf32>
      %neg3A = arith.constant 0.000000e+00 : f32
      %neg3A_323 = vector.broadcast %neg3A : f32 to vector<16xf32>
      %neg3A_324 = arith.subf %neg3A_323, %add3A_322 : vector<16xf32>
      %exp3A = math.exp %neg3A_324 : vector<16xf32>
      %add3A_325 = arith.constant 1.000000e+00 : f32
      %add3A_326 = vector.broadcast %add3A_325 : f32 to vector<16xf32>
      %add3A_327 = arith.addf %add3A_326, %exp3A : vector<16xf32>
      %div3A = arith.constant 1.000000e+00 : f32
      %div3A_328 = vector.broadcast %div3A : f32 to vector<16xf32>
      %div3A_329 = arith.divf %div3A_328, %add3A_327 : vector<16xf32>
      %mul3A_330 = arith.mulf %div3A_329, %div3A_329 : vector<16xf32>
      %mul3A_331 = arith.constant 3.05175786E-6 : f32
      %mul3A_332 = vector.broadcast %mul3A_331 : f32 to vector<16xf32>
      %mul3A_333 = arith.mulf %mul3A_330, %mul3A_332 : vector<16xf32>
      %get3A_334 = arith.constant 0 : index
      %get3A_335 = tpu.vector_load %arg36[%get3A_334] {strides = array<i32>} : memref<16xf32, #tpu.memory_space<vmem>>, vector<16xf32>,
      %add3A_336 = arith.addf %get3A_335, %mul3A_333 : vector<16xf32>
      %swap3A_337 = arith.constant 0 : index
      %swap3A_338 = tpu.vector_load %arg36[%swap3A_337] {strides = array<i32>} : memref<16xf32, #tpu.memory_space<vmem>>, vector<16xf32>,
      tpu.vector_store %arg36[%swap3A_337], %add3A_336 {strides = array<i32>} : memref<16xf32, #tpu.memory_space<vmem>>, vector<16xf32>,
      %scan3A_339 = arith.constant 0 : i32
      scf.yield %scan3A_339 : i32
    }
    %scan3A_87 = arith.constant 8 : i32
    %mul3A_88 = arith.constant 512 : i32
    %mul3A_89 = arith.muli %add3A, %mul3A_88 : i32
    %add3A_90 = arith.constant 0 : i32
    %add3A_91 = arith.addi %mul3A_89, %add3A_90 : i32
    %add3A_92 = arith.constant 128 : i32
    %add3A_93 = arith.addi %mul3A_89, %add3A_92 : i32
    %add3A_94 = arith.constant 256 : i32
    %add3A_95 = arith.addi %mul3A_89, %add3A_94 : i32
    %dma_start3A_96 = tpu.memref_slice %arg2[%add3A_91] : memref<16384xi32, #tpu.memory_space<hbm>> -> memref<128xi32, #tpu.memory_space<hbm>>
    %dma_start3A_97 = tpu.memref_slice %arg2[%add3A_91] : memref<16384xi32, #tpu.memory_space<hbm>> -> memref<128xi32, #tpu.memory_space<hbm>>
    tpu.enqueue_dma source(%dma_start3A_97 : memref<128xi32, #tpu.memory_space<hbm>>) target(%arg19 : memref<128xi32, #tpu.memory_space<vmem>>) target_semaphore(%arg39 : memref<!tpu.dma_semaphore, #tpu.memory_space<semaphore_mem>>)
    %dma_start3A_98 = tpu.memref_slice %arg3[%add3A_91] : memref<16384xi32, #tpu.memory_space<hbm>> -> memref<128xi32, #tpu.memory_space<hbm>>
    %dma_start3A_99 = tpu.memref_slice %arg3[%add3A_91] : memref<16384xi32, #tpu.memory_space<hbm>> -> memref<128xi32, #tpu.memory_space<hbm>>
    tpu.enqueue_dma source(%dma_start3A_99 : memref<128xi32, #tpu.memory_space<hbm>>) target(%arg20 : memref<128xi32, #tpu.memory_space<vmem>>) target_semaphore(%arg39 : memref<!tpu.dma_semaphore, #tpu.memory_space<semaphore_mem>>)
    %dma_start3A_100 = tpu.memref_slice %arg4[%add3A_91] : memref<16384xi32, #tpu.memory_space<hbm>> -> memref<128xi32, #tpu.memory_space<hbm>>
    %dma_start3A_101 = tpu.memref_slice %arg4[%add3A_91] : memref<16384xi32, #tpu.memory_space<hbm>> -> memref<128xi32, #tpu.memory_space<hbm>>
    tpu.enqueue_dma source(%dma_start3A_101 : memref<128xi32, #tpu.memory_space<hbm>>) target(%arg21 : memref<128xi32, #tpu.memory_space<vmem>>) target_semaphore(%arg39 : memref<!tpu.dma_semaphore, #tpu.memory_space<semaphore_mem>>)
    %dma_start3A_102 = tpu.memref_slice %arg2[%add3A_93] : memref<16384xi32, #tpu.memory_space<hbm>> -> memref<128xi32, #tpu.memory_space<hbm>>
    %dma_start3A_103 = tpu.memref_slice %arg2[%add3A_93] : memref<16384xi32, #tpu.memory_space<hbm>> -> memref<128xi32, #tpu.memory_space<hbm>>
    tpu.enqueue_dma source(%dma_start3A_103 : memref<128xi32, #tpu.memory_space<hbm>>) target(%arg22 : memref<128xi32, #tpu.memory_space<vmem>>) target_semaphore(%arg40 : memref<!tpu.dma_semaphore, #tpu.memory_space<semaphore_mem>>)
    %dma_start3A_104 = tpu.memref_slice %arg3[%add3A_93] : memref<16384xi32, #tpu.memory_space<hbm>> -> memref<128xi32, #tpu.memory_space<hbm>>
    %dma_start3A_105 = tpu.memref_slice %arg3[%add3A_93] : memref<16384xi32, #tpu.memory_space<hbm>> -> memref<128xi32, #tpu.memory_space<hbm>>
    tpu.enqueue_dma source(%dma_start3A_105 : memref<128xi32, #tpu.memory_space<hbm>>) target(%arg23 : memref<128xi32, #tpu.memory_space<vmem>>) target_semaphore(%arg40 : memref<!tpu.dma_semaphore, #tpu.memory_space<semaphore_mem>>)
    %dma_start3A_106 = tpu.memref_slice %arg4[%add3A_93] : memref<16384xi32, #tpu.memory_space<hbm>> -> memref<128xi32, #tpu.memory_space<hbm>>
    %dma_start3A_107 = tpu.memref_slice %arg4[%add3A_93] : memref<16384xi32, #tpu.memory_space<hbm>> -> memref<128xi32, #tpu.memory_space<hbm>>
    tpu.enqueue_dma source(%dma_start3A_107 : memref<128xi32, #tpu.memory_space<hbm>>) target(%arg24 : memref<128xi32, #tpu.memory_space<vmem>>) target_semaphore(%arg40 : memref<!tpu.dma_semaphore, #tpu.memory_space<semaphore_mem>>)
    %dma_start3A_108 = tpu.memref_slice %arg2[%add3A_95] : memref<16384xi32, #tpu.memory_space<hbm>> -> memref<128xi32, #tpu.memory_space<hbm>>
    %dma_start3A_109 = tpu.memref_slice %arg2[%add3A_95] : memref<16384xi32, #tpu.memory_space<hbm>> -> memref<128xi32, #tpu.memory_space<hbm>>
    tpu.enqueue_dma source(%dma_start3A_109 : memref<128xi32, #tpu.memory_space<hbm>>) target(%arg25 : memref<128xi32, #tpu.memory_space<vmem>>) target_semaphore(%arg41 : memref<!tpu.dma_semaphore, #tpu.memory_space<semaphore_mem>>)
    %dma_start3A_110 = tpu.memref_slice %arg3[%add3A_95] : memref<16384xi32, #tpu.memory_space<hbm>> -> memref<128xi32, #tpu.memory_space<hbm>>
    %dma_start3A_111 = tpu.memref_slice %arg3[%add3A_95] : memref<16384xi32, #tpu.memory_space<hbm>> -> memref<128xi32, #tpu.memory_space<hbm>>
    tpu.enqueue_dma source(%dma_start3A_111 : memref<128xi32, #tpu.memory_space<hbm>>) target(%arg26 : memref<128xi32, #tpu.memory_space<vmem>>) target_semaphore(%arg41 : memref<!tpu.dma_semaphore, #tpu.memory_space<semaphore_mem>>)
    %dma_start3A_112 = tpu.memref_slice %arg4[%add3A_95] : memref<16384xi32, #tpu.memory_space<hbm>> -> memref<128xi32, #tpu.memory_space<hbm>>
    %dma_start3A_113 = tpu.memref_slice %arg4[%add3A_95] : memref<16384xi32, #tpu.memory_space<hbm>> -> memref<128xi32, #tpu.memory_space<hbm>>
    tpu.enqueue_dma source(%dma_start3A_113 : memref<128xi32, #tpu.memory_space<hbm>>) target(%arg27 : memref<128xi32, #tpu.memory_space<vmem>>) target_semaphore(%arg41 : memref<!tpu.dma_semaphore, #tpu.memory_space<semaphore_mem>>)
    %dma_wait3A_114 = tpu.memref_slice %arg2[%add3A_91] : memref<16384xi32, #tpu.memory_space<hbm>> -> memref<128xi32, #tpu.memory_space<hbm>>
    %dma_wait3A_115 = tpu.memref_slice %arg2[%add3A_91] : memref<16384xi32, #tpu.memory_space<hbm>> -> memref<128xi32, #tpu.memory_space<hbm>>
    tpu.wait_dma2 semaphore(%arg39 : memref<!tpu.dma_semaphore, #tpu.memory_space<semaphore_mem>>) src(%dma_wait3A_115 : memref<128xi32, #tpu.memory_space<hbm>>) dst(%arg19 : memref<128xi32, #tpu.memory_space<vmem>>)
    %dma_wait3A_116 = tpu.memref_slice %arg3[%add3A_91] : memref<16384xi32, #tpu.memory_space<hbm>> -> memref<128xi32, #tpu.memory_space<hbm>>
    %dma_wait3A_117 = tpu.memref_slice %arg3[%add3A_91] : memref<16384xi32, #tpu.memory_space<hbm>> -> memref<128xi32, #tpu.memory_space<hbm>>
    tpu.wait_dma2 semaphore(%arg39 : memref<!tpu.dma_semaphore, #tpu.memory_space<semaphore_mem>>) src(%dma_wait3A_117 : memref<128xi32, #tpu.memory_space<hbm>>) dst(%arg20 : memref<128xi32, #tpu.memory_space<vmem>>)
    %dma_wait3A_118 = tpu.memref_slice %arg4[%add3A_91] : memref<16384xi32, #tpu.memory_space<hbm>> -> memref<128xi32, #tpu.memory_space<hbm>>
    %dma_wait3A_119 = tpu.memref_slice %arg4[%add3A_91] : memref<16384xi32, #tpu.memory_space<hbm>> -> memref<128xi32, #tpu.memory_space<hbm>>
    tpu.wait_dma2 semaphore(%arg39 : memref<!tpu.dma_semaphore, #tpu.memory_space<semaphore_mem>>) src(%dma_wait3A_119 : memref<128xi32, #tpu.memory_space<hbm>>) dst(%arg21 : memref<128xi32, #tpu.memory_space<vmem>>)
    %dma_start3A_120 = arith.constant 0 : i32
    %dma_start3A_121 = arith.constant 0 : i32
    %dma_start3A_122 = tpu.memref_slice %arg13[%dma_start3A_120, %dma_start3A_121] : memref<1000000x64xf32, #tpu.memory_space<hbm>> -> memref<1000000x64xf32, #tpu.memory_space<hbm>>
    tpu.enqueue_indirect_dma source(%dma_start3A_122 : memref<1000000x64xf32, #tpu.memory_space<hbm>>) target(%arg28 : memref<128x64xf32, #tpu.memory_space<vmem>>) offsets(%arg19 : memref<128xi32, #tpu.memory_space<vmem>>) semaphore(%arg42 : memref<!tpu.dma_semaphore, #tpu.memory_space<semaphore_mem>>)
    %dma_start3A_123 = arith.constant 0 : i32
    %dma_start3A_124 = arith.constant 0 : i32
    %dma_start3A_125 = tpu.memref_slice %arg15[%dma_start3A_123, %dma_start3A_124] : memref<1000000x64xf32, #tpu.memory_space<hbm>> -> memref<1000000x64xf32, #tpu.memory_space<hbm>>
    tpu.enqueue_indirect_dma source(%dma_start3A_125 : memref<1000000x64xf32, #tpu.memory_space<hbm>>) target(%arg29 : memref<128x64xf32, #tpu.memory_space<vmem>>) offsets(%arg21 : memref<128xi32, #tpu.memory_space<vmem>>) semaphore(%arg42 : memref<!tpu.dma_semaphore, #tpu.memory_space<semaphore_mem>>)
    %dma_wait3A_126 = tpu.memref_slice %arg2[%add3A_93] : memref<16384xi32, #tpu.memory_space<hbm>> -> memref<128xi32, #tpu.memory_space<hbm>>
    %dma_wait3A_127 = tpu.memref_slice %arg2[%add3A_93] : memref<16384xi32, #tpu.memory_space<hbm>> -> memref<128xi32, #tpu.memory_space<hbm>>
    tpu.wait_dma2 semaphore(%arg40 : memref<!tpu.dma_semaphore, #tpu.memory_space<semaphore_mem>>) src(%dma_wait3A_127 : memref<128xi32, #tpu.memory_space<hbm>>) dst(%arg22 : memref<128xi32, #tpu.memory_space<vmem>>)
    %dma_wait3A_128 = tpu.memref_slice %arg3[%add3A_93] : memref<16384xi32, #tpu.memory_space<hbm>> -> memref<128xi32, #tpu.memory_space<hbm>>
    %dma_wait3A_129 = tpu.memref_slice %arg3[%add3A_93] : memref<16384xi32, #tpu.memory_space<hbm>> -> memref<128xi32, #tpu.memory_space<hbm>>
    tpu.wait_dma2 semaphore(%arg40 : memref<!tpu.dma_semaphore, #tpu.memory_space<semaphore_mem>>) src(%dma_wait3A_129 : memref<128xi32, #tpu.memory_space<hbm>>) dst(%arg23 : memref<128xi32, #tpu.memory_space<vmem>>)
    %dma_wait3A_130 = tpu.memref_slice %arg4[%add3A_93] : memref<16384xi32, #tpu.memory_space<hbm>> -> memref<128xi32, #tpu.memory_space<hbm>>
    %dma_wait3A_131 = tpu.memref_slice %arg4[%add3A_93] : memref<16384xi32, #tpu.memory_space<hbm>> -> memref<128xi32, #tpu.memory_space<hbm>>
    tpu.wait_dma2 semaphore(%arg40 : memref<!tpu.dma_semaphore, #tpu.memory_space<semaphore_mem>>) src(%dma_wait3A_131 : memref<128xi32, #tpu.memory_space<hbm>>) dst(%arg24 : memref<128xi32, #tpu.memory_space<vmem>>)
    %dma_start3A_132 = arith.constant 0 : i32
    %dma_start3A_133 = arith.constant 0 : i32
    %dma_start3A_134 = tpu.memref_slice %arg13[%dma_start3A_132, %dma_start3A_133] : memref<1000000x64xf32, #tpu.memory_space<hbm>> -> memref<1000000x64xf32, #tpu.memory_space<hbm>>
    tpu.enqueue_indirect_dma source(%dma_start3A_134 : memref<1000000x64xf32, #tpu.memory_space<hbm>>) target(%arg30 : memref<128x64xf32, #tpu.memory_space<vmem>>) offsets(%arg22 : memref<128xi32, #tpu.memory_space<vmem>>) semaphore(%arg43 : memref<!tpu.dma_semaphore, #tpu.memory_space<semaphore_mem>>)
    %dma_start3A_135 = arith.constant 0 : i32
    %dma_start3A_136 = arith.constant 0 : i32
    %dma_start3A_137 = tpu.memref_slice %arg15[%dma_start3A_135, %dma_start3A_136] : memref<1000000x64xf32, #tpu.memory_space<hbm>> -> memref<1000000x64xf32, #tpu.memory_space<hbm>>
    tpu.enqueue_indirect_dma source(%dma_start3A_137 : memref<1000000x64xf32, #tpu.memory_space<hbm>>) target(%arg31 : memref<128x64xf32, #tpu.memory_space<vmem>>) offsets(%arg24 : memref<128xi32, #tpu.memory_space<vmem>>) semaphore(%arg43 : memref<!tpu.dma_semaphore, #tpu.memory_space<semaphore_mem>>)
    %dma_wait3A_138 = tpu.memref_slice %arg2[%add3A_95] : memref<16384xi32, #tpu.memory_space<hbm>> -> memref<128xi32, #tpu.memory_space<hbm>>
    %dma_wait3A_139 = tpu.memref_slice %arg2[%add3A_95] : memref<16384xi32, #tpu.memory_space<hbm>> -> memref<128xi32, #tpu.memory_space<hbm>>
    tpu.wait_dma2 semaphore(%arg41 : memref<!tpu.dma_semaphore, #tpu.memory_space<semaphore_mem>>) src(%dma_wait3A_139 : memref<128xi32, #tpu.memory_space<hbm>>) dst(%arg25 : memref<128xi32, #tpu.memory_space<vmem>>)
    %dma_wait3A_140 = tpu.memref_slice %arg3[%add3A_95] : memref<16384xi32, #tpu.memory_space<hbm>> -> memref<128xi32, #tpu.memory_space<hbm>>
    %dma_wait3A_141 = tpu.memref_slice %arg3[%add3A_95] : memref<16384xi32, #tpu.memory_space<hbm>> -> memref<128xi32, #tpu.memory_space<hbm>>
    tpu.wait_dma2 semaphore(%arg41 : memref<!tpu.dma_semaphore, #tpu.memory_space<semaphore_mem>>) src(%dma_wait3A_141 : memref<128xi32, #tpu.memory_space<hbm>>) dst(%arg26 : memref<128xi32, #tpu.memory_space<vmem>>)
    %dma_wait3A_142 = tpu.memref_slice %arg4[%add3A_95] : memref<16384xi32, #tpu.memory_space<hbm>> -> memref<128xi32, #tpu.memory_space<hbm>>
    %dma_wait3A_143 = tpu.memref_slice %arg4[%add3A_95] : memref<16384xi32, #tpu.memory_space<hbm>> -> memref<128xi32, #tpu.memory_space<hbm>>
    tpu.wait_dma2 semaphore(%arg41 : memref<!tpu.dma_semaphore, #tpu.memory_space<semaphore_mem>>) src(%dma_wait3A_143 : memref<128xi32, #tpu.memory_space<hbm>>) dst(%arg27 : memref<128xi32, #tpu.memory_space<vmem>>)
    %dma_start3A_144 = arith.constant 0 : i32
    %dma_start3A_145 = arith.constant 0 : i32
    %dma_start3A_146 = tpu.memref_slice %arg13[%dma_start3A_144, %dma_start3A_145] : memref<1000000x64xf32, #tpu.memory_space<hbm>> -> memref<1000000x64xf32, #tpu.memory_space<hbm>>
    tpu.enqueue_indirect_dma source(%dma_start3A_146 : memref<1000000x64xf32, #tpu.memory_space<hbm>>) target(%arg32 : memref<128x64xf32, #tpu.memory_space<vmem>>) offsets(%arg25 : memref<128xi32, #tpu.memory_space<vmem>>) semaphore(%arg44 : memref<!tpu.dma_semaphore, #tpu.memory_space<semaphore_mem>>)
    %dma_start3A_147 = arith.constant 0 : i32
    %dma_start3A_148 = arith.constant 0 : i32
    %dma_start3A_149 = tpu.memref_slice %arg15[%dma_start3A_147, %dma_start3A_148] : memref<1000000x64xf32, #tpu.memory_space<hbm>> -> memref<1000000x64xf32, #tpu.memory_space<hbm>>
    tpu.enqueue_indirect_dma source(%dma_start3A_149 : memref<1000000x64xf32, #tpu.memory_space<hbm>>) target(%arg33 : memref<128x64xf32, #tpu.memory_space<vmem>>) offsets(%arg27 : memref<128xi32, #tpu.memory_space<vmem>>) semaphore(%arg44 : memref<!tpu.dma_semaphore, #tpu.memory_space<semaphore_mem>>)
    %dma_wait3A_150 = arith.constant 0 : i32
    %dma_wait3A_151 = arith.constant 0 : i32
    %dma_wait3A_152 = tpu.memref_slice %arg13[%dma_wait3A_150, %dma_wait3A_151] : memref<1000000x64xf32, #tpu.memory_space<hbm>> -> memref<1000000x64xf32, #tpu.memory_space<hbm>>
    tpu.wait_indirect_dma semaphore(%arg42 : memref<!tpu.dma_semaphore, #tpu.memory_space<semaphore_mem>>) src(%dma_wait3A_152 : memref<1000000x64xf32, #tpu.memory_space<hbm>>) dst(%arg28 : memref<128x64xf32, #tpu.memory_space<vmem>>)
    %dma_wait3A_153 = arith.constant 0 : i32
    %dma_wait3A_154 = arith.constant 0 : i32
    %dma_wait3A_155 = tpu.memref_slice %arg15[%dma_wait3A_153, %dma_wait3A_154] : memref<1000000x64xf32, #tpu.memory_space<hbm>> -> memref<1000000x64xf32, #tpu.memory_space<hbm>>
    tpu.wait_indirect_dma semaphore(%arg42 : memref<!tpu.dma_semaphore, #tpu.memory_space<semaphore_mem>>) src(%dma_wait3A_155 : memref<1000000x64xf32, #tpu.memory_space<hbm>>) dst(%arg29 : memref<128x64xf32, #tpu.memory_space<vmem>>)
    %broadcast_in_dim3A_156 = arith.constant 0.000000e+00 : f32
    %broadcast_in_dim3A_157 = vector.broadcast %broadcast_in_dim3A_156 : f32 to vector<16xf32>
    %scan3A_158 = arith.constant 0 : i32
    %scan3A_159 = arith.constant 0 : i32
    %scan3A_160 = arith.constant 8 : i32
    %scan3A_161 = arith.addi %scan3A_159, %scan3A_160 : i32
    %scan3A_162 = arith.constant 1 : i32
    %scan3A_163 = scf.for %scan3A_291 = %scan3A_159 to %scan3A_161 step %scan3A_162 iter_args(%scan3A_292 = %scan3A_158) -> (i32)  : i32 {
      %mul3A_293 = arith.constant 16 : i32
      %mul3A_294 = arith.muli %scan3A_291, %mul3A_293 : i32
      %add3A_295 = vector.broadcast %mul3A_294 : i32 to vector<16xi32>
      %add3A_296 = arith.addi %iota3A, %add3A_295 : vector<16xi32>
      %mul3A_297 = arith.constant 16 : i32
      %mul3A_298 = arith.muli %scan3A_291, %mul3A_297 : i32
      %get3A_299 = arith.index_cast %mul3A_298 : i32 to index
      %get3A_300 = tpu.vector_load %arg20[%get3A_299] {strides = array<i32>} : memref<128xi32, #tpu.memory_space<vmem>>, vector<16xi32>,
      %scan3A_301 = arith.constant 0 : i32
      %scan3A_302 = arith.constant 8 : i32
      %scan3A_303 = arith.addi %scan3A_301, %scan3A_302 : i32
      %scan3A_304 = arith.constant 1 : i32
      %scan3A_305:16 = scf.for %scan3A_350 = %scan3A_301 to %scan3A_303 step %scan3A_304 iter_args(%scan3A_351 = %broadcast_in_dim3A_157, %scan3A_352 = %broadcast_in_dim3A_157, %scan3A_353 = %broadcast_in_dim3A_157, %scan3A_354 = %broadcast_in_dim3A_157, %scan3A_355 = %broadcast_in_dim3A_157, %scan3A_356 = %broadcast_in_dim3A_157, %scan3A_357 = %broadcast_in_dim3A_157, %scan3A_358 = %broadcast_in_dim3A_157, %scan3A_359 = %broadcast_in_dim3A_157, %scan3A_360 = %broadcast_in_dim3A_157, %scan3A_361 = %broadcast_in_dim3A_157, %scan3A_362 = %broadcast_in_dim3A_157, %scan3A_363 = %broadcast_in_dim3A_157, %scan3A_364 = %broadcast_in_dim3A_157, %scan3A_365 = %broadcast_in_dim3A_157, %scan3A_366 = %broadcast_in_dim3A_157) -> (vector<16xf32>, vector<16xf32>, vector<16xf32>, vector<16xf32>, vector<16xf32>, vector<16xf32>, vector<16xf32>, vector<16xf32>, vector<16xf32>, vector<16xf32>, vector<16xf32>, vector<16xf32>, vector<16xf32>, vector<16xf32>, vector<16xf32>, vector<16xf32>)  : i32 {
        %mul3A_367 = arith.constant 8 : i32
        %mul3A_368 = arith.muli %scan3A_350, %mul3A_367 : i32
        %add3A_369 = arith.constant 0 : i32
        %add3A_370 = vector.broadcast %add3A_369 : i32 to vector<16xi32>
        %add3A_371 = arith.addi %add3A_370, %iota3A : vector<16xi32>
        %add3A_372 = vector.broadcast %mul3A_368 : i32 to vector<16xi32>
        %add3A_373 = arith.addi %add3A_372, %add3A_371 : vector<16xi32>
        %and3A = arith.constant 63 : i32
        %and3A_374 = vector.broadcast %and3A : i32 to vector<16xi32>
        %and3A_375 = arith.andi %add3A_373, %and3A_374 : vector<16xi32>
        %gather3A = tpu.vector_load_idx %arg28[%add3A_296, %and3A_375] : memref<128x64xf32, #tpu.memory_space<vmem>>[vector<16xi32>, vector<16xi32>], vector<16xf32>,
        %gather3A_376 = tpu.vector_load_idx %arg34[%get3A_300, %and3A_375] : memref<1000x64xf32, #tpu.memory_space<vmem>>[vector<16xi32>, vector<16xi32>], vector<16xf32>,
        %gather3A_377 = tpu.vector_load_idx %arg29[%add3A_296, %and3A_375] : memref<128x64xf32, #tpu.memory_space<vmem>>[vector<16xi32>, vector<16xi32>], vector<16xf32>,
        %mul3A_378 = arith.mulf %gather3A, %gather3A_377 : vector<16xf32>
        %mul3A_379 = arith.mulf %gather3A_376, %mul3A_378 : vector<16xf32>
        %add3A_380 = arith.addf %scan3A_351, %mul3A_379 : vector<16xf32>
        %mul3A_381 = arith.mulf %gather3A, %gather3A : vector<16xf32>
        %add3A_382 = arith.addf %scan3A_359, %mul3A_381 : vector<16xf32>
        %mul3A_383 = arith.mulf %gather3A_377, %gather3A_377 : vector<16xf32>
        %add3A_384 = arith.addf %add3A_382, %mul3A_383 : vector<16xf32>
        %mul3A_385 = arith.mulf %gather3A_376, %gather3A_376 : vector<16xf32>
        %add3A_386 = arith.addf %add3A_384, %mul3A_385 : vector<16xf32>
        %mul3A_387 = arith.constant 8 : i32
        %mul3A_388 = arith.muli %scan3A_350, %mul3A_387 : i32
        %add3A_389 = arith.constant 1 : i32
        %add3A_390 = vector.broadcast %add3A_389 : i32 to vector<16xi32>
        %add3A_391 = arith.addi %add3A_390, %iota3A : vector<16xi32>
        %add3A_392 = vector.broadcast %mul3A_388 : i32 to vector<16xi32>
        %add3A_393 = arith.addi %add3A_392, %add3A_391 : vector<16xi32>
        %and3A_394 = arith.constant 63 : i32
        %and3A_395 = vector.broadcast %and3A_394 : i32 to vector<16xi32>
        %and3A_396 = arith.andi %add3A_393, %and3A_395 : vector<16xi32>
        %gather3A_397 = tpu.vector_load_idx %arg28[%add3A_296, %and3A_396] : memref<128x64xf32, #tpu.memory_space<vmem>>[vector<16xi32>, vector<16xi32>], vector<16xf32>,
        %gather3A_398 = tpu.vector_load_idx %arg34[%get3A_300, %and3A_396] : memref<1000x64xf32, #tpu.memory_space<vmem>>[vector<16xi32>, vector<16xi32>], vector<16xf32>,
        %gather3A_399 = tpu.vector_load_idx %arg29[%add3A_296, %and3A_396] : memref<128x64xf32, #tpu.memory_space<vmem>>[vector<16xi32>, vector<16xi32>], vector<16xf32>,
        %mul3A_400 = arith.mulf %gather3A_397, %gather3A_399 : vector<16xf32>
        %mul3A_401 = arith.mulf %gather3A_398, %mul3A_400 : vector<16xf32>
        %add3A_402 = arith.addf %scan3A_352, %mul3A_401 : vector<16xf32>
        %mul3A_403 = arith.mulf %gather3A_397, %gather3A_397 : vector<16xf32>
        %add3A_404 = arith.addf %scan3A_360, %mul3A_403 : vector<16xf32>
        %mul3A_405 = arith.mulf %gather3A_399, %gather3A_399 : vector<16xf32>
        %add3A_406 = arith.addf %add3A_404, %mul3A_405 : vector<16xf32>
        %mul3A_407 = arith.mulf %gather3A_398, %gather3A_398 : vector<16xf32>
        %add3A_408 = arith.addf %add3A_406, %mul3A_407 : vector<16xf32>
        %mul3A_409 = arith.constant 8 : i32
        %mul3A_410 = arith.muli %scan3A_350, %mul3A_409 : i32
        %add3A_411 = arith.constant 2 : i32
        %add3A_412 = vector.broadcast %add3A_411 : i32 to vector<16xi32>
        %add3A_413 = arith.addi %add3A_412, %iota3A : vector<16xi32>
        %add3A_414 = vector.broadcast %mul3A_410 : i32 to vector<16xi32>
        %add3A_415 = arith.addi %add3A_414, %add3A_413 : vector<16xi32>
        %and3A_416 = arith.constant 63 : i32
        %and3A_417 = vector.broadcast %and3A_416 : i32 to vector<16xi32>
        %and3A_418 = arith.andi %add3A_415, %and3A_417 : vector<16xi32>
        %gather3A_419 = tpu.vector_load_idx %arg28[%add3A_296, %and3A_418] : memref<128x64xf32, #tpu.memory_space<vmem>>[vector<16xi32>, vector<16xi32>], vector<16xf32>,
        %gather3A_420 = tpu.vector_load_idx %arg34[%get3A_300, %and3A_418] : memref<1000x64xf32, #tpu.memory_space<vmem>>[vector<16xi32>, vector<16xi32>], vector<16xf32>,
        %gather3A_421 = tpu.vector_load_idx %arg29[%add3A_296, %and3A_418] : memref<128x64xf32, #tpu.memory_space<vmem>>[vector<16xi32>, vector<16xi32>], vector<16xf32>,
        %mul3A_422 = arith.mulf %gather3A_419, %gather3A_421 : vector<16xf32>
        %mul3A_423 = arith.mulf %gather3A_420, %mul3A_422 : vector<16xf32>
        %add3A_424 = arith.addf %scan3A_353, %mul3A_423 : vector<16xf32>
        %mul3A_425 = arith.mulf %gather3A_419, %gather3A_419 : vector<16xf32>
        %add3A_426 = arith.addf %scan3A_361, %mul3A_425 : vector<16xf32>
        %mul3A_427 = arith.mulf %gather3A_421, %gather3A_421 : vector<16xf32>
        %add3A_428 = arith.addf %add3A_426, %mul3A_427 : vector<16xf32>
        %mul3A_429 = arith.mulf %gather3A_420, %gather3A_420 : vector<16xf32>
        %add3A_430 = arith.addf %add3A_428, %mul3A_429 : vector<16xf32>
        %mul3A_431 = arith.constant 8 : i32
        %mul3A_432 = arith.muli %scan3A_350, %mul3A_431 : i32
        %add3A_433 = arith.constant 3 : i32
        %add3A_434 = vector.broadcast %add3A_433 : i32 to vector<16xi32>
        %add3A_435 = arith.addi %add3A_434, %iota3A : vector<16xi32>
        %add3A_436 = vector.broadcast %mul3A_432 : i32 to vector<16xi32>
        %add3A_437 = arith.addi %add3A_436, %add3A_435 : vector<16xi32>
        %and3A_438 = arith.constant 63 : i32
        %and3A_439 = vector.broadcast %and3A_438 : i32 to vector<16xi32>
        %and3A_440 = arith.andi %add3A_437, %and3A_439 : vector<16xi32>
        %gather3A_441 = tpu.vector_load_idx %arg28[%add3A_296, %and3A_440] : memref<128x64xf32, #tpu.memory_space<vmem>>[vector<16xi32>, vector<16xi32>], vector<16xf32>,
        %gather3A_442 = tpu.vector_load_idx %arg34[%get3A_300, %and3A_440] : memref<1000x64xf32, #tpu.memory_space<vmem>>[vector<16xi32>, vector<16xi32>], vector<16xf32>,
        %gather3A_443 = tpu.vector_load_idx %arg29[%add3A_296, %and3A_440] : memref<128x64xf32, #tpu.memory_space<vmem>>[vector<16xi32>, vector<16xi32>], vector<16xf32>,
        %mul3A_444 = arith.mulf %gather3A_441, %gather3A_443 : vector<16xf32>
        %mul3A_445 = arith.mulf %gather3A_442, %mul3A_444 : vector<16xf32>
        %add3A_446 = arith.addf %scan3A_354, %mul3A_445 : vector<16xf32>
        %mul3A_447 = arith.mulf %gather3A_441, %gather3A_441 : vector<16xf32>
        %add3A_448 = arith.addf %scan3A_362, %mul3A_447 : vector<16xf32>
        %mul3A_449 = arith.mulf %gather3A_443, %gather3A_443 : vector<16xf32>
        %add3A_450 = arith.addf %add3A_448, %mul3A_449 : vector<16xf32>
        %mul3A_451 = arith.mulf %gather3A_442, %gather3A_442 : vector<16xf32>
        %add3A_452 = arith.addf %add3A_450, %mul3A_451 : vector<16xf32>
        %mul3A_453 = arith.constant 8 : i32
        %mul3A_454 = arith.muli %scan3A_350, %mul3A_453 : i32
        %add3A_455 = arith.constant 4 : i32
        %add3A_456 = vector.broadcast %add3A_455 : i32 to vector<16xi32>
        %add3A_457 = arith.addi %add3A_456, %iota3A : vector<16xi32>
        %add3A_458 = vector.broadcast %mul3A_454 : i32 to vector<16xi32>
        %add3A_459 = arith.addi %add3A_458, %add3A_457 : vector<16xi32>
        %and3A_460 = arith.constant 63 : i32
        %and3A_461 = vector.broadcast %and3A_460 : i32 to vector<16xi32>
        %and3A_462 = arith.andi %add3A_459, %and3A_461 : vector<16xi32>
        %gather3A_463 = tpu.vector_load_idx %arg28[%add3A_296, %and3A_462] : memref<128x64xf32, #tpu.memory_space<vmem>>[vector<16xi32>, vector<16xi32>], vector<16xf32>,
        %gather3A_464 = tpu.vector_load_idx %arg34[%get3A_300, %and3A_462] : memref<1000x64xf32, #tpu.memory_space<vmem>>[vector<16xi32>, vector<16xi32>], vector<16xf32>,
        %gather3A_465 = tpu.vector_load_idx %arg29[%add3A_296, %and3A_462] : memref<128x64xf32, #tpu.memory_space<vmem>>[vector<16xi32>, vector<16xi32>], vector<16xf32>,
        %mul3A_466 = arith.mulf %gather3A_463, %gather3A_465 : vector<16xf32>
        %mul3A_467 = arith.mulf %gather3A_464, %mul3A_466 : vector<16xf32>
        %add3A_468 = arith.addf %scan3A_355, %mul3A_467 : vector<16xf32>
        %mul3A_469 = arith.mulf %gather3A_463, %gather3A_463 : vector<16xf32>
        %add3A_470 = arith.addf %scan3A_363, %mul3A_469 : vector<16xf32>
        %mul3A_471 = arith.mulf %gather3A_465, %gather3A_465 : vector<16xf32>
        %add3A_472 = arith.addf %add3A_470, %mul3A_471 : vector<16xf32>
        %mul3A_473 = arith.mulf %gather3A_464, %gather3A_464 : vector<16xf32>
        %add3A_474 = arith.addf %add3A_472, %mul3A_473 : vector<16xf32>
        %mul3A_475 = arith.constant 8 : i32
        %mul3A_476 = arith.muli %scan3A_350, %mul3A_475 : i32
        %add3A_477 = arith.constant 5 : i32
        %add3A_478 = vector.broadcast %add3A_477 : i32 to vector<16xi32>
        %add3A_479 = arith.addi %add3A_478, %iota3A : vector<16xi32>
        %add3A_480 = vector.broadcast %mul3A_476 : i32 to vector<16xi32>
        %add3A_481 = arith.addi %add3A_480, %add3A_479 : vector<16xi32>
        %and3A_482 = arith.constant 63 : i32
        %and3A_483 = vector.broadcast %and3A_482 : i32 to vector<16xi32>
        %and3A_484 = arith.andi %add3A_481, %and3A_483 : vector<16xi32>
        %gather3A_485 = tpu.vector_load_idx %arg28[%add3A_296, %and3A_484] : memref<128x64xf32, #tpu.memory_space<vmem>>[vector<16xi32>, vector<16xi32>], vector<16xf32>,
        %gather3A_486 = tpu.vector_load_idx %arg34[%get3A_300, %and3A_484] : memref<1000x64xf32, #tpu.memory_space<vmem>>[vector<16xi32>, vector<16xi32>], vector<16xf32>,
        %gather3A_487 = tpu.vector_load_idx %arg29[%add3A_296, %and3A_484] : memref<128x64xf32, #tpu.memory_space<vmem>>[vector<16xi32>, vector<16xi32>], vector<16xf32>,
        %mul3A_488 = arith.mulf %gather3A_485, %gather3A_487 : vector<16xf32>
        %mul3A_489 = arith.mulf %gather3A_486, %mul3A_488 : vector<16xf32>
        %add3A_490 = arith.addf %scan3A_356, %mul3A_489 : vector<16xf32>
        %mul3A_491 = arith.mulf %gather3A_485, %gather3A_485 : vector<16xf32>
        %add3A_492 = arith.addf %scan3A_364, %mul3A_491 : vector<16xf32>
        %mul3A_493 = arith.mulf %gather3A_487, %gather3A_487 : vector<16xf32>
        %add3A_494 = arith.addf %add3A_492, %mul3A_493 : vector<16xf32>
        %mul3A_495 = arith.mulf %gather3A_486, %gather3A_486 : vector<16xf32>
        %add3A_496 = arith.addf %add3A_494, %mul3A_495 : vector<16xf32>
        %mul3A_497 = arith.constant 8 : i32
        %mul3A_498 = arith.muli %scan3A_350, %mul3A_497 : i32
        %add3A_499 = arith.constant 6 : i32
        %add3A_500 = vector.broadcast %add3A_499 : i32 to vector<16xi32>
        %add3A_501 = arith.addi %add3A_500, %iota3A : vector<16xi32>
        %add3A_502 = vector.broadcast %mul3A_498 : i32 to vector<16xi32>
        %add3A_503 = arith.addi %add3A_502, %add3A_501 : vector<16xi32>
        %and3A_504 = arith.constant 63 : i32
        %and3A_505 = vector.broadcast %and3A_504 : i32 to vector<16xi32>
        %and3A_506 = arith.andi %add3A_503, %and3A_505 : vector<16xi32>
        %gather3A_507 = tpu.vector_load_idx %arg28[%add3A_296, %and3A_506] : memref<128x64xf32, #tpu.memory_space<vmem>>[vector<16xi32>, vector<16xi32>], vector<16xf32>,
        %gather3A_508 = tpu.vector_load_idx %arg34[%get3A_300, %and3A_506] : memref<1000x64xf32, #tpu.memory_space<vmem>>[vector<16xi32>, vector<16xi32>], vector<16xf32>,
        %gather3A_509 = tpu.vector_load_idx %arg29[%add3A_296, %and3A_506] : memref<128x64xf32, #tpu.memory_space<vmem>>[vector<16xi32>, vector<16xi32>], vector<16xf32>,
        %mul3A_510 = arith.mulf %gather3A_507, %gather3A_509 : vector<16xf32>
        %mul3A_511 = arith.mulf %gather3A_508, %mul3A_510 : vector<16xf32>
        %add3A_512 = arith.addf %scan3A_357, %mul3A_511 : vector<16xf32>
        %mul3A_513 = arith.mulf %gather3A_507, %gather3A_507 : vector<16xf32>
        %add3A_514 = arith.addf %scan3A_365, %mul3A_513 : vector<16xf32>
        %mul3A_515 = arith.mulf %gather3A_509, %gather3A_509 : vector<16xf32>
        %add3A_516 = arith.addf %add3A_514, %mul3A_515 : vector<16xf32>
        %mul3A_517 = arith.mulf %gather3A_508, %gather3A_508 : vector<16xf32>
        %add3A_518 = arith.addf %add3A_516, %mul3A_517 : vector<16xf32>
        %mul3A_519 = arith.constant 8 : i32
        %mul3A_520 = arith.muli %scan3A_350, %mul3A_519 : i32
        %add3A_521 = arith.constant 7 : i32
        %add3A_522 = vector.broadcast %add3A_521 : i32 to vector<16xi32>
        %add3A_523 = arith.addi %add3A_522, %iota3A : vector<16xi32>
        %add3A_524 = vector.broadcast %mul3A_520 : i32 to vector<16xi32>
        %add3A_525 = arith.addi %add3A_524, %add3A_523 : vector<16xi32>
        %and3A_526 = arith.constant 63 : i32
        %and3A_527 = vector.broadcast %and3A_526 : i32 to vector<16xi32>
        %and3A_528 = arith.andi %add3A_525, %and3A_527 : vector<16xi32>
        %gather3A_529 = tpu.vector_load_idx %arg28[%add3A_296, %and3A_528] : memref<128x64xf32, #tpu.memory_space<vmem>>[vector<16xi32>, vector<16xi32>], vector<16xf32>,
        %gather3A_530 = tpu.vector_load_idx %arg34[%get3A_300, %and3A_528] : memref<1000x64xf32, #tpu.memory_space<vmem>>[vector<16xi32>, vector<16xi32>], vector<16xf32>,
        %gather3A_531 = tpu.vector_load_idx %arg29[%add3A_296, %and3A_528] : memref<128x64xf32, #tpu.memory_space<vmem>>[vector<16xi32>, vector<16xi32>], vector<16xf32>,
        %mul3A_532 = arith.mulf %gather3A_529, %gather3A_531 : vector<16xf32>
        %mul3A_533 = arith.mulf %gather3A_530, %mul3A_532 : vector<16xf32>
        %add3A_534 = arith.addf %scan3A_358, %mul3A_533 : vector<16xf32>
        %mul3A_535 = arith.mulf %gather3A_529, %gather3A_529 : vector<16xf32>
        %add3A_536 = arith.addf %scan3A_366, %mul3A_535 : vector<16xf32>
        %mul3A_537 = arith.mulf %gather3A_531, %gather3A_531 : vector<16xf32>
        %add3A_538 = arith.addf %add3A_536, %mul3A_537 : vector<16xf32>
        %mul3A_539 = arith.mulf %gather3A_530, %gather3A_530 : vector<16xf32>
        %add3A_540 = arith.addf %add3A_538, %mul3A_539 : vector<16xf32>
        scf.yield %add3A_380, %add3A_402, %add3A_424, %add3A_446, %add3A_468, %add3A_490, %add3A_512, %add3A_534, %add3A_386, %add3A_408, %add3A_430, %add3A_452, %add3A_474, %add3A_496, %add3A_518, %add3A_540 : vector<16xf32>, vector<16xf32>, vector<16xf32>, vector<16xf32>, vector<16xf32>, vector<16xf32>, vector<16xf32>, vector<16xf32>, vector<16xf32>, vector<16xf32>, vector<16xf32>, vector<16xf32>, vector<16xf32>, vector<16xf32>, vector<16xf32>, vector<16xf32>
      }
      %scan3A_306 = arith.constant 8 : i32
      %add3A_307 = arith.addf %scan3A_305#0, %scan3A_305#1 : vector<16xf32>
      %add3A_308 = arith.addf %scan3A_305#2, %scan3A_305#3 : vector<16xf32>
      %add3A_309 = arith.addf %scan3A_305#4, %scan3A_305#5 : vector<16xf32>
      %add3A_310 = arith.addf %scan3A_305#6, %scan3A_305#7 : vector<16xf32>
      %add3A_311 = arith.addf %add3A_307, %add3A_308 : vector<16xf32>
      %add3A_312 = arith.addf %add3A_309, %add3A_310 : vector<16xf32>
      %add3A_313 = arith.addf %add3A_311, %add3A_312 : vector<16xf32>
      %add3A_314 = arith.addf %scan3A_305#8, %scan3A_305#9 : vector<16xf32>
      %add3A_315 = arith.addf %scan3A_305#10, %scan3A_305#11 : vector<16xf32>
      %add3A_316 = arith.addf %scan3A_305#12, %scan3A_305#13 : vector<16xf32>
      %add3A_317 = arith.addf %scan3A_305#14, %scan3A_305#15 : vector<16xf32>
      %add3A_318 = arith.addf %add3A_314, %add3A_315 : vector<16xf32>
      %add3A_319 = arith.addf %add3A_316, %add3A_317 : vector<16xf32>
      %add3A_320 = arith.addf %add3A_318, %add3A_319 : vector<16xf32>
      %mul3A_321 = arith.mulf %get3A_7, %add3A_313 : vector<16xf32>
      %add3A_322 = arith.addf %mul3A_321, %get3A_9 : vector<16xf32>
      %mul3A_323 = arith.constant 16 : i32
      %mul3A_324 = arith.muli %scan3A_291, %mul3A_323 : i32
      %add3A_325 = arith.constant 0 : i32
      %add3A_326 = arith.addi %add3A_325, %mul3A_324 : i32
      %get3A_327 = arith.index_cast %add3A_326 : i32 to index
      %get3A_328 = tpu.vector_load %arg35[%get3A_327] {strides = array<i32>} : memref<544xf32, #tpu.memory_space<vmem>>, vector<16xf32>,
      %neg3A = arith.constant 0.000000e+00 : f32
      %neg3A_329 = vector.broadcast %neg3A : f32 to vector<16xf32>
      %neg3A_330 = arith.subf %neg3A_329, %add3A_322 : vector<16xf32>
      %exp3A = math.exp %neg3A_330 : vector<16xf32>
      %add3A_331 = arith.constant 1.000000e+00 : f32
      %add3A_332 = vector.broadcast %add3A_331 : f32 to vector<16xf32>
      %add3A_333 = arith.addf %add3A_332, %exp3A : vector<16xf32>
      %div3A = arith.constant 1.000000e+00 : f32
      %div3A_334 = vector.broadcast %div3A : f32 to vector<16xf32>
      %div3A_335 = arith.divf %div3A_334, %add3A_333 : vector<16xf32>
      %sub3A = arith.subf %div3A_335, %get3A_328 : vector<16xf32>
      %mul3A_336 = arith.mulf %sub3A, %sub3A : vector<16xf32>
      %mul3A_337 = arith.constant 6.10351563E-5 : f32
      %mul3A_338 = vector.broadcast %mul3A_337 : f32 to vector<16xf32>
      %mul3A_339 = arith.mulf %mul3A_336, %mul3A_338 : vector<16xf32>
      %mul3A_340 = arith.constant 1.52587898E-8 : f32
      %mul3A_341 = vector.broadcast %mul3A_340 : f32 to vector<16xf32>
      %mul3A_342 = arith.mulf %add3A_320, %mul3A_341 : vector<16xf32>
      %add3A_343 = arith.addf %mul3A_339, %mul3A_342 : vector<16xf32>
      %get3A_344 = arith.constant 0 : index
      %get3A_345 = tpu.vector_load %arg36[%get3A_344] {strides = array<i32>} : memref<16xf32, #tpu.memory_space<vmem>>, vector<16xf32>,
      %add3A_346 = arith.addf %get3A_345, %add3A_343 : vector<16xf32>
      %swap3A_347 = arith.constant 0 : index
      %swap3A_348 = tpu.vector_load %arg36[%swap3A_347] {strides = array<i32>} : memref<16xf32, #tpu.memory_space<vmem>>, vector<16xf32>,
      tpu.vector_store %arg36[%swap3A_347], %add3A_346 {strides = array<i32>} : memref<16xf32, #tpu.memory_space<vmem>>, vector<16xf32>,
      %scan3A_349 = arith.constant 0 : i32
      scf.yield %scan3A_349 : i32
    }
    %scan3A_164 = arith.constant 8 : i32
    %dma_wait3A_165 = arith.constant 0 : i32
    %dma_wait3A_166 = arith.constant 0 : i32
    %dma_wait3A_167 = tpu.memref_slice %arg13[%dma_wait3A_165, %dma_wait3A_166] : memref<1000000x64xf32, #tpu.memory_space<hbm>> -> memref<1000000x64xf32, #tpu.memory_space<hbm>>
    tpu.wait_indirect_dma semaphore(%arg43 : memref<!tpu.dma_semaphore, #tpu.memory_space<semaphore_mem>>) src(%dma_wait3A_167 : memref<1000000x64xf32, #tpu.memory_space<hbm>>) dst(%arg30 : memref<128x64xf32, #tpu.memory_space<vmem>>)
    %dma_wait3A_168 = arith.constant 0 : i32
    %dma_wait3A_169 = arith.constant 0 : i32
    %dma_wait3A_170 = tpu.memref_slice %arg15[%dma_wait3A_168, %dma_wait3A_169] : memref<1000000x64xf32, #tpu.memory_space<hbm>> -> memref<1000000x64xf32, #tpu.memory_space<hbm>>
    tpu.wait_indirect_dma semaphore(%arg43 : memref<!tpu.dma_semaphore, #tpu.memory_space<semaphore_mem>>) src(%dma_wait3A_170 : memref<1000000x64xf32, #tpu.memory_space<hbm>>) dst(%arg31 : memref<128x64xf32, #tpu.memory_space<vmem>>)
    %broadcast_in_dim3A_171 = arith.constant 0.000000e+00 : f32
    %broadcast_in_dim3A_172 = vector.broadcast %broadcast_in_dim3A_171 : f32 to vector<16xf32>
    %scan3A_173 = arith.constant 0 : i32
    %scan3A_174 = arith.constant 0 : i32
    %scan3A_175 = arith.constant 8 : i32
    %scan3A_176 = arith.addi %scan3A_174, %scan3A_175 : i32
    %scan3A_177 = arith.constant 1 : i32
    %scan3A_178 = scf.for %scan3A_291 = %scan3A_174 to %scan3A_176 step %scan3A_177 iter_args(%scan3A_292 = %scan3A_173) -> (i32)  : i32 {
      %mul3A_293 = arith.constant 16 : i32
      %mul3A_294 = arith.muli %scan3A_291, %mul3A_293 : i32
      %add3A_295 = vector.broadcast %mul3A_294 : i32 to vector<16xi32>
      %add3A_296 = arith.addi %iota3A, %add3A_295 : vector<16xi32>
      %mul3A_297 = arith.constant 16 : i32
      %mul3A_298 = arith.muli %scan3A_291, %mul3A_297 : i32
      %get3A_299 = arith.index_cast %mul3A_298 : i32 to index
      %get3A_300 = tpu.vector_load %arg23[%get3A_299] {strides = array<i32>} : memref<128xi32, #tpu.memory_space<vmem>>, vector<16xi32>,
      %scan3A_301 = arith.constant 0 : i32
      %scan3A_302 = arith.constant 8 : i32
      %scan3A_303 = arith.addi %scan3A_301, %scan3A_302 : i32
      %scan3A_304 = arith.constant 1 : i32
      %scan3A_305:16 = scf.for %scan3A_350 = %scan3A_301 to %scan3A_303 step %scan3A_304 iter_args(%scan3A_351 = %broadcast_in_dim3A_172, %scan3A_352 = %broadcast_in_dim3A_172, %scan3A_353 = %broadcast_in_dim3A_172, %scan3A_354 = %broadcast_in_dim3A_172, %scan3A_355 = %broadcast_in_dim3A_172, %scan3A_356 = %broadcast_in_dim3A_172, %scan3A_357 = %broadcast_in_dim3A_172, %scan3A_358 = %broadcast_in_dim3A_172, %scan3A_359 = %broadcast_in_dim3A_172, %scan3A_360 = %broadcast_in_dim3A_172, %scan3A_361 = %broadcast_in_dim3A_172, %scan3A_362 = %broadcast_in_dim3A_172, %scan3A_363 = %broadcast_in_dim3A_172, %scan3A_364 = %broadcast_in_dim3A_172, %scan3A_365 = %broadcast_in_dim3A_172, %scan3A_366 = %broadcast_in_dim3A_172) -> (vector<16xf32>, vector<16xf32>, vector<16xf32>, vector<16xf32>, vector<16xf32>, vector<16xf32>, vector<16xf32>, vector<16xf32>, vector<16xf32>, vector<16xf32>, vector<16xf32>, vector<16xf32>, vector<16xf32>, vector<16xf32>, vector<16xf32>, vector<16xf32>)  : i32 {
        %mul3A_367 = arith.constant 8 : i32
        %mul3A_368 = arith.muli %scan3A_350, %mul3A_367 : i32
        %add3A_369 = arith.constant 0 : i32
        %add3A_370 = vector.broadcast %add3A_369 : i32 to vector<16xi32>
        %add3A_371 = arith.addi %add3A_370, %iota3A : vector<16xi32>
        %add3A_372 = vector.broadcast %mul3A_368 : i32 to vector<16xi32>
        %add3A_373 = arith.addi %add3A_372, %add3A_371 : vector<16xi32>
        %and3A = arith.constant 63 : i32
        %and3A_374 = vector.broadcast %and3A : i32 to vector<16xi32>
        %and3A_375 = arith.andi %add3A_373, %and3A_374 : vector<16xi32>
        %gather3A = tpu.vector_load_idx %arg30[%add3A_296, %and3A_375] : memref<128x64xf32, #tpu.memory_space<vmem>>[vector<16xi32>, vector<16xi32>], vector<16xf32>,
        %gather3A_376 = tpu.vector_load_idx %arg34[%get3A_300, %and3A_375] : memref<1000x64xf32, #tpu.memory_space<vmem>>[vector<16xi32>, vector<16xi32>], vector<16xf32>,
        %gather3A_377 = tpu.vector_load_idx %arg31[%add3A_296, %and3A_375] : memref<128x64xf32, #tpu.memory_space<vmem>>[vector<16xi32>, vector<16xi32>], vector<16xf32>,
        %mul3A_378 = arith.mulf %gather3A, %gather3A_377 : vector<16xf32>
        %mul3A_379 = arith.mulf %gather3A_376, %mul3A_378 : vector<16xf32>
        %add3A_380 = arith.addf %scan3A_351, %mul3A_379 : vector<16xf32>
        %mul3A_381 = arith.mulf %gather3A, %gather3A : vector<16xf32>
        %add3A_382 = arith.addf %scan3A_359, %mul3A_381 : vector<16xf32>
        %mul3A_383 = arith.mulf %gather3A_377, %gather3A_377 : vector<16xf32>
        %add3A_384 = arith.addf %add3A_382, %mul3A_383 : vector<16xf32>
        %mul3A_385 = arith.mulf %gather3A_376, %gather3A_376 : vector<16xf32>
        %add3A_386 = arith.addf %add3A_384, %mul3A_385 : vector<16xf32>
        %mul3A_387 = arith.constant 8 : i32
        %mul3A_388 = arith.muli %scan3A_350, %mul3A_387 : i32
        %add3A_389 = arith.constant 1 : i32
        %add3A_390 = vector.broadcast %add3A_389 : i32 to vector<16xi32>
        %add3A_391 = arith.addi %add3A_390, %iota3A : vector<16xi32>
        %add3A_392 = vector.broadcast %mul3A_388 : i32 to vector<16xi32>
        %add3A_393 = arith.addi %add3A_392, %add3A_391 : vector<16xi32>
        %and3A_394 = arith.constant 63 : i32
        %and3A_395 = vector.broadcast %and3A_394 : i32 to vector<16xi32>
        %and3A_396 = arith.andi %add3A_393, %and3A_395 : vector<16xi32>
        %gather3A_397 = tpu.vector_load_idx %arg30[%add3A_296, %and3A_396] : memref<128x64xf32, #tpu.memory_space<vmem>>[vector<16xi32>, vector<16xi32>], vector<16xf32>,
        %gather3A_398 = tpu.vector_load_idx %arg34[%get3A_300, %and3A_396] : memref<1000x64xf32, #tpu.memory_space<vmem>>[vector<16xi32>, vector<16xi32>], vector<16xf32>,
        %gather3A_399 = tpu.vector_load_idx %arg31[%add3A_296, %and3A_396] : memref<128x64xf32, #tpu.memory_space<vmem>>[vector<16xi32>, vector<16xi32>], vector<16xf32>,
        %mul3A_400 = arith.mulf %gather3A_397, %gather3A_399 : vector<16xf32>
        %mul3A_401 = arith.mulf %gather3A_398, %mul3A_400 : vector<16xf32>
        %add3A_402 = arith.addf %scan3A_352, %mul3A_401 : vector<16xf32>
        %mul3A_403 = arith.mulf %gather3A_397, %gather3A_397 : vector<16xf32>
        %add3A_404 = arith.addf %scan3A_360, %mul3A_403 : vector<16xf32>
        %mul3A_405 = arith.mulf %gather3A_399, %gather3A_399 : vector<16xf32>
        %add3A_406 = arith.addf %add3A_404, %mul3A_405 : vector<16xf32>
        %mul3A_407 = arith.mulf %gather3A_398, %gather3A_398 : vector<16xf32>
        %add3A_408 = arith.addf %add3A_406, %mul3A_407 : vector<16xf32>
        %mul3A_409 = arith.constant 8 : i32
        %mul3A_410 = arith.muli %scan3A_350, %mul3A_409 : i32
        %add3A_411 = arith.constant 2 : i32
        %add3A_412 = vector.broadcast %add3A_411 : i32 to vector<16xi32>
        %add3A_413 = arith.addi %add3A_412, %iota3A : vector<16xi32>
        %add3A_414 = vector.broadcast %mul3A_410 : i32 to vector<16xi32>
        %add3A_415 = arith.addi %add3A_414, %add3A_413 : vector<16xi32>
        %and3A_416 = arith.constant 63 : i32
        %and3A_417 = vector.broadcast %and3A_416 : i32 to vector<16xi32>
        %and3A_418 = arith.andi %add3A_415, %and3A_417 : vector<16xi32>
        %gather3A_419 = tpu.vector_load_idx %arg30[%add3A_296, %and3A_418] : memref<128x64xf32, #tpu.memory_space<vmem>>[vector<16xi32>, vector<16xi32>], vector<16xf32>,
        %gather3A_420 = tpu.vector_load_idx %arg34[%get3A_300, %and3A_418] : memref<1000x64xf32, #tpu.memory_space<vmem>>[vector<16xi32>, vector<16xi32>], vector<16xf32>,
        %gather3A_421 = tpu.vector_load_idx %arg31[%add3A_296, %and3A_418] : memref<128x64xf32, #tpu.memory_space<vmem>>[vector<16xi32>, vector<16xi32>], vector<16xf32>,
        %mul3A_422 = arith.mulf %gather3A_419, %gather3A_421 : vector<16xf32>
        %mul3A_423 = arith.mulf %gather3A_420, %mul3A_422 : vector<16xf32>
        %add3A_424 = arith.addf %scan3A_353, %mul3A_423 : vector<16xf32>
        %mul3A_425 = arith.mulf %gather3A_419, %gather3A_419 : vector<16xf32>
        %add3A_426 = arith.addf %scan3A_361, %mul3A_425 : vector<16xf32>
        %mul3A_427 = arith.mulf %gather3A_421, %gather3A_421 : vector<16xf32>
        %add3A_428 = arith.addf %add3A_426, %mul3A_427 : vector<16xf32>
        %mul3A_429 = arith.mulf %gather3A_420, %gather3A_420 : vector<16xf32>
        %add3A_430 = arith.addf %add3A_428, %mul3A_429 : vector<16xf32>
        %mul3A_431 = arith.constant 8 : i32
        %mul3A_432 = arith.muli %scan3A_350, %mul3A_431 : i32
        %add3A_433 = arith.constant 3 : i32
        %add3A_434 = vector.broadcast %add3A_433 : i32 to vector<16xi32>
        %add3A_435 = arith.addi %add3A_434, %iota3A : vector<16xi32>
        %add3A_436 = vector.broadcast %mul3A_432 : i32 to vector<16xi32>
        %add3A_437 = arith.addi %add3A_436, %add3A_435 : vector<16xi32>
        %and3A_438 = arith.constant 63 : i32
        %and3A_439 = vector.broadcast %and3A_438 : i32 to vector<16xi32>
        %and3A_440 = arith.andi %add3A_437, %and3A_439 : vector<16xi32>
        %gather3A_441 = tpu.vector_load_idx %arg30[%add3A_296, %and3A_440] : memref<128x64xf32, #tpu.memory_space<vmem>>[vector<16xi32>, vector<16xi32>], vector<16xf32>,
        %gather3A_442 = tpu.vector_load_idx %arg34[%get3A_300, %and3A_440] : memref<1000x64xf32, #tpu.memory_space<vmem>>[vector<16xi32>, vector<16xi32>], vector<16xf32>,
        %gather3A_443 = tpu.vector_load_idx %arg31[%add3A_296, %and3A_440] : memref<128x64xf32, #tpu.memory_space<vmem>>[vector<16xi32>, vector<16xi32>], vector<16xf32>,
        %mul3A_444 = arith.mulf %gather3A_441, %gather3A_443 : vector<16xf32>
        %mul3A_445 = arith.mulf %gather3A_442, %mul3A_444 : vector<16xf32>
        %add3A_446 = arith.addf %scan3A_354, %mul3A_445 : vector<16xf32>
        %mul3A_447 = arith.mulf %gather3A_441, %gather3A_441 : vector<16xf32>
        %add3A_448 = arith.addf %scan3A_362, %mul3A_447 : vector<16xf32>
        %mul3A_449 = arith.mulf %gather3A_443, %gather3A_443 : vector<16xf32>
        %add3A_450 = arith.addf %add3A_448, %mul3A_449 : vector<16xf32>
        %mul3A_451 = arith.mulf %gather3A_442, %gather3A_442 : vector<16xf32>
        %add3A_452 = arith.addf %add3A_450, %mul3A_451 : vector<16xf32>
        %mul3A_453 = arith.constant 8 : i32
        %mul3A_454 = arith.muli %scan3A_350, %mul3A_453 : i32
        %add3A_455 = arith.constant 4 : i32
        %add3A_456 = vector.broadcast %add3A_455 : i32 to vector<16xi32>
        %add3A_457 = arith.addi %add3A_456, %iota3A : vector<16xi32>
        %add3A_458 = vector.broadcast %mul3A_454 : i32 to vector<16xi32>
        %add3A_459 = arith.addi %add3A_458, %add3A_457 : vector<16xi32>
        %and3A_460 = arith.constant 63 : i32
        %and3A_461 = vector.broadcast %and3A_460 : i32 to vector<16xi32>
        %and3A_462 = arith.andi %add3A_459, %and3A_461 : vector<16xi32>
        %gather3A_463 = tpu.vector_load_idx %arg30[%add3A_296, %and3A_462] : memref<128x64xf32, #tpu.memory_space<vmem>>[vector<16xi32>, vector<16xi32>], vector<16xf32>,
        %gather3A_464 = tpu.vector_load_idx %arg34[%get3A_300, %and3A_462] : memref<1000x64xf32, #tpu.memory_space<vmem>>[vector<16xi32>, vector<16xi32>], vector<16xf32>,
        %gather3A_465 = tpu.vector_load_idx %arg31[%add3A_296, %and3A_462] : memref<128x64xf32, #tpu.memory_space<vmem>>[vector<16xi32>, vector<16xi32>], vector<16xf32>,
        %mul3A_466 = arith.mulf %gather3A_463, %gather3A_465 : vector<16xf32>
        %mul3A_467 = arith.mulf %gather3A_464, %mul3A_466 : vector<16xf32>
        %add3A_468 = arith.addf %scan3A_355, %mul3A_467 : vector<16xf32>
        %mul3A_469 = arith.mulf %gather3A_463, %gather3A_463 : vector<16xf32>
        %add3A_470 = arith.addf %scan3A_363, %mul3A_469 : vector<16xf32>
        %mul3A_471 = arith.mulf %gather3A_465, %gather3A_465 : vector<16xf32>
        %add3A_472 = arith.addf %add3A_470, %mul3A_471 : vector<16xf32>
        %mul3A_473 = arith.mulf %gather3A_464, %gather3A_464 : vector<16xf32>
        %add3A_474 = arith.addf %add3A_472, %mul3A_473 : vector<16xf32>
        %mul3A_475 = arith.constant 8 : i32
        %mul3A_476 = arith.muli %scan3A_350, %mul3A_475 : i32
        %add3A_477 = arith.constant 5 : i32
        %add3A_478 = vector.broadcast %add3A_477 : i32 to vector<16xi32>
        %add3A_479 = arith.addi %add3A_478, %iota3A : vector<16xi32>
        %add3A_480 = vector.broadcast %mul3A_476 : i32 to vector<16xi32>
        %add3A_481 = arith.addi %add3A_480, %add3A_479 : vector<16xi32>
        %and3A_482 = arith.constant 63 : i32
        %and3A_483 = vector.broadcast %and3A_482 : i32 to vector<16xi32>
        %and3A_484 = arith.andi %add3A_481, %and3A_483 : vector<16xi32>
        %gather3A_485 = tpu.vector_load_idx %arg30[%add3A_296, %and3A_484] : memref<128x64xf32, #tpu.memory_space<vmem>>[vector<16xi32>, vector<16xi32>], vector<16xf32>,
        %gather3A_486 = tpu.vector_load_idx %arg34[%get3A_300, %and3A_484] : memref<1000x64xf32, #tpu.memory_space<vmem>>[vector<16xi32>, vector<16xi32>], vector<16xf32>,
        %gather3A_487 = tpu.vector_load_idx %arg31[%add3A_296, %and3A_484] : memref<128x64xf32, #tpu.memory_space<vmem>>[vector<16xi32>, vector<16xi32>], vector<16xf32>,
        %mul3A_488 = arith.mulf %gather3A_485, %gather3A_487 : vector<16xf32>
        %mul3A_489 = arith.mulf %gather3A_486, %mul3A_488 : vector<16xf32>
        %add3A_490 = arith.addf %scan3A_356, %mul3A_489 : vector<16xf32>
        %mul3A_491 = arith.mulf %gather3A_485, %gather3A_485 : vector<16xf32>
        %add3A_492 = arith.addf %scan3A_364, %mul3A_491 : vector<16xf32>
        %mul3A_493 = arith.mulf %gather3A_487, %gather3A_487 : vector<16xf32>
        %add3A_494 = arith.addf %add3A_492, %mul3A_493 : vector<16xf32>
        %mul3A_495 = arith.mulf %gather3A_486, %gather3A_486 : vector<16xf32>
        %add3A_496 = arith.addf %add3A_494, %mul3A_495 : vector<16xf32>
        %mul3A_497 = arith.constant 8 : i32
        %mul3A_498 = arith.muli %scan3A_350, %mul3A_497 : i32
        %add3A_499 = arith.constant 6 : i32
        %add3A_500 = vector.broadcast %add3A_499 : i32 to vector<16xi32>
        %add3A_501 = arith.addi %add3A_500, %iota3A : vector<16xi32>
        %add3A_502 = vector.broadcast %mul3A_498 : i32 to vector<16xi32>
        %add3A_503 = arith.addi %add3A_502, %add3A_501 : vector<16xi32>
        %and3A_504 = arith.constant 63 : i32
        %and3A_505 = vector.broadcast %and3A_504 : i32 to vector<16xi32>
        %and3A_506 = arith.andi %add3A_503, %and3A_505 : vector<16xi32>
        %gather3A_507 = tpu.vector_load_idx %arg30[%add3A_296, %and3A_506] : memref<128x64xf32, #tpu.memory_space<vmem>>[vector<16xi32>, vector<16xi32>], vector<16xf32>,
        %gather3A_508 = tpu.vector_load_idx %arg34[%get3A_300, %and3A_506] : memref<1000x64xf32, #tpu.memory_space<vmem>>[vector<16xi32>, vector<16xi32>], vector<16xf32>,
        %gather3A_509 = tpu.vector_load_idx %arg31[%add3A_296, %and3A_506] : memref<128x64xf32, #tpu.memory_space<vmem>>[vector<16xi32>, vector<16xi32>], vector<16xf32>,
        %mul3A_510 = arith.mulf %gather3A_507, %gather3A_509 : vector<16xf32>
        %mul3A_511 = arith.mulf %gather3A_508, %mul3A_510 : vector<16xf32>
        %add3A_512 = arith.addf %scan3A_357, %mul3A_511 : vector<16xf32>
        %mul3A_513 = arith.mulf %gather3A_507, %gather3A_507 : vector<16xf32>
        %add3A_514 = arith.addf %scan3A_365, %mul3A_513 : vector<16xf32>
        %mul3A_515 = arith.mulf %gather3A_509, %gather3A_509 : vector<16xf32>
        %add3A_516 = arith.addf %add3A_514, %mul3A_515 : vector<16xf32>
        %mul3A_517 = arith.mulf %gather3A_508, %gather3A_508 : vector<16xf32>
        %add3A_518 = arith.addf %add3A_516, %mul3A_517 : vector<16xf32>
        %mul3A_519 = arith.constant 8 : i32
        %mul3A_520 = arith.muli %scan3A_350, %mul3A_519 : i32
        %add3A_521 = arith.constant 7 : i32
        %add3A_522 = vector.broadcast %add3A_521 : i32 to vector<16xi32>
        %add3A_523 = arith.addi %add3A_522, %iota3A : vector<16xi32>
        %add3A_524 = vector.broadcast %mul3A_520 : i32 to vector<16xi32>
        %add3A_525 = arith.addi %add3A_524, %add3A_523 : vector<16xi32>
        %and3A_526 = arith.constant 63 : i32
        %and3A_527 = vector.broadcast %and3A_526 : i32 to vector<16xi32>
        %and3A_528 = arith.andi %add3A_525, %and3A_527 : vector<16xi32>
        %gather3A_529 = tpu.vector_load_idx %arg30[%add3A_296, %and3A_528] : memref<128x64xf32, #tpu.memory_space<vmem>>[vector<16xi32>, vector<16xi32>], vector<16xf32>,
        %gather3A_530 = tpu.vector_load_idx %arg34[%get3A_300, %and3A_528] : memref<1000x64xf32, #tpu.memory_space<vmem>>[vector<16xi32>, vector<16xi32>], vector<16xf32>,
        %gather3A_531 = tpu.vector_load_idx %arg31[%add3A_296, %and3A_528] : memref<128x64xf32, #tpu.memory_space<vmem>>[vector<16xi32>, vector<16xi32>], vector<16xf32>,
        %mul3A_532 = arith.mulf %gather3A_529, %gather3A_531 : vector<16xf32>
        %mul3A_533 = arith.mulf %gather3A_530, %mul3A_532 : vector<16xf32>
        %add3A_534 = arith.addf %scan3A_358, %mul3A_533 : vector<16xf32>
        %mul3A_535 = arith.mulf %gather3A_529, %gather3A_529 : vector<16xf32>
        %add3A_536 = arith.addf %scan3A_366, %mul3A_535 : vector<16xf32>
        %mul3A_537 = arith.mulf %gather3A_531, %gather3A_531 : vector<16xf32>
        %add3A_538 = arith.addf %add3A_536, %mul3A_537 : vector<16xf32>
        %mul3A_539 = arith.mulf %gather3A_530, %gather3A_530 : vector<16xf32>
        %add3A_540 = arith.addf %add3A_538, %mul3A_539 : vector<16xf32>
        scf.yield %add3A_380, %add3A_402, %add3A_424, %add3A_446, %add3A_468, %add3A_490, %add3A_512, %add3A_534, %add3A_386, %add3A_408, %add3A_430, %add3A_452, %add3A_474, %add3A_496, %add3A_518, %add3A_540 : vector<16xf32>, vector<16xf32>, vector<16xf32>, vector<16xf32>, vector<16xf32>, vector<16xf32>, vector<16xf32>, vector<16xf32>, vector<16xf32>, vector<16xf32>, vector<16xf32>, vector<16xf32>, vector<16xf32>, vector<16xf32>, vector<16xf32>, vector<16xf32>
      }
      %scan3A_306 = arith.constant 8 : i32
      %add3A_307 = arith.addf %scan3A_305#0, %scan3A_305#1 : vector<16xf32>
      %add3A_308 = arith.addf %scan3A_305#2, %scan3A_305#3 : vector<16xf32>
      %add3A_309 = arith.addf %scan3A_305#4, %scan3A_305#5 : vector<16xf32>
      %add3A_310 = arith.addf %scan3A_305#6, %scan3A_305#7 : vector<16xf32>
      %add3A_311 = arith.addf %add3A_307, %add3A_308 : vector<16xf32>
      %add3A_312 = arith.addf %add3A_309, %add3A_310 : vector<16xf32>
      %add3A_313 = arith.addf %add3A_311, %add3A_312 : vector<16xf32>
      %add3A_314 = arith.addf %scan3A_305#8, %scan3A_305#9 : vector<16xf32>
      %add3A_315 = arith.addf %scan3A_305#10, %scan3A_305#11 : vector<16xf32>
      %add3A_316 = arith.addf %scan3A_305#12, %scan3A_305#13 : vector<16xf32>
      %add3A_317 = arith.addf %scan3A_305#14, %scan3A_305#15 : vector<16xf32>
      %add3A_318 = arith.addf %add3A_314, %add3A_315 : vector<16xf32>
      %add3A_319 = arith.addf %add3A_316, %add3A_317 : vector<16xf32>
      %add3A_320 = arith.addf %add3A_318, %add3A_319 : vector<16xf32>
      %mul3A_321 = arith.mulf %get3A_7, %add3A_313 : vector<16xf32>
      %add3A_322 = arith.addf %mul3A_321, %get3A_9 : vector<16xf32>
      %mul3A_323 = arith.constant 16 : i32
      %mul3A_324 = arith.muli %scan3A_291, %mul3A_323 : i32
      %add3A_325 = arith.constant 128 : i32
      %add3A_326 = arith.addi %add3A_325, %mul3A_324 : i32
      %get3A_327 = arith.index_cast %add3A_326 : i32 to index
      %get3A_328 = tpu.vector_load %arg35[%get3A_327] {strides = array<i32>} : memref<544xf32, #tpu.memory_space<vmem>>, vector<16xf32>,
      %neg3A = arith.constant 0.000000e+00 : f32
      %neg3A_329 = vector.broadcast %neg3A : f32 to vector<16xf32>
      %neg3A_330 = arith.subf %neg3A_329, %add3A_322 : vector<16xf32>
      %exp3A = math.exp %neg3A_330 : vector<16xf32>
      %add3A_331 = arith.constant 1.000000e+00 : f32
      %add3A_332 = vector.broadcast %add3A_331 : f32 to vector<16xf32>
      %add3A_333 = arith.addf %add3A_332, %exp3A : vector<16xf32>
      %div3A = arith.constant 1.000000e+00 : f32
      %div3A_334 = vector.broadcast %div3A : f32 to vector<16xf32>
      %div3A_335 = arith.divf %div3A_334, %add3A_333 : vector<16xf32>
      %sub3A = arith.subf %div3A_335, %get3A_328 : vector<16xf32>
      %mul3A_336 = arith.mulf %sub3A, %sub3A : vector<16xf32>
      %mul3A_337 = arith.constant 6.10351563E-5 : f32
      %mul3A_338 = vector.broadcast %mul3A_337 : f32 to vector<16xf32>
      %mul3A_339 = arith.mulf %mul3A_336, %mul3A_338 : vector<16xf32>
      %mul3A_340 = arith.constant 1.52587898E-8 : f32
      %mul3A_341 = vector.broadcast %mul3A_340 : f32 to vector<16xf32>
      %mul3A_342 = arith.mulf %add3A_320, %mul3A_341 : vector<16xf32>
      %add3A_343 = arith.addf %mul3A_339, %mul3A_342 : vector<16xf32>
      %get3A_344 = arith.constant 0 : index
      %get3A_345 = tpu.vector_load %arg36[%get3A_344] {strides = array<i32>} : memref<16xf32, #tpu.memory_space<vmem>>, vector<16xf32>,
      %add3A_346 = arith.addf %get3A_345, %add3A_343 : vector<16xf32>
      %swap3A_347 = arith.constant 0 : index
      %swap3A_348 = tpu.vector_load %arg36[%swap3A_347] {strides = array<i32>} : memref<16xf32, #tpu.memory_space<vmem>>, vector<16xf32>,
      tpu.vector_store %arg36[%swap3A_347], %add3A_346 {strides = array<i32>} : memref<16xf32, #tpu.memory_space<vmem>>, vector<16xf32>,
      %scan3A_349 = arith.constant 0 : i32
      scf.yield %scan3A_349 : i32
    }
    %scan3A_179 = arith.constant 8 : i32
    %dma_wait3A_180 = arith.constant 0 : i32
    %dma_wait3A_181 = arith.constant 0 : i32
    %dma_wait3A_182 = tpu.memref_slice %arg13[%dma_wait3A_180, %dma_wait3A_181] : memref<1000000x64xf32, #tpu.memory_space<hbm>> -> memref<1000000x64xf32, #tpu.memory_space<hbm>>
    tpu.wait_indirect_dma semaphore(%arg44 : memref<!tpu.dma_semaphore, #tpu.memory_space<semaphore_mem>>) src(%dma_wait3A_182 : memref<1000000x64xf32, #tpu.memory_space<hbm>>) dst(%arg32 : memref<128x64xf32, #tpu.memory_space<vmem>>)
    %dma_wait3A_183 = arith.constant 0 : i32
    %dma_wait3A_184 = arith.constant 0 : i32
    %dma_wait3A_185 = tpu.memref_slice %arg15[%dma_wait3A_183, %dma_wait3A_184] : memref<1000000x64xf32, #tpu.memory_space<hbm>> -> memref<1000000x64xf32, #tpu.memory_space<hbm>>
    tpu.wait_indirect_dma semaphore(%arg44 : memref<!tpu.dma_semaphore, #tpu.memory_space<semaphore_mem>>) src(%dma_wait3A_185 : memref<1000000x64xf32, #tpu.memory_space<hbm>>) dst(%arg33 : memref<128x64xf32, #tpu.memory_space<vmem>>)
    %broadcast_in_dim3A_186 = arith.constant 0.000000e+00 : f32
    %broadcast_in_dim3A_187 = vector.broadcast %broadcast_in_dim3A_186 : f32 to vector<16xf32>
    %scan3A_188 = arith.constant 0 : i32
    %scan3A_189 = arith.constant 0 : i32
    %scan3A_190 = arith.constant 8 : i32
    %scan3A_191 = arith.addi %scan3A_189, %scan3A_190 : i32
    %scan3A_192 = arith.constant 1 : i32
    %scan3A_193 = scf.for %scan3A_291 = %scan3A_189 to %scan3A_191 step %scan3A_192 iter_args(%scan3A_292 = %scan3A_188) -> (i32)  : i32 {
      %mul3A_293 = arith.constant 16 : i32
      %mul3A_294 = arith.muli %scan3A_291, %mul3A_293 : i32
      %add3A_295 = vector.broadcast %mul3A_294 : i32 to vector<16xi32>
      %add3A_296 = arith.addi %iota3A, %add3A_295 : vector<16xi32>
      %mul3A_297 = arith.constant 16 : i32
      %mul3A_298 = arith.muli %scan3A_291, %mul3A_297 : i32
      %get3A_299 = arith.index_cast %mul3A_298 : i32 to index
      %get3A_300 = tpu.vector_load %arg26[%get3A_299] {strides = array<i32>} : memref<128xi32, #tpu.memory_space<vmem>>, vector<16xi32>,
      %scan3A_301 = arith.constant 0 : i32
      %scan3A_302 = arith.constant 8 : i32
      %scan3A_303 = arith.addi %scan3A_301, %scan3A_302 : i32
      %scan3A_304 = arith.constant 1 : i32
      %scan3A_305:16 = scf.for %scan3A_350 = %scan3A_301 to %scan3A_303 step %scan3A_304 iter_args(%scan3A_351 = %broadcast_in_dim3A_187, %scan3A_352 = %broadcast_in_dim3A_187, %scan3A_353 = %broadcast_in_dim3A_187, %scan3A_354 = %broadcast_in_dim3A_187, %scan3A_355 = %broadcast_in_dim3A_187, %scan3A_356 = %broadcast_in_dim3A_187, %scan3A_357 = %broadcast_in_dim3A_187, %scan3A_358 = %broadcast_in_dim3A_187, %scan3A_359 = %broadcast_in_dim3A_187, %scan3A_360 = %broadcast_in_dim3A_187, %scan3A_361 = %broadcast_in_dim3A_187, %scan3A_362 = %broadcast_in_dim3A_187, %scan3A_363 = %broadcast_in_dim3A_187, %scan3A_364 = %broadcast_in_dim3A_187, %scan3A_365 = %broadcast_in_dim3A_187, %scan3A_366 = %broadcast_in_dim3A_187) -> (vector<16xf32>, vector<16xf32>, vector<16xf32>, vector<16xf32>, vector<16xf32>, vector<16xf32>, vector<16xf32>, vector<16xf32>, vector<16xf32>, vector<16xf32>, vector<16xf32>, vector<16xf32>, vector<16xf32>, vector<16xf32>, vector<16xf32>, vector<16xf32>)  : i32 {
        %mul3A_367 = arith.constant 8 : i32
        %mul3A_368 = arith.muli %scan3A_350, %mul3A_367 : i32
        %add3A_369 = arith.constant 0 : i32
        %add3A_370 = vector.broadcast %add3A_369 : i32 to vector<16xi32>
        %add3A_371 = arith.addi %add3A_370, %iota3A : vector<16xi32>
        %add3A_372 = vector.broadcast %mul3A_368 : i32 to vector<16xi32>
        %add3A_373 = arith.addi %add3A_372, %add3A_371 : vector<16xi32>
        %and3A = arith.constant 63 : i32
        %and3A_374 = vector.broadcast %and3A : i32 to vector<16xi32>
        %and3A_375 = arith.andi %add3A_373, %and3A_374 : vector<16xi32>
        %gather3A = tpu.vector_load_idx %arg32[%add3A_296, %and3A_375] : memref<128x64xf32, #tpu.memory_space<vmem>>[vector<16xi32>, vector<16xi32>], vector<16xf32>,
        %gather3A_376 = tpu.vector_load_idx %arg34[%get3A_300, %and3A_375] : memref<1000x64xf32, #tpu.memory_space<vmem>>[vector<16xi32>, vector<16xi32>], vector<16xf32>,
        %gather3A_377 = tpu.vector_load_idx %arg33[%add3A_296, %and3A_375] : memref<128x64xf32, #tpu.memory_space<vmem>>[vector<16xi32>, vector<16xi32>], vector<16xf32>,
        %mul3A_378 = arith.mulf %gather3A, %gather3A_377 : vector<16xf32>
        %mul3A_379 = arith.mulf %gather3A_376, %mul3A_378 : vector<16xf32>
        %add3A_380 = arith.addf %scan3A_351, %mul3A_379 : vector<16xf32>
        %mul3A_381 = arith.mulf %gather3A, %gather3A : vector<16xf32>
        %add3A_382 = arith.addf %scan3A_359, %mul3A_381 : vector<16xf32>
        %mul3A_383 = arith.mulf %gather3A_377, %gather3A_377 : vector<16xf32>
        %add3A_384 = arith.addf %add3A_382, %mul3A_383 : vector<16xf32>
        %mul3A_385 = arith.mulf %gather3A_376, %gather3A_376 : vector<16xf32>
        %add3A_386 = arith.addf %add3A_384, %mul3A_385 : vector<16xf32>
        %mul3A_387 = arith.constant 8 : i32
        %mul3A_388 = arith.muli %scan3A_350, %mul3A_387 : i32
        %add3A_389 = arith.constant 1 : i32
        %add3A_390 = vector.broadcast %add3A_389 : i32 to vector<16xi32>
        %add3A_391 = arith.addi %add3A_390, %iota3A : vector<16xi32>
        %add3A_392 = vector.broadcast %mul3A_388 : i32 to vector<16xi32>
        %add3A_393 = arith.addi %add3A_392, %add3A_391 : vector<16xi32>
        %and3A_394 = arith.constant 63 : i32
        %and3A_395 = vector.broadcast %and3A_394 : i32 to vector<16xi32>
        %and3A_396 = arith.andi %add3A_393, %and3A_395 : vector<16xi32>
        %gather3A_397 = tpu.vector_load_idx %arg32[%add3A_296, %and3A_396] : memref<128x64xf32, #tpu.memory_space<vmem>>[vector<16xi32>, vector<16xi32>], vector<16xf32>,
        %gather3A_398 = tpu.vector_load_idx %arg34[%get3A_300, %and3A_396] : memref<1000x64xf32, #tpu.memory_space<vmem>>[vector<16xi32>, vector<16xi32>], vector<16xf32>,
        %gather3A_399 = tpu.vector_load_idx %arg33[%add3A_296, %and3A_396] : memref<128x64xf32, #tpu.memory_space<vmem>>[vector<16xi32>, vector<16xi32>], vector<16xf32>,
        %mul3A_400 = arith.mulf %gather3A_397, %gather3A_399 : vector<16xf32>
        %mul3A_401 = arith.mulf %gather3A_398, %mul3A_400 : vector<16xf32>
        %add3A_402 = arith.addf %scan3A_352, %mul3A_401 : vector<16xf32>
        %mul3A_403 = arith.mulf %gather3A_397, %gather3A_397 : vector<16xf32>
        %add3A_404 = arith.addf %scan3A_360, %mul3A_403 : vector<16xf32>
        %mul3A_405 = arith.mulf %gather3A_399, %gather3A_399 : vector<16xf32>
        %add3A_406 = arith.addf %add3A_404, %mul3A_405 : vector<16xf32>
        %mul3A_407 = arith.mulf %gather3A_398, %gather3A_398 : vector<16xf32>
        %add3A_408 = arith.addf %add3A_406, %mul3A_407 : vector<16xf32>
        %mul3A_409 = arith.constant 8 : i32
        %mul3A_410 = arith.muli %scan3A_350, %mul3A_409 : i32
        %add3A_411 = arith.constant 2 : i32
        %add3A_412 = vector.broadcast %add3A_411 : i32 to vector<16xi32>
        %add3A_413 = arith.addi %add3A_412, %iota3A : vector<16xi32>
        %add3A_414 = vector.broadcast %mul3A_410 : i32 to vector<16xi32>
        %add3A_415 = arith.addi %add3A_414, %add3A_413 : vector<16xi32>
        %and3A_416 = arith.constant 63 : i32
        %and3A_417 = vector.broadcast %and3A_416 : i32 to vector<16xi32>
        %and3A_418 = arith.andi %add3A_415, %and3A_417 : vector<16xi32>
        %gather3A_419 = tpu.vector_load_idx %arg32[%add3A_296, %and3A_418] : memref<128x64xf32, #tpu.memory_space<vmem>>[vector<16xi32>, vector<16xi32>], vector<16xf32>,
        %gather3A_420 = tpu.vector_load_idx %arg34[%get3A_300, %and3A_418] : memref<1000x64xf32, #tpu.memory_space<vmem>>[vector<16xi32>, vector<16xi32>], vector<16xf32>,
        %gather3A_421 = tpu.vector_load_idx %arg33[%add3A_296, %and3A_418] : memref<128x64xf32, #tpu.memory_space<vmem>>[vector<16xi32>, vector<16xi32>], vector<16xf32>,
        %mul3A_422 = arith.mulf %gather3A_419, %gather3A_421 : vector<16xf32>
        %mul3A_423 = arith.mulf %gather3A_420, %mul3A_422 : vector<16xf32>
        %add3A_424 = arith.addf %scan3A_353, %mul3A_423 : vector<16xf32>
        %mul3A_425 = arith.mulf %gather3A_419, %gather3A_419 : vector<16xf32>
        %add3A_426 = arith.addf %scan3A_361, %mul3A_425 : vector<16xf32>
        %mul3A_427 = arith.mulf %gather3A_421, %gather3A_421 : vector<16xf32>
        %add3A_428 = arith.addf %add3A_426, %mul3A_427 : vector<16xf32>
        %mul3A_429 = arith.mulf %gather3A_420, %gather3A_420 : vector<16xf32>
        %add3A_430 = arith.addf %add3A_428, %mul3A_429 : vector<16xf32>
        %mul3A_431 = arith.constant 8 : i32
        %mul3A_432 = arith.muli %scan3A_350, %mul3A_431 : i32
        %add3A_433 = arith.constant 3 : i32
        %add3A_434 = vector.broadcast %add3A_433 : i32 to vector<16xi32>
        %add3A_435 = arith.addi %add3A_434, %iota3A : vector<16xi32>
        %add3A_436 = vector.broadcast %mul3A_432 : i32 to vector<16xi32>
        %add3A_437 = arith.addi %add3A_436, %add3A_435 : vector<16xi32>
        %and3A_438 = arith.constant 63 : i32
        %and3A_439 = vector.broadcast %and3A_438 : i32 to vector<16xi32>
        %and3A_440 = arith.andi %add3A_437, %and3A_439 : vector<16xi32>
        %gather3A_441 = tpu.vector_load_idx %arg32[%add3A_296, %and3A_440] : memref<128x64xf32, #tpu.memory_space<vmem>>[vector<16xi32>, vector<16xi32>], vector<16xf32>,
        %gather3A_442 = tpu.vector_load_idx %arg34[%get3A_300, %and3A_440] : memref<1000x64xf32, #tpu.memory_space<vmem>>[vector<16xi32>, vector<16xi32>], vector<16xf32>,
        %gather3A_443 = tpu.vector_load_idx %arg33[%add3A_296, %and3A_440] : memref<128x64xf32, #tpu.memory_space<vmem>>[vector<16xi32>, vector<16xi32>], vector<16xf32>,
        %mul3A_444 = arith.mulf %gather3A_441, %gather3A_443 : vector<16xf32>
        %mul3A_445 = arith.mulf %gather3A_442, %mul3A_444 : vector<16xf32>
        %add3A_446 = arith.addf %scan3A_354, %mul3A_445 : vector<16xf32>
        %mul3A_447 = arith.mulf %gather3A_441, %gather3A_441 : vector<16xf32>
        %add3A_448 = arith.addf %scan3A_362, %mul3A_447 : vector<16xf32>
        %mul3A_449 = arith.mulf %gather3A_443, %gather3A_443 : vector<16xf32>
        %add3A_450 = arith.addf %add3A_448, %mul3A_449 : vector<16xf32>
        %mul3A_451 = arith.mulf %gather3A_442, %gather3A_442 : vector<16xf32>
        %add3A_452 = arith.addf %add3A_450, %mul3A_451 : vector<16xf32>
        %mul3A_453 = arith.constant 8 : i32
        %mul3A_454 = arith.muli %scan3A_350, %mul3A_453 : i32
        %add3A_455 = arith.constant 4 : i32
        %add3A_456 = vector.broadcast %add3A_455 : i32 to vector<16xi32>
        %add3A_457 = arith.addi %add3A_456, %iota3A : vector<16xi32>
        %add3A_458 = vector.broadcast %mul3A_454 : i32 to vector<16xi32>
        %add3A_459 = arith.addi %add3A_458, %add3A_457 : vector<16xi32>
        %and3A_460 = arith.constant 63 : i32
        %and3A_461 = vector.broadcast %and3A_460 : i32 to vector<16xi32>
        %and3A_462 = arith.andi %add3A_459, %and3A_461 : vector<16xi32>
        %gather3A_463 = tpu.vector_load_idx %arg32[%add3A_296, %and3A_462] : memref<128x64xf32, #tpu.memory_space<vmem>>[vector<16xi32>, vector<16xi32>], vector<16xf32>,
        %gather3A_464 = tpu.vector_load_idx %arg34[%get3A_300, %and3A_462] : memref<1000x64xf32, #tpu.memory_space<vmem>>[vector<16xi32>, vector<16xi32>], vector<16xf32>,
        %gather3A_465 = tpu.vector_load_idx %arg33[%add3A_296, %and3A_462] : memref<128x64xf32, #tpu.memory_space<vmem>>[vector<16xi32>, vector<16xi32>], vector<16xf32>,
        %mul3A_466 = arith.mulf %gather3A_463, %gather3A_465 : vector<16xf32>
        %mul3A_467 = arith.mulf %gather3A_464, %mul3A_466 : vector<16xf32>
        %add3A_468 = arith.addf %scan3A_355, %mul3A_467 : vector<16xf32>
        %mul3A_469 = arith.mulf %gather3A_463, %gather3A_463 : vector<16xf32>
        %add3A_470 = arith.addf %scan3A_363, %mul3A_469 : vector<16xf32>
        %mul3A_471 = arith.mulf %gather3A_465, %gather3A_465 : vector<16xf32>
        %add3A_472 = arith.addf %add3A_470, %mul3A_471 : vector<16xf32>
        %mul3A_473 = arith.mulf %gather3A_464, %gather3A_464 : vector<16xf32>
        %add3A_474 = arith.addf %add3A_472, %mul3A_473 : vector<16xf32>
        %mul3A_475 = arith.constant 8 : i32
        %mul3A_476 = arith.muli %scan3A_350, %mul3A_475 : i32
        %add3A_477 = arith.constant 5 : i32
        %add3A_478 = vector.broadcast %add3A_477 : i32 to vector<16xi32>
        %add3A_479 = arith.addi %add3A_478, %iota3A : vector<16xi32>
        %add3A_480 = vector.broadcast %mul3A_476 : i32 to vector<16xi32>
        %add3A_481 = arith.addi %add3A_480, %add3A_479 : vector<16xi32>
        %and3A_482 = arith.constant 63 : i32
        %and3A_483 = vector.broadcast %and3A_482 : i32 to vector<16xi32>
        %and3A_484 = arith.andi %add3A_481, %and3A_483 : vector<16xi32>
        %gather3A_485 = tpu.vector_load_idx %arg32[%add3A_296, %and3A_484] : memref<128x64xf32, #tpu.memory_space<vmem>>[vector<16xi32>, vector<16xi32>], vector<16xf32>,
        %gather3A_486 = tpu.vector_load_idx %arg34[%get3A_300, %and3A_484] : memref<1000x64xf32, #tpu.memory_space<vmem>>[vector<16xi32>, vector<16xi32>], vector<16xf32>,
        %gather3A_487 = tpu.vector_load_idx %arg33[%add3A_296, %and3A_484] : memref<128x64xf32, #tpu.memory_space<vmem>>[vector<16xi32>, vector<16xi32>], vector<16xf32>,
        %mul3A_488 = arith.mulf %gather3A_485, %gather3A_487 : vector<16xf32>
        %mul3A_489 = arith.mulf %gather3A_486, %mul3A_488 : vector<16xf32>
        %add3A_490 = arith.addf %scan3A_356, %mul3A_489 : vector<16xf32>
        %mul3A_491 = arith.mulf %gather3A_485, %gather3A_485 : vector<16xf32>
        %add3A_492 = arith.addf %scan3A_364, %mul3A_491 : vector<16xf32>
        %mul3A_493 = arith.mulf %gather3A_487, %gather3A_487 : vector<16xf32>
        %add3A_494 = arith.addf %add3A_492, %mul3A_493 : vector<16xf32>
        %mul3A_495 = arith.mulf %gather3A_486, %gather3A_486 : vector<16xf32>
        %add3A_496 = arith.addf %add3A_494, %mul3A_495 : vector<16xf32>
        %mul3A_497 = arith.constant 8 : i32
        %mul3A_498 = arith.muli %scan3A_350, %mul3A_497 : i32
        %add3A_499 = arith.constant 6 : i32
        %add3A_500 = vector.broadcast %add3A_499 : i32 to vector<16xi32>
        %add3A_501 = arith.addi %add3A_500, %iota3A : vector<16xi32>
        %add3A_502 = vector.broadcast %mul3A_498 : i32 to vector<16xi32>
        %add3A_503 = arith.addi %add3A_502, %add3A_501 : vector<16xi32>
        %and3A_504 = arith.constant 63 : i32
        %and3A_505 = vector.broadcast %and3A_504 : i32 to vector<16xi32>
        %and3A_506 = arith.andi %add3A_503, %and3A_505 : vector<16xi32>
        %gather3A_507 = tpu.vector_load_idx %arg32[%add3A_296, %and3A_506] : memref<128x64xf32, #tpu.memory_space<vmem>>[vector<16xi32>, vector<16xi32>], vector<16xf32>,
        %gather3A_508 = tpu.vector_load_idx %arg34[%get3A_300, %and3A_506] : memref<1000x64xf32, #tpu.memory_space<vmem>>[vector<16xi32>, vector<16xi32>], vector<16xf32>,
        %gather3A_509 = tpu.vector_load_idx %arg33[%add3A_296, %and3A_506] : memref<128x64xf32, #tpu.memory_space<vmem>>[vector<16xi32>, vector<16xi32>], vector<16xf32>,
        %mul3A_510 = arith.mulf %gather3A_507, %gather3A_509 : vector<16xf32>
        %mul3A_511 = arith.mulf %gather3A_508, %mul3A_510 : vector<16xf32>
        %add3A_512 = arith.addf %scan3A_357, %mul3A_511 : vector<16xf32>
        %mul3A_513 = arith.mulf %gather3A_507, %gather3A_507 : vector<16xf32>
        %add3A_514 = arith.addf %scan3A_365, %mul3A_513 : vector<16xf32>
        %mul3A_515 = arith.mulf %gather3A_509, %gather3A_509 : vector<16xf32>
        %add3A_516 = arith.addf %add3A_514, %mul3A_515 : vector<16xf32>
        %mul3A_517 = arith.mulf %gather3A_508, %gather3A_508 : vector<16xf32>
        %add3A_518 = arith.addf %add3A_516, %mul3A_517 : vector<16xf32>
        %mul3A_519 = arith.constant 8 : i32
        %mul3A_520 = arith.muli %scan3A_350, %mul3A_519 : i32
        %add3A_521 = arith.constant 7 : i32
        %add3A_522 = vector.broadcast %add3A_521 : i32 to vector<16xi32>
        %add3A_523 = arith.addi %add3A_522, %iota3A : vector<16xi32>
        %add3A_524 = vector.broadcast %mul3A_520 : i32 to vector<16xi32>
        %add3A_525 = arith.addi %add3A_524, %add3A_523 : vector<16xi32>
        %and3A_526 = arith.constant 63 : i32
        %and3A_527 = vector.broadcast %and3A_526 : i32 to vector<16xi32>
        %and3A_528 = arith.andi %add3A_525, %and3A_527 : vector<16xi32>
        %gather3A_529 = tpu.vector_load_idx %arg32[%add3A_296, %and3A_528] : memref<128x64xf32, #tpu.memory_space<vmem>>[vector<16xi32>, vector<16xi32>], vector<16xf32>,
        %gather3A_530 = tpu.vector_load_idx %arg34[%get3A_300, %and3A_528] : memref<1000x64xf32, #tpu.memory_space<vmem>>[vector<16xi32>, vector<16xi32>], vector<16xf32>,
        %gather3A_531 = tpu.vector_load_idx %arg33[%add3A_296, %and3A_528] : memref<128x64xf32, #tpu.memory_space<vmem>>[vector<16xi32>, vector<16xi32>], vector<16xf32>,
        %mul3A_532 = arith.mulf %gather3A_529, %gather3A_531 : vector<16xf32>
        %mul3A_533 = arith.mulf %gather3A_530, %mul3A_532 : vector<16xf32>
        %add3A_534 = arith.addf %scan3A_358, %mul3A_533 : vector<16xf32>
        %mul3A_535 = arith.mulf %gather3A_529, %gather3A_529 : vector<16xf32>
        %add3A_536 = arith.addf %scan3A_366, %mul3A_535 : vector<16xf32>
        %mul3A_537 = arith.mulf %gather3A_531, %gather3A_531 : vector<16xf32>
        %add3A_538 = arith.addf %add3A_536, %mul3A_537 : vector<16xf32>
        %mul3A_539 = arith.mulf %gather3A_530, %gather3A_530 : vector<16xf32>
        %add3A_540 = arith.addf %add3A_538, %mul3A_539 : vector<16xf32>
        scf.yield %add3A_380, %add3A_402, %add3A_424, %add3A_446, %add3A_468, %add3A_490, %add3A_512, %add3A_534, %add3A_386, %add3A_408, %add3A_430, %add3A_452, %add3A_474, %add3A_496, %add3A_518, %add3A_540 : vector<16xf32>, vector<16xf32>, vector<16xf32>, vector<16xf32>, vector<16xf32>, vector<16xf32>, vector<16xf32>, vector<16xf32>, vector<16xf32>, vector<16xf32>, vector<16xf32>, vector<16xf32>, vector<16xf32>, vector<16xf32>, vector<16xf32>, vector<16xf32>
      }
      %scan3A_306 = arith.constant 8 : i32
      %add3A_307 = arith.addf %scan3A_305#0, %scan3A_305#1 : vector<16xf32>
      %add3A_308 = arith.addf %scan3A_305#2, %scan3A_305#3 : vector<16xf32>
      %add3A_309 = arith.addf %scan3A_305#4, %scan3A_305#5 : vector<16xf32>
      %add3A_310 = arith.addf %scan3A_305#6, %scan3A_305#7 : vector<16xf32>
      %add3A_311 = arith.addf %add3A_307, %add3A_308 : vector<16xf32>
      %add3A_312 = arith.addf %add3A_309, %add3A_310 : vector<16xf32>
      %add3A_313 = arith.addf %add3A_311, %add3A_312 : vector<16xf32>
      %add3A_314 = arith.addf %scan3A_305#8, %scan3A_305#9 : vector<16xf32>
      %add3A_315 = arith.addf %scan3A_305#10, %scan3A_305#11 : vector<16xf32>
      %add3A_316 = arith.addf %scan3A_305#12, %scan3A_305#13 : vector<16xf32>
      %add3A_317 = arith.addf %scan3A_305#14, %scan3A_305#15 : vector<16xf32>
      %add3A_318 = arith.addf %add3A_314, %add3A_315 : vector<16xf32>
      %add3A_319 = arith.addf %add3A_316, %add3A_317 : vector<16xf32>
      %add3A_320 = arith.addf %add3A_318, %add3A_319 : vector<16xf32>
      %mul3A_321 = arith.mulf %get3A_7, %add3A_313 : vector<16xf32>
      %add3A_322 = arith.addf %mul3A_321, %get3A_9 : vector<16xf32>
      %mul3A_323 = arith.constant 16 : i32
      %mul3A_324 = arith.muli %scan3A_291, %mul3A_323 : i32
      %add3A_325 = arith.constant 256 : i32
      %add3A_326 = arith.addi %add3A_325, %mul3A_324 : i32
      %get3A_327 = arith.index_cast %add3A_326 : i32 to index
      %get3A_328 = tpu.vector_load %arg35[%get3A_327] {strides = array<i32>} : memref<544xf32, #tpu.memory_space<vmem>>, vector<16xf32>,
      %neg3A = arith.constant 0.000000e+00 : f32
      %neg3A_329 = vector.broadcast %neg3A : f32 to vector<16xf32>
      %neg3A_330 = arith.subf %neg3A_329, %add3A_322 : vector<16xf32>
      %exp3A = math.exp %neg3A_330 : vector<16xf32>
      %add3A_331 = arith.constant 1.000000e+00 : f32
      %add3A_332 = vector.broadcast %add3A_331 : f32 to vector<16xf32>
      %add3A_333 = arith.addf %add3A_332, %exp3A : vector<16xf32>
      %div3A = arith.constant 1.000000e+00 : f32
      %div3A_334 = vector.broadcast %div3A : f32 to vector<16xf32>
      %div3A_335 = arith.divf %div3A_334, %add3A_333 : vector<16xf32>
      %sub3A = arith.subf %div3A_335, %get3A_328 : vector<16xf32>
      %mul3A_336 = arith.mulf %sub3A, %sub3A : vector<16xf32>
      %mul3A_337 = arith.constant 6.10351563E-5 : f32
      %mul3A_338 = vector.broadcast %mul3A_337 : f32 to vector<16xf32>
      %mul3A_339 = arith.mulf %mul3A_336, %mul3A_338 : vector<16xf32>
      %mul3A_340 = arith.constant 1.52587898E-8 : f32
      %mul3A_341 = vector.broadcast %mul3A_340 : f32 to vector<16xf32>
      %mul3A_342 = arith.mulf %add3A_320, %mul3A_341 : vector<16xf32>
      %add3A_343 = arith.addf %mul3A_339, %mul3A_342 : vector<16xf32>
      %get3A_344 = arith.constant 0 : index
      %get3A_345 = tpu.vector_load %arg36[%get3A_344] {strides = array<i32>} : memref<16xf32, #tpu.memory_space<vmem>>, vector<16xf32>,
      %add3A_346 = arith.addf %get3A_345, %add3A_343 : vector<16xf32>
      %swap3A_347 = arith.constant 0 : index
      %swap3A_348 = tpu.vector_load %arg36[%swap3A_347] {strides = array<i32>} : memref<16xf32, #tpu.memory_space<vmem>>, vector<16xf32>,
      tpu.vector_store %arg36[%swap3A_347], %add3A_346 {strides = array<i32>} : memref<16xf32, #tpu.memory_space<vmem>>, vector<16xf32>,
      %scan3A_349 = arith.constant 0 : i32
      scf.yield %scan3A_349 : i32
    }
    %scan3A_194 = arith.constant 8 : i32
    %add3A_195 = arith.constant 384 : i32
    %add3A_196 = arith.addi %mul3A_89, %add3A_195 : i32
    %dma_start3A_197 = tpu.memref_slice %arg2[%add3A_196] : memref<16384xi32, #tpu.memory_space<hbm>> -> memref<128xi32, #tpu.memory_space<hbm>>
    %dma_start3A_198 = tpu.memref_slice %arg2[%add3A_196] : memref<16384xi32, #tpu.memory_space<hbm>> -> memref<128xi32, #tpu.memory_space<hbm>>
    tpu.enqueue_dma source(%dma_start3A_198 : memref<128xi32, #tpu.memory_space<hbm>>) target(%arg19 : memref<128xi32, #tpu.memory_space<vmem>>) target_semaphore(%arg39 : memref<!tpu.dma_semaphore, #tpu.memory_space<semaphore_mem>>)
    %dma_start3A_199 = tpu.memref_slice %arg3[%add3A_196] : memref<16384xi32, #tpu.memory_space<hbm>> -> memref<128xi32, #tpu.memory_space<hbm>>
    %dma_start3A_200 = tpu.memref_slice %arg3[%add3A_196] : memref<16384xi32, #tpu.memory_space<hbm>> -> memref<128xi32, #tpu.memory_space<hbm>>
    tpu.enqueue_dma source(%dma_start3A_200 : memref<128xi32, #tpu.memory_space<hbm>>) target(%arg20 : memref<128xi32, #tpu.memory_space<vmem>>) target_semaphore(%arg39 : memref<!tpu.dma_semaphore, #tpu.memory_space<semaphore_mem>>)
    %dma_start3A_201 = tpu.memref_slice %arg4[%add3A_196] : memref<16384xi32, #tpu.memory_space<hbm>> -> memref<128xi32, #tpu.memory_space<hbm>>
    %dma_start3A_202 = tpu.memref_slice %arg4[%add3A_196] : memref<16384xi32, #tpu.memory_space<hbm>> -> memref<128xi32, #tpu.memory_space<hbm>>
    tpu.enqueue_dma source(%dma_start3A_202 : memref<128xi32, #tpu.memory_space<hbm>>) target(%arg21 : memref<128xi32, #tpu.memory_space<vmem>>) target_semaphore(%arg39 : memref<!tpu.dma_semaphore, #tpu.memory_space<semaphore_mem>>)
    %dma_wait3A_203 = tpu.memref_slice %arg2[%add3A_196] : memref<16384xi32, #tpu.memory_space<hbm>> -> memref<128xi32, #tpu.memory_space<hbm>>
    %dma_wait3A_204 = tpu.memref_slice %arg2[%add3A_196] : memref<16384xi32, #tpu.memory_space<hbm>> -> memref<128xi32, #tpu.memory_space<hbm>>
    tpu.wait_dma2 semaphore(%arg39 : memref<!tpu.dma_semaphore, #tpu.memory_space<semaphore_mem>>) src(%dma_wait3A_204 : memref<128xi32, #tpu.memory_space<hbm>>) dst(%arg19 : memref<128xi32, #tpu.memory_space<vmem>>)
    %dma_wait3A_205 = tpu.memref_slice %arg3[%add3A_196] : memref<16384xi32, #tpu.memory_space<hbm>> -> memref<128xi32, #tpu.memory_space<hbm>>
    %dma_wait3A_206 = tpu.memref_slice %arg3[%add3A_196] : memref<16384xi32, #tpu.memory_space<hbm>> -> memref<128xi32, #tpu.memory_space<hbm>>
    tpu.wait_dma2 semaphore(%arg39 : memref<!tpu.dma_semaphore, #tpu.memory_space<semaphore_mem>>) src(%dma_wait3A_206 : memref<128xi32, #tpu.memory_space<hbm>>) dst(%arg20 : memref<128xi32, #tpu.memory_space<vmem>>)
    %dma_wait3A_207 = tpu.memref_slice %arg4[%add3A_196] : memref<16384xi32, #tpu.memory_space<hbm>> -> memref<128xi32, #tpu.memory_space<hbm>>
    %dma_wait3A_208 = tpu.memref_slice %arg4[%add3A_196] : memref<16384xi32, #tpu.memory_space<hbm>> -> memref<128xi32, #tpu.memory_space<hbm>>
    tpu.wait_dma2 semaphore(%arg39 : memref<!tpu.dma_semaphore, #tpu.memory_space<semaphore_mem>>) src(%dma_wait3A_208 : memref<128xi32, #tpu.memory_space<hbm>>) dst(%arg21 : memref<128xi32, #tpu.memory_space<vmem>>)
    %dma_start3A_209 = arith.constant 0 : i32
    %dma_start3A_210 = arith.constant 0 : i32
    %dma_start3A_211 = tpu.memref_slice %arg13[%dma_start3A_209, %dma_start3A_210] : memref<1000000x64xf32, #tpu.memory_space<hbm>> -> memref<1000000x64xf32, #tpu.memory_space<hbm>>
    tpu.enqueue_indirect_dma source(%dma_start3A_211 : memref<1000000x64xf32, #tpu.memory_space<hbm>>) target(%arg28 : memref<128x64xf32, #tpu.memory_space<vmem>>) offsets(%arg19 : memref<128xi32, #tpu.memory_space<vmem>>) semaphore(%arg42 : memref<!tpu.dma_semaphore, #tpu.memory_space<semaphore_mem>>)
    %dma_start3A_212 = arith.constant 0 : i32
    %dma_start3A_213 = arith.constant 0 : i32
    %dma_start3A_214 = tpu.memref_slice %arg15[%dma_start3A_212, %dma_start3A_213] : memref<1000000x64xf32, #tpu.memory_space<hbm>> -> memref<1000000x64xf32, #tpu.memory_space<hbm>>
    tpu.enqueue_indirect_dma source(%dma_start3A_214 : memref<1000000x64xf32, #tpu.memory_space<hbm>>) target(%arg29 : memref<128x64xf32, #tpu.memory_space<vmem>>) offsets(%arg21 : memref<128xi32, #tpu.memory_space<vmem>>) semaphore(%arg42 : memref<!tpu.dma_semaphore, #tpu.memory_space<semaphore_mem>>)
    %dma_wait3A_215 = arith.constant 0 : i32
    %dma_wait3A_216 = arith.constant 0 : i32
    %dma_wait3A_217 = tpu.memref_slice %arg13[%dma_wait3A_215, %dma_wait3A_216] : memref<1000000x64xf32, #tpu.memory_space<hbm>> -> memref<1000000x64xf32, #tpu.memory_space<hbm>>
    tpu.wait_indirect_dma semaphore(%arg42 : memref<!tpu.dma_semaphore, #tpu.memory_space<semaphore_mem>>) src(%dma_wait3A_217 : memref<1000000x64xf32, #tpu.memory_space<hbm>>) dst(%arg28 : memref<128x64xf32, #tpu.memory_space<vmem>>)
    %dma_wait3A_218 = arith.constant 0 : i32
    %dma_wait3A_219 = arith.constant 0 : i32
    %dma_wait3A_220 = tpu.memref_slice %arg15[%dma_wait3A_218, %dma_wait3A_219] : memref<1000000x64xf32, #tpu.memory_space<hbm>> -> memref<1000000x64xf32, #tpu.memory_space<hbm>>
    tpu.wait_indirect_dma semaphore(%arg42 : memref<!tpu.dma_semaphore, #tpu.memory_space<semaphore_mem>>) src(%dma_wait3A_220 : memref<1000000x64xf32, #tpu.memory_space<hbm>>) dst(%arg29 : memref<128x64xf32, #tpu.memory_space<vmem>>)
    %broadcast_in_dim3A_221 = arith.constant 0.000000e+00 : f32
    %broadcast_in_dim3A_222 = vector.broadcast %broadcast_in_dim3A_221 : f32 to vector<16xf32>
    %scan3A_223 = arith.constant 0 : i32
    %scan3A_224 = arith.constant 0 : i32
    %scan3A_225 = arith.constant 8 : i32
    %scan3A_226 = arith.addi %scan3A_224, %scan3A_225 : i32
    %scan3A_227 = arith.constant 1 : i32
    %scan3A_228 = scf.for %scan3A_291 = %scan3A_224 to %scan3A_226 step %scan3A_227 iter_args(%scan3A_292 = %scan3A_223) -> (i32)  : i32 {
      %mul3A_293 = arith.constant 16 : i32
      %mul3A_294 = arith.muli %scan3A_291, %mul3A_293 : i32
      %add3A_295 = vector.broadcast %mul3A_294 : i32 to vector<16xi32>
      %add3A_296 = arith.addi %iota3A, %add3A_295 : vector<16xi32>
      %mul3A_297 = arith.constant 16 : i32
      %mul3A_298 = arith.muli %scan3A_291, %mul3A_297 : i32
      %get3A_299 = arith.index_cast %mul3A_298 : i32 to index
      %get3A_300 = tpu.vector_load %arg20[%get3A_299] {strides = array<i32>} : memref<128xi32, #tpu.memory_space<vmem>>, vector<16xi32>,
      %scan3A_301 = arith.constant 0 : i32
      %scan3A_302 = arith.constant 8 : i32
      %scan3A_303 = arith.addi %scan3A_301, %scan3A_302 : i32
      %scan3A_304 = arith.constant 1 : i32
      %scan3A_305:16 = scf.for %scan3A_350 = %scan3A_301 to %scan3A_303 step %scan3A_304 iter_args(%scan3A_351 = %broadcast_in_dim3A_222, %scan3A_352 = %broadcast_in_dim3A_222, %scan3A_353 = %broadcast_in_dim3A_222, %scan3A_354 = %broadcast_in_dim3A_222, %scan3A_355 = %broadcast_in_dim3A_222, %scan3A_356 = %broadcast_in_dim3A_222, %scan3A_357 = %broadcast_in_dim3A_222, %scan3A_358 = %broadcast_in_dim3A_222, %scan3A_359 = %broadcast_in_dim3A_222, %scan3A_360 = %broadcast_in_dim3A_222, %scan3A_361 = %broadcast_in_dim3A_222, %scan3A_362 = %broadcast_in_dim3A_222, %scan3A_363 = %broadcast_in_dim3A_222, %scan3A_364 = %broadcast_in_dim3A_222, %scan3A_365 = %broadcast_in_dim3A_222, %scan3A_366 = %broadcast_in_dim3A_222) -> (vector<16xf32>, vector<16xf32>, vector<16xf32>, vector<16xf32>, vector<16xf32>, vector<16xf32>, vector<16xf32>, vector<16xf32>, vector<16xf32>, vector<16xf32>, vector<16xf32>, vector<16xf32>, vector<16xf32>, vector<16xf32>, vector<16xf32>, vector<16xf32>)  : i32 {
        %mul3A_367 = arith.constant 8 : i32
        %mul3A_368 = arith.muli %scan3A_350, %mul3A_367 : i32
        %add3A_369 = arith.constant 0 : i32
        %add3A_370 = vector.broadcast %add3A_369 : i32 to vector<16xi32>
        %add3A_371 = arith.addi %add3A_370, %iota3A : vector<16xi32>
        %add3A_372 = vector.broadcast %mul3A_368 : i32 to vector<16xi32>
        %add3A_373 = arith.addi %add3A_372, %add3A_371 : vector<16xi32>
        %and3A = arith.constant 63 : i32
        %and3A_374 = vector.broadcast %and3A : i32 to vector<16xi32>
        %and3A_375 = arith.andi %add3A_373, %and3A_374 : vector<16xi32>
        %gather3A = tpu.vector_load_idx %arg28[%add3A_296, %and3A_375] : memref<128x64xf32, #tpu.memory_space<vmem>>[vector<16xi32>, vector<16xi32>], vector<16xf32>,
        %gather3A_376 = tpu.vector_load_idx %arg34[%get3A_300, %and3A_375] : memref<1000x64xf32, #tpu.memory_space<vmem>>[vector<16xi32>, vector<16xi32>], vector<16xf32>,
        %gather3A_377 = tpu.vector_load_idx %arg29[%add3A_296, %and3A_375] : memref<128x64xf32, #tpu.memory_space<vmem>>[vector<16xi32>, vector<16xi32>], vector<16xf32>,
        %mul3A_378 = arith.mulf %gather3A, %gather3A_377 : vector<16xf32>
        %mul3A_379 = arith.mulf %gather3A_376, %mul3A_378 : vector<16xf32>
        %add3A_380 = arith.addf %scan3A_351, %mul3A_379 : vector<16xf32>
        %mul3A_381 = arith.mulf %gather3A, %gather3A : vector<16xf32>
        %add3A_382 = arith.addf %scan3A_359, %mul3A_381 : vector<16xf32>
        %mul3A_383 = arith.mulf %gather3A_377, %gather3A_377 : vector<16xf32>
        %add3A_384 = arith.addf %add3A_382, %mul3A_383 : vector<16xf32>
        %mul3A_385 = arith.mulf %gather3A_376, %gather3A_376 : vector<16xf32>
        %add3A_386 = arith.addf %add3A_384, %mul3A_385 : vector<16xf32>
        %mul3A_387 = arith.constant 8 : i32
        %mul3A_388 = arith.muli %scan3A_350, %mul3A_387 : i32
        %add3A_389 = arith.constant 1 : i32
        %add3A_390 = vector.broadcast %add3A_389 : i32 to vector<16xi32>
        %add3A_391 = arith.addi %add3A_390, %iota3A : vector<16xi32>
        %add3A_392 = vector.broadcast %mul3A_388 : i32 to vector<16xi32>
        %add3A_393 = arith.addi %add3A_392, %add3A_391 : vector<16xi32>
        %and3A_394 = arith.constant 63 : i32
        %and3A_395 = vector.broadcast %and3A_394 : i32 to vector<16xi32>
        %and3A_396 = arith.andi %add3A_393, %and3A_395 : vector<16xi32>
        %gather3A_397 = tpu.vector_load_idx %arg28[%add3A_296, %and3A_396] : memref<128x64xf32, #tpu.memory_space<vmem>>[vector<16xi32>, vector<16xi32>], vector<16xf32>,
        %gather3A_398 = tpu.vector_load_idx %arg34[%get3A_300, %and3A_396] : memref<1000x64xf32, #tpu.memory_space<vmem>>[vector<16xi32>, vector<16xi32>], vector<16xf32>,
        %gather3A_399 = tpu.vector_load_idx %arg29[%add3A_296, %and3A_396] : memref<128x64xf32, #tpu.memory_space<vmem>>[vector<16xi32>, vector<16xi32>], vector<16xf32>,
        %mul3A_400 = arith.mulf %gather3A_397, %gather3A_399 : vector<16xf32>
        %mul3A_401 = arith.mulf %gather3A_398, %mul3A_400 : vector<16xf32>
        %add3A_402 = arith.addf %scan3A_352, %mul3A_401 : vector<16xf32>
        %mul3A_403 = arith.mulf %gather3A_397, %gather3A_397 : vector<16xf32>
        %add3A_404 = arith.addf %scan3A_360, %mul3A_403 : vector<16xf32>
        %mul3A_405 = arith.mulf %gather3A_399, %gather3A_399 : vector<16xf32>
        %add3A_406 = arith.addf %add3A_404, %mul3A_405 : vector<16xf32>
        %mul3A_407 = arith.mulf %gather3A_398, %gather3A_398 : vector<16xf32>
        %add3A_408 = arith.addf %add3A_406, %mul3A_407 : vector<16xf32>
        %mul3A_409 = arith.constant 8 : i32
        %mul3A_410 = arith.muli %scan3A_350, %mul3A_409 : i32
        %add3A_411 = arith.constant 2 : i32
        %add3A_412 = vector.broadcast %add3A_411 : i32 to vector<16xi32>
        %add3A_413 = arith.addi %add3A_412, %iota3A : vector<16xi32>
        %add3A_414 = vector.broadcast %mul3A_410 : i32 to vector<16xi32>
        %add3A_415 = arith.addi %add3A_414, %add3A_413 : vector<16xi32>
        %and3A_416 = arith.constant 63 : i32
        %and3A_417 = vector.broadcast %and3A_416 : i32 to vector<16xi32>
        %and3A_418 = arith.andi %add3A_415, %and3A_417 : vector<16xi32>
        %gather3A_419 = tpu.vector_load_idx %arg28[%add3A_296, %and3A_418] : memref<128x64xf32, #tpu.memory_space<vmem>>[vector<16xi32>, vector<16xi32>], vector<16xf32>,
        %gather3A_420 = tpu.vector_load_idx %arg34[%get3A_300, %and3A_418] : memref<1000x64xf32, #tpu.memory_space<vmem>>[vector<16xi32>, vector<16xi32>], vector<16xf32>,
        %gather3A_421 = tpu.vector_load_idx %arg29[%add3A_296, %and3A_418] : memref<128x64xf32, #tpu.memory_space<vmem>>[vector<16xi32>, vector<16xi32>], vector<16xf32>,
        %mul3A_422 = arith.mulf %gather3A_419, %gather3A_421 : vector<16xf32>
        %mul3A_423 = arith.mulf %gather3A_420, %mul3A_422 : vector<16xf32>
        %add3A_424 = arith.addf %scan3A_353, %mul3A_423 : vector<16xf32>
        %mul3A_425 = arith.mulf %gather3A_419, %gather3A_419 : vector<16xf32>
        %add3A_426 = arith.addf %scan3A_361, %mul3A_425 : vector<16xf32>
        %mul3A_427 = arith.mulf %gather3A_421, %gather3A_421 : vector<16xf32>
        %add3A_428 = arith.addf %add3A_426, %mul3A_427 : vector<16xf32>
        %mul3A_429 = arith.mulf %gather3A_420, %gather3A_420 : vector<16xf32>
        %add3A_430 = arith.addf %add3A_428, %mul3A_429 : vector<16xf32>
        %mul3A_431 = arith.constant 8 : i32
        %mul3A_432 = arith.muli %scan3A_350, %mul3A_431 : i32
        %add3A_433 = arith.constant 3 : i32
        %add3A_434 = vector.broadcast %add3A_433 : i32 to vector<16xi32>
        %add3A_435 = arith.addi %add3A_434, %iota3A : vector<16xi32>
        %add3A_436 = vector.broadcast %mul3A_432 : i32 to vector<16xi32>
        %add3A_437 = arith.addi %add3A_436, %add3A_435 : vector<16xi32>
        %and3A_438 = arith.constant 63 : i32
        %and3A_439 = vector.broadcast %and3A_438 : i32 to vector<16xi32>
        %and3A_440 = arith.andi %add3A_437, %and3A_439 : vector<16xi32>
        %gather3A_441 = tpu.vector_load_idx %arg28[%add3A_296, %and3A_440] : memref<128x64xf32, #tpu.memory_space<vmem>>[vector<16xi32>, vector<16xi32>], vector<16xf32>,
        %gather3A_442 = tpu.vector_load_idx %arg34[%get3A_300, %and3A_440] : memref<1000x64xf32, #tpu.memory_space<vmem>>[vector<16xi32>, vector<16xi32>], vector<16xf32>,
        %gather3A_443 = tpu.vector_load_idx %arg29[%add3A_296, %and3A_440] : memref<128x64xf32, #tpu.memory_space<vmem>>[vector<16xi32>, vector<16xi32>], vector<16xf32>,
        %mul3A_444 = arith.mulf %gather3A_441, %gather3A_443 : vector<16xf32>
        %mul3A_445 = arith.mulf %gather3A_442, %mul3A_444 : vector<16xf32>
        %add3A_446 = arith.addf %scan3A_354, %mul3A_445 : vector<16xf32>
        %mul3A_447 = arith.mulf %gather3A_441, %gather3A_441 : vector<16xf32>
        %add3A_448 = arith.addf %scan3A_362, %mul3A_447 : vector<16xf32>
        %mul3A_449 = arith.mulf %gather3A_443, %gather3A_443 : vector<16xf32>
        %add3A_450 = arith.addf %add3A_448, %mul3A_449 : vector<16xf32>
        %mul3A_451 = arith.mulf %gather3A_442, %gather3A_442 : vector<16xf32>
        %add3A_452 = arith.addf %add3A_450, %mul3A_451 : vector<16xf32>
        %mul3A_453 = arith.constant 8 : i32
        %mul3A_454 = arith.muli %scan3A_350, %mul3A_453 : i32
        %add3A_455 = arith.constant 4 : i32
        %add3A_456 = vector.broadcast %add3A_455 : i32 to vector<16xi32>
        %add3A_457 = arith.addi %add3A_456, %iota3A : vector<16xi32>
        %add3A_458 = vector.broadcast %mul3A_454 : i32 to vector<16xi32>
        %add3A_459 = arith.addi %add3A_458, %add3A_457 : vector<16xi32>
        %and3A_460 = arith.constant 63 : i32
        %and3A_461 = vector.broadcast %and3A_460 : i32 to vector<16xi32>
        %and3A_462 = arith.andi %add3A_459, %and3A_461 : vector<16xi32>
        %gather3A_463 = tpu.vector_load_idx %arg28[%add3A_296, %and3A_462] : memref<128x64xf32, #tpu.memory_space<vmem>>[vector<16xi32>, vector<16xi32>], vector<16xf32>,
        %gather3A_464 = tpu.vector_load_idx %arg34[%get3A_300, %and3A_462] : memref<1000x64xf32, #tpu.memory_space<vmem>>[vector<16xi32>, vector<16xi32>], vector<16xf32>,
        %gather3A_465 = tpu.vector_load_idx %arg29[%add3A_296, %and3A_462] : memref<128x64xf32, #tpu.memory_space<vmem>>[vector<16xi32>, vector<16xi32>], vector<16xf32>,
        %mul3A_466 = arith.mulf %gather3A_463, %gather3A_465 : vector<16xf32>
        %mul3A_467 = arith.mulf %gather3A_464, %mul3A_466 : vector<16xf32>
        %add3A_468 = arith.addf %scan3A_355, %mul3A_467 : vector<16xf32>
        %mul3A_469 = arith.mulf %gather3A_463, %gather3A_463 : vector<16xf32>
        %add3A_470 = arith.addf %scan3A_363, %mul3A_469 : vector<16xf32>
        %mul3A_471 = arith.mulf %gather3A_465, %gather3A_465 : vector<16xf32>
        %add3A_472 = arith.addf %add3A_470, %mul3A_471 : vector<16xf32>
        %mul3A_473 = arith.mulf %gather3A_464, %gather3A_464 : vector<16xf32>
        %add3A_474 = arith.addf %add3A_472, %mul3A_473 : vector<16xf32>
        %mul3A_475 = arith.constant 8 : i32
        %mul3A_476 = arith.muli %scan3A_350, %mul3A_475 : i32
        %add3A_477 = arith.constant 5 : i32
        %add3A_478 = vector.broadcast %add3A_477 : i32 to vector<16xi32>
        %add3A_479 = arith.addi %add3A_478, %iota3A : vector<16xi32>
        %add3A_480 = vector.broadcast %mul3A_476 : i32 to vector<16xi32>
        %add3A_481 = arith.addi %add3A_480, %add3A_479 : vector<16xi32>
        %and3A_482 = arith.constant 63 : i32
        %and3A_483 = vector.broadcast %and3A_482 : i32 to vector<16xi32>
        %and3A_484 = arith.andi %add3A_481, %and3A_483 : vector<16xi32>
        %gather3A_485 = tpu.vector_load_idx %arg28[%add3A_296, %and3A_484] : memref<128x64xf32, #tpu.memory_space<vmem>>[vector<16xi32>, vector<16xi32>], vector<16xf32>,
        %gather3A_486 = tpu.vector_load_idx %arg34[%get3A_300, %and3A_484] : memref<1000x64xf32, #tpu.memory_space<vmem>>[vector<16xi32>, vector<16xi32>], vector<16xf32>,
        %gather3A_487 = tpu.vector_load_idx %arg29[%add3A_296, %and3A_484] : memref<128x64xf32, #tpu.memory_space<vmem>>[vector<16xi32>, vector<16xi32>], vector<16xf32>,
        %mul3A_488 = arith.mulf %gather3A_485, %gather3A_487 : vector<16xf32>
        %mul3A_489 = arith.mulf %gather3A_486, %mul3A_488 : vector<16xf32>
        %add3A_490 = arith.addf %scan3A_356, %mul3A_489 : vector<16xf32>
        %mul3A_491 = arith.mulf %gather3A_485, %gather3A_485 : vector<16xf32>
        %add3A_492 = arith.addf %scan3A_364, %mul3A_491 : vector<16xf32>
        %mul3A_493 = arith.mulf %gather3A_487, %gather3A_487 : vector<16xf32>
        %add3A_494 = arith.addf %add3A_492, %mul3A_493 : vector<16xf32>
        %mul3A_495 = arith.mulf %gather3A_486, %gather3A_486 : vector<16xf32>
        %add3A_496 = arith.addf %add3A_494, %mul3A_495 : vector<16xf32>
        %mul3A_497 = arith.constant 8 : i32
        %mul3A_498 = arith.muli %scan3A_350, %mul3A_497 : i32
        %add3A_499 = arith.constant 6 : i32
        %add3A_500 = vector.broadcast %add3A_499 : i32 to vector<16xi32>
        %add3A_501 = arith.addi %add3A_500, %iota3A : vector<16xi32>
        %add3A_502 = vector.broadcast %mul3A_498 : i32 to vector<16xi32>
        %add3A_503 = arith.addi %add3A_502, %add3A_501 : vector<16xi32>
        %and3A_504 = arith.constant 63 : i32
        %and3A_505 = vector.broadcast %and3A_504 : i32 to vector<16xi32>
        %and3A_506 = arith.andi %add3A_503, %and3A_505 : vector<16xi32>
        %gather3A_507 = tpu.vector_load_idx %arg28[%add3A_296, %and3A_506] : memref<128x64xf32, #tpu.memory_space<vmem>>[vector<16xi32>, vector<16xi32>], vector<16xf32>,
        %gather3A_508 = tpu.vector_load_idx %arg34[%get3A_300, %and3A_506] : memref<1000x64xf32, #tpu.memory_space<vmem>>[vector<16xi32>, vector<16xi32>], vector<16xf32>,
        %gather3A_509 = tpu.vector_load_idx %arg29[%add3A_296, %and3A_506] : memref<128x64xf32, #tpu.memory_space<vmem>>[vector<16xi32>, vector<16xi32>], vector<16xf32>,
        %mul3A_510 = arith.mulf %gather3A_507, %gather3A_509 : vector<16xf32>
        %mul3A_511 = arith.mulf %gather3A_508, %mul3A_510 : vector<16xf32>
        %add3A_512 = arith.addf %scan3A_357, %mul3A_511 : vector<16xf32>
        %mul3A_513 = arith.mulf %gather3A_507, %gather3A_507 : vector<16xf32>
        %add3A_514 = arith.addf %scan3A_365, %mul3A_513 : vector<16xf32>
        %mul3A_515 = arith.mulf %gather3A_509, %gather3A_509 : vector<16xf32>
        %add3A_516 = arith.addf %add3A_514, %mul3A_515 : vector<16xf32>
        %mul3A_517 = arith.mulf %gather3A_508, %gather3A_508 : vector<16xf32>
        %add3A_518 = arith.addf %add3A_516, %mul3A_517 : vector<16xf32>
        %mul3A_519 = arith.constant 8 : i32
        %mul3A_520 = arith.muli %scan3A_350, %mul3A_519 : i32
        %add3A_521 = arith.constant 7 : i32
        %add3A_522 = vector.broadcast %add3A_521 : i32 to vector<16xi32>
        %add3A_523 = arith.addi %add3A_522, %iota3A : vector<16xi32>
        %add3A_524 = vector.broadcast %mul3A_520 : i32 to vector<16xi32>
        %add3A_525 = arith.addi %add3A_524, %add3A_523 : vector<16xi32>
        %and3A_526 = arith.constant 63 : i32
        %and3A_527 = vector.broadcast %and3A_526 : i32 to vector<16xi32>
        %and3A_528 = arith.andi %add3A_525, %and3A_527 : vector<16xi32>
        %gather3A_529 = tpu.vector_load_idx %arg28[%add3A_296, %and3A_528] : memref<128x64xf32, #tpu.memory_space<vmem>>[vector<16xi32>, vector<16xi32>], vector<16xf32>,
        %gather3A_530 = tpu.vector_load_idx %arg34[%get3A_300, %and3A_528] : memref<1000x64xf32, #tpu.memory_space<vmem>>[vector<16xi32>, vector<16xi32>], vector<16xf32>,
        %gather3A_531 = tpu.vector_load_idx %arg29[%add3A_296, %and3A_528] : memref<128x64xf32, #tpu.memory_space<vmem>>[vector<16xi32>, vector<16xi32>], vector<16xf32>,
        %mul3A_532 = arith.mulf %gather3A_529, %gather3A_531 : vector<16xf32>
        %mul3A_533 = arith.mulf %gather3A_530, %mul3A_532 : vector<16xf32>
        %add3A_534 = arith.addf %scan3A_358, %mul3A_533 : vector<16xf32>
        %mul3A_535 = arith.mulf %gather3A_529, %gather3A_529 : vector<16xf32>
        %add3A_536 = arith.addf %scan3A_366, %mul3A_535 : vector<16xf32>
        %mul3A_537 = arith.mulf %gather3A_531, %gather3A_531 : vector<16xf32>
        %add3A_538 = arith.addf %add3A_536, %mul3A_537 : vector<16xf32>
        %mul3A_539 = arith.mulf %gather3A_530, %gather3A_530 : vector<16xf32>
        %add3A_540 = arith.addf %add3A_538, %mul3A_539 : vector<16xf32>
        scf.yield %add3A_380, %add3A_402, %add3A_424, %add3A_446, %add3A_468, %add3A_490, %add3A_512, %add3A_534, %add3A_386, %add3A_408, %add3A_430, %add3A_452, %add3A_474, %add3A_496, %add3A_518, %add3A_540 : vector<16xf32>, vector<16xf32>, vector<16xf32>, vector<16xf32>, vector<16xf32>, vector<16xf32>, vector<16xf32>, vector<16xf32>, vector<16xf32>, vector<16xf32>, vector<16xf32>, vector<16xf32>, vector<16xf32>, vector<16xf32>, vector<16xf32>, vector<16xf32>
      }
      %scan3A_306 = arith.constant 8 : i32
      %add3A_307 = arith.addf %scan3A_305#0, %scan3A_305#1 : vector<16xf32>
      %add3A_308 = arith.addf %scan3A_305#2, %scan3A_305#3 : vector<16xf32>
      %add3A_309 = arith.addf %scan3A_305#4, %scan3A_305#5 : vector<16xf32>
      %add3A_310 = arith.addf %scan3A_305#6, %scan3A_305#7 : vector<16xf32>
      %add3A_311 = arith.addf %add3A_307, %add3A_308 : vector<16xf32>
      %add3A_312 = arith.addf %add3A_309, %add3A_310 : vector<16xf32>
      %add3A_313 = arith.addf %add3A_311, %add3A_312 : vector<16xf32>
      %add3A_314 = arith.addf %scan3A_305#8, %scan3A_305#9 : vector<16xf32>
      %add3A_315 = arith.addf %scan3A_305#10, %scan3A_305#11 : vector<16xf32>
      %add3A_316 = arith.addf %scan3A_305#12, %scan3A_305#13 : vector<16xf32>
      %add3A_317 = arith.addf %scan3A_305#14, %scan3A_305#15 : vector<16xf32>
      %add3A_318 = arith.addf %add3A_314, %add3A_315 : vector<16xf32>
      %add3A_319 = arith.addf %add3A_316, %add3A_317 : vector<16xf32>
      %add3A_320 = arith.addf %add3A_318, %add3A_319 : vector<16xf32>
      %mul3A_321 = arith.mulf %get3A_7, %add3A_313 : vector<16xf32>
      %add3A_322 = arith.addf %mul3A_321, %get3A_9 : vector<16xf32>
      %mul3A_323 = arith.constant 16 : i32
      %mul3A_324 = arith.muli %scan3A_291, %mul3A_323 : i32
      %add3A_325 = arith.constant 384 : i32
      %add3A_326 = arith.addi %add3A_325, %mul3A_324 : i32
      %get3A_327 = arith.index_cast %add3A_326 : i32 to index
      %get3A_328 = tpu.vector_load %arg35[%get3A_327] {strides = array<i32>} : memref<544xf32, #tpu.memory_space<vmem>>, vector<16xf32>,
      %neg3A = arith.constant 0.000000e+00 : f32
      %neg3A_329 = vector.broadcast %neg3A : f32 to vector<16xf32>
      %neg3A_330 = arith.subf %neg3A_329, %add3A_322 : vector<16xf32>
      %exp3A = math.exp %neg3A_330 : vector<16xf32>
      %add3A_331 = arith.constant 1.000000e+00 : f32
      %add3A_332 = vector.broadcast %add3A_331 : f32 to vector<16xf32>
      %add3A_333 = arith.addf %add3A_332, %exp3A : vector<16xf32>
      %div3A = arith.constant 1.000000e+00 : f32
      %div3A_334 = vector.broadcast %div3A : f32 to vector<16xf32>
      %div3A_335 = arith.divf %div3A_334, %add3A_333 : vector<16xf32>
      %sub3A = arith.subf %div3A_335, %get3A_328 : vector<16xf32>
      %mul3A_336 = arith.mulf %sub3A, %sub3A : vector<16xf32>
      %mul3A_337 = arith.constant 6.10351563E-5 : f32
      %mul3A_338 = vector.broadcast %mul3A_337 : f32 to vector<16xf32>
      %mul3A_339 = arith.mulf %mul3A_336, %mul3A_338 : vector<16xf32>
      %mul3A_340 = arith.constant 1.52587898E-8 : f32
      %mul3A_341 = vector.broadcast %mul3A_340 : f32 to vector<16xf32>
      %mul3A_342 = arith.mulf %add3A_320, %mul3A_341 : vector<16xf32>
      %add3A_343 = arith.addf %mul3A_339, %mul3A_342 : vector<16xf32>
      %get3A_344 = arith.constant 0 : index
      %get3A_345 = tpu.vector_load %arg36[%get3A_344] {strides = array<i32>} : memref<16xf32, #tpu.memory_space<vmem>>, vector<16xf32>,
      %add3A_346 = arith.addf %get3A_345, %add3A_343 : vector<16xf32>
      %swap3A_347 = arith.constant 0 : index
      %swap3A_348 = tpu.vector_load %arg36[%swap3A_347] {strides = array<i32>} : memref<16xf32, #tpu.memory_space<vmem>>, vector<16xf32>,
      tpu.vector_store %arg36[%swap3A_347], %add3A_346 {strides = array<i32>} : memref<16xf32, #tpu.memory_space<vmem>>, vector<16xf32>,
      %scan3A_349 = arith.constant 0 : i32
      scf.yield %scan3A_349 : i32
    }
    %scan3A_229 = arith.constant 8 : i32
    %broadcast_in_dim3A_230 = arith.constant 0 : i32
    %broadcast_in_dim3A_231 = vector.broadcast %broadcast_in_dim3A_230 : i32 to vector<16xi32>
    %swap3A_232 = arith.constant 32 : index
    %swap3A_233 = tpu.vector_load %arg19[%swap3A_232] {strides = array<i32>} : memref<128xi32, #tpu.memory_space<vmem>>, vector<16xi32>,
    tpu.vector_store %arg19[%swap3A_232], %broadcast_in_dim3A_231 {strides = array<i32>} : memref<128xi32, #tpu.memory_space<vmem>>, vector<16xi32>,
    %swap3A_234 = arith.constant 32 : index
    %swap3A_235 = tpu.vector_load %arg20[%swap3A_234] {strides = array<i32>} : memref<128xi32, #tpu.memory_space<vmem>>, vector<16xi32>,
    tpu.vector_store %arg20[%swap3A_234], %broadcast_in_dim3A_231 {strides = array<i32>} : memref<128xi32, #tpu.memory_space<vmem>>, vector<16xi32>,
    %swap3A_236 = arith.constant 32 : index
    %swap3A_237 = tpu.vector_load %arg21[%swap3A_236] {strides = array<i32>} : memref<128xi32, #tpu.memory_space<vmem>>, vector<16xi32>,
    tpu.vector_store %arg21[%swap3A_236], %broadcast_in_dim3A_231 {strides = array<i32>} : memref<128xi32, #tpu.memory_space<vmem>>, vector<16xi32>,
    %swap3A_238 = arith.constant 48 : index
    %swap3A_239 = tpu.vector_load %arg19[%swap3A_238] {strides = array<i32>} : memref<128xi32, #tpu.memory_space<vmem>>, vector<16xi32>,
    tpu.vector_store %arg19[%swap3A_238], %broadcast_in_dim3A_231 {strides = array<i32>} : memref<128xi32, #tpu.memory_space<vmem>>, vector<16xi32>,
    %swap3A_240 = arith.constant 48 : index
    %swap3A_241 = tpu.vector_load %arg20[%swap3A_240] {strides = array<i32>} : memref<128xi32, #tpu.memory_space<vmem>>, vector<16xi32>,
    tpu.vector_store %arg20[%swap3A_240], %broadcast_in_dim3A_231 {strides = array<i32>} : memref<128xi32, #tpu.memory_space<vmem>>, vector<16xi32>,
    %swap3A_242 = arith.constant 48 : index
    %swap3A_243 = tpu.vector_load %arg21[%swap3A_242] {strides = array<i32>} : memref<128xi32, #tpu.memory_space<vmem>>, vector<16xi32>,
    tpu.vector_store %arg21[%swap3A_242], %broadcast_in_dim3A_231 {strides = array<i32>} : memref<128xi32, #tpu.memory_space<vmem>>, vector<16xi32>,
    %swap3A_244 = arith.constant 64 : index
    %swap3A_245 = tpu.vector_load %arg19[%swap3A_244] {strides = array<i32>} : memref<128xi32, #tpu.memory_space<vmem>>, vector<16xi32>,
    tpu.vector_store %arg19[%swap3A_244], %broadcast_in_dim3A_231 {strides = array<i32>} : memref<128xi32, #tpu.memory_space<vmem>>, vector<16xi32>,
    %swap3A_246 = arith.constant 64 : index
    %swap3A_247 = tpu.vector_load %arg20[%swap3A_246] {strides = array<i32>} : memref<128xi32, #tpu.memory_space<vmem>>, vector<16xi32>,
    tpu.vector_store %arg20[%swap3A_246], %broadcast_in_dim3A_231 {strides = array<i32>} : memref<128xi32, #tpu.memory_space<vmem>>, vector<16xi32>,
    %swap3A_248 = arith.constant 64 : index
    %swap3A_249 = tpu.vector_load %arg21[%swap3A_248] {strides = array<i32>} : memref<128xi32, #tpu.memory_space<vmem>>, vector<16xi32>,
    tpu.vector_store %arg21[%swap3A_248], %broadcast_in_dim3A_231 {strides = array<i32>} : memref<128xi32, #tpu.memory_space<vmem>>, vector<16xi32>,
    %swap3A_250 = arith.constant 80 : index
    %swap3A_251 = tpu.vector_load %arg19[%swap3A_250] {strides = array<i32>} : memref<128xi32, #tpu.memory_space<vmem>>, vector<16xi32>,
    tpu.vector_store %arg19[%swap3A_250], %broadcast_in_dim3A_231 {strides = array<i32>} : memref<128xi32, #tpu.memory_space<vmem>>, vector<16xi32>,
    %swap3A_252 = arith.constant 80 : index
    %swap3A_253 = tpu.vector_load %arg20[%swap3A_252] {strides = array<i32>} : memref<128xi32, #tpu.memory_space<vmem>>, vector<16xi32>,
    tpu.vector_store %arg20[%swap3A_252], %broadcast_in_dim3A_231 {strides = array<i32>} : memref<128xi32, #tpu.memory_space<vmem>>, vector<16xi32>,
    %swap3A_254 = arith.constant 80 : index
    %swap3A_255 = tpu.vector_load %arg21[%swap3A_254] {strides = array<i32>} : memref<128xi32, #tpu.memory_space<vmem>>, vector<16xi32>,
    tpu.vector_store %arg21[%swap3A_254], %broadcast_in_dim3A_231 {strides = array<i32>} : memref<128xi32, #tpu.memory_space<vmem>>, vector<16xi32>,
    %swap3A_256 = arith.constant 96 : index
    %swap3A_257 = tpu.vector_load %arg19[%swap3A_256] {strides = array<i32>} : memref<128xi32, #tpu.memory_space<vmem>>, vector<16xi32>,
    tpu.vector_store %arg19[%swap3A_256], %broadcast_in_dim3A_231 {strides = array<i32>} : memref<128xi32, #tpu.memory_space<vmem>>, vector<16xi32>,
    %swap3A_258 = arith.constant 96 : index
    %swap3A_259 = tpu.vector_load %arg20[%swap3A_258] {strides = array<i32>} : memref<128xi32, #tpu.memory_space<vmem>>, vector<16xi32>,
    tpu.vector_store %arg20[%swap3A_258], %broadcast_in_dim3A_231 {strides = array<i32>} : memref<128xi32, #tpu.memory_space<vmem>>, vector<16xi32>,
    %swap3A_260 = arith.constant 96 : index
    %swap3A_261 = tpu.vector_load %arg21[%swap3A_260] {strides = array<i32>} : memref<128xi32, #tpu.memory_space<vmem>>, vector<16xi32>,
    tpu.vector_store %arg21[%swap3A_260], %broadcast_in_dim3A_231 {strides = array<i32>} : memref<128xi32, #tpu.memory_space<vmem>>, vector<16xi32>,
    %swap3A_262 = arith.constant 112 : index
    %swap3A_263 = tpu.vector_load %arg19[%swap3A_262] {strides = array<i32>} : memref<128xi32, #tpu.memory_space<vmem>>, vector<16xi32>,
    tpu.vector_store %arg19[%swap3A_262], %broadcast_in_dim3A_231 {strides = array<i32>} : memref<128xi32, #tpu.memory_space<vmem>>, vector<16xi32>,
    %swap3A_264 = arith.constant 112 : index
    %swap3A_265 = tpu.vector_load %arg20[%swap3A_264] {strides = array<i32>} : memref<128xi32, #tpu.memory_space<vmem>>, vector<16xi32>,
    tpu.vector_store %arg20[%swap3A_264], %broadcast_in_dim3A_231 {strides = array<i32>} : memref<128xi32, #tpu.memory_space<vmem>>, vector<16xi32>,
    %swap3A_266 = arith.constant 112 : index
    %swap3A_267 = tpu.vector_load %arg21[%swap3A_266] {strides = array<i32>} : memref<128xi32, #tpu.memory_space<vmem>>, vector<16xi32>,
    tpu.vector_store %arg21[%swap3A_266], %broadcast_in_dim3A_231 {strides = array<i32>} : memref<128xi32, #tpu.memory_space<vmem>>, vector<16xi32>,
    %mul3A_268 = arith.constant 32 : i32
    %mul3A_269 = arith.muli %add3A, %mul3A_268 : i32
    "tpu.region"() ({
      %run_scoped3A = tpu.sem_alloc : memref<!tpu.dma_semaphore, #tpu.memory_space<semaphore_mem>>
      %dma_start3A_291 = arith.constant 0 : i32
      %dma_start3A_292 = tpu.memref_slice %arg19[%dma_start3A_291] : memref<128xi32, #tpu.memory_space<vmem>> -> memref<32xi32, #tpu.memory_space<vmem>>
      %dma_start3A_293 = tpu.memref_slice %arg9[%mul3A_269] : memref<1024xi32, #tpu.memory_space<hbm>> -> memref<32xi32, #tpu.memory_space<hbm>>
      %dma_start3A_294 = arith.constant 0 : i32
      %dma_start3A_295 = tpu.memref_slice %arg19[%dma_start3A_294] : memref<128xi32, #tpu.memory_space<vmem>> -> memref<32xi32, #tpu.memory_space<vmem>>
      %dma_start3A_296 = tpu.memref_slice %arg9[%mul3A_269] : memref<1024xi32, #tpu.memory_space<hbm>> -> memref<32xi32, #tpu.memory_space<hbm>>
      tpu.enqueue_dma source(%dma_start3A_296 : memref<32xi32, #tpu.memory_space<hbm>>) target(%dma_start3A_295 : memref<32xi32, #tpu.memory_space<vmem>>) target_semaphore(%run_scoped3A : memref<!tpu.dma_semaphore, #tpu.memory_space<semaphore_mem>>)
      %dma_wait3A_297 = arith.constant 0 : i32
      %dma_wait3A_298 = tpu.memref_slice %arg19[%dma_wait3A_297] : memref<128xi32, #tpu.memory_space<vmem>> -> memref<32xi32, #tpu.memory_space<vmem>>
      %dma_wait3A_299 = tpu.memref_slice %arg9[%mul3A_269] : memref<1024xi32, #tpu.memory_space<hbm>> -> memref<32xi32, #tpu.memory_space<hbm>>
      %dma_wait3A_300 = arith.constant 0 : i32
      %dma_wait3A_301 = tpu.memref_slice %arg19[%dma_wait3A_300] : memref<128xi32, #tpu.memory_space<vmem>> -> memref<32xi32, #tpu.memory_space<vmem>>
      %dma_wait3A_302 = tpu.memref_slice %arg9[%mul3A_269] : memref<1024xi32, #tpu.memory_space<hbm>> -> memref<32xi32, #tpu.memory_space<hbm>>
      tpu.wait_dma2 semaphore(%run_scoped3A : memref<!tpu.dma_semaphore, #tpu.memory_space<semaphore_mem>>) src(%dma_wait3A_302 : memref<32xi32, #tpu.memory_space<hbm>>) dst(%dma_wait3A_301 : memref<32xi32, #tpu.memory_space<vmem>>)
      tpu.yield
    }) : () -> ()
    "tpu.region"() ({
      %run_scoped3A = tpu.sem_alloc : memref<!tpu.dma_semaphore, #tpu.memory_space<semaphore_mem>>
      %dma_start3A_291 = arith.constant 0 : i32
      %dma_start3A_292 = tpu.memref_slice %arg20[%dma_start3A_291] : memref<128xi32, #tpu.memory_space<vmem>> -> memref<32xi32, #tpu.memory_space<vmem>>
      %dma_start3A_293 = tpu.memref_slice %arg10[%mul3A_269] : memref<1024xi32, #tpu.memory_space<hbm>> -> memref<32xi32, #tpu.memory_space<hbm>>
      %dma_start3A_294 = arith.constant 0 : i32
      %dma_start3A_295 = tpu.memref_slice %arg20[%dma_start3A_294] : memref<128xi32, #tpu.memory_space<vmem>> -> memref<32xi32, #tpu.memory_space<vmem>>
      %dma_start3A_296 = tpu.memref_slice %arg10[%mul3A_269] : memref<1024xi32, #tpu.memory_space<hbm>> -> memref<32xi32, #tpu.memory_space<hbm>>
      tpu.enqueue_dma source(%dma_start3A_296 : memref<32xi32, #tpu.memory_space<hbm>>) target(%dma_start3A_295 : memref<32xi32, #tpu.memory_space<vmem>>) target_semaphore(%run_scoped3A : memref<!tpu.dma_semaphore, #tpu.memory_space<semaphore_mem>>)
      %dma_wait3A_297 = arith.constant 0 : i32
      %dma_wait3A_298 = tpu.memref_slice %arg20[%dma_wait3A_297] : memref<128xi32, #tpu.memory_space<vmem>> -> memref<32xi32, #tpu.memory_space<vmem>>
      %dma_wait3A_299 = tpu.memref_slice %arg10[%mul3A_269] : memref<1024xi32, #tpu.memory_space<hbm>> -> memref<32xi32, #tpu.memory_space<hbm>>
      %dma_wait3A_300 = arith.constant 0 : i32
      %dma_wait3A_301 = tpu.memref_slice %arg20[%dma_wait3A_300] : memref<128xi32, #tpu.memory_space<vmem>> -> memref<32xi32, #tpu.memory_space<vmem>>
      %dma_wait3A_302 = tpu.memref_slice %arg10[%mul3A_269] : memref<1024xi32, #tpu.memory_space<hbm>> -> memref<32xi32, #tpu.memory_space<hbm>>
      tpu.wait_dma2 semaphore(%run_scoped3A : memref<!tpu.dma_semaphore, #tpu.memory_space<semaphore_mem>>) src(%dma_wait3A_302 : memref<32xi32, #tpu.memory_space<hbm>>) dst(%dma_wait3A_301 : memref<32xi32, #tpu.memory_space<vmem>>)
      tpu.yield
    }) : () -> ()
    "tpu.region"() ({
      %run_scoped3A = tpu.sem_alloc : memref<!tpu.dma_semaphore, #tpu.memory_space<semaphore_mem>>
      %dma_start3A_291 = arith.constant 0 : i32
      %dma_start3A_292 = tpu.memref_slice %arg21[%dma_start3A_291] : memref<128xi32, #tpu.memory_space<vmem>> -> memref<32xi32, #tpu.memory_space<vmem>>
      %dma_start3A_293 = tpu.memref_slice %arg11[%mul3A_269] : memref<1024xi32, #tpu.memory_space<hbm>> -> memref<32xi32, #tpu.memory_space<hbm>>
      %dma_start3A_294 = arith.constant 0 : i32
      %dma_start3A_295 = tpu.memref_slice %arg21[%dma_start3A_294] : memref<128xi32, #tpu.memory_space<vmem>> -> memref<32xi32, #tpu.memory_space<vmem>>
      %dma_start3A_296 = tpu.memref_slice %arg11[%mul3A_269] : memref<1024xi32, #tpu.memory_space<hbm>> -> memref<32xi32, #tpu.memory_space<hbm>>
      tpu.enqueue_dma source(%dma_start3A_296 : memref<32xi32, #tpu.memory_space<hbm>>) target(%dma_start3A_295 : memref<32xi32, #tpu.memory_space<vmem>>) target_semaphore(%run_scoped3A : memref<!tpu.dma_semaphore, #tpu.memory_space<semaphore_mem>>)
      %dma_wait3A_297 = arith.constant 0 : i32
      %dma_wait3A_298 = tpu.memref_slice %arg21[%dma_wait3A_297] : memref<128xi32, #tpu.memory_space<vmem>> -> memref<32xi32, #tpu.memory_space<vmem>>
      %dma_wait3A_299 = tpu.memref_slice %arg11[%mul3A_269] : memref<1024xi32, #tpu.memory_space<hbm>> -> memref<32xi32, #tpu.memory_space<hbm>>
      %dma_wait3A_300 = arith.constant 0 : i32
      %dma_wait3A_301 = tpu.memref_slice %arg21[%dma_wait3A_300] : memref<128xi32, #tpu.memory_space<vmem>> -> memref<32xi32, #tpu.memory_space<vmem>>
      %dma_wait3A_302 = tpu.memref_slice %arg11[%mul3A_269] : memref<1024xi32, #tpu.memory_space<hbm>> -> memref<32xi32, #tpu.memory_space<hbm>>
      tpu.wait_dma2 semaphore(%run_scoped3A : memref<!tpu.dma_semaphore, #tpu.memory_space<semaphore_mem>>) src(%dma_wait3A_302 : memref<32xi32, #tpu.memory_space<hbm>>) dst(%dma_wait3A_301 : memref<32xi32, #tpu.memory_space<vmem>>)
      tpu.yield
    }) : () -> ()
    %dma_start3A_270 = arith.constant 0 : i32
    %dma_start3A_271 = arith.constant 0 : i32
    %dma_start3A_272 = tpu.memref_slice %arg13[%dma_start3A_270, %dma_start3A_271] : memref<1000000x64xf32, #tpu.memory_space<hbm>> -> memref<1000000x64xf32, #tpu.memory_space<hbm>>
    tpu.enqueue_indirect_dma source(%dma_start3A_272 : memref<1000000x64xf32, #tpu.memory_space<hbm>>) target(%arg28 : memref<128x64xf32, #tpu.memory_space<vmem>>) offsets(%arg19 : memref<128xi32, #tpu.memory_space<vmem>>) semaphore(%arg42 : memref<!tpu.dma_semaphore, #tpu.memory_space<semaphore_mem>>)
    %dma_start3A_273 = arith.constant 0 : i32
    %dma_start3A_274 = arith.constant 0 : i32
    %dma_start3A_275 = tpu.memref_slice %arg15[%dma_start3A_273, %dma_start3A_274] : memref<1000000x64xf32, #tpu.memory_space<hbm>> -> memref<1000000x64xf32, #tpu.memory_space<hbm>>
    tpu.enqueue_indirect_dma source(%dma_start3A_275 : memref<1000000x64xf32, #tpu.memory_space<hbm>>) target(%arg29 : memref<128x64xf32, #tpu.memory_space<vmem>>) offsets(%arg21 : memref<128xi32, #tpu.memory_space<vmem>>) semaphore(%arg42 : memref<!tpu.dma_semaphore, #tpu.memory_space<semaphore_mem>>)
    %dma_wait3A_276 = arith.constant 0 : i32
    %dma_wait3A_277 = arith.constant 0 : i32
    %dma_wait3A_278 = tpu.memref_slice %arg13[%dma_wait3A_276, %dma_wait3A_277] : memref<1000000x64xf32, #tpu.memory_space<hbm>> -> memref<1000000x64xf32, #tpu.memory_space<hbm>>
    tpu.wait_indirect_dma semaphore(%arg42 : memref<!tpu.dma_semaphore, #tpu.memory_space<semaphore_mem>>) src(%dma_wait3A_278 : memref<1000000x64xf32, #tpu.memory_space<hbm>>) dst(%arg28 : memref<128x64xf32, #tpu.memory_space<vmem>>)
    %dma_wait3A_279 = arith.constant 0 : i32
    %dma_wait3A_280 = arith.constant 0 : i32
    %dma_wait3A_281 = tpu.memref_slice %arg15[%dma_wait3A_279, %dma_wait3A_280] : memref<1000000x64xf32, #tpu.memory_space<hbm>> -> memref<1000000x64xf32, #tpu.memory_space<hbm>>
    tpu.wait_indirect_dma semaphore(%arg42 : memref<!tpu.dma_semaphore, #tpu.memory_space<semaphore_mem>>) src(%dma_wait3A_281 : memref<1000000x64xf32, #tpu.memory_space<hbm>>) dst(%arg29 : memref<128x64xf32, #tpu.memory_space<vmem>>)
    %broadcast_in_dim3A_282 = arith.constant 0.000000e+00 : f32
    %broadcast_in_dim3A_283 = vector.broadcast %broadcast_in_dim3A_282 : f32 to vector<16xf32>
    %scan3A_284 = arith.constant 0 : i32
    %scan3A_285 = arith.constant 0 : i32
    %scan3A_286 = arith.constant 2 : i32
    %scan3A_287 = arith.addi %scan3A_285, %scan3A_286 : i32
    %scan3A_288 = arith.constant 1 : i32
    %scan3A_289 = scf.for %scan3A_291 = %scan3A_285 to %scan3A_287 step %scan3A_288 iter_args(%scan3A_292 = %scan3A_284) -> (i32)  : i32 {
      %mul3A_293 = arith.constant 16 : i32
      %mul3A_294 = arith.muli %scan3A_291, %mul3A_293 : i32
      %add3A_295 = vector.broadcast %mul3A_294 : i32 to vector<16xi32>
      %add3A_296 = arith.addi %iota3A, %add3A_295 : vector<16xi32>
      %mul3A_297 = arith.constant 16 : i32
      %mul3A_298 = arith.muli %scan3A_291, %mul3A_297 : i32
      %get3A_299 = arith.index_cast %mul3A_298 : i32 to index
      %get3A_300 = tpu.vector_load %arg20[%get3A_299] {strides = array<i32>} : memref<128xi32, #tpu.memory_space<vmem>>, vector<16xi32>,
      %scan3A_301 = arith.constant 0 : i32
      %scan3A_302 = arith.constant 8 : i32
      %scan3A_303 = arith.addi %scan3A_301, %scan3A_302 : i32
      %scan3A_304 = arith.constant 1 : i32
      %scan3A_305:8 = scf.for %scan3A_341 = %scan3A_301 to %scan3A_303 step %scan3A_304 iter_args(%scan3A_342 = %broadcast_in_dim3A_283, %scan3A_343 = %broadcast_in_dim3A_283, %scan3A_344 = %broadcast_in_dim3A_283, %scan3A_345 = %broadcast_in_dim3A_283, %scan3A_346 = %broadcast_in_dim3A_283, %scan3A_347 = %broadcast_in_dim3A_283, %scan3A_348 = %broadcast_in_dim3A_283, %scan3A_349 = %broadcast_in_dim3A_283) -> (vector<16xf32>, vector<16xf32>, vector<16xf32>, vector<16xf32>, vector<16xf32>, vector<16xf32>, vector<16xf32>, vector<16xf32>)  : i32 {
        %mul3A_350 = arith.constant 8 : i32
        %mul3A_351 = arith.muli %scan3A_341, %mul3A_350 : i32
        %add3A_352 = arith.constant 0 : i32
        %add3A_353 = vector.broadcast %add3A_352 : i32 to vector<16xi32>
        %add3A_354 = arith.addi %add3A_353, %iota3A : vector<16xi32>
        %add3A_355 = vector.broadcast %mul3A_351 : i32 to vector<16xi32>
        %add3A_356 = arith.addi %add3A_355, %add3A_354 : vector<16xi32>
        %and3A = arith.constant 63 : i32
        %and3A_357 = vector.broadcast %and3A : i32 to vector<16xi32>
        %and3A_358 = arith.andi %add3A_356, %and3A_357 : vector<16xi32>
        %gather3A = tpu.vector_load_idx %arg28[%add3A_296, %and3A_358] : memref<128x64xf32, #tpu.memory_space<vmem>>[vector<16xi32>, vector<16xi32>], vector<16xf32>,
        %gather3A_359 = tpu.vector_load_idx %arg34[%get3A_300, %and3A_358] : memref<1000x64xf32, #tpu.memory_space<vmem>>[vector<16xi32>, vector<16xi32>], vector<16xf32>,
        %gather3A_360 = tpu.vector_load_idx %arg29[%add3A_296, %and3A_358] : memref<128x64xf32, #tpu.memory_space<vmem>>[vector<16xi32>, vector<16xi32>], vector<16xf32>,
        %mul3A_361 = arith.mulf %gather3A, %gather3A_360 : vector<16xf32>
        %mul3A_362 = arith.mulf %gather3A_359, %mul3A_361 : vector<16xf32>
        %add3A_363 = arith.addf %scan3A_342, %mul3A_362 : vector<16xf32>
        %mul3A_364 = arith.constant 8 : i32
        %mul3A_365 = arith.muli %scan3A_341, %mul3A_364 : i32
        %add3A_366 = arith.constant 1 : i32
        %add3A_367 = vector.broadcast %add3A_366 : i32 to vector<16xi32>
        %add3A_368 = arith.addi %add3A_367, %iota3A : vector<16xi32>
        %add3A_369 = vector.broadcast %mul3A_365 : i32 to vector<16xi32>
        %add3A_370 = arith.addi %add3A_369, %add3A_368 : vector<16xi32>
        %and3A_371 = arith.constant 63 : i32
        %and3A_372 = vector.broadcast %and3A_371 : i32 to vector<16xi32>
        %and3A_373 = arith.andi %add3A_370, %and3A_372 : vector<16xi32>
        %gather3A_374 = tpu.vector_load_idx %arg28[%add3A_296, %and3A_373] : memref<128x64xf32, #tpu.memory_space<vmem>>[vector<16xi32>, vector<16xi32>], vector<16xf32>,
        %gather3A_375 = tpu.vector_load_idx %arg34[%get3A_300, %and3A_373] : memref<1000x64xf32, #tpu.memory_space<vmem>>[vector<16xi32>, vector<16xi32>], vector<16xf32>,
        %gather3A_376 = tpu.vector_load_idx %arg29[%add3A_296, %and3A_373] : memref<128x64xf32, #tpu.memory_space<vmem>>[vector<16xi32>, vector<16xi32>], vector<16xf32>,
        %mul3A_377 = arith.mulf %gather3A_374, %gather3A_376 : vector<16xf32>
        %mul3A_378 = arith.mulf %gather3A_375, %mul3A_377 : vector<16xf32>
        %add3A_379 = arith.addf %scan3A_343, %mul3A_378 : vector<16xf32>
        %mul3A_380 = arith.constant 8 : i32
        %mul3A_381 = arith.muli %scan3A_341, %mul3A_380 : i32
        %add3A_382 = arith.constant 2 : i32
        %add3A_383 = vector.broadcast %add3A_382 : i32 to vector<16xi32>
        %add3A_384 = arith.addi %add3A_383, %iota3A : vector<16xi32>
        %add3A_385 = vector.broadcast %mul3A_381 : i32 to vector<16xi32>
        %add3A_386 = arith.addi %add3A_385, %add3A_384 : vector<16xi32>
        %and3A_387 = arith.constant 63 : i32
        %and3A_388 = vector.broadcast %and3A_387 : i32 to vector<16xi32>
        %and3A_389 = arith.andi %add3A_386, %and3A_388 : vector<16xi32>
        %gather3A_390 = tpu.vector_load_idx %arg28[%add3A_296, %and3A_389] : memref<128x64xf32, #tpu.memory_space<vmem>>[vector<16xi32>, vector<16xi32>], vector<16xf32>,
        %gather3A_391 = tpu.vector_load_idx %arg34[%get3A_300, %and3A_389] : memref<1000x64xf32, #tpu.memory_space<vmem>>[vector<16xi32>, vector<16xi32>], vector<16xf32>,
        %gather3A_392 = tpu.vector_load_idx %arg29[%add3A_296, %and3A_389] : memref<128x64xf32, #tpu.memory_space<vmem>>[vector<16xi32>, vector<16xi32>], vector<16xf32>,
        %mul3A_393 = arith.mulf %gather3A_390, %gather3A_392 : vector<16xf32>
        %mul3A_394 = arith.mulf %gather3A_391, %mul3A_393 : vector<16xf32>
        %add3A_395 = arith.addf %scan3A_344, %mul3A_394 : vector<16xf32>
        %mul3A_396 = arith.constant 8 : i32
        %mul3A_397 = arith.muli %scan3A_341, %mul3A_396 : i32
        %add3A_398 = arith.constant 3 : i32
        %add3A_399 = vector.broadcast %add3A_398 : i32 to vector<16xi32>
        %add3A_400 = arith.addi %add3A_399, %iota3A : vector<16xi32>
        %add3A_401 = vector.broadcast %mul3A_397 : i32 to vector<16xi32>
        %add3A_402 = arith.addi %add3A_401, %add3A_400 : vector<16xi32>
        %and3A_403 = arith.constant 63 : i32
        %and3A_404 = vector.broadcast %and3A_403 : i32 to vector<16xi32>
        %and3A_405 = arith.andi %add3A_402, %and3A_404 : vector<16xi32>
        %gather3A_406 = tpu.vector_load_idx %arg28[%add3A_296, %and3A_405] : memref<128x64xf32, #tpu.memory_space<vmem>>[vector<16xi32>, vector<16xi32>], vector<16xf32>,
        %gather3A_407 = tpu.vector_load_idx %arg34[%get3A_300, %and3A_405] : memref<1000x64xf32, #tpu.memory_space<vmem>>[vector<16xi32>, vector<16xi32>], vector<16xf32>,
        %gather3A_408 = tpu.vector_load_idx %arg29[%add3A_296, %and3A_405] : memref<128x64xf32, #tpu.memory_space<vmem>>[vector<16xi32>, vector<16xi32>], vector<16xf32>,
        %mul3A_409 = arith.mulf %gather3A_406, %gather3A_408 : vector<16xf32>
        %mul3A_410 = arith.mulf %gather3A_407, %mul3A_409 : vector<16xf32>
        %add3A_411 = arith.addf %scan3A_345, %mul3A_410 : vector<16xf32>
        %mul3A_412 = arith.constant 8 : i32
        %mul3A_413 = arith.muli %scan3A_341, %mul3A_412 : i32
        %add3A_414 = arith.constant 4 : i32
        %add3A_415 = vector.broadcast %add3A_414 : i32 to vector<16xi32>
        %add3A_416 = arith.addi %add3A_415, %iota3A : vector<16xi32>
        %add3A_417 = vector.broadcast %mul3A_413 : i32 to vector<16xi32>
        %add3A_418 = arith.addi %add3A_417, %add3A_416 : vector<16xi32>
        %and3A_419 = arith.constant 63 : i32
        %and3A_420 = vector.broadcast %and3A_419 : i32 to vector<16xi32>
        %and3A_421 = arith.andi %add3A_418, %and3A_420 : vector<16xi32>
        %gather3A_422 = tpu.vector_load_idx %arg28[%add3A_296, %and3A_421] : memref<128x64xf32, #tpu.memory_space<vmem>>[vector<16xi32>, vector<16xi32>], vector<16xf32>,
        %gather3A_423 = tpu.vector_load_idx %arg34[%get3A_300, %and3A_421] : memref<1000x64xf32, #tpu.memory_space<vmem>>[vector<16xi32>, vector<16xi32>], vector<16xf32>,
        %gather3A_424 = tpu.vector_load_idx %arg29[%add3A_296, %and3A_421] : memref<128x64xf32, #tpu.memory_space<vmem>>[vector<16xi32>, vector<16xi32>], vector<16xf32>,
        %mul3A_425 = arith.mulf %gather3A_422, %gather3A_424 : vector<16xf32>
        %mul3A_426 = arith.mulf %gather3A_423, %mul3A_425 : vector<16xf32>
        %add3A_427 = arith.addf %scan3A_346, %mul3A_426 : vector<16xf32>
        %mul3A_428 = arith.constant 8 : i32
        %mul3A_429 = arith.muli %scan3A_341, %mul3A_428 : i32
        %add3A_430 = arith.constant 5 : i32
        %add3A_431 = vector.broadcast %add3A_430 : i32 to vector<16xi32>
        %add3A_432 = arith.addi %add3A_431, %iota3A : vector<16xi32>
        %add3A_433 = vector.broadcast %mul3A_429 : i32 to vector<16xi32>
        %add3A_434 = arith.addi %add3A_433, %add3A_432 : vector<16xi32>
        %and3A_435 = arith.constant 63 : i32
        %and3A_436 = vector.broadcast %and3A_435 : i32 to vector<16xi32>
        %and3A_437 = arith.andi %add3A_434, %and3A_436 : vector<16xi32>
        %gather3A_438 = tpu.vector_load_idx %arg28[%add3A_296, %and3A_437] : memref<128x64xf32, #tpu.memory_space<vmem>>[vector<16xi32>, vector<16xi32>], vector<16xf32>,
        %gather3A_439 = tpu.vector_load_idx %arg34[%get3A_300, %and3A_437] : memref<1000x64xf32, #tpu.memory_space<vmem>>[vector<16xi32>, vector<16xi32>], vector<16xf32>,
        %gather3A_440 = tpu.vector_load_idx %arg29[%add3A_296, %and3A_437] : memref<128x64xf32, #tpu.memory_space<vmem>>[vector<16xi32>, vector<16xi32>], vector<16xf32>,
        %mul3A_441 = arith.mulf %gather3A_438, %gather3A_440 : vector<16xf32>
        %mul3A_442 = arith.mulf %gather3A_439, %mul3A_441 : vector<16xf32>
        %add3A_443 = arith.addf %scan3A_347, %mul3A_442 : vector<16xf32>
        %mul3A_444 = arith.constant 8 : i32
        %mul3A_445 = arith.muli %scan3A_341, %mul3A_444 : i32
        %add3A_446 = arith.constant 6 : i32
        %add3A_447 = vector.broadcast %add3A_446 : i32 to vector<16xi32>
        %add3A_448 = arith.addi %add3A_447, %iota3A : vector<16xi32>
        %add3A_449 = vector.broadcast %mul3A_445 : i32 to vector<16xi32>
        %add3A_450 = arith.addi %add3A_449, %add3A_448 : vector<16xi32>
        %and3A_451 = arith.constant 63 : i32
        %and3A_452 = vector.broadcast %and3A_451 : i32 to vector<16xi32>
        %and3A_453 = arith.andi %add3A_450, %and3A_452 : vector<16xi32>
        %gather3A_454 = tpu.vector_load_idx %arg28[%add3A_296, %and3A_453] : memref<128x64xf32, #tpu.memory_space<vmem>>[vector<16xi32>, vector<16xi32>], vector<16xf32>,
        %gather3A_455 = tpu.vector_load_idx %arg34[%get3A_300, %and3A_453] : memref<1000x64xf32, #tpu.memory_space<vmem>>[vector<16xi32>, vector<16xi32>], vector<16xf32>,
        %gather3A_456 = tpu.vector_load_idx %arg29[%add3A_296, %and3A_453] : memref<128x64xf32, #tpu.memory_space<vmem>>[vector<16xi32>, vector<16xi32>], vector<16xf32>,
        %mul3A_457 = arith.mulf %gather3A_454, %gather3A_456 : vector<16xf32>
        %mul3A_458 = arith.mulf %gather3A_455, %mul3A_457 : vector<16xf32>
        %add3A_459 = arith.addf %scan3A_348, %mul3A_458 : vector<16xf32>
        %mul3A_460 = arith.constant 8 : i32
        %mul3A_461 = arith.muli %scan3A_341, %mul3A_460 : i32
        %add3A_462 = arith.constant 7 : i32
        %add3A_463 = vector.broadcast %add3A_462 : i32 to vector<16xi32>
        %add3A_464 = arith.addi %add3A_463, %iota3A : vector<16xi32>
        %add3A_465 = vector.broadcast %mul3A_461 : i32 to vector<16xi32>
        %add3A_466 = arith.addi %add3A_465, %add3A_464 : vector<16xi32>
        %and3A_467 = arith.constant 63 : i32
        %and3A_468 = vector.broadcast %and3A_467 : i32 to vector<16xi32>
        %and3A_469 = arith.andi %add3A_466, %and3A_468 : vector<16xi32>
        %gather3A_470 = tpu.vector_load_idx %arg28[%add3A_296, %and3A_469] : memref<128x64xf32, #tpu.memory_space<vmem>>[vector<16xi32>, vector<16xi32>], vector<16xf32>,
        %gather3A_471 = tpu.vector_load_idx %arg34[%get3A_300, %and3A_469] : memref<1000x64xf32, #tpu.memory_space<vmem>>[vector<16xi32>, vector<16xi32>], vector<16xf32>,
        %gather3A_472 = tpu.vector_load_idx %arg29[%add3A_296, %and3A_469] : memref<128x64xf32, #tpu.memory_space<vmem>>[vector<16xi32>, vector<16xi32>], vector<16xf32>,
        %mul3A_473 = arith.mulf %gather3A_470, %gather3A_472 : vector<16xf32>
        %mul3A_474 = arith.mulf %gather3A_471, %mul3A_473 : vector<16xf32>
        %add3A_475 = arith.addf %scan3A_349, %mul3A_474 : vector<16xf32>
        scf.yield %add3A_363, %add3A_379, %add3A_395, %add3A_411, %add3A_427, %add3A_443, %add3A_459, %add3A_475 : vector<16xf32>, vector<16xf32>, vector<16xf32>, vector<16xf32>, vector<16xf32>, vector<16xf32>, vector<16xf32>, vector<16xf32>
      }
      %scan3A_306 = arith.constant 8 : i32
      %add3A_307 = arith.addf %scan3A_305#0, %scan3A_305#1 : vector<16xf32>
      %add3A_308 = arith.addf %scan3A_305#2, %scan3A_305#3 : vector<16xf32>
      %add3A_309 = arith.addf %scan3A_305#4, %scan3A_305#5 : vector<16xf32>
      %add3A_310 = arith.addf %scan3A_305#6, %scan3A_305#7 : vector<16xf32>
      %add3A_311 = arith.addf %add3A_307, %add3A_308 : vector<16xf32>
      %add3A_312 = arith.addf %add3A_309, %add3A_310 : vector<16xf32>
      %add3A_313 = arith.addf %add3A_311, %add3A_312 : vector<16xf32>
      %add3A_314 = arith.addf %broadcast_in_dim3A_283, %broadcast_in_dim3A_283 : vector<16xf32>
      %add3A_315 = arith.addf %broadcast_in_dim3A_283, %broadcast_in_dim3A_283 : vector<16xf32>
      %add3A_316 = arith.addf %broadcast_in_dim3A_283, %broadcast_in_dim3A_283 : vector<16xf32>
      %add3A_317 = arith.addf %broadcast_in_dim3A_283, %broadcast_in_dim3A_283 : vector<16xf32>
      %add3A_318 = arith.addf %add3A_314, %add3A_315 : vector<16xf32>
      %add3A_319 = arith.addf %add3A_316, %add3A_317 : vector<16xf32>
      %add3A_320 = arith.addf %add3A_318, %add3A_319 : vector<16xf32>
      %mul3A_321 = arith.mulf %get3A_7, %add3A_313 : vector<16xf32>
      %add3A_322 = arith.addf %mul3A_321, %get3A_9 : vector<16xf32>
      %mul3A_323 = arith.constant 16 : i32
      %mul3A_324 = arith.muli %scan3A_291, %mul3A_323 : i32
      %add3A_325 = arith.constant 512 : i32
      %add3A_326 = arith.addi %add3A_325, %mul3A_324 : i32
      %get3A_327 = arith.index_cast %add3A_326 : i32 to index
      %get3A_328 = tpu.vector_load %arg35[%get3A_327] {strides = array<i32>} : memref<544xf32, #tpu.memory_space<vmem>>, vector<16xf32>,
      %sub3A = arith.subf %get3A_328, %add3A_322 : vector<16xf32>
      %max3A = arith.constant 0.000000e+00 : f32
      %max3A_329 = vector.broadcast %max3A : f32 to vector<16xf32>
      %max3A_330 = arith.maximumf %sub3A, %max3A_329 : vector<16xf32>
      %mul3A_331 = arith.mulf %max3A_330, %max3A_330 : vector<16xf32>
      %mul3A_332 = arith.constant 1.95312503E-4 : f32
      %mul3A_333 = vector.broadcast %mul3A_332 : f32 to vector<16xf32>
      %mul3A_334 = arith.mulf %mul3A_331, %mul3A_333 : vector<16xf32>
      %get3A_335 = arith.constant 0 : index
      %get3A_336 = tpu.vector_load %arg36[%get3A_335] {strides = array<i32>} : memref<16xf32, #tpu.memory_space<vmem>>, vector<16xf32>,
      %add3A_337 = arith.addf %get3A_336, %mul3A_334 : vector<16xf32>
      %swap3A_338 = arith.constant 0 : index
      %swap3A_339 = tpu.vector_load %arg36[%swap3A_338] {strides = array<i32>} : memref<16xf32, #tpu.memory_space<vmem>>, vector<16xf32>,
      tpu.vector_store %arg36[%swap3A_338], %add3A_337 {strides = array<i32>} : memref<16xf32, #tpu.memory_space<vmem>>, vector<16xf32>,
      %scan3A_340 = arith.constant 0 : i32
      scf.yield %scan3A_340 : i32
    }
    %scan3A_290 = arith.constant 2 : i32
    "tpu.region"() ({
      %run_scoped3A = tpu.sem_alloc : memref<!tpu.dma_semaphore, #tpu.memory_space<semaphore_mem>>
      %dma_start3A_291 = arith.constant 0 : i32
      %dma_start3A_292 = tpu.memref_slice %arg18[%add3A, %dma_start3A_291] : memref<32x16xf32, #tpu.memory_space<hbm>> -> memref<1x16xf32, #tpu.memory_space<hbm>>
      %dma_start3A_293 = tpu.memref_squeeze %dma_start3A_292 : memref<1x16xf32, #tpu.memory_space<hbm>> -> memref<16xf32, #tpu.memory_space<hbm>>
      %dma_start3A_294 = arith.constant 0 : i32
      %dma_start3A_295 = tpu.memref_slice %arg18[%add3A, %dma_start3A_294] : memref<32x16xf32, #tpu.memory_space<hbm>> -> memref<1x16xf32, #tpu.memory_space<hbm>>
      %dma_start3A_296 = tpu.memref_squeeze %dma_start3A_295 : memref<1x16xf32, #tpu.memory_space<hbm>> -> memref<16xf32, #tpu.memory_space<hbm>>
      tpu.enqueue_dma source(%arg36 : memref<16xf32, #tpu.memory_space<vmem>>) target(%dma_start3A_296 : memref<16xf32, #tpu.memory_space<hbm>>) target_semaphore(%run_scoped3A : memref<!tpu.dma_semaphore, #tpu.memory_space<semaphore_mem>>)
      %dma_wait3A_297 = arith.constant 0 : i32
      %dma_wait3A_298 = tpu.memref_slice %arg18[%add3A, %dma_wait3A_297] : memref<32x16xf32, #tpu.memory_space<hbm>> -> memref<1x16xf32, #tpu.memory_space<hbm>>
      %dma_wait3A_299 = tpu.memref_squeeze %dma_wait3A_298 : memref<1x16xf32, #tpu.memory_space<hbm>> -> memref<16xf32, #tpu.memory_space<hbm>>
      %dma_wait3A_300 = arith.constant 0 : i32
      %dma_wait3A_301 = tpu.memref_slice %arg18[%add3A, %dma_wait3A_300] : memref<32x16xf32, #tpu.memory_space<hbm>> -> memref<1x16xf32, #tpu.memory_space<hbm>>
      %dma_wait3A_302 = tpu.memref_squeeze %dma_wait3A_301 : memref<1x16xf32, #tpu.memory_space<hbm>> -> memref<16xf32, #tpu.memory_space<hbm>>
      tpu.wait_dma2 semaphore(%run_scoped3A : memref<!tpu.dma_semaphore, #tpu.memory_space<semaphore_mem>>) src(%arg36 : memref<16xf32, #tpu.memory_space<vmem>>) dst(%dma_wait3A_302 : memref<16xf32, #tpu.memory_space<hbm>>)
      tpu.yield
    }) : () -> ()
    return
  }
}

</mosaic_0001>

<sc_bundles>
// kernel: _sc_call.3.cloned.1.call-start
scs
__scs_entry_jumppad:
0x0: {  	(pc) =	sbr.rel $0x88, $3  }
0x1: {  	(tag) =	ssettag $0x0;
	lr =	simm.s32 $0x1  }
0x2: {  	[smem:$0x3F91] =	sst lr;
	_ =	strace $0xD0000000  }
0x3: {  	_ = 	snop  }
0x4: {  	_ = 	snop  }
0x5: {  	_ = 	snop  }
0x6: {  	_ = 	snop  }
0x7: {  	_ = 	snop  }
__scs_overlays_trampoline_lowered:
0x8: {  	[smem:$0x3FA0] =	sst s0  }
0x9: {  	[smem:$0x3FA1] =	sst s1  }
0xa: {  	[smem:$0x3FA2] =	sst s2  }
0xb: {  	[smem:$0x3FA3] =	sst s3  }
0xc: {  	[smem:$0x3FA4] =	sst s4  }
0xd: {  	[smem:$0x3FA5] =	sst s5  }
0xe: {  	[smem:$0x3FA6] =	sst s6  }
0xf: {  	[smem:$0x3FA7] =	sst s7  }
0x10: {  	[smem:$0x3FA8] =	sst s8  }
0x11: {  	[smem:$0x3FA9] =	sst s9;
	s0 =	simm.s32 @!p0 $0x0  }
0x12: {  	s1 =	sld [smem:$0x3F8F];
	s0 =	simm.s32 @p0 $0x1  }
0x13: {  	[smem:$0x3FAA] =	sst s0;
	s0 =	simm.s32 @!p1 $0x0  }
0x14: {  	s2 =	sld [smem:$0x3F8E];
	s0 =	simm.s32 @p1 $0x1  }
0x15: {  	[smem:$0x3FAB] =	sst s0;
	s0 =	simm.s32 @!p2 $0x0  }
0x16: {  	s3 =	sld [smem:$0x3FDB];
	s0 =	simm.s32 @p2 $0x1  }
0x17: {  	s4 =	simm.s32 $0x1BF5;
	[smem:$0x3FAD] =	sst s0  }
0x18: {  	s0 =	sld [smem:$0x3F90];
	_ =	swait.ge [sflag:s4], $0x0  }
0x19: {  	s7 =	sld [smem:$0x3F91]  }
0x1a: {  	s8 =	sadd.s32 $0xFFFFE003, lr  }
0x1b: {  	s9 =	sadd.s32 $0xFFFFFEF7, lr;
	s5 =	simm.s32 $0xFFFFFFFF;
	p2 =	slt.u32 s8, $0xFFFFF086  }
0x1c: {  	p1 =	slt.u32 s9, $0xF7A;
	s5 =	simm.s32 @!p2 $0x0  }
0x1d: {  	s5 =	simm.s32 @p1 $0x1;
	p0 =	seq.s32 s7, s2  }
0x1e: {  	s7 =	smul.u32 @!p0 $0xF7A, s2;
	p2 =	seq.s32 @!p0 s5, $0x0  }
0x1f: {  	s9 =	smul.u32 $0xF7A, s1;
	s8 =	simm.s32 @!p0 $0x1BF5;
	p2 =	por !p2, p0  }
0x20: {  	[sflag:s8] =	ssyncset.s32 @!p0 $0xFFFFF086;
	s6 =	sadd.s32 @!p0 s3, s7;
	s7 =	simm.s32 @!p0 $0x108  }
0x21: {  	s3 =	sadd.s32 s3, s9;
	s6 =	sadd.s32 @!p0 $0x88, s6;
	s7 =	simm.s32 @p2 $0x1082  }
0x22: {  	[simem:s7], [sflag:s8] =	dma.local @!p0 [hbm:s6], $0xF7A  }
0x23: {  	s9 =	sor.u32 $0xD0000000, s2;
	s6 =	simm.s32 $0x108;
	_ =	swait.ge @!p0 [sflag:s8], $0x0  }
0x24: {  	s3 =	sadd.s32 $0x88, s3;
	s6 =	simm.s32 @!p1 $0x1082;
	[sflag:s4] =	ssyncset.s32 $0xFFFFF086  }
0x25: {  	[simem:s6], [sflag:s4] =	dma.local [hbm:s3], $0xF7A  }
0x26: {  	[smem:$0x3F91] =	sst s1;
	(tag) =	ssettag s2;
	_ =	strace s9  }
0x27: {  	s1 =	sld [smem:$0x3FA1]  }
0x28: {  	s2 =	sld [smem:$0x3FA2]  }
0x29: {  	s4 =	sld [smem:$0x3FA4]  }
0x2a: {  	p0 =	seq.s32 s5, $0x0;
	s5 =	sld [smem:$0x3FA5]  }
0x2b: {  	s6 =	sld [smem:$0x3FA6]  }
0x2c: {  	s7 =	sld [smem:$0x3FA7]  }
0x2d: {  	s3 =	simm.s32 $0x108;
	s8 =	sld [smem:$0x3FA8]  }
0x2e: {  	s3 =	simm.s32 @!p0 $0x1082;
	s9 =	sld [smem:$0x3FA9]  }
0x2f: {  	lr =	sadd.s32 s0, s3;
	s0 =	sld [smem:$0x3FA0]  }
0x30: {  	s3 =	sld [smem:$0x3FA3]  }
0x31: {  	[smem:$0x3FAC] =	sst s10  }
0x32: {  	s10 =	sld [smem:$0x3FAA];
	_ =	sdelay $0x3  }
0x33: {  	p0 =	seq.s32 s10, $0x1;
	s10 =	sld [smem:$0x3FAC];
	_ =	sdelay $0x3  }
0x34: {  	[smem:$0x3FAC] =	sst s10  }
0x35: {  	s10 =	sld [smem:$0x3FAB];
	_ =	sdelay $0x3  }
0x36: {  	p1 =	seq.s32 s10, $0x1;
	s10 =	sld [smem:$0x3FAC];
	_ =	sdelay $0x3  }
0x37: {  	[smem:$0x3FAC] =	sst s10  }
0x38: {  	s10 =	sld [smem:$0x3FAD]  }
0x39: {  	_ = 	snop;
	(pc) =	sbr.ind lr, $3  }
0x3a: {  	_ = 	snop  }
0x3b: {  	_ = 	snop  }
0x3c: {  	p2 =	seq.s32 s10, $0x1;
	s10 =	sld [smem:$0x3FAC]  }
0x3d: {  	_ =	shalt  }
0x3e: {  	_ =	shalt  }
0x3f: {  	_ =	shalt  }
0x40: {  	_ =	shalt  }
0x41: {  	_ =	shalt  }
0x42: {  	_ =	shalt  }
0x43: {  	_ =	shalt  }
0x44: {  	_ =	shalt  }
0x45: {  	_ =	shalt  }
0x46: {  	_ =	shalt  }
0x47: {  	_ =	shalt  }
0x48: {  	_ =	shalt  }
0x49: {  	_ =	shalt  }
0x4a: {  	_ =	shalt  }
0x4b: {  	_ =	shalt  }
0x4c: {  	_ =	shalt  }
0x4d: {  	_ =	shalt  }
0x4e: {  	_ =	shalt  }
0x4f: {  	_ =	shalt  }
0x50: {  	_ =	shalt  }
0x51: {  	_ =	shalt  }
0x52: {  	_ =	shalt  }
0x53: {  	_ =	shalt  }
0x54: {  	_ =	shalt  }
0x55: {  	_ =	shalt  }
0x56: {  	_ =	shalt  }
0x57: {  	_ =	shalt  }
0x58: {  	_ =	shalt  }
0x59: {  	_ =	shalt  }
0x5a: {  	_ =	shalt  }
0x5b: {  	_ =	shalt  }
0x5c: {  	_ =	shalt  }
0x5d: {  	_ =	shalt  }
0x5e: {  	_ =	shalt  }
0x5f: {  	_ =	shalt  }
0x60: {  	_ =	shalt  }
0x61: {  	_ =	shalt  }
0x62: {  	_ =	shalt  }
0x63: {  	_ =	shalt  }
0x64: {  	_ =	shalt  }
0x65: {  	_ =	shalt  }
0x66: {  	_ =	shalt  }
0x67: {  	_ =	shalt  }
0x68: {  	_ =	shalt  }
0x69: {  	_ =	shalt  }
0x6a: {  	_ =	shalt  }
0x6b: {  	_ =	shalt  }
0x6c: {  	_ =	shalt  }
0x6d: {  	_ =	shalt  }
0x6e: {  	_ =	shalt  }
0x6f: {  	_ =	shalt  }
0x70: {  	_ =	shalt  }
0x71: {  	_ =	shalt  }
0x72: {  	_ =	shalt  }
0x73: {  	_ =	shalt  }
0x74: {  	_ =	shalt  }
0x75: {  	_ =	shalt  }
0x76: {  	_ =	shalt  }
0x77: {  	_ =	shalt  }
0x78: {  	_ =	shalt  }
0x79: {  	_ =	shalt  }
0x7a: {  	_ =	shalt  }
0x7b: {  	_ =	shalt  }
0x7c: {  	_ =	shalt  }
0x7d: {  	_ =	shalt  }
0x7e: {  	_ =	shalt  }
0x7f: {  	_ =	shalt  }
0x80: {  	_ =	shalt  }
0x81: {  	_ =	shalt  }
0x82: {  	_ =	shalt  }
0x83: {  	_ =	shalt  }
0x84: {  	_ =	shalt  }
0x85: {  	_ =	shalt  }
0x86: {  	_ =	shalt  }
0x87: {  	_ =	shalt  }
.Lfunc_end0:
.L_simem_size_0:
called_computation_lowered:
.L_overlay_start_0:
0x88: {  	s2 =	sld [smem:$0x3FD9]  }
0x89: {  	s3 =	sld [smem:$0x3FFE];
	_ =	sdelay $0x1  }
0x8a: {  	s1 =	srdreg.scid  }
0x8b: {  	s0 =	sand.u32 $0x1, s1  }
0x8c: {  	s24 =	sshll.u32 s0, $0xA;
	s2 =	sadd.s32 s3, s2  }
0x8d: {  	s2 =	sadd.s32 s2, s24  }
0x8e: {  	[smem:$0x3FB8] =	sst s2  }
0x8f: {  	_ = 	snop  }
0x90: {  	s4 =	sld [smem:$0x3FC9]  }
0x91: {  	s5 =	sld [smem:$0x3FC8]  }
0x92: {  	s6 =	sld [smem:$0x3FC7]  }
0x93: {  	s7 =	sld [smem:$0x3FC6]  }
0x94: {  	s8 =	sld [smem:$0x3FC5]  }
0x95: {  	s9 =	sld [smem:$0x3FC4]  }
0x96: {  	s10 =	sld [smem:$0x3FC3]  }
0x97: {  	s11 =	sld [smem:$0x3FC2]  }
0x98: {  	s12 =	sld [smem:$0x3FC1]  }
0x99: {  	s13 =	sld [smem:$0x3FC0]  }
0x9a: {  	s14 =	sld [smem:$0x3FBF]  }
0x9b: {  	s2 =	sld [smem:$0x3FBB]  }
0x9c: {  	s3 =	sld [smem:$0x3FBA]  }
0x9d: {  	s16 =	sld [smem:$0x3FD0];
	(tm) =	ssettm $0x1  }
0x9e: {  	s15 =	sld [smem:$0x3FFB];
	_ =	sdelay $0x3  }
0x9f: {  	_ =	strace s15  }
0xa0: {  	s15 =	sld [smem:$0x3FFC];
	_ =	sdelay $0x3  }
0xa1: {  	_ =	strace s15  }
0xa2: {  	s15 =	sld [smem:$0x3FFD];
	_ =	sdelay $0x3  }
0xa3: {  	_ =	strace s15  }
0xa4: {  	_ =	strace $0x8FFFFFFF  }
0xa5: {  	s25 =	sld [smem:$0x3FDB];
	_ =	sdelay $0x1  }
0xa6: {  	s17 =	simm.s32 $_scs_section_size  }
0xa7: {  	s18 =	simm.s32 $_size__tile_task_arg_handler_lowered;
	s19 =	simm.s32 $_tile_task_arg_handler_lowered  }
0xa8: {  	s29 =	simm.s32 $0x1BFF;
	s28 =	sshll.u32 s19, $0x1;
	s17 =	sadd.s32 s17, s25  }
0xa9: {  	s20 =	simm.s32 $0x60;
	s26 =	sshll.u32 s18, $0x1;
	s18 =	sadd.s32 s28, s17  }
0xaa: {  	[timem:s20], [sflag:s29] =	dma.local [hbm:s18], s26  }
0xab: {  	_ =	swait.ge [sflag:s29], s26  }
0xac: {  	s30 =	simm.s32 $_tile_overlayer_lowered;
	s15 =	ssub.s32 $0x0, s26;
	[sflag:s29] =	ssyncset.done $0x0  }
0xad: {  	s31 =	simm.s32 $_size__tile_overlayer_lowered;
	s18 =	sshll.u32 s30, $0x1;
	[sflag:s29] =	ssyncadd.s32 s15  }
0xae: {  	s21 =	simm.s32 $0x0;
	s18 =	sadd.s32 s18, s17;
	s15 =	sshll.u32 s31, $0x1  }
0xaf: {  	[timem:s21], [sflag:s29] =	dma.local [hbm:s18], s15  }
0xb0: {  	_ =	swait.ge [sflag:s29], s15  }
0xb1: {  	s22 =	ssub.s32 $0x0, s15;
	[sflag:s29] =	ssyncset.done $0x0  }
0xb2: {  	[sflag:s29] =	ssyncadd.s32 s22;
	_ =	sdelay $0x1  }
0xb3: {  	s23 =	simm.s32 $0x1B8B  }
0xb4: {  	_ =	swait.ge [sflag:s23], $0x1  }
0xb5: {  	[sflag:s23] =	ssyncset.done $0x0  }
0xb6: {  	s25 =	simm.s32 $0x1B8E;
	s24 =	sld [smem:$0x3FFE];
	[sflag:s23] =	ssyncadd.s32 $0xFFFFFFFF  }
0xb7: {  	s26 =	simm.s32 $execute0_lowered;
	[smem:$0x3FD2] =	sst s25  }
0xb8: {  	s19 =	sshll.u32 s26, $0x1;
	_ =	strace $0x80000046;
	[dreg:$0x1] =	wrdreg $0xFFFFFFFF  }
0xb9: {  	s28 =	simm.s32 $_size_execute0_lowered;
	s17 =	sadd.s32 s17, s19;
	[dreg:$0x0] =	wrdreg $0x0  }
0xba: {  	s19 =	sshll.u32 s28, $0x1;
	[dreg:$0x2] =	wrdreg s17  }
0xbb: {  	[dreg:$0x3] =	wrdreg s19  }
0xbc: {  	[dreg:$0x4] =	wrdreg $0xC0  }
0xbd: {  	_ =	task [dreg:s21], $0x5FFFF  }
0xbe: {  	[dreg:$0x1] =	wrdreg $0xFFFFFFFF  }
0xbf: {  	[dreg:$0x0] =	wrdreg $0x30  }
0xc0: {  	[dreg:$0x2] =	wrdreg $0x0  }
0xc1: {  	[dreg:$0x3] =	wrdreg s16  }
0xc2: {  	[dreg:$0x4] =	wrdreg $0x9  }
0xc3: {  	_ =	task [dreg:s21], $0x5FFFF  }
0xc4: {  	[dreg:$0x1] =	wrdreg $0xFFFFFFFF  }
0xc5: {  	[dreg:$0x0] =	wrdreg $0x60  }
0xc6: {  	[dreg:$0x2] =	wrdreg s4  }
0xc7: {  	[dreg:$0x3] =	wrdreg s5  }
0xc8: {  	[dreg:$0x4] =	wrdreg s6  }
0xc9: {  	[dreg:$0x5] =	wrdreg s7  }
0xca: {  	[dreg:$0x6] =	wrdreg s8  }
0xcb: {  	[dreg:$0x7] =	wrdreg s9  }
0xcc: {  	[dreg:$0x8] =	wrdreg s10  }
0xcd: {  	[dreg:$0x9] =	wrdreg s11  }
0xce: {  	[dreg:$0xa] =	wrdreg s12  }
0xcf: {  	[dreg:$0xb] =	wrdreg s13  }
0xd0: {  	[dreg:$0xc] =	wrdreg s14  }
0xd1: {  	[dreg:$0xd] =	wrdreg s24  }
0xd2: {  	[dreg:$0xe] =	wrdreg s2  }
0xd3: {  	[dreg:$0xf] =	wrdreg s3  }
0xd4: {  	_ =	task.clear_ibuf [dreg:s21], $0x10FFFF;
	_ =	strace $0x90000046  }
0xd5: {  	s29 =	simm.s32 $0x9;
	_ =	strace $0x80000048  }
0xd6: {  	_ =	swait.ge [sflag:s29], $0x1  }
0xd7: {  	[sflag:s29] =	ssyncadd.s32 $0xFFFFFFFF  }
0xd8: {  	_ =	strace $0x90000048  }
0xd9: {  	_ =	sfence  }
0xda: {  	s30 =	sld [smem:$0x0];
	_ =	sdelay $0x2  }
0xdb: {  	s31 =	sshll.u32 s1, $0xD;
	s1 =	sshrl.u32 s1, $0x2  }
0xdc: {  	s3 =	sand.u32 $0x4000, s31;
	s1 =	sadd.s32 s1, s30  }
0xdd: {  	s0 =	sor.u32 s3, s0;
	s1 =	sshll.u32 s1, $0x11  }
0xde: {  	s0 =	sor.u32 s1, s0  }
0xdf: {  	s0 =	sadd.s32 $0x8F2B, s0  }
0xe0: {  	[sflag:s0] =	ssyncadd.remote.s32 $0x1  }
0xe1: {  	_ =	sfence.sel $0xFFFF  }
0xe2: {  	[dreg:$0x0] =	wrdreg $0xFFFFFFFF;
	(pc) =	sbr.abs _section_cstart, $3  }
0xe3: {  	[dreg:$0x1] =	wrdreg $0xFFFFFFFF  }
0xe4: {  	_ =	task.clear_ibuf [dreg:s21], $0x2FFFF;
	_ =	strace $0x9FFFFFFF  }
0xe5: {  	(tm) =	ssettm $0x7FFFFFFF  }
tec
_tile_task_arg_handler_lowered:
.L_overlay_start_1:
0x0: {  	(tag) =	ssettag $0x1  }
0x1: {  	s0 =	rddreg [dreg:$0x0]  }
0x2: {  	s1 =	rddreg [dreg:$0x1]  }
0x3: {  	s2 =	rddreg [dreg:$0x2]  }
0x4: {  	s3 =	rddreg [dreg:$0x3]  }
0x5: {  	s4 =	rddreg [dreg:$0x4]  }
0x6: {  	s5 =	rddreg [dreg:$0x5]  }
0x7: {  	s6 =	rddreg [dreg:$0x6]  }
0x8: {  	s7 =	rddreg [dreg:$0x7]  }
0x9: {  	s8 =	rddreg [dreg:$0x8]  }
0xa: {  	s9 =	rddreg [dreg:$0x9]  }
0xb: {  	s10 =	rddreg [dreg:$0xa]  }
0xc: {  	s11 =	rddreg [dreg:$0xb]  }
0xd: {  	s12 =	rddreg [dreg:$0xc]  }
0xe: {  	s13 =	rddreg [dreg:$0xd]  }
0xf: {  	[smem:s0] =	sst s1  }
0x10: {  	[smem:s0+$0x1] =	sst s2  }
0x11: {  	[smem:s0+$0x2] =	sst s3  }
0x12: {  	[smem:s0+$0x3] =	sst s4  }
0x13: {  	[smem:s0+$0x4] =	sst s5  }
0x14: {  	[smem:s0+$0x5] =	sst s6  }
0x15: {  	[smem:s0+$0x6] =	sst s7  }
0x16: {  	[smem:s0+$0x7] =	sst s8  }
0x17: {  	[smem:s0+$0x8] =	sst s9  }
0x18: {  	[smem:s0+$0x9] =	sst s10  }
0x19: {  	[smem:s0+$0xA] =	sst s11  }
0x1a: {  	[smem:s0+$0xB] =	sst s12  }
0x1b: {  	[smem:s0+$0xC] =	sst s13;
	_ =	shalt  }
.Lfunc_end2:
execute0_lowered:
.L_overlay_start_2:
0x1c: {  	(tag) =	ssettag $0x2  }
0x1d: {  	s3 =	rddreg [dreg:$0x0]  }
0x1e: {  	s4 =	rddreg [dreg:$0x1]  }
0x1f: {  	s5 =	rddreg [dreg:$0x2]  }
0x20: {  	s6 =	rddreg [dreg:$0x3]  }
0x21: {  	s0 =	rddreg [dreg:$0x4]  }
0x22: {  	s1 =	rddreg [dreg:$0x5]  }
0x23: {  	s2 =	rddreg [dreg:$0x6]  }
0x24: {  	s7 =	rddreg [dreg:$0x7]  }
0x25: {  	s8 =	rddreg [dreg:$0x8]  }
0x26: {  	s10 =	srdreg.scid;
	s12 =	stileid.u32  }
0x27: {  	s9 =	rddreg [dreg:$0x9];
	s10 =	sand.u32 $0x1, s10;
	s12 =	sshll.u32 s12, $0x1  }
0x28: {  	s11 =	rddreg [dreg:$0xa];
	s14 =	ssub.s32 $0x2, s10;
	s10 =	sor.u32 s10, s12  }
0x29: {  	s13 =	rddreg [dreg:$0xb];
	s16 =	simm.s32 $0x0;
	s15 =	sshll.u32 s10, $0x6  }
0x2a: {  	[smem:$0x7FF] =	sst s16;
	s6 =	sadd.s32 s6, s15  }
0x2b: {  	s24 =	sadd.s32 s3, s15;
	[dreg:$0xe] =	wrdreg s6  }
0x2c: {  	s25 =	sadd.s32 s4, s15;
	[dreg:$0xf] =	wrdreg s24  }
0x2d: {  	s26 =	sor.u32 $0x10, s15;
	s16 =	sadd.s32 s5, s15;
	[dreg:$0x10] =	wrdreg s25  }
0x2e: {  	s29 =	simm.s32 $0x3;
	[dreg:$0x11] =	wrdreg s16;
	s17 =	sadd.s32 s3, s26  }
0x2f: {  	s31 =	simm.s32 $0x8480;
	s19 =	sadd.s32 s4, s26;
	[dreg:$0x12] =	wrdreg s17  }
0x30: {  	s18 =	sor.u32 $0x20, s15;
	s6 =	sadd.s32 s5, s26;
	[dreg:$0x13] =	wrdreg s19  }
0x31: {  	s23 =	sshrl.u32 s14, $0x1;
	s20 =	sadd.s32 s3, s18;
	[dreg:$0x14] =	wrdreg s6  }
0x32: {  	s12 =	ssub.s32 s14, s23;
	s21 =	sadd.s32 s4, s18;
	[dreg:$0x15] =	wrdreg s20  }
0x33: {  	s23 =	sor.u32 $0x30, s15;
	s22 =	sadd.s32 s5, s18;
	[dreg:$0x16] =	wrdreg s21  }
0x34: {  	s28 =	sadd.s32 $0x16E3C00, s13;
	s3 =	sadd.s32 s3, s23;
	[dreg:$0x17] =	wrdreg s22  }
0x35: {  	s30 =	sadd.s32 $0xF42A00, s13;
	s24 =	sadd.s32 s4, s23;
	[dreg:$0x18] =	wrdreg s3  }
0x36: {  	s15 =	sshll.u32 s10, $0x1;
	s26 =	sadd.s32 s5, s23;
	[dreg:$0x19] =	wrdreg s24  }
0x37: {  	s25 =	sshll.u32 s10, $0x2;
	s23 =	smul.u32 $0x2800, s10;
	[dreg:$0x1a] =	wrdreg s26  }
0x38: {  	s10 =	simm.s32 $0x100;
	s5 =	sadd.s32 s11, s25;
	s6 =	sld [smem:$0x0]  }
0x39: {  	s11 =	sadd.s32 s7, s25;
	s14 =	sadd.s32 s8, s25;
	s17 =	sld [smem:$0x1]  }
0x3a: {  	s3 =	sadd.s32 s9, s25;
	s19 =	sadd.s32 $0x600, s13;
	[dreg:$0x1b] =	wrdreg s5  }
0x3b: {  	s26 =	smax.u32 s12, $0x1;
	s7 =	simm.s32 $0x7;
	[dreg:$0x1c] =	wrdreg s11  }
0x3c: {  	v2 =	vimm.s32 $0x21076543;
	s8 =	simm.s32 $0xC480;
	s9 =	simm.s32 $0x80;
	[dreg:$0x1d] =	wrdreg s14  }
0x3d: {  	v3 =	vimm.s32 $0x32107654;
	v2 =	vunpack.c.l.s4.s8 v2;
	s12 =	simm.s32 $0x200;
	s13 =	simm.s32 $0x280;
	[dreg:$0x1f] =	wrdreg s3  }
0x3e: {  	v4 =	vimm.s32 $0x43210765;
	v3 =	vunpack.c.l.s4.s8 v3;
	s18 =	sshrl.u32 s23, $0x3;
	s16 =	sadd.s32 s6, s15;
	[dreg:$0x1e] =	wrdreg s17  }
0x3f: {  	v5 =	vimm.s32 $0x54321076;
	v4 =	vunpack.c.l.s4.s8 v4;
	v0 =	vunpack.c.0.s8.s32 v2;
	s11 =	simm.s32 $0x180;
	s20 =	sadd.s32 $0x4E0, s18;
	[smem:$0x7F5] =	sst s16  }
0x40: {  	v6 =	vimm.s32 $0x65432107;
	v5 =	vunpack.c.l.s4.s8 v5;
	v55 =	vunpack.c.0.s8.s32 v3;
	s21 =	sadd.s32 s0, s20;
	_ =	strace $0x80000047;
	[smem:$0x7F6] =	sst s19  }
0x41: {  	v54 =	vunpack.c.l.s4.s8 v6;
	v56 =	vunpack.c.0.s8.s32 v4;
	s14 =	simm.s32 $0x300;
	s22 =	sadd.s32 s1, s20;
	[smem:$0x7F7] =	sst s21;
	[tilespmem:$0x1FF70] =	vst v0  }
0x42: {  	v1 =	vimm.s32 $0x7654321;
	v57 =	vunpack.c.0.s8.s32 v5;
	s3 =	sadd.s32 $0x4F0, s18;
	s4 =	sadd.s32 s2, s20;
	[smem:$0x7F8] =	sst s22;
	[tilespmem:$0x1FF80] =	vst v55  }
0x43: {  	v62 =	vlaneseq.u32;
	v1 =	vunpack.c.l.s4.s8 v1;
	v58 =	vunpack.c.0.s8.s32 v54;
	s18 =	simm.s32 $0x480;
	s24 =	sadd.s32 s0, s3;
	[smem:$0x7F9] =	sst s4;
	[tilespmem:$0x1FF90] =	vst v56  }
0x44: {  	v53 =	vimm.s32 $0x10765432;
	v59 =	vmul.u32 $0x40, v62;
	s25 =	sadd.s32 s1, s3;
	s3 =	sadd.s32 s2, s3;
	[smem:$0x7FA] =	sst s24;
	[tilespmem:$0x1FFA0] =	vst v57  }
0x45: {  	v60 =	vunpack.c.0.s8.s32 v1;
	v1 =	vunpack.c.l.s4.s8 v53;
	s17 =	simm.s32 $0x1;
	s20 =	simm.s32 $0x2;
	[smem:$0x7FB] =	sst s25;
	[tilespmem:$0x1FFB0] =	vst v58  }
0x46: {  	v63 =	vand.u32 $0x7, v62;
	s6 =	simm.s32 $0x0;
	s16 =	simm.s32 $0x400;
	[smem:$0x7FC] =	sst s3;
	[tilespmem:$0x1FFC0] =	vst v59  }
0x47: {  	v11 =	vadd.s32 $0x1, v62;
	v61 =	vunpack.c.0.s8.s32 v1;
	s4 =	simm.s32 $0x0;
	[smem:$0x7FD] =	sst s26;
	s19 =	simm.s32 $0x2480;
	[tilespmem:$0x1FFD0] =	vst v63  }
0x48: {  	v12 =	vadd.s32 $0x2, v62;
	v13 =	vadd.s32 $0x3, v62;
	v14 =	vadd.s32 $0x4, v62;
	s25 =	simm.s32 $0x4480;
	s26 =	simm.s32 $0x6480;
	s3 =	simm.s32 $0xA480;
	[tilespmem:$0x1FFE0] =	vst v60  }
0x49: {  	v15 =	vadd.s32 $0x5, v62;
	v16 =	vadd.s32 $0x6, v62;
	v17 =	vadd.s32 $0x7, v62;
	s21 =	simm.s32 $0x4;
	s22 =	simm.s32 $0x5;
	s24 =	simm.s32 $0x6;
	[tilespmem:$0x1FFF0] =	vst v61  }
.LBB3_1:
0x4a: {  	[smem:$0x7F4] =	sst s6  }
0x4b: {  	s5 =	rddreg [dreg:$0xe];
	s15 =	simm.s32 $0x1BE80  }
0x4c: {  	[tilespmem:s15], [sflag:$0x7] =	stream.linear.gather [hbm4b:s5+s4], $0x200, $0x38;
	[tilespmem:$0x1C0D0] =	vst v63  }
0x4d: {  	_ =	swait.ge [sflag:s7], $0x200  }
0x4e: {  	[sflag:s7] =	ssyncset.done $0x0  }
0x4f: {  	s15 =	simm.s32 $0x1C080;
	s6 =	rddreg [dreg:$0x1b];
	[sflag:s7] =	ssyncadd.s32 $0xFFFFFE00  }
0x50: {  	[tilespmem:s15], [sflag:$0x7] =	stream.linear.gather [hbm4b:s6+s4], $0x20, $0x38;
	[tilespmem:$0x1C0D0] =	vst v63  }
0x51: {  	_ =	swait.ge [sflag:s7], $0x20  }
0x52: {  	[sflag:s7] =	ssyncset.done $0x0  }
0x53: {  	[sflag:s7] =	ssyncadd.s32 $0xFFFFFFE0  }
0x54: {  	s15 =	simm.s32 $0x1C0B0;
	s6 =	rddreg [dreg:$0xc]  }
0x55: {  	[tilespmem:s15], [sflag:$0x7] =	stream.linear.gather [hbm4b:s6+s4], $0x10, $0x38;
	[tilespmem:$0x1C0D0] =	vst v63  }
0x56: {  	_ =	swait.ge [sflag:s7], $0x10  }
0x57: {  	[sflag:s7] =	ssyncset.done $0x0  }
0x58: {  	[sflag:s7] =	ssyncadd.s32 $0xFFFFFFF0  }
0x59: {  	s15 =	simm.s32 $0x1C0C0;
	s6 =	rddreg [dreg:$0xd]  }
0x5a: {  	[tilespmem:s15], [sflag:$0x7] =	stream.linear.gather [hbm4b:s6+s4], $0x10, $0x38;
	[tilespmem:$0x1C0D0] =	vst v63  }
0x5b: {  	_ =	swait.ge [sflag:s7], $0x10  }
0x5c: {  	s15 =	sld [smem:$0x7F6]  }
0x5d: {  	[sflag:s7] =	ssyncset.done $0x0  }
0x5e: {  	[sflag:s7] =	ssyncadd.s32 $0xFFFFFFF0  }
0x5f: {  	[tilespmem:s8], [sflag:$0x7] =	stream.linear.gather [hbm4b:s15+s4], $0xFA00, $0x38;
	[tilespmem:$0x1C0D0] =	vst v63  }
0x60: {  	_ =	swait.ge [sflag:s7], $0xFA00  }
0x61: {  	[sflag:s7] =	ssyncset.done $0x0  }
0x62: {  	[sflag:s7] =	ssyncadd.s32 $0xFFFF0600  }
0x63: {  	v0 =	vld [tilespmem:$0x1C0B0];
	_ =	sdelay $0x4  }
0x64: {  	[tilespmem:$0x1FF50] =	vst v0;
	v0 =	vimm.f32 $0.0e+00  }
0x65: {  	[tilespmem:$0x1C0A0] =	vst v0;
	v0 =	vld [tilespmem:$0x1C0C0];
	_ =	sdelay $0x4  }
0x66: {  	s6 =	simm.s32 $0x0;
	[tilespmem:$0x1FF60] =	vst v0;
	v0 =	vld [tilespmem:$0x1FF70]  }
.LBB3_2:
0x67: {  	s4 =	smul.u32 $0x180, s6;
	_ =	sdelay $0x1  }
0x68: {  	s4 =	sadd.s32 s23, s4  }
0x69: {  	s5 =	sshrl.u32 s4, $0x3  }
0x6a: {  	s4 =	simm.s32 $0x0;
	s7 =	sadd.s32 s0, s5  }
0x6b: {  	[tilespmem:s4], [sflag:$0x1] =	stream.linear.gather [hbm4b:s7+s4], $0x80, $0x38;
	[tilespmem:$0x1C0D0] =	vst v63  }
0x6c: {  	s15 =	sadd.s32 s1, s5  }
0x6d: {  	[tilespmem:s9], [sflag:$0x1] =	stream.linear.gather [hbm4b:s15+s4], $0x80, $0x38;
	[tilespmem:$0x1C0D0] =	vst v63  }
0x6e: {  	s7 =	sadd.s32 $0x10, s5;
	s15 =	sadd.s32 s2, s5  }
0x6f: {  	[tilespmem:s10], [sflag:$0x1] =	stream.linear.gather [hbm4b:s15+s4], $0x80, $0x38;
	[tilespmem:$0x1C0D0] =	vst v63  }
0x70: {  	s15 =	sadd.s32 s0, s7  }
0x71: {  	[tilespmem:s11], [sflag:$0x2] =	stream.linear.gather [hbm4b:s15+s4], $0x80, $0x38;
	[tilespmem:$0x1C0D0] =	vst v63  }
0x72: {  	s15 =	sadd.s32 s1, s7  }
0x73: {  	[tilespmem:s12], [sflag:$0x2] =	stream.linear.gather [hbm4b:s15+s4], $0x80, $0x38;
	[tilespmem:$0x1C0D0] =	vst v63  }
0x74: {  	s5 =	sadd.s32 $0x20, s5;
	s7 =	sadd.s32 s2, s7  }
0x75: {  	[tilespmem:s13], [sflag:$0x2] =	stream.linear.gather [hbm4b:s7+s4], $0x80, $0x38;
	[tilespmem:$0x1C0D0] =	vst v63  }
0x76: {  	s15 =	sadd.s32 s0, s5  }
0x77: {  	[tilespmem:s14], [sflag:$0x3] =	stream.linear.gather [hbm4b:s15+s4], $0x80, $0x38;
	[tilespmem:$0x1C0D0] =	vst v63  }
0x78: {  	s7 =	sadd.s32 s1, s5;
	s15 =	simm.s32 $0x380  }
0x79: {  	[tilespmem:s15], [sflag:$0x3] =	stream.linear.gather [hbm4b:s7+s4], $0x80, $0x38;
	[tilespmem:$0x1C0D0] =	vst v63  }
0x7a: {  	s5 =	sadd.s32 s2, s5  }
0x7b: {  	[tilespmem:s16], [sflag:$0x3] =	stream.linear.gather [hbm4b:s5+s4], $0x80, $0x38;
	[tilespmem:$0x1C0D0] =	vst v63  }
0x7c: {  	_ =	swait.ge [sflag:s17], $0x80  }
0x7d: {  	[sflag:s17] =	ssyncset.done $0x0  }
0x7e: {  	[sflag:s17] =	ssyncadd.s32 $0xFFFFFF80  }
0x7f: {  	_ =	swait.ge [sflag:s17], $0x80  }
0x80: {  	[sflag:s17] =	ssyncset.done $0x0  }
0x81: {  	[sflag:s17] =	ssyncadd.s32 $0xFFFFFF80  }
0x82: {  	_ =	swait.ge [sflag:s17], $0x80  }
0x83: {  	[sflag:s17] =	ssyncset.done $0x0  }
0x84: {  	[sflag:s17] =	ssyncadd.s32 $0xFFFFFF80  }
0x85: {  	[tilespmem:s18], [sflag:$0x4] =	stream.indirect.gather [hbm4b:s28+s9], $0x40, s4, s9, $0xb8;
	[tilespmem:$0x1C0D0] =	vst v63  }
0x86: {  	_ = 	snop  }
0x87: {  	[tilespmem:s19], [sflag:$0x4] =	stream.indirect.gather [hbm4b:s30+s9], $0x40, s10, s9, $0xb8;
	[tilespmem:$0x1C0D0] =	vst v63  }
0x88: {  	_ =	swait.ge [sflag:s20], $0x80  }
0x89: {  	[sflag:s20] =	ssyncset.done $0x0  }
0x8a: {  	[sflag:s20] =	ssyncadd.s32 $0xFFFFFF80  }
0x8b: {  	_ =	swait.ge [sflag:s20], $0x80  }
0x8c: {  	[sflag:s20] =	ssyncset.done $0x0  }
0x8d: {  	[sflag:s20] =	ssyncadd.s32 $0xFFFFFF80  }
0x8e: {  	_ =	swait.ge [sflag:s20], $0x80  }
0x8f: {  	[sflag:s20] =	ssyncset.done $0x0  }
0x90: {  	[sflag:s20] =	ssyncadd.s32 $0xFFFFFF80  }
0x91: {  	[tilespmem:s25], [sflag:$0x5] =	stream.indirect.gather [hbm4b:s28+s9], $0x40, s11, s9, $0xb8;
	[tilespmem:$0x1C0D0] =	vst v63  }
0x92: {  	_ = 	snop  }
0x93: {  	[tilespmem:s26], [sflag:$0x5] =	stream.indirect.gather [hbm4b:s30+s9], $0x40, s13, s9, $0xb8;
	[tilespmem:$0x1C0D0] =	vst v63  }
0x94: {  	_ =	swait.ge [sflag:s29], $0x80  }
0x95: {  	[sflag:s29] =	ssyncset.done $0x0  }
0x96: {  	[sflag:s29] =	ssyncadd.s32 $0xFFFFFF80  }
0x97: {  	_ =	swait.ge [sflag:s29], $0x80  }
0x98: {  	[sflag:s29] =	ssyncset.done $0x0  }
0x99: {  	[sflag:s29] =	ssyncadd.s32 $0xFFFFFF80  }
0x9a: {  	_ =	swait.ge [sflag:s29], $0x80  }
0x9b: {  	[sflag:s29] =	ssyncset.done $0x0  }
0x9c: {  	[sflag:s29] =	ssyncadd.s32 $0xFFFFFF80  }
0x9d: {  	[tilespmem:s31], [sflag:$0x6] =	stream.indirect.gather [hbm4b:s28+s9], $0x40, s14, s9, $0xb8;
	[tilespmem:$0x1C0D0] =	vst v63  }
0x9e: {  	_ = 	snop  }
0x9f: {  	[tilespmem:s3], [sflag:$0x6] =	stream.indirect.gather [hbm4b:s30+s9], $0x40, s16, s9, $0xb8;
	[tilespmem:$0x1C0D0] =	vst v63  }
0xa0: {  	_ =	swait.ge [sflag:s21], $0x2000  }
0xa1: {  	[sflag:s21] =	ssyncset.done $0x0  }
0xa2: {  	[sflag:s21] =	ssyncadd.s32 $0xFFFFE000  }
0xa3: {  	_ =	swait.ge [sflag:s21], $0x2000  }
0xa4: {  	[sflag:s21] =	ssyncset.done $0x0  }
0xa5: {  	s5 =	simm.s32 $0x0;
	[sflag:s21] =	ssyncadd.s32 $0xFFFFE000  }
.LBB3_3:
0xa6: {  	s7 =	sshll.u32 s5, $0x4;
	v10 =	vld [tilespmem:$0x1FF90]  }
0xa7: {  	v1 =	vld [tilespmem:s7+$0x80];
	v2 =	vmov s7  }
0xa8: {  	v3 =	vld [tilespmem:$0x1FFB0];
	v2 =	vshll.u32 v2, $0x6  }
0xa9: {  	v29 =	vadd.s32 s4, v13;
	v8 =	vor.u32 v59, v2  }
0xaa: {  	v9 =	vadd.s32 s4, v15;
	v29 =	vand.u32 $0x38, v29;
	v36 =	vor.u32 v0, v8  }
0xab: {  	v7 =	vld [tilespmem:$0x1FFA0];
	v9 =	vand.u32 $0x38, v9;
	v33 =	vor.u32 v36, v29  }
0xac: {  	v23 =	vor.u32 v10, v8;
	v6 =	vshll.u32 v1, $0x6;
	v1 =	vadd.s32 s4, v17  }
0xad: {  	v20 =	vor.u32 v23, v9;
	v21 =	vor.u32 v3, v6;
	v2 =	vand.u32 $0x38, v1  }
0xae: {  	v1 =	vor.u32 v3, v8;
	v22 =	vor.u32 v10, v6;
	v3 =	vor.u32 v21, v2  }
0xaf: {  	v4 =	vadd.s32 s4, v16;
	v5 =	vor.u32 v1, v2;
	v10 =	vor.u32 v22, v9;
	v9 =	vld [tilespmem:$0x1FF80]  }
0xb0: {  	v4 =	vand.u32 $0x38, v4;
	v2 =	vor.u32 v7, v6;
	v44 =	vld.idx.msk [tilespmem:v33+s18+$0x0], $0xffff  }
0xb1: {  	v18 =	vor.u32 v7, v8;
	v7 =	vor.u32 v2, v4;
	v46 =	vld.idx.msk [tilespmem:v33+s19+$0x0], $0xffff  }
0xb2: {  	v4 =	vor.u32 v18, v4;
	v43 =	vld.idx.msk [tilespmem:v20+s19+$0x0], $0xffff  }
0xb3: {  	v24 =	vld.idx.msk [tilespmem:v3+s8+$0x0], $0xffff  }
0xb4: {  	v40 =	vld.idx.msk [tilespmem:v5+s18+$0x0], $0xffff;
	v3 =	vadd.s32 s4, v14  }
0xb5: {  	v30 =	vadd.s32 s4, v12;
	v5 =	vld.idx.msk [tilespmem:v5+s19+$0x0], $0xffff;
	v19 =	vor.u32 v9, v6;
	v3 =	vand.u32 $0x38, v3  }
0xb6: {  	v34 =	vimm.f32 $0.0e+00;
	v25 =	vor.u32 v9, v8;
	v38 =	vld.idx.msk [tilespmem:v7+s8+$0x0], $0xffff;
	v26 =	vor.u32 v19, v3  }
0xb7: {  	v35 =	vimm.f32 $0.0e+00;
	v28 =	vor.u32 v63, v8;
	v7 =	vld.idx.msk [tilespmem:v4+s18+$0x0], $0xffff;
	v27 =	vor.u32 v25, v3  }
0xb8: {  	v31 =	vor.u32 v0, v6;
	v39 =	vor.u32 v61, v6;
	v9 =	vld.idx.msk [tilespmem:v4+s19+$0x0], $0xffff;
	v4 =	vor.u32 v61, v8  }
0xb9: {  	v41 =	vld.idx.msk [tilespmem:v10+s8+$0x0], $0xffff;
	v3 =	vor.u32 v60, v8;
	v8 =	vor.u32 v31, v29;
	v29 =	vand.u32 $0x38, v30  }
0xba: {  	v32 =	vor.u32 v63, v6;
	v37 =	vor.u32 v60, v6;
	v10 =	vld.idx.msk [tilespmem:v20+s18+$0x0], $0xffff;
	v49 =	vor.u32 v39, v29  }
0xbb: {  	v33 =	vimm.f32 $0.0e+00;
	v48 =	vor.u32 v4, v29;
	v6 =	vld.idx.msk [tilespmem:v26+s8+$0x0], $0xffff;
	v26 =	vadd.s32 s4, v11  }
0xbc: {  	v20 =	vimm.f32 $0.0e+00;
	v30 =	vimm.f32 $0.0e+00;
	v42 =	vld.idx.msk [tilespmem:v27+s18+$0x0], $0xffff;
	v50 =	vand.u32 $0x38, v26  }
0xbd: {  	v29 =	vimm.f32 $0.0e+00;
	v45 =	vld.idx.msk [tilespmem:v27+s19+$0x0], $0xffff;
	v26 =	vadd.s32 s4, v62;
	v47 =	vor.u32 v3, v50  }
0xbe: {  	s7 =	simm.s32 $0x8;
	v8 =	vld.idx.msk [tilespmem:v8+s8+$0x0], $0xffff;
	v27 =	vimm.f32 $0.0e+00;
	v51 =	vand.u32 $0x38, v26;
	v26 =	vimm.f32 $0.0e+00  }
.LBB3_4:
0xbf: {  	p0 =	sne.s32 s7, $0x38;
	v52 =	vor.u32 v28, v51;
	v49 =	vld.idx.msk [tilespmem:v49+s8+$0x0], $0xffff  }
0xc0: {  	v53 =	vld.idx.msk [tilespmem:v48+s18+$0x0], $0xffff  }
0xc1: {  	v54 =	vadd.s32 s7, v17;
	v50 =	vor.u32 v37, v50;
	v5 =	vmul.f32 v5, v40;
	v48 =	vld.idx.msk [tilespmem:v48+s19+$0x0], $0xffff  }
0xc2: {  	v51 =	vor.u32 v32, v51;
	v7 =	vmul.f32 v9, v7;
	v40 =	vand.u32 $0x38, v54;
	v54 =	vld.idx.msk [tilespmem:v47+s18+$0x0], $0xffff  }
0xc3: {  	v9 =	vadd.s32 s7, v16;
	v55 =	vor.u32 v21, v40;
	v5 =	vmul.f32 v5, v24;
	v47 =	vld.idx.msk [tilespmem:v47+s19+$0x0], $0xffff  }
0xc4: {  	v9 =	vand.u32 $0x38, v9;
	v56 =	vor.u32 v1, v40;
	v7 =	vmul.f32 v7, v38;
	v57 =	vld.idx.msk [tilespmem:v52+s18+$0x0], $0xffff  }
0xc5: {  	v10 =	vmul.f32 v43, v10;
	v38 =	vor.u32 v2, v9;
	v20 =	vadd.f32 v5, v20;
	v52 =	vld.idx.msk [tilespmem:v52+s19+$0x0], $0xffff  }
0xc6: {  	v9 =	vor.u32 v18, v9;
	v5 =	vadd.s32 s7, v15;
	v29 =	vadd.f32 v7, v29;
	v43 =	vld.idx.msk [tilespmem:v50+s8+$0x0], $0xffff  }
0xc7: {  	v10 =	vmul.f32 v10, v41;
	v7 =	vmul.f32 v45, v42;
	v5 =	vand.u32 $0x38, v5;
	v50 =	vld.idx.msk [tilespmem:v51+s8+$0x0], $0xffff  }
0xc8: {  	v40 =	vadd.s32 s7, v14;
	v42 =	vor.u32 v23, v5;
	v41 =	vor.u32 v22, v5;
	v24 =	vld.idx.msk [tilespmem:v55+s8+$0x0], $0xffff  }
0xc9: {  	v45 =	vand.u32 $0x38, v40;
	v26 =	vadd.f32 v10, v26;
	v6 =	vmul.f32 v7, v6;
	v40 =	vld.idx.msk [tilespmem:v56+s18+$0x0], $0xffff  }
0xca: {  	v44 =	vmul.f32 v46, v44;
	v10 =	vmul.f32 v48, v53;
	v51 =	vor.u32 v19, v45;
	v5 =	vld.idx.msk [tilespmem:v56+s19+$0x0], $0xffff  }
0xcb: {  	v45 =	vor.u32 v25, v45;
	v47 =	vmul.f32 v47, v54;
	v46 =	vmul.f32 v52, v57;
	v38 =	vld.idx.msk [tilespmem:v38+s8+$0x0], $0xffff  }
0xcc: {  	v8 =	vmul.f32 v44, v8;
	v27 =	vadd.f32 v6, v27;
	v10 =	vmul.f32 v10, v49;
	v7 =	vld.idx.msk [tilespmem:v9+s18+$0x0], $0xffff  }
0xcd: {  	v6 =	vadd.s32 s7, v13;
	v43 =	vmul.f32 v47, v43;
	v44 =	vmul.f32 v46, v50;
	v9 =	vld.idx.msk [tilespmem:v9+s19+$0x0], $0xffff  }
0xce: {  	v33 =	vadd.f32 v8, v33;
	v6 =	vand.u32 $0x38, v6;
	v30 =	vadd.f32 v10, v30;
	v41 =	vld.idx.msk [tilespmem:v41+s8+$0x0], $0xffff  }
0xcf: {  	v8 =	vor.u32 v31, v6;
	v35 =	vadd.f32 v43, v35;
	v34 =	vadd.f32 v44, v34;
	v10 =	vld.idx.msk [tilespmem:v42+s18+$0x0], $0xffff  }
0xd0: {  	v46 =	vor.u32 v36, v6;
	v44 =	vadd.s32 s7, v12;
	v43 =	vld.idx.msk [tilespmem:v42+s19+$0x0], $0xffff  }
0xd1: {  	v44 =	vand.u32 $0x38, v44;
	v6 =	vld.idx.msk [tilespmem:v51+s8+$0x0], $0xffff  }
.Ltmp0:
0xd2: {  	v49 =	vor.u32 v39, v44;
	v42 =	vld.idx.msk [tilespmem:v45+s18+$0x0], $0xffff;
	(pc) =	sbr.rel @p0 .LBB3_4-.Ltmp0, $4  }
0xd3: {  	v47 =	vadd.s32 s7, v11;
	v48 =	vor.u32 v4, v44;
	v45 =	vld.idx.msk [tilespmem:v45+s19+$0x0], $0xffff  }
0xd4: {  	v50 =	vand.u32 $0x38, v47;
	v8 =	vld.idx.msk [tilespmem:v8+s8+$0x0], $0xffff  }
0xd5: {  	v47 =	vor.u32 v3, v50;
	v51 =	vadd.s32 s7, v62;
	v44 =	vld.idx.msk [tilespmem:v46+s18+$0x0], $0xffff  }
0xd6: {  	s7 =	sadd.s32 $0x8, s7;
	v51 =	vand.u32 $0x38, v51;
	v46 =	vld.idx.msk [tilespmem:v46+s19+$0x0], $0xffff  }
0xd7: {  	_ =	sdelay $0x3  }
0xd8: {  	v1 =	vor.u32 v28, v51;
	v2 =	vld.idx.msk [tilespmem:v49+s8+$0x0], $0xffff  }
0xd9: {  	v3 =	vld.idx.msk [tilespmem:v48+s18+$0x0], $0xffff  }
0xda: {  	v4 =	vor.u32 v37, v50;
	v18 =	vld.idx.msk [tilespmem:v48+s19+$0x0], $0xffff  }
0xdb: {  	v19 =	vor.u32 v32, v51;
	v21 =	vld.idx.msk [tilespmem:v47+s18+$0x0], $0xffff  }
0xdc: {  	v22 =	vld.idx.msk [tilespmem:v47+s19+$0x0], $0xffff  }
0xdd: {  	v5 =	vmul.f32 v5, v40;
	v23 =	vld.idx.msk [tilespmem:v1+s18+$0x0], $0xffff  }
0xde: {  	v7 =	vmul.f32 v9, v7;
	v9 =	vmul.f32 v43, v10;
	v1 =	vld.idx.msk [tilespmem:v1+s19+$0x0], $0xffff  }
0xdf: {  	v5 =	vmul.f32 v5, v24;
	v4 =	vld.idx.msk [tilespmem:v4+s8+$0x0], $0xffff  }
0xe0: {  	v7 =	vmul.f32 v7, v38;
	v9 =	vmul.f32 v9, v41;
	v10 =	vld.idx.msk [tilespmem:v19+s8+$0x0], $0xffff  }
0xe1: {  	v19 =	vmul.f32 v45, v42;
	v3 =	vmul.f32 v18, v3  }
0xe2: {  	v5 =	vadd.f32 v5, v20;
	v18 =	vmul.f32 v46, v44;
	v21 =	vmul.f32 v22, v21  }
0xe3: {  	v7 =	vadd.f32 v7, v29;
	v2 =	vmul.f32 v3, v2;
	v1 =	vmul.f32 v1, v23  }
0xe4: {  	v3 =	vmul.f32 v18, v8;
	v6 =	vmul.f32 v19, v6;
	v8 =	vadd.f32 v9, v26  }
0xe5: {  	v2 =	vadd.f32 v2, v30;
	v4 =	vmul.f32 v21, v4;
	v1 =	vmul.f32 v1, v10  }
0xe6: {  	v3 =	vadd.f32 v3, v33;
	v6 =	vadd.f32 v6, v27  }
0xe7: {  	v4 =	vadd.f32 v4, v35;
	v1 =	vadd.f32 v1, v34  }
0xe8: {  	v58 =	vadd.f32 v5, v7;
	v2 =	vadd.f32 v3, v2  }
0xe9: {  	v3 =	vadd.f32 v8, v6;
	v1 =	vadd.f32 v4, v1;
	_ =	sdelay $0x1  }
0xea: {  	v1 =	vadd.f32 v2, v1;
	v2 =	vadd.f32 v58, v3;
	_ =	sdelay $0x1  }
0xeb: {  	v1 =	vadd.f32 v2, v1;
	v2 =	vld [tilespmem:$0x1FF50];
	_ =	sdelay $0x4  }
0xec: {  	v1 =	vmul.f32 v1, v2;
	v2 =	vld [tilespmem:$0x1FF60];
	_ =	sdelay $0x4  }
0xed: {  	v1 =	vadd.f32 v1, v2;
	_ =	sdelay $0x1  }
0xee: {  	v1 =	vsub.f32 $0.0e+00, v1;
	_ =	sdelay $0x1  }
0xef: {  	v1 =	vmul.f32 $1.442695020e+00, v1;
	_ =	sdelay $0x1  }
0xf0: {  	(erf) = vpow2.f32 v1;
	_ =	sdelay $0x8  }
0xf1: {  	v1 =	vpop (erf)  }
0xf2: {  	v1 =	vadd.f32 $1.000000000e+00, v1;
	_ =	sdelay $0x1  }
0xf3: {  	(erf) = vrcp.f32 v1;
	_ =	sdelay $0x8  }
0xf4: {  	v2 =	vld [tilespmem:$0x1C0A0];
	v1 =	vpop (erf)  }
0xf5: {  	s5 =	sadd.s32 $0x1, s5;
	v1 =	vmul.f32 v1, v1  }
0xf6: {  	p0 =	sne.s32 s5, $0x8  }
.Ltmp1:
0xf7: {  	v1 =	vmul.f32 $3.051757860e-06, v1;
	(pc) =	sbr.rel @p0 .LBB3_3-.Ltmp1, $3  }
0xf8: {  	_ = 	snop  }
0xf9: {  	v21 =	vadd.f32 v2, v1;
	_ =	sdelay $0x1  }
0xfa: {  	[tilespmem:$0x1C0A0] =	vst v21  }
0xfb: {  	_ =	swait.ge [sflag:s22], $0x2000  }
0xfc: {  	[sflag:s22] =	ssyncset.done $0x0  }
0xfd: {  	[sflag:s22] =	ssyncadd.s32 $0xFFFFE000  }
0xfe: {  	_ =	swait.ge [sflag:s22], $0x2000  }
0xff: {  	[sflag:s22] =	ssyncset.done $0x0  }
0x100: {  	s4 =	simm.s32 $0x0;
	s5 =	simm.s32 $0x0;
	[sflag:s22] =	ssyncadd.s32 $0xFFFFE000  }
.LBB3_7:
0x101: {  	s7 =	sshll.u32 s5, $0x4;
	v10 =	vld [tilespmem:$0x1FF90]  }
0x102: {  	v1 =	vld [tilespmem:s7+$0x200];
	v2 =	vmov s7  }
0x103: {  	v3 =	vld [tilespmem:$0x1FFB0];
	v2 =	vshll.u32 v2, $0x6  }
0x104: {  	v30 =	vadd.s32 s4, v13;
	v8 =	vor.u32 v59, v2  }
0x105: {  	v9 =	vadd.s32 s4, v15;
	v30 =	vand.u32 $0x38, v30;
	v37 =	vor.u32 v0, v8  }
0x106: {  	v7 =	vld [tilespmem:$0x1FFA0];
	v9 =	vand.u32 $0x38, v9;
	v34 =	vor.u32 v37, v30  }
0x107: {  	v24 =	vor.u32 v10, v8;
	v6 =	vshll.u32 v1, $0x6;
	v1 =	vadd.s32 s4, v17  }
0x108: {  	v20 =	vor.u32 v24, v9;
	v22 =	vor.u32 v3, v6;
	v2 =	vand.u32 $0x38, v1  }
0x109: {  	v1 =	vor.u32 v3, v8;
	v23 =	vor.u32 v10, v6;
	v3 =	vor.u32 v22, v2  }
0x10a: {  	v4 =	vadd.s32 s4, v16;
	v5 =	vor.u32 v1, v2;
	v10 =	vor.u32 v23, v9;
	v9 =	vld [tilespmem:$0x1FF80]  }
0x10b: {  	v4 =	vand.u32 $0x38, v4;
	v2 =	vor.u32 v7, v6;
	v45 =	vld.idx.msk [tilespmem:v34+s25+$0x0], $0xffff  }
0x10c: {  	v18 =	vor.u32 v7, v8;
	v7 =	vor.u32 v2, v4;
	v47 =	vld.idx.msk [tilespmem:v34+s26+$0x0], $0xffff  }
0x10d: {  	v4 =	vor.u32 v18, v4;
	v44 =	vld.idx.msk [tilespmem:v20+s26+$0x0], $0xffff  }
0x10e: {  	v25 =	vld.idx.msk [tilespmem:v3+s8+$0x0], $0xffff  }
0x10f: {  	v41 =	vld.idx.msk [tilespmem:v5+s25+$0x0], $0xffff;
	v3 =	vadd.s32 s4, v14  }
0x110: {  	v31 =	vadd.s32 s4, v12;
	v5 =	vld.idx.msk [tilespmem:v5+s26+$0x0], $0xffff;
	v19 =	vor.u32 v9, v6;
	v3 =	vand.u32 $0x38, v3  }
0x111: {  	v35 =	vimm.f32 $0.0e+00;
	v26 =	vor.u32 v9, v8;
	v39 =	vld.idx.msk [tilespmem:v7+s8+$0x0], $0xffff;
	v27 =	vor.u32 v19, v3  }
0x112: {  	v36 =	vimm.f32 $0.0e+00;
	v29 =	vor.u32 v63, v8;
	v7 =	vld.idx.msk [tilespmem:v4+s25+$0x0], $0xffff;
	v28 =	vor.u32 v26, v3  }
0x113: {  	v32 =	vor.u32 v0, v6;
	v40 =	vor.u32 v61, v6;
	v9 =	vld.idx.msk [tilespmem:v4+s26+$0x0], $0xffff;
	v4 =	vor.u32 v61, v8  }
0x114: {  	v42 =	vld.idx.msk [tilespmem:v10+s8+$0x0], $0xffff;
	v3 =	vor.u32 v60, v8;
	v8 =	vor.u32 v32, v30;
	v30 =	vand.u32 $0x38, v31  }
0x115: {  	v33 =	vor.u32 v63, v6;
	v38 =	vor.u32 v60, v6;
	v10 =	vld.idx.msk [tilespmem:v20+s25+$0x0], $0xffff;
	v50 =	vor.u32 v40, v30  }
0x116: {  	v34 =	vimm.f32 $0.0e+00;
	v49 =	vor.u32 v4, v30;
	v6 =	vld.idx.msk [tilespmem:v27+s8+$0x0], $0xffff;
	v27 =	vadd.s32 s4, v11  }
0x117: {  	v20 =	vimm.f32 $0.0e+00;
	v31 =	vimm.f32 $0.0e+00;
	v43 =	vld.idx.msk [tilespmem:v28+s25+$0x0], $0xffff;
	v51 =	vand.u32 $0x38, v27  }
0x118: {  	v30 =	vimm.f32 $0.0e+00;
	v46 =	vld.idx.msk [tilespmem:v28+s26+$0x0], $0xffff;
	v27 =	vadd.s32 s4, v62;
	v48 =	vor.u32 v3, v51  }
0x119: {  	s7 =	simm.s32 $0x8;
	v8 =	vld.idx.msk [tilespmem:v8+s8+$0x0], $0xffff;
	v28 =	vimm.f32 $0.0e+00;
	v52 =	vand.u32 $0x38, v27;
	v27 =	vimm.f32 $0.0e+00  }
.LBB3_8:
0x11a: {  	p0 =	sne.s32 s7, $0x38;
	v53 =	vor.u32 v29, v52;
	v50 =	vld.idx.msk [tilespmem:v50+s8+$0x0], $0xffff  }
0x11b: {  	v54 =	vld.idx.msk [tilespmem:v49+s25+$0x0], $0xffff  }
0x11c: {  	v55 =	vadd.s32 s7, v17;
	v51 =	vor.u32 v38, v51;
	v5 =	vmul.f32 v5, v41;
	v49 =	vld.idx.msk [tilespmem:v49+s26+$0x0], $0xffff  }
0x11d: {  	v52 =	vor.u32 v33, v52;
	v7 =	vmul.f32 v9, v7;
	v41 =	vand.u32 $0x38, v55;
	v55 =	vld.idx.msk [tilespmem:v48+s25+$0x0], $0xffff  }
0x11e: {  	v9 =	vadd.s32 s7, v16;
	v56 =	vor.u32 v22, v41;
	v5 =	vmul.f32 v5, v25;
	v48 =	vld.idx.msk [tilespmem:v48+s26+$0x0], $0xffff  }
0x11f: {  	v9 =	vand.u32 $0x38, v9;
	v57 =	vor.u32 v1, v41;
	v7 =	vmul.f32 v7, v39;
	v58 =	vld.idx.msk [tilespmem:v53+s25+$0x0], $0xffff  }
0x120: {  	v10 =	vmul.f32 v44, v10;
	v39 =	vor.u32 v2, v9;
	v20 =	vadd.f32 v5, v20;
	v53 =	vld.idx.msk [tilespmem:v53+s26+$0x0], $0xffff  }
0x121: {  	v9 =	vor.u32 v18, v9;
	v5 =	vadd.s32 s7, v15;
	v30 =	vadd.f32 v7, v30;
	v44 =	vld.idx.msk [tilespmem:v51+s8+$0x0], $0xffff  }
0x122: {  	v10 =	vmul.f32 v10, v42;
	v7 =	vmul.f32 v46, v43;
	v5 =	vand.u32 $0x38, v5;
	v51 =	vld.idx.msk [tilespmem:v52+s8+$0x0], $0xffff  }
0x123: {  	v41 =	vadd.s32 s7, v14;
	v43 =	vor.u32 v24, v5;
	v42 =	vor.u32 v23, v5;
	v25 =	vld.idx.msk [tilespmem:v56+s8+$0x0], $0xffff  }
0x124: {  	v46 =	vand.u32 $0x38, v41;
	v27 =	vadd.f32 v10, v27;
	v6 =	vmul.f32 v7, v6;
	v41 =	vld.idx.msk [tilespmem:v57+s25+$0x0], $0xffff  }
0x125: {  	v45 =	vmul.f32 v47, v45;
	v10 =	vmul.f32 v49, v54;
	v52 =	vor.u32 v19, v46;
	v5 =	vld.idx.msk [tilespmem:v57+s26+$0x0], $0xffff  }
0x126: {  	v46 =	vor.u32 v26, v46;
	v48 =	vmul.f32 v48, v55;
	v47 =	vmul.f32 v53, v58;
	v39 =	vld.idx.msk [tilespmem:v39+s8+$0x0], $0xffff  }
0x127: {  	v8 =	vmul.f32 v45, v8;
	v28 =	vadd.f32 v6, v28;
	v10 =	vmul.f32 v10, v50;
	v7 =	vld.idx.msk [tilespmem:v9+s25+$0x0], $0xffff  }
0x128: {  	v6 =	vadd.s32 s7, v13;
	v44 =	vmul.f32 v48, v44;
	v45 =	vmul.f32 v47, v51;
	v9 =	vld.idx.msk [tilespmem:v9+s26+$0x0], $0xffff  }
0x129: {  	v34 =	vadd.f32 v8, v34;
	v6 =	vand.u32 $0x38, v6;
	v31 =	vadd.f32 v10, v31;
	v42 =	vld.idx.msk [tilespmem:v42+s8+$0x0], $0xffff  }
0x12a: {  	v8 =	vor.u32 v32, v6;
	v36 =	vadd.f32 v44, v36;
	v35 =	vadd.f32 v45, v35;
	v10 =	vld.idx.msk [tilespmem:v43+s25+$0x0], $0xffff  }
0x12b: {  	v47 =	vor.u32 v37, v6;
	v45 =	vadd.s32 s7, v12;
	v44 =	vld.idx.msk [tilespmem:v43+s26+$0x0], $0xffff  }
0x12c: {  	v45 =	vand.u32 $0x38, v45;
	v6 =	vld.idx.msk [tilespmem:v52+s8+$0x0], $0xffff  }
.Ltmp2:
0x12d: {  	v50 =	vor.u32 v40, v45;
	v43 =	vld.idx.msk [tilespmem:v46+s25+$0x0], $0xffff;
	(pc) =	sbr.rel @p0 .LBB3_8-.Ltmp2, $4  }
0x12e: {  	v48 =	vadd.s32 s7, v11;
	v49 =	vor.u32 v4, v45;
	v46 =	vld.idx.msk [tilespmem:v46+s26+$0x0], $0xffff  }
0x12f: {  	v51 =	vand.u32 $0x38, v48;
	v8 =	vld.idx.msk [tilespmem:v8+s8+$0x0], $0xffff  }
0x130: {  	v48 =	vor.u32 v3, v51;
	v52 =	vadd.s32 s7, v62;
	v45 =	vld.idx.msk [tilespmem:v47+s25+$0x0], $0xffff  }
0x131: {  	s7 =	sadd.s32 $0x8, s7;
	v52 =	vand.u32 $0x38, v52;
	v47 =	vld.idx.msk [tilespmem:v47+s26+$0x0], $0xffff  }
0x132: {  	_ =	sdelay $0x3  }
0x133: {  	v1 =	vor.u32 v29, v52;
	v2 =	vld.idx.msk [tilespmem:v50+s8+$0x0], $0xffff  }
0x134: {  	v3 =	vld.idx.msk [tilespmem:v49+s25+$0x0], $0xffff  }
0x135: {  	v4 =	vor.u32 v38, v51;
	v18 =	vld.idx.msk [tilespmem:v49+s26+$0x0], $0xffff  }
0x136: {  	v19 =	vor.u32 v33, v52;
	v22 =	vld.idx.msk [tilespmem:v48+s25+$0x0], $0xffff  }
0x137: {  	v23 =	vld.idx.msk [tilespmem:v48+s26+$0x0], $0xffff  }
0x138: {  	v5 =	vmul.f32 v5, v41;
	v24 =	vld.idx.msk [tilespmem:v1+s25+$0x0], $0xffff  }
0x139: {  	v7 =	vmul.f32 v9, v7;
	v9 =	vmul.f32 v44, v10;
	v1 =	vld.idx.msk [tilespmem:v1+s26+$0x0], $0xffff  }
0x13a: {  	v5 =	vmul.f32 v5, v25;
	v4 =	vld.idx.msk [tilespmem:v4+s8+$0x0], $0xffff  }
0x13b: {  	v7 =	vmul.f32 v7, v39;
	v9 =	vmul.f32 v9, v42;
	v10 =	vld.idx.msk [tilespmem:v19+s8+$0x0], $0xffff  }
0x13c: {  	v19 =	vmul.f32 v46, v43;
	v3 =	vmul.f32 v18, v3  }
0x13d: {  	v5 =	vadd.f32 v5, v20;
	v18 =	vmul.f32 v47, v45;
	v22 =	vmul.f32 v23, v22  }
0x13e: {  	v7 =	vadd.f32 v7, v30;
	v2 =	vmul.f32 v3, v2;
	v1 =	vmul.f32 v1, v24  }
0x13f: {  	v3 =	vmul.f32 v18, v8;
	v6 =	vmul.f32 v19, v6;
	v8 =	vadd.f32 v9, v27  }
0x140: {  	v2 =	vadd.f32 v2, v31;
	v4 =	vmul.f32 v22, v4;
	v1 =	vmul.f32 v1, v10  }
0x141: {  	v3 =	vadd.f32 v3, v34;
	v6 =	vadd.f32 v6, v28  }
0x142: {  	v4 =	vadd.f32 v4, v36;
	v1 =	vadd.f32 v1, v35  }
0x143: {  	v58 =	vadd.f32 v5, v7;
	v2 =	vadd.f32 v3, v2  }
0x144: {  	v3 =	vadd.f32 v8, v6;
	v1 =	vadd.f32 v4, v1;
	_ =	sdelay $0x1  }
0x145: {  	v1 =	vadd.f32 v2, v1;
	v2 =	vadd.f32 v58, v3;
	_ =	sdelay $0x1  }
0x146: {  	v1 =	vadd.f32 v2, v1;
	v2 =	vld [tilespmem:$0x1FF50];
	_ =	sdelay $0x4  }
0x147: {  	v1 =	vmul.f32 v1, v2;
	v2 =	vld [tilespmem:$0x1FF60];
	_ =	sdelay $0x4  }
0x148: {  	v1 =	vadd.f32 v1, v2;
	_ =	sdelay $0x1  }
0x149: {  	v1 =	vsub.f32 $0.0e+00, v1;
	_ =	sdelay $0x1  }
0x14a: {  	v1 =	vmul.f32 $1.442695020e+00, v1;
	_ =	sdelay $0x1  }
0x14b: {  	(erf) = vpow2.f32 v1;
	_ =	sdelay $0x8  }
0x14c: {  	v1 =	vpop (erf)  }
0x14d: {  	v1 =	vadd.f32 $1.000000000e+00, v1;
	_ =	sdelay $0x1  }
0x14e: {  	(erf) = vrcp.f32 v1;
	_ =	sdelay $0x8  }
0x14f: {  	v1 =	vpop (erf)  }
0x150: {  	s5 =	sadd.s32 $0x1, s5;
	v1 =	vmul.f32 v1, v1  }
0x151: {  	p0 =	sne.s32 s5, $0x8  }
.Ltmp3:
0x152: {  	v1 =	vmul.f32 $3.051757860e-06, v1;
	(pc) =	sbr.rel @p0 .LBB3_7-.Ltmp3, $3  }
0x153: {  	_ = 	snop  }
0x154: {  	v21 =	vadd.f32 v21, v1;
	_ =	sdelay $0x1  }
0x155: {  	[tilespmem:$0x1C0A0] =	vst v21  }
0x156: {  	_ =	swait.ge [sflag:s24], $0x2000  }
0x157: {  	[sflag:s24] =	ssyncset.done $0x0  }
0x158: {  	[sflag:s24] =	ssyncadd.s32 $0xFFFFE000  }
0x159: {  	_ =	swait.ge [sflag:s24], $0x2000  }
0x15a: {  	[sflag:s24] =	ssyncset.done $0x0  }
0x15b: {  	s4 =	simm.s32 $0x0;
	s5 =	simm.s32 $0x0;
	[sflag:s24] =	ssyncadd.s32 $0xFFFFE000  }
.LBB3_11:
0x15c: {  	s7 =	sshll.u32 s5, $0x4;
	v10 =	vld [tilespmem:$0x1FF90]  }
0x15d: {  	v1 =	vld [tilespmem:s7+$0x380];
	v2 =	vmov s7  }
0x15e: {  	v3 =	vld [tilespmem:$0x1FFB0];
	v2 =	vshll.u32 v2, $0x6  }
0x15f: {  	v30 =	vadd.s32 s4, v13;
	v8 =	vor.u32 v59, v2  }
0x160: {  	v9 =	vadd.s32 s4, v15;
	v30 =	vand.u32 $0x38, v30;
	v37 =	vor.u32 v0, v8  }
0x161: {  	v7 =	vld [tilespmem:$0x1FFA0];
	v9 =	vand.u32 $0x38, v9;
	v34 =	vor.u32 v37, v30  }
0x162: {  	v24 =	vor.u32 v10, v8;
	v6 =	vshll.u32 v1, $0x6;
	v1 =	vadd.s32 s4, v17  }
0x163: {  	v20 =	vor.u32 v24, v9;
	v22 =	vor.u32 v3, v6;
	v2 =	vand.u32 $0x38, v1  }
0x164: {  	v1 =	vor.u32 v3, v8;
	v23 =	vor.u32 v10, v6;
	v3 =	vor.u32 v22, v2  }
0x165: {  	v4 =	vadd.s32 s4, v16;
	v5 =	vor.u32 v1, v2;
	v10 =	vor.u32 v23, v9;
	v9 =	vld [tilespmem:$0x1FF80]  }
0x166: {  	v4 =	vand.u32 $0x38, v4;
	v2 =	vor.u32 v7, v6;
	v45 =	vld.idx.msk [tilespmem:v34+s31+$0x0], $0xffff  }
0x167: {  	v18 =	vor.u32 v7, v8;
	v7 =	vor.u32 v2, v4;
	v47 =	vld.idx.msk [tilespmem:v34+s3+$0x0], $0xffff  }
0x168: {  	v4 =	vor.u32 v18, v4;
	v44 =	vld.idx.msk [tilespmem:v20+s3+$0x0], $0xffff  }
0x169: {  	v25 =	vld.idx.msk [tilespmem:v3+s8+$0x0], $0xffff  }
0x16a: {  	v41 =	vld.idx.msk [tilespmem:v5+s31+$0x0], $0xffff;
	v3 =	vadd.s32 s4, v14  }
0x16b: {  	v31 =	vadd.s32 s4, v12;
	v5 =	vld.idx.msk [tilespmem:v5+s3+$0x0], $0xffff;
	v19 =	vor.u32 v9, v6;
	v3 =	vand.u32 $0x38, v3  }
0x16c: {  	v35 =	vimm.f32 $0.0e+00;
	v26 =	vor.u32 v9, v8;
	v39 =	vld.idx.msk [tilespmem:v7+s8+$0x0], $0xffff;
	v27 =	vor.u32 v19, v3  }
0x16d: {  	v36 =	vimm.f32 $0.0e+00;
	v29 =	vor.u32 v63, v8;
	v7 =	vld.idx.msk [tilespmem:v4+s31+$0x0], $0xffff;
	v28 =	vor.u32 v26, v3  }
0x16e: {  	v32 =	vor.u32 v0, v6;
	v40 =	vor.u32 v61, v6;
	v9 =	vld.idx.msk [tilespmem:v4+s3+$0x0], $0xffff;
	v4 =	vor.u32 v61, v8  }
0x16f: {  	v42 =	vld.idx.msk [tilespmem:v10+s8+$0x0], $0xffff;
	v3 =	vor.u32 v60, v8;
	v8 =	vor.u32 v32, v30;
	v30 =	vand.u32 $0x38, v31  }
0x170: {  	v33 =	vor.u32 v63, v6;
	v38 =	vor.u32 v60, v6;
	v10 =	vld.idx.msk [tilespmem:v20+s31+$0x0], $0xffff;
	v50 =	vor.u32 v40, v30  }
0x171: {  	v34 =	vimm.f32 $0.0e+00;
	v49 =	vor.u32 v4, v30;
	v6 =	vld.idx.msk [tilespmem:v27+s8+$0x0], $0xffff;
	v27 =	vadd.s32 s4, v11  }
0x172: {  	v20 =	vimm.f32 $0.0e+00;
	v31 =	vimm.f32 $0.0e+00;
	v43 =	vld.idx.msk [tilespmem:v28+s31+$0x0], $0xffff;
	v51 =	vand.u32 $0x38, v27  }
0x173: {  	v30 =	vimm.f32 $0.0e+00;
	v46 =	vld.idx.msk [tilespmem:v28+s3+$0x0], $0xffff;
	v27 =	vadd.s32 s4, v62;
	v48 =	vor.u32 v3, v51  }
0x174: {  	s7 =	simm.s32 $0x8;
	v8 =	vld.idx.msk [tilespmem:v8+s8+$0x0], $0xffff;
	v28 =	vimm.f32 $0.0e+00;
	v52 =	vand.u32 $0x38, v27;
	v27 =	vimm.f32 $0.0e+00  }
.LBB3_12:
0x175: {  	p0 =	sne.s32 s7, $0x38;
	v53 =	vor.u32 v29, v52;
	v50 =	vld.idx.msk [tilespmem:v50+s8+$0x0], $0xffff  }
0x176: {  	v54 =	vld.idx.msk [tilespmem:v49+s31+$0x0], $0xffff  }
0x177: {  	v55 =	vadd.s32 s7, v17;
	v51 =	vor.u32 v38, v51;
	v5 =	vmul.f32 v5, v41;
	v49 =	vld.idx.msk [tilespmem:v49+s3+$0x0], $0xffff  }
0x178: {  	v52 =	vor.u32 v33, v52;
	v7 =	vmul.f32 v9, v7;
	v41 =	vand.u32 $0x38, v55;
	v55 =	vld.idx.msk [tilespmem:v48+s31+$0x0], $0xffff  }
0x179: {  	v9 =	vadd.s32 s7, v16;
	v56 =	vor.u32 v22, v41;
	v5 =	vmul.f32 v5, v25;
	v48 =	vld.idx.msk [tilespmem:v48+s3+$0x0], $0xffff  }
0x17a: {  	v9 =	vand.u32 $0x38, v9;
	v57 =	vor.u32 v1, v41;
	v7 =	vmul.f32 v7, v39;
	v58 =	vld.idx.msk [tilespmem:v53+s31+$0x0], $0xffff  }
0x17b: {  	v10 =	vmul.f32 v44, v10;
	v39 =	vor.u32 v2, v9;
	v20 =	vadd.f32 v5, v20;
	v53 =	vld.idx.msk [tilespmem:v53+s3+$0x0], $0xffff  }
0x17c: {  	v9 =	vor.u32 v18, v9;
	v5 =	vadd.s32 s7, v15;
	v30 =	vadd.f32 v7, v30;
	v44 =	vld.idx.msk [tilespmem:v51+s8+$0x0], $0xffff  }
0x17d: {  	v10 =	vmul.f32 v10, v42;
	v7 =	vmul.f32 v46, v43;
	v5 =	vand.u32 $0x38, v5;
	v51 =	vld.idx.msk [tilespmem:v52+s8+$0x0], $0xffff  }
0x17e: {  	v41 =	vadd.s32 s7, v14;
	v43 =	vor.u32 v24, v5;
	v42 =	vor.u32 v23, v5;
	v25 =	vld.idx.msk [tilespmem:v56+s8+$0x0], $0xffff  }
0x17f: {  	v46 =	vand.u32 $0x38, v41;
	v27 =	vadd.f32 v10, v27;
	v6 =	vmul.f32 v7, v6;
	v41 =	vld.idx.msk [tilespmem:v57+s31+$0x0], $0xffff  }
0x180: {  	v45 =	vmul.f32 v47, v45;
	v10 =	vmul.f32 v49, v54;
	v52 =	vor.u32 v19, v46;
	v5 =	vld.idx.msk [tilespmem:v57+s3+$0x0], $0xffff  }
0x181: {  	v46 =	vor.u32 v26, v46;
	v48 =	vmul.f32 v48, v55;
	v47 =	vmul.f32 v53, v58;
	v39 =	vld.idx.msk [tilespmem:v39+s8+$0x0], $0xffff  }
0x182: {  	v8 =	vmul.f32 v45, v8;
	v28 =	vadd.f32 v6, v28;
	v10 =	vmul.f32 v10, v50;
	v7 =	vld.idx.msk [tilespmem:v9+s31+$0x0], $0xffff  }
0x183: {  	v6 =	vadd.s32 s7, v13;
	v44 =	vmul.f32 v48, v44;
	v45 =	vmul.f32 v47, v51;
	v9 =	vld.idx.msk [tilespmem:v9+s3+$0x0], $0xffff  }
0x184: {  	v34 =	vadd.f32 v8, v34;
	v6 =	vand.u32 $0x38, v6;
	v31 =	vadd.f32 v10, v31;
	v42 =	vld.idx.msk [tilespmem:v42+s8+$0x0], $0xffff  }
0x185: {  	v8 =	vor.u32 v32, v6;
	v36 =	vadd.f32 v44, v36;
	v35 =	vadd.f32 v45, v35;
	v10 =	vld.idx.msk [tilespmem:v43+s31+$0x0], $0xffff  }
0x186: {  	v47 =	vor.u32 v37, v6;
	v45 =	vadd.s32 s7, v12;
	v44 =	vld.idx.msk [tilespmem:v43+s3+$0x0], $0xffff  }
0x187: {  	v45 =	vand.u32 $0x38, v45;
	v6 =	vld.idx.msk [tilespmem:v52+s8+$0x0], $0xffff  }
.Ltmp4:
0x188: {  	v50 =	vor.u32 v40, v45;
	v43 =	vld.idx.msk [tilespmem:v46+s31+$0x0], $0xffff;
	(pc) =	sbr.rel @p0 .LBB3_12-.Ltmp4, $4  }
0x189: {  	v48 =	vadd.s32 s7, v11;
	v49 =	vor.u32 v4, v45;
	v46 =	vld.idx.msk [tilespmem:v46+s3+$0x0], $0xffff  }
0x18a: {  	v51 =	vand.u32 $0x38, v48;
	v8 =	vld.idx.msk [tilespmem:v8+s8+$0x0], $0xffff  }
0x18b: {  	v48 =	vor.u32 v3, v51;
	v52 =	vadd.s32 s7, v62;
	v45 =	vld.idx.msk [tilespmem:v47+s31+$0x0], $0xffff  }
0x18c: {  	s7 =	sadd.s32 $0x8, s7;
	v52 =	vand.u32 $0x38, v52;
	v47 =	vld.idx.msk [tilespmem:v47+s3+$0x0], $0xffff  }
0x18d: {  	_ =	sdelay $0x3  }
0x18e: {  	v1 =	vor.u32 v29, v52;
	v2 =	vld.idx.msk [tilespmem:v50+s8+$0x0], $0xffff  }
0x18f: {  	v3 =	vld.idx.msk [tilespmem:v49+s31+$0x0], $0xffff  }
0x190: {  	v4 =	vor.u32 v38, v51;
	v18 =	vld.idx.msk [tilespmem:v49+s3+$0x0], $0xffff  }
0x191: {  	v19 =	vor.u32 v33, v52;
	v22 =	vld.idx.msk [tilespmem:v48+s31+$0x0], $0xffff  }
0x192: {  	v23 =	vld.idx.msk [tilespmem:v48+s3+$0x0], $0xffff  }
0x193: {  	v5 =	vmul.f32 v5, v41;
	v24 =	vld.idx.msk [tilespmem:v1+s31+$0x0], $0xffff  }
0x194: {  	v7 =	vmul.f32 v9, v7;
	v9 =	vmul.f32 v44, v10;
	v1 =	vld.idx.msk [tilespmem:v1+s3+$0x0], $0xffff  }
0x195: {  	v5 =	vmul.f32 v5, v25;
	v4 =	vld.idx.msk [tilespmem:v4+s8+$0x0], $0xffff  }
0x196: {  	v7 =	vmul.f32 v7, v39;
	v9 =	vmul.f32 v9, v42;
	v10 =	vld.idx.msk [tilespmem:v19+s8+$0x0], $0xffff  }
0x197: {  	v19 =	vmul.f32 v46, v43;
	v3 =	vmul.f32 v18, v3  }
0x198: {  	v5 =	vadd.f32 v5, v20;
	v18 =	vmul.f32 v47, v45;
	v22 =	vmul.f32 v23, v22  }
0x199: {  	v7 =	vadd.f32 v7, v30;
	v2 =	vmul.f32 v3, v2;
	v1 =	vmul.f32 v1, v24  }
0x19a: {  	v3 =	vmul.f32 v18, v8;
	v6 =	vmul.f32 v19, v6;
	v8 =	vadd.f32 v9, v27  }
0x19b: {  	v2 =	vadd.f32 v2, v31;
	v4 =	vmul.f32 v22, v4;
	v1 =	vmul.f32 v1, v10  }
0x19c: {  	v3 =	vadd.f32 v3, v34;
	v6 =	vadd.f32 v6, v28  }
0x19d: {  	v4 =	vadd.f32 v4, v36;
	v1 =	vadd.f32 v1, v35  }
0x19e: {  	v58 =	vadd.f32 v5, v7;
	v2 =	vadd.f32 v3, v2  }
0x19f: {  	v3 =	vadd.f32 v8, v6;
	v1 =	vadd.f32 v4, v1;
	_ =	sdelay $0x1  }
0x1a0: {  	v1 =	vadd.f32 v2, v1;
	v2 =	vadd.f32 v58, v3;
	_ =	sdelay $0x1  }
0x1a1: {  	v1 =	vadd.f32 v2, v1;
	v2 =	vld [tilespmem:$0x1FF50];
	_ =	sdelay $0x4  }
0x1a2: {  	v1 =	vmul.f32 v1, v2;
	v2 =	vld [tilespmem:$0x1FF60];
	_ =	sdelay $0x4  }
0x1a3: {  	v1 =	vadd.f32 v1, v2;
	_ =	sdelay $0x1  }
0x1a4: {  	v1 =	vsub.f32 $0.0e+00, v1;
	_ =	sdelay $0x1  }
0x1a5: {  	v1 =	vmul.f32 $1.442695020e+00, v1;
	_ =	sdelay $0x1  }
0x1a6: {  	(erf) = vpow2.f32 v1;
	_ =	sdelay $0x8  }
0x1a7: {  	v1 =	vpop (erf)  }
0x1a8: {  	v1 =	vadd.f32 $1.000000000e+00, v1;
	_ =	sdelay $0x1  }
0x1a9: {  	(erf) = vrcp.f32 v1;
	_ =	sdelay $0x8  }
0x1aa: {  	v1 =	vpop (erf)  }
0x1ab: {  	s5 =	sadd.s32 $0x1, s5;
	v1 =	vmul.f32 v1, v1  }
0x1ac: {  	p0 =	sne.s32 s5, $0x8  }
.Ltmp5:
0x1ad: {  	v1 =	vmul.f32 $3.051757860e-06, v1;
	(pc) =	sbr.rel @p0 .LBB3_11-.Ltmp5, $3  }
0x1ae: {  	_ = 	snop  }
0x1af: {  	v21 =	vadd.f32 v21, v1;
	_ =	sdelay $0x1  }
0x1b0: {  	[tilespmem:$0x1C0A0] =	vst v21  }
0x1b1: {  	s6 =	sadd.s32 $0x1, s6  }
0x1b2: {  	p0 =	sne.s32 s6, $0x1A  }
.Ltmp6:
0x1b3: {  	_ = 	snop;
	(pc) =	sbr.rel @p0 .LBB3_2-.Ltmp6, $1  }
0x1b4: {  	_ =	sdelay $0x3  }
0x1b5: {  	s5 =	sld [smem:$0x7F7];
	_ =	sdelay $0x1  }
0x1b6: {  	s4 =	simm.s32 $0x0;
	s7 =	sld [smem:$0x7F8]  }
0x1b7: {  	[tilespmem:s4], [sflag:$0x1] =	stream.linear.gather [hbm4b:s5+s4], $0x80, $0x38;
	[tilespmem:$0x1C0D0] =	vst v63  }
0x1b8: {  	s15 =	sld [smem:$0x7F9]  }
0x1b9: {  	[tilespmem:s9], [sflag:$0x1] =	stream.linear.gather [hbm4b:s7+s4], $0x80, $0x38;
	[tilespmem:$0x1C0D0] =	vst v63  }
0x1ba: {  	s6 =	sld [smem:$0x7FA]  }
0x1bb: {  	[tilespmem:s10], [sflag:$0x1] =	stream.linear.gather [hbm4b:s15+s4], $0x80, $0x38;
	[tilespmem:$0x1C0D0] =	vst v63  }
0x1bc: {  	s7 =	sld [smem:$0x7FB]  }
0x1bd: {  	[tilespmem:s11], [sflag:$0x2] =	stream.linear.gather [hbm4b:s6+s4], $0x80, $0x38;
	[tilespmem:$0x1C0D0] =	vst v63  }
0x1be: {  	s15 =	sld [smem:$0x7FC]  }
0x1bf: {  	[tilespmem:s12], [sflag:$0x2] =	stream.linear.gather [hbm4b:s7+s4], $0x80, $0x38;
	[tilespmem:$0x1C0D0] =	vst v63  }
0x1c0: {  	_ = 	snop  }
0x1c1: {  	[tilespmem:s13], [sflag:$0x2] =	stream.linear.gather [hbm4b:s15+s4], $0x80, $0x38;
	[tilespmem:$0x1C0D0] =	vst v63  }
0x1c2: {  	_ =	swait.ge [sflag:s17], $0x80  }
0x1c3: {  	[sflag:s17] =	ssyncset.done $0x0  }
0x1c4: {  	[sflag:s17] =	ssyncadd.s32 $0xFFFFFF80  }
0x1c5: {  	_ =	swait.ge [sflag:s17], $0x80  }
0x1c6: {  	[sflag:s17] =	ssyncset.done $0x0  }
0x1c7: {  	[sflag:s17] =	ssyncadd.s32 $0xFFFFFF80  }
0x1c8: {  	_ =	swait.ge [sflag:s17], $0x80  }
0x1c9: {  	[sflag:s17] =	ssyncset.done $0x0  }
0x1ca: {  	[sflag:s17] =	ssyncadd.s32 $0xFFFFFF80  }
0x1cb: {  	[tilespmem:s18], [sflag:$0x4] =	stream.indirect.gather [hbm4b:s28+s9], $0x40, s4, s9, $0xb8;
	[tilespmem:$0x1C0D0] =	vst v63  }
0x1cc: {  	_ = 	snop  }
0x1cd: {  	[tilespmem:s19], [sflag:$0x4] =	stream.indirect.gather [hbm4b:s30+s9], $0x40, s10, s9, $0xb8;
	[tilespmem:$0x1C0D0] =	vst v63  }
0x1ce: {  	_ =	swait.ge [sflag:s20], $0x80  }
0x1cf: {  	[sflag:s20] =	ssyncset.done $0x0  }
0x1d0: {  	[sflag:s20] =	ssyncadd.s32 $0xFFFFFF80  }
0x1d1: {  	_ =	swait.ge [sflag:s20], $0x80  }
0x1d2: {  	[sflag:s20] =	ssyncset.done $0x0  }
0x1d3: {  	[sflag:s20] =	ssyncadd.s32 $0xFFFFFF80  }
0x1d4: {  	_ =	swait.ge [sflag:s20], $0x80  }
0x1d5: {  	[sflag:s20] =	ssyncset.done $0x0  }
0x1d6: {  	[sflag:s20] =	ssyncadd.s32 $0xFFFFFF80  }
0x1d7: {  	[tilespmem:s25], [sflag:$0x5] =	stream.indirect.gather [hbm4b:s28+s9], $0x40, s11, s9, $0xb8;
	[tilespmem:$0x1C0D0] =	vst v63  }
0x1d8: {  	_ = 	snop  }
0x1d9: {  	[tilespmem:s26], [sflag:$0x5] =	stream.indirect.gather [hbm4b:s30+s9], $0x40, s13, s9, $0xb8;
	[tilespmem:$0x1C0D0] =	vst v63  }
0x1da: {  	_ =	swait.ge [sflag:s21], $0x2000  }
0x1db: {  	[sflag:s21] =	ssyncset.done $0x0  }
0x1dc: {  	[sflag:s21] =	ssyncadd.s32 $0xFFFFE000  }
0x1dd: {  	_ =	swait.ge [sflag:s21], $0x2000  }
0x1de: {  	[sflag:s21] =	ssyncset.done $0x0  }
0x1df: {  	s5 =	simm.s32 $0x0;
	[sflag:s21] =	ssyncadd.s32 $0xFFFFE000  }
.LBB3_16:
0x1e0: {  	s6 =	sshll.u32 s5, $0x4;
	v10 =	vld [tilespmem:$0x1FF90]  }
0x1e1: {  	v1 =	vld [tilespmem:s6+$0x80];
	v2 =	vmov s6  }
0x1e2: {  	v3 =	vld [tilespmem:$0x1FFB0];
	v2 =	vshll.u32 v2, $0x6  }
0x1e3: {  	v29 =	vadd.s32 s4, v13;
	v8 =	vor.u32 v59, v2  }
0x1e4: {  	v9 =	vadd.s32 s4, v15;
	v29 =	vand.u32 $0x38, v29;
	v36 =	vor.u32 v0, v8  }
0x1e5: {  	v7 =	vld [tilespmem:$0x1FFA0];
	v9 =	vand.u32 $0x38, v9;
	v33 =	vor.u32 v36, v29  }
0x1e6: {  	v23 =	vor.u32 v10, v8;
	v6 =	vshll.u32 v1, $0x6;
	v1 =	vadd.s32 s4, v17  }
0x1e7: {  	v20 =	vor.u32 v23, v9;
	v21 =	vor.u32 v3, v6;
	v2 =	vand.u32 $0x38, v1  }
0x1e8: {  	v1 =	vor.u32 v3, v8;
	v22 =	vor.u32 v10, v6;
	v3 =	vor.u32 v21, v2  }
0x1e9: {  	v4 =	vadd.s32 s4, v16;
	v5 =	vor.u32 v1, v2;
	v10 =	vor.u32 v22, v9;
	v9 =	vld [tilespmem:$0x1FF80]  }
0x1ea: {  	v4 =	vand.u32 $0x38, v4;
	v2 =	vor.u32 v7, v6;
	v44 =	vld.idx.msk [tilespmem:v33+s18+$0x0], $0xffff  }
0x1eb: {  	v18 =	vor.u32 v7, v8;
	v7 =	vor.u32 v2, v4;
	v46 =	vld.idx.msk [tilespmem:v33+s19+$0x0], $0xffff  }
0x1ec: {  	v4 =	vor.u32 v18, v4;
	v43 =	vld.idx.msk [tilespmem:v20+s19+$0x0], $0xffff  }
0x1ed: {  	v24 =	vld.idx.msk [tilespmem:v3+s8+$0x0], $0xffff  }
0x1ee: {  	v40 =	vld.idx.msk [tilespmem:v5+s18+$0x0], $0xffff;
	v3 =	vadd.s32 s4, v14  }
0x1ef: {  	v30 =	vadd.s32 s4, v12;
	v5 =	vld.idx.msk [tilespmem:v5+s19+$0x0], $0xffff;
	v19 =	vor.u32 v9, v6;
	v3 =	vand.u32 $0x38, v3  }
0x1f0: {  	v34 =	vimm.f32 $0.0e+00;
	v25 =	vor.u32 v9, v8;
	v38 =	vld.idx.msk [tilespmem:v7+s8+$0x0], $0xffff;
	v26 =	vor.u32 v19, v3  }
0x1f1: {  	v35 =	vimm.f32 $0.0e+00;
	v28 =	vor.u32 v63, v8;
	v7 =	vld.idx.msk [tilespmem:v4+s18+$0x0], $0xffff;
	v27 =	vor.u32 v25, v3  }
0x1f2: {  	v31 =	vor.u32 v0, v6;
	v39 =	vor.u32 v61, v6;
	v9 =	vld.idx.msk [tilespmem:v4+s19+$0x0], $0xffff;
	v4 =	vor.u32 v61, v8  }
0x1f3: {  	v41 =	vld.idx.msk [tilespmem:v10+s8+$0x0], $0xffff;
	v3 =	vor.u32 v60, v8;
	v8 =	vor.u32 v31, v29;
	v29 =	vand.u32 $0x38, v30  }
0x1f4: {  	v32 =	vor.u32 v63, v6;
	v37 =	vor.u32 v60, v6;
	v10 =	vld.idx.msk [tilespmem:v20+s18+$0x0], $0xffff;
	v49 =	vor.u32 v39, v29  }
0x1f5: {  	v33 =	vimm.f32 $0.0e+00;
	v48 =	vor.u32 v4, v29;
	v6 =	vld.idx.msk [tilespmem:v26+s8+$0x0], $0xffff;
	v26 =	vadd.s32 s4, v11  }
0x1f6: {  	v20 =	vimm.f32 $0.0e+00;
	v30 =	vimm.f32 $0.0e+00;
	v42 =	vld.idx.msk [tilespmem:v27+s18+$0x0], $0xffff;
	v50 =	vand.u32 $0x38, v26  }
0x1f7: {  	v29 =	vimm.f32 $0.0e+00;
	v45 =	vld.idx.msk [tilespmem:v27+s19+$0x0], $0xffff;
	v26 =	vadd.s32 s4, v62;
	v47 =	vor.u32 v3, v50  }
0x1f8: {  	s6 =	simm.s32 $0x8;
	v8 =	vld.idx.msk [tilespmem:v8+s8+$0x0], $0xffff;
	v27 =	vimm.f32 $0.0e+00;
	v51 =	vand.u32 $0x38, v26;
	v26 =	vimm.f32 $0.0e+00  }
.LBB3_17:
0x1f9: {  	p0 =	sne.s32 s6, $0x38;
	v52 =	vor.u32 v28, v51;
	v49 =	vld.idx.msk [tilespmem:v49+s8+$0x0], $0xffff  }
0x1fa: {  	v53 =	vld.idx.msk [tilespmem:v48+s18+$0x0], $0xffff  }
0x1fb: {  	v54 =	vadd.s32 s6, v17;
	v50 =	vor.u32 v37, v50;
	v5 =	vmul.f32 v5, v40;
	v48 =	vld.idx.msk [tilespmem:v48+s19+$0x0], $0xffff  }
0x1fc: {  	v51 =	vor.u32 v32, v51;
	v7 =	vmul.f32 v9, v7;
	v40 =	vand.u32 $0x38, v54;
	v54 =	vld.idx.msk [tilespmem:v47+s18+$0x0], $0xffff  }
0x1fd: {  	v9 =	vadd.s32 s6, v16;
	v55 =	vor.u32 v21, v40;
	v5 =	vmul.f32 v5, v24;
	v47 =	vld.idx.msk [tilespmem:v47+s19+$0x0], $0xffff  }
0x1fe: {  	v9 =	vand.u32 $0x38, v9;
	v56 =	vor.u32 v1, v40;
	v7 =	vmul.f32 v7, v38;
	v57 =	vld.idx.msk [tilespmem:v52+s18+$0x0], $0xffff  }
0x1ff: {  	v10 =	vmul.f32 v43, v10;
	v38 =	vor.u32 v2, v9;
	v20 =	vadd.f32 v5, v20;
	v52 =	vld.idx.msk [tilespmem:v52+s19+$0x0], $0xffff  }
0x200: {  	v9 =	vor.u32 v18, v9;
	v5 =	vadd.s32 s6, v15;
	v29 =	vadd.f32 v7, v29;
	v43 =	vld.idx.msk [tilespmem:v50+s8+$0x0], $0xffff  }
0x201: {  	v10 =	vmul.f32 v10, v41;
	v7 =	vmul.f32 v45, v42;
	v5 =	vand.u32 $0x38, v5;
	v50 =	vld.idx.msk [tilespmem:v51+s8+$0x0], $0xffff  }
0x202: {  	v40 =	vadd.s32 s6, v14;
	v42 =	vor.u32 v23, v5;
	v41 =	vor.u32 v22, v5;
	v24 =	vld.idx.msk [tilespmem:v55+s8+$0x0], $0xffff  }
0x203: {  	v45 =	vand.u32 $0x38, v40;
	v26 =	vadd.f32 v10, v26;
	v6 =	vmul.f32 v7, v6;
	v40 =	vld.idx.msk [tilespmem:v56+s18+$0x0], $0xffff  }
0x204: {  	v44 =	vmul.f32 v46, v44;
	v10 =	vmul.f32 v48, v53;
	v51 =	vor.u32 v19, v45;
	v5 =	vld.idx.msk [tilespmem:v56+s19+$0x0], $0xffff  }
0x205: {  	v45 =	vor.u32 v25, v45;
	v47 =	vmul.f32 v47, v54;
	v46 =	vmul.f32 v52, v57;
	v38 =	vld.idx.msk [tilespmem:v38+s8+$0x0], $0xffff  }
0x206: {  	v8 =	vmul.f32 v44, v8;
	v27 =	vadd.f32 v6, v27;
	v10 =	vmul.f32 v10, v49;
	v7 =	vld.idx.msk [tilespmem:v9+s18+$0x0], $0xffff  }
0x207: {  	v6 =	vadd.s32 s6, v13;
	v43 =	vmul.f32 v47, v43;
	v44 =	vmul.f32 v46, v50;
	v9 =	vld.idx.msk [tilespmem:v9+s19+$0x0], $0xffff  }
0x208: {  	v33 =	vadd.f32 v8, v33;
	v6 =	vand.u32 $0x38, v6;
	v30 =	vadd.f32 v10, v30;
	v41 =	vld.idx.msk [tilespmem:v41+s8+$0x0], $0xffff  }
0x209: {  	v8 =	vor.u32 v31, v6;
	v35 =	vadd.f32 v43, v35;
	v34 =	vadd.f32 v44, v34;
	v10 =	vld.idx.msk [tilespmem:v42+s18+$0x0], $0xffff  }
0x20a: {  	v46 =	vor.u32 v36, v6;
	v44 =	vadd.s32 s6, v12;
	v43 =	vld.idx.msk [tilespmem:v42+s19+$0x0], $0xffff  }
0x20b: {  	v44 =	vand.u32 $0x38, v44;
	v6 =	vld.idx.msk [tilespmem:v51+s8+$0x0], $0xffff  }
.Ltmp7:
0x20c: {  	v49 =	vor.u32 v39, v44;
	v42 =	vld.idx.msk [tilespmem:v45+s18+$0x0], $0xffff;
	(pc) =	sbr.rel @p0 .LBB3_17-.Ltmp7, $4  }
0x20d: {  	v47 =	vadd.s32 s6, v11;
	v48 =	vor.u32 v4, v44;
	v45 =	vld.idx.msk [tilespmem:v45+s19+$0x0], $0xffff  }
0x20e: {  	v50 =	vand.u32 $0x38, v47;
	v8 =	vld.idx.msk [tilespmem:v8+s8+$0x0], $0xffff  }
0x20f: {  	v47 =	vor.u32 v3, v50;
	v51 =	vadd.s32 s6, v62;
	v44 =	vld.idx.msk [tilespmem:v46+s18+$0x0], $0xffff  }
0x210: {  	s6 =	sadd.s32 $0x8, s6;
	v51 =	vand.u32 $0x38, v51;
	v46 =	vld.idx.msk [tilespmem:v46+s19+$0x0], $0xffff  }
0x211: {  	_ =	sdelay $0x3  }
0x212: {  	v1 =	vor.u32 v28, v51;
	v2 =	vld.idx.msk [tilespmem:v49+s8+$0x0], $0xffff  }
0x213: {  	v3 =	vld.idx.msk [tilespmem:v48+s18+$0x0], $0xffff  }
0x214: {  	v4 =	vor.u32 v37, v50;
	v18 =	vld.idx.msk [tilespmem:v48+s19+$0x0], $0xffff  }
0x215: {  	v19 =	vor.u32 v32, v51;
	v21 =	vld.idx.msk [tilespmem:v47+s18+$0x0], $0xffff  }
0x216: {  	v22 =	vld.idx.msk [tilespmem:v47+s19+$0x0], $0xffff  }
0x217: {  	v5 =	vmul.f32 v5, v40;
	v23 =	vld.idx.msk [tilespmem:v1+s18+$0x0], $0xffff  }
0x218: {  	v7 =	vmul.f32 v9, v7;
	v9 =	vmul.f32 v43, v10;
	v1 =	vld.idx.msk [tilespmem:v1+s19+$0x0], $0xffff  }
0x219: {  	v5 =	vmul.f32 v5, v24;
	v4 =	vld.idx.msk [tilespmem:v4+s8+$0x0], $0xffff  }
0x21a: {  	v7 =	vmul.f32 v7, v38;
	v9 =	vmul.f32 v9, v41;
	v10 =	vld.idx.msk [tilespmem:v19+s8+$0x0], $0xffff  }
0x21b: {  	v19 =	vmul.f32 v45, v42;
	v3 =	vmul.f32 v18, v3  }
0x21c: {  	v5 =	vadd.f32 v5, v20;
	v18 =	vmul.f32 v46, v44;
	v21 =	vmul.f32 v22, v21  }
0x21d: {  	v7 =	vadd.f32 v7, v29;
	v2 =	vmul.f32 v3, v2;
	v1 =	vmul.f32 v1, v23  }
0x21e: {  	v3 =	vmul.f32 v18, v8;
	v6 =	vmul.f32 v19, v6;
	v8 =	vadd.f32 v9, v26  }
0x21f: {  	v2 =	vadd.f32 v2, v30;
	v4 =	vmul.f32 v21, v4;
	v1 =	vmul.f32 v1, v10  }
0x220: {  	v3 =	vadd.f32 v3, v33;
	v6 =	vadd.f32 v6, v27  }
0x221: {  	v4 =	vadd.f32 v4, v35;
	v1 =	vadd.f32 v1, v34  }
0x222: {  	v58 =	vadd.f32 v5, v7;
	v2 =	vadd.f32 v3, v2  }
0x223: {  	v3 =	vadd.f32 v8, v6;
	v1 =	vadd.f32 v4, v1;
	_ =	sdelay $0x1  }
0x224: {  	v1 =	vadd.f32 v2, v1;
	v2 =	vadd.f32 v58, v3;
	_ =	sdelay $0x1  }
0x225: {  	v1 =	vadd.f32 v2, v1;
	v2 =	vld [tilespmem:$0x1FF50];
	_ =	sdelay $0x4  }
0x226: {  	v1 =	vmul.f32 v1, v2;
	v2 =	vld [tilespmem:$0x1FF60];
	_ =	sdelay $0x4  }
0x227: {  	v1 =	vadd.f32 v1, v2;
	_ =	sdelay $0x1  }
0x228: {  	v1 =	vsub.f32 $0.0e+00, v1;
	_ =	sdelay $0x1  }
0x229: {  	v1 =	vmul.f32 $1.442695020e+00, v1;
	_ =	sdelay $0x1  }
0x22a: {  	(erf) = vpow2.f32 v1;
	_ =	sdelay $0x8  }
0x22b: {  	v1 =	vpop (erf)  }
0x22c: {  	v1 =	vadd.f32 $1.000000000e+00, v1;
	_ =	sdelay $0x1  }
0x22d: {  	(erf) = vrcp.f32 v1;
	_ =	sdelay $0x8  }
0x22e: {  	v2 =	vld [tilespmem:$0x1C0A0];
	v1 =	vpop (erf)  }
0x22f: {  	s5 =	sadd.s32 $0x1, s5;
	v1 =	vmul.f32 v1, v1  }
0x230: {  	p0 =	sne.s32 s5, $0x8  }
.Ltmp8:
0x231: {  	v1 =	vmul.f32 $3.051757860e-06, v1;
	(pc) =	sbr.rel @p0 .LBB3_16-.Ltmp8, $3  }
0x232: {  	_ = 	snop  }
0x233: {  	v21 =	vadd.f32 v2, v1;
	_ =	sdelay $0x1  }
0x234: {  	[tilespmem:$0x1C0A0] =	vst v21  }
0x235: {  	_ =	swait.ge [sflag:s22], $0x2000  }
0x236: {  	[sflag:s22] =	ssyncset.done $0x0  }
0x237: {  	[sflag:s22] =	ssyncadd.s32 $0xFFFFE000  }
0x238: {  	_ =	swait.ge [sflag:s22], $0x2000  }
0x239: {  	[sflag:s22] =	ssyncset.done $0x0  }
0x23a: {  	s4 =	simm.s32 $0x0;
	s5 =	simm.s32 $0x0;
	[sflag:s22] =	ssyncadd.s32 $0xFFFFE000  }
.LBB3_20:
0x23b: {  	s6 =	sshll.u32 s5, $0x4;
	v10 =	vld [tilespmem:$0x1FF90]  }
0x23c: {  	v1 =	vld [tilespmem:s6+$0x200];
	v2 =	vmov s6  }
0x23d: {  	v3 =	vld [tilespmem:$0x1FFB0];
	v2 =	vshll.u32 v2, $0x6  }
0x23e: {  	v30 =	vadd.s32 s4, v13;
	v8 =	vor.u32 v59, v2  }
0x23f: {  	v9 =	vadd.s32 s4, v15;
	v30 =	vand.u32 $0x38, v30;
	v37 =	vor.u32 v0, v8  }
0x240: {  	v7 =	vld [tilespmem:$0x1FFA0];
	v9 =	vand.u32 $0x38, v9;
	v34 =	vor.u32 v37, v30  }
0x241: {  	v24 =	vor.u32 v10, v8;
	v6 =	vshll.u32 v1, $0x6;
	v1 =	vadd.s32 s4, v17  }
0x242: {  	v20 =	vor.u32 v24, v9;
	v22 =	vor.u32 v3, v6;
	v2 =	vand.u32 $0x38, v1  }
0x243: {  	v1 =	vor.u32 v3, v8;
	v23 =	vor.u32 v10, v6;
	v3 =	vor.u32 v22, v2  }
0x244: {  	v4 =	vadd.s32 s4, v16;
	v5 =	vor.u32 v1, v2;
	v10 =	vor.u32 v23, v9;
	v9 =	vld [tilespmem:$0x1FF80]  }
0x245: {  	v4 =	vand.u32 $0x38, v4;
	v2 =	vor.u32 v7, v6;
	v45 =	vld.idx.msk [tilespmem:v34+s25+$0x0], $0xffff  }
0x246: {  	v18 =	vor.u32 v7, v8;
	v7 =	vor.u32 v2, v4;
	v47 =	vld.idx.msk [tilespmem:v34+s26+$0x0], $0xffff  }
0x247: {  	v4 =	vor.u32 v18, v4;
	v44 =	vld.idx.msk [tilespmem:v20+s26+$0x0], $0xffff  }
0x248: {  	v25 =	vld.idx.msk [tilespmem:v3+s8+$0x0], $0xffff  }
0x249: {  	v41 =	vld.idx.msk [tilespmem:v5+s25+$0x0], $0xffff;
	v3 =	vadd.s32 s4, v14  }
0x24a: {  	v31 =	vadd.s32 s4, v12;
	v5 =	vld.idx.msk [tilespmem:v5+s26+$0x0], $0xffff;
	v19 =	vor.u32 v9, v6;
	v3 =	vand.u32 $0x38, v3  }
0x24b: {  	v35 =	vimm.f32 $0.0e+00;
	v26 =	vor.u32 v9, v8;
	v39 =	vld.idx.msk [tilespmem:v7+s8+$0x0], $0xffff;
	v27 =	vor.u32 v19, v3  }
0x24c: {  	v36 =	vimm.f32 $0.0e+00;
	v29 =	vor.u32 v63, v8;
	v7 =	vld.idx.msk [tilespmem:v4+s25+$0x0], $0xffff;
	v28 =	vor.u32 v26, v3  }
0x24d: {  	v32 =	vor.u32 v0, v6;
	v40 =	vor.u32 v61, v6;
	v9 =	vld.idx.msk [tilespmem:v4+s26+$0x0], $0xffff;
	v4 =	vor.u32 v61, v8  }
0x24e: {  	v42 =	vld.idx.msk [tilespmem:v10+s8+$0x0], $0xffff;
	v3 =	vor.u32 v60, v8;
	v8 =	vor.u32 v32, v30;
	v30 =	vand.u32 $0x38, v31  }
0x24f: {  	v33 =	vor.u32 v63, v6;
	v38 =	vor.u32 v60, v6;
	v10 =	vld.idx.msk [tilespmem:v20+s25+$0x0], $0xffff;
	v50 =	vor.u32 v40, v30  }
0x250: {  	v34 =	vimm.f32 $0.0e+00;
	v49 =	vor.u32 v4, v30;
	v6 =	vld.idx.msk [tilespmem:v27+s8+$0x0], $0xffff;
	v27 =	vadd.s32 s4, v11  }
0x251: {  	v20 =	vimm.f32 $0.0e+00;
	v31 =	vimm.f32 $0.0e+00;
	v43 =	vld.idx.msk [tilespmem:v28+s25+$0x0], $0xffff;
	v51 =	vand.u32 $0x38, v27  }
0x252: {  	v30 =	vimm.f32 $0.0e+00;
	v46 =	vld.idx.msk [tilespmem:v28+s26+$0x0], $0xffff;
	v27 =	vadd.s32 s4, v62;
	v48 =	vor.u32 v3, v51  }
0x253: {  	s6 =	simm.s32 $0x8;
	v8 =	vld.idx.msk [tilespmem:v8+s8+$0x0], $0xffff;
	v28 =	vimm.f32 $0.0e+00;
	v52 =	vand.u32 $0x38, v27;
	v27 =	vimm.f32 $0.0e+00  }
.LBB3_21:
0x254: {  	p0 =	sne.s32 s6, $0x38;
	v53 =	vor.u32 v29, v52;
	v50 =	vld.idx.msk [tilespmem:v50+s8+$0x0], $0xffff  }
0x255: {  	v54 =	vld.idx.msk [tilespmem:v49+s25+$0x0], $0xffff  }
0x256: {  	v55 =	vadd.s32 s6, v17;
	v51 =	vor.u32 v38, v51;
	v5 =	vmul.f32 v5, v41;
	v49 =	vld.idx.msk [tilespmem:v49+s26+$0x0], $0xffff  }
0x257: {  	v52 =	vor.u32 v33, v52;
	v7 =	vmul.f32 v9, v7;
	v41 =	vand.u32 $0x38, v55;
	v55 =	vld.idx.msk [tilespmem:v48+s25+$0x0], $0xffff  }
0x258: {  	v9 =	vadd.s32 s6, v16;
	v56 =	vor.u32 v22, v41;
	v5 =	vmul.f32 v5, v25;
	v48 =	vld.idx.msk [tilespmem:v48+s26+$0x0], $0xffff  }
0x259: {  	v9 =	vand.u32 $0x38, v9;
	v57 =	vor.u32 v1, v41;
	v7 =	vmul.f32 v7, v39;
	v58 =	vld.idx.msk [tilespmem:v53+s25+$0x0], $0xffff  }
0x25a: {  	v10 =	vmul.f32 v44, v10;
	v39 =	vor.u32 v2, v9;
	v20 =	vadd.f32 v5, v20;
	v53 =	vld.idx.msk [tilespmem:v53+s26+$0x0], $0xffff  }
0x25b: {  	v9 =	vor.u32 v18, v9;
	v5 =	vadd.s32 s6, v15;
	v30 =	vadd.f32 v7, v30;
	v44 =	vld.idx.msk [tilespmem:v51+s8+$0x0], $0xffff  }
0x25c: {  	v10 =	vmul.f32 v10, v42;
	v7 =	vmul.f32 v46, v43;
	v5 =	vand.u32 $0x38, v5;
	v51 =	vld.idx.msk [tilespmem:v52+s8+$0x0], $0xffff  }
0x25d: {  	v41 =	vadd.s32 s6, v14;
	v43 =	vor.u32 v24, v5;
	v42 =	vor.u32 v23, v5;
	v25 =	vld.idx.msk [tilespmem:v56+s8+$0x0], $0xffff  }
0x25e: {  	v46 =	vand.u32 $0x38, v41;
	v27 =	vadd.f32 v10, v27;
	v6 =	vmul.f32 v7, v6;
	v41 =	vld.idx.msk [tilespmem:v57+s25+$0x0], $0xffff  }
0x25f: {  	v45 =	vmul.f32 v47, v45;
	v10 =	vmul.f32 v49, v54;
	v52 =	vor.u32 v19, v46;
	v5 =	vld.idx.msk [tilespmem:v57+s26+$0x0], $0xffff  }
0x260: {  	v46 =	vor.u32 v26, v46;
	v48 =	vmul.f32 v48, v55;
	v47 =	vmul.f32 v53, v58;
	v39 =	vld.idx.msk [tilespmem:v39+s8+$0x0], $0xffff  }
0x261: {  	v8 =	vmul.f32 v45, v8;
	v28 =	vadd.f32 v6, v28;
	v10 =	vmul.f32 v10, v50;
	v7 =	vld.idx.msk [tilespmem:v9+s25+$0x0], $0xffff  }
0x262: {  	v6 =	vadd.s32 s6, v13;
	v44 =	vmul.f32 v48, v44;
	v45 =	vmul.f32 v47, v51;
	v9 =	vld.idx.msk [tilespmem:v9+s26+$0x0], $0xffff  }
0x263: {  	v34 =	vadd.f32 v8, v34;
	v6 =	vand.u32 $0x38, v6;
	v31 =	vadd.f32 v10, v31;
	v42 =	vld.idx.msk [tilespmem:v42+s8+$0x0], $0xffff  }
0x264: {  	v8 =	vor.u32 v32, v6;
	v36 =	vadd.f32 v44, v36;
	v35 =	vadd.f32 v45, v35;
	v10 =	vld.idx.msk [tilespmem:v43+s25+$0x0], $0xffff  }
0x265: {  	v47 =	vor.u32 v37, v6;
	v45 =	vadd.s32 s6, v12;
	v44 =	vld.idx.msk [tilespmem:v43+s26+$0x0], $0xffff  }
0x266: {  	v45 =	vand.u32 $0x38, v45;
	v6 =	vld.idx.msk [tilespmem:v52+s8+$0x0], $0xffff  }
.Ltmp9:
0x267: {  	v50 =	vor.u32 v40, v45;
	v43 =	vld.idx.msk [tilespmem:v46+s25+$0x0], $0xffff;
	(pc) =	sbr.rel @p0 .LBB3_21-.Ltmp9, $4  }
0x268: {  	v48 =	vadd.s32 s6, v11;
	v49 =	vor.u32 v4, v45;
	v46 =	vld.idx.msk [tilespmem:v46+s26+$0x0], $0xffff  }
0x269: {  	v51 =	vand.u32 $0x38, v48;
	v8 =	vld.idx.msk [tilespmem:v8+s8+$0x0], $0xffff  }
0x26a: {  	v48 =	vor.u32 v3, v51;
	v52 =	vadd.s32 s6, v62;
	v45 =	vld.idx.msk [tilespmem:v47+s25+$0x0], $0xffff  }
0x26b: {  	s6 =	sadd.s32 $0x8, s6;
	v52 =	vand.u32 $0x38, v52;
	v47 =	vld.idx.msk [tilespmem:v47+s26+$0x0], $0xffff  }
0x26c: {  	_ =	sdelay $0x3  }
0x26d: {  	v1 =	vor.u32 v29, v52;
	v2 =	vld.idx.msk [tilespmem:v50+s8+$0x0], $0xffff  }
0x26e: {  	v3 =	vld.idx.msk [tilespmem:v49+s25+$0x0], $0xffff  }
0x26f: {  	v4 =	vor.u32 v38, v51;
	v18 =	vld.idx.msk [tilespmem:v49+s26+$0x0], $0xffff  }
0x270: {  	v19 =	vor.u32 v33, v52;
	v22 =	vld.idx.msk [tilespmem:v48+s25+$0x0], $0xffff  }
0x271: {  	v23 =	vld.idx.msk [tilespmem:v48+s26+$0x0], $0xffff  }
0x272: {  	v5 =	vmul.f32 v5, v41;
	v24 =	vld.idx.msk [tilespmem:v1+s25+$0x0], $0xffff  }
0x273: {  	v7 =	vmul.f32 v9, v7;
	v9 =	vmul.f32 v44, v10;
	v1 =	vld.idx.msk [tilespmem:v1+s26+$0x0], $0xffff  }
0x274: {  	v5 =	vmul.f32 v5, v25;
	v4 =	vld.idx.msk [tilespmem:v4+s8+$0x0], $0xffff  }
0x275: {  	v7 =	vmul.f32 v7, v39;
	v9 =	vmul.f32 v9, v42;
	v10 =	vld.idx.msk [tilespmem:v19+s8+$0x0], $0xffff  }
0x276: {  	v19 =	vmul.f32 v46, v43;
	v3 =	vmul.f32 v18, v3  }
0x277: {  	v5 =	vadd.f32 v5, v20;
	v18 =	vmul.f32 v47, v45;
	v22 =	vmul.f32 v23, v22  }
0x278: {  	v7 =	vadd.f32 v7, v30;
	v2 =	vmul.f32 v3, v2;
	v1 =	vmul.f32 v1, v24  }
0x279: {  	v3 =	vmul.f32 v18, v8;
	v6 =	vmul.f32 v19, v6;
	v8 =	vadd.f32 v9, v27  }
0x27a: {  	v2 =	vadd.f32 v2, v31;
	v4 =	vmul.f32 v22, v4;
	v1 =	vmul.f32 v1, v10  }
0x27b: {  	v3 =	vadd.f32 v3, v34;
	v6 =	vadd.f32 v6, v28  }
0x27c: {  	v4 =	vadd.f32 v4, v36;
	v1 =	vadd.f32 v1, v35  }
0x27d: {  	v58 =	vadd.f32 v5, v7;
	v2 =	vadd.f32 v3, v2  }
0x27e: {  	v3 =	vadd.f32 v8, v6;
	v1 =	vadd.f32 v4, v1;
	_ =	sdelay $0x1  }
0x27f: {  	v1 =	vadd.f32 v2, v1;
	v2 =	vadd.f32 v58, v3;
	_ =	sdelay $0x1  }
0x280: {  	v1 =	vadd.f32 v2, v1;
	v2 =	vld [tilespmem:$0x1FF50];
	_ =	sdelay $0x4  }
0x281: {  	v1 =	vmul.f32 v1, v2;
	v2 =	vld [tilespmem:$0x1FF60];
	_ =	sdelay $0x4  }
0x282: {  	v1 =	vadd.f32 v1, v2;
	_ =	sdelay $0x1  }
0x283: {  	v1 =	vsub.f32 $0.0e+00, v1;
	_ =	sdelay $0x1  }
0x284: {  	v1 =	vmul.f32 $1.442695020e+00, v1;
	_ =	sdelay $0x1  }
0x285: {  	(erf) = vpow2.f32 v1;
	_ =	sdelay $0x8  }
0x286: {  	v1 =	vpop (erf)  }
0x287: {  	v1 =	vadd.f32 $1.000000000e+00, v1;
	_ =	sdelay $0x1  }
0x288: {  	(erf) = vrcp.f32 v1;
	_ =	sdelay $0x8  }
0x289: {  	v1 =	vpop (erf)  }
0x28a: {  	s5 =	sadd.s32 $0x1, s5;
	v1 =	vmul.f32 v1, v1  }
0x28b: {  	p0 =	sne.s32 s5, $0x8  }
.Ltmp10:
0x28c: {  	v1 =	vmul.f32 $3.051757860e-06, v1;
	(pc) =	sbr.rel @p0 .LBB3_20-.Ltmp10, $3  }
0x28d: {  	_ = 	snop  }
0x28e: {  	v21 =	vadd.f32 v21, v1;
	_ =	sdelay $0x1  }
0x28f: {  	[tilespmem:$0x1C0A0] =	vst v21  }
0x290: {  	s6 =	simm.s32 $0x0;
	s4 =	rddreg [dreg:$0xf]  }
0x291: {  	[tilespmem:s6], [sflag:$0x1] =	stream.linear.gather [hbm4b:s4+s6], $0x80, $0x38;
	[tilespmem:$0x1C0D0] =	vst v63  }
0x292: {  	s7 =	rddreg [dreg:$0x10]  }
0x293: {  	[tilespmem:s9], [sflag:$0x1] =	stream.linear.gather [hbm4b:s7+s6], $0x80, $0x38;
	[tilespmem:$0x1C0D0] =	vst v63  }
0x294: {  	s15 =	rddreg [dreg:$0x11]  }
0x295: {  	[tilespmem:s10], [sflag:$0x1] =	stream.linear.gather [hbm4b:s15+s6], $0x80, $0x38;
	[tilespmem:$0x1C0D0] =	vst v63  }
0x296: {  	s5 =	rddreg [dreg:$0x12]  }
0x297: {  	[tilespmem:s11], [sflag:$0x2] =	stream.linear.gather [hbm4b:s5+s6], $0x80, $0x38;
	[tilespmem:$0x1C0D0] =	vst v63  }
0x298: {  	s7 =	rddreg [dreg:$0x13]  }
0x299: {  	[tilespmem:s12], [sflag:$0x2] =	stream.linear.gather [hbm4b:s7+s6], $0x80, $0x38;
	[tilespmem:$0x1C0D0] =	vst v63  }
0x29a: {  	s15 =	rddreg [dreg:$0x14]  }
0x29b: {  	[tilespmem:s13], [sflag:$0x2] =	stream.linear.gather [hbm4b:s15+s6], $0x80, $0x38;
	[tilespmem:$0x1C0D0] =	vst v63  }
0x29c: {  	s5 =	rddreg [dreg:$0x15]  }
0x29d: {  	[tilespmem:s14], [sflag:$0x3] =	stream.linear.gather [hbm4b:s5+s6], $0x80, $0x38;
	[tilespmem:$0x1C0D0] =	vst v63  }
0x29e: {  	s7 =	rddreg [dreg:$0x16];
	s5 =	simm.s32 $0x380  }
0x29f: {  	[tilespmem:s5], [sflag:$0x3] =	stream.linear.gather [hbm4b:s7+s6], $0x80, $0x38;
	[tilespmem:$0x1C0D0] =	vst v63  }
0x2a0: {  	s15 =	rddreg [dreg:$0x17]  }
0x2a1: {  	[tilespmem:s16], [sflag:$0x3] =	stream.linear.gather [hbm4b:s15+s6], $0x80, $0x38;
	[tilespmem:$0x1C0D0] =	vst v63  }
0x2a2: {  	_ =	swait.ge [sflag:s17], $0x80  }
0x2a3: {  	[sflag:s17] =	ssyncset.done $0x0  }
0x2a4: {  	[sflag:s17] =	ssyncadd.s32 $0xFFFFFF80  }
0x2a5: {  	_ =	swait.ge [sflag:s17], $0x80  }
0x2a6: {  	[sflag:s17] =	ssyncset.done $0x0  }
0x2a7: {  	[sflag:s17] =	ssyncadd.s32 $0xFFFFFF80  }
0x2a8: {  	_ =	swait.ge [sflag:s17], $0x80  }
0x2a9: {  	[sflag:s17] =	ssyncset.done $0x0  }
0x2aa: {  	[sflag:s17] =	ssyncadd.s32 $0xFFFFFF80  }
0x2ab: {  	[tilespmem:s18], [sflag:$0x4] =	stream.indirect.gather [hbm4b:s28+s9], $0x40, s6, s9, $0xb8;
	[tilespmem:$0x1C0D0] =	vst v63  }
0x2ac: {  	_ = 	snop  }
0x2ad: {  	[tilespmem:s19], [sflag:$0x4] =	stream.indirect.gather [hbm4b:s30+s9], $0x40, s10, s9, $0xb8;
	[tilespmem:$0x1C0D0] =	vst v63  }
0x2ae: {  	_ =	swait.ge [sflag:s20], $0x80  }
0x2af: {  	[sflag:s20] =	ssyncset.done $0x0  }
0x2b0: {  	[sflag:s20] =	ssyncadd.s32 $0xFFFFFF80  }
0x2b1: {  	_ =	swait.ge [sflag:s20], $0x80  }
0x2b2: {  	[sflag:s20] =	ssyncset.done $0x0  }
0x2b3: {  	[sflag:s20] =	ssyncadd.s32 $0xFFFFFF80  }
0x2b4: {  	_ =	swait.ge [sflag:s20], $0x80  }
0x2b5: {  	[sflag:s20] =	ssyncset.done $0x0  }
0x2b6: {  	[sflag:s20] =	ssyncadd.s32 $0xFFFFFF80  }
0x2b7: {  	[tilespmem:s25], [sflag:$0x5] =	stream.indirect.gather [hbm4b:s28+s9], $0x40, s11, s9, $0xb8;
	[tilespmem:$0x1C0D0] =	vst v63  }
0x2b8: {  	_ = 	snop  }
0x2b9: {  	[tilespmem:s26], [sflag:$0x5] =	stream.indirect.gather [hbm4b:s30+s9], $0x40, s13, s9, $0xb8;
	[tilespmem:$0x1C0D0] =	vst v63  }
0x2ba: {  	_ =	swait.ge [sflag:s29], $0x80  }
0x2bb: {  	[sflag:s29] =	ssyncset.done $0x0  }
0x2bc: {  	[sflag:s29] =	ssyncadd.s32 $0xFFFFFF80  }
0x2bd: {  	_ =	swait.ge [sflag:s29], $0x80  }
0x2be: {  	[sflag:s29] =	ssyncset.done $0x0  }
0x2bf: {  	[sflag:s29] =	ssyncadd.s32 $0xFFFFFF80  }
0x2c0: {  	_ =	swait.ge [sflag:s29], $0x80  }
0x2c1: {  	[sflag:s29] =	ssyncset.done $0x0  }
0x2c2: {  	[sflag:s29] =	ssyncadd.s32 $0xFFFFFF80  }
0x2c3: {  	[tilespmem:s31], [sflag:$0x6] =	stream.indirect.gather [hbm4b:s28+s9], $0x40, s14, s9, $0xb8;
	[tilespmem:$0x1C0D0] =	vst v63  }
0x2c4: {  	_ = 	snop  }
0x2c5: {  	[tilespmem:s3], [sflag:$0x6] =	stream.indirect.gather [hbm4b:s30+s9], $0x40, s16, s9, $0xb8;
	[tilespmem:$0x1C0D0] =	vst v63  }
0x2c6: {  	_ =	swait.ge [sflag:s21], $0x2000  }
0x2c7: {  	[sflag:s21] =	ssyncset.done $0x0  }
0x2c8: {  	[sflag:s21] =	ssyncadd.s32 $0xFFFFE000  }
0x2c9: {  	_ =	swait.ge [sflag:s21], $0x2000  }
0x2ca: {  	[sflag:s21] =	ssyncset.done $0x0  }
0x2cb: {  	s4 =	simm.s32 $0x0;
	[sflag:s21] =	ssyncadd.s32 $0xFFFFE000  }
.LBB3_24:
0x2cc: {  	s5 =	sshll.u32 s4, $0x4  }
0x2cd: {  	v2 =	vmov s5  }
0x2ce: {  	v0 =	vld [tilespmem:$0x1FF70];
	v2 =	vshll.u32 v2, $0x6  }
0x2cf: {  	v5 =	vadd.s32 s6, v11;
	v7 =	vadd.s32 s6, v12;
	v1 =	vld [tilespmem:s5+$0x80];
	v2 =	vor.u32 v59, v2  }
0x2d0: {  	v21 =	vadd.s32 s6, v62;
	v5 =	vand.u32 $0x38, v5;
	v55 =	vor.u32 v60, v2  }
0x2d1: {  	v4 =	vld [tilespmem:$0x1FFA0];
	v7 =	vand.u32 $0x38, v7;
	v35 =	vor.u32 v61, v2;
	v8 =	vor.u32 v55, v5  }
0x2d2: {  	v21 =	vand.u32 $0x38, v21;
	v43 =	vor.u32 v63, v2;
	v10 =	vor.u32 v35, v7  }
0x2d3: {  	v6 =	vadd.s32 s6, v13;
	v27 =	vld [tilespmem:$0x1FF80];
	v26 =	vor.u32 v43, v21  }
0x2d4: {  	v28 =	vld [tilespmem:$0x1FFB0];
	v6 =	vand.u32 $0x38, v6;
	v45 =	vor.u32 v0, v2;
	v1 =	vshll.u32 v1, $0x6  }
0x2d5: {  	v3 =	vadd.s32 s6, v16;
	v9 =	vor.u32 v45, v6;
	v37 =	vor.u32 v0, v1;
	v0 =	vld [tilespmem:$0x1FF90]  }
0x2d6: {  	v3 =	vand.u32 $0x38, v3;
	v31 =	vor.u32 v4, v2;
	v22 =	vld.idx.msk [tilespmem:v8+s19+$0x0], $0xffff  }
0x2d7: {  	v33 =	vor.u32 v4, v1;
	v4 =	vor.u32 v31, v3;
	v48 =	vld.idx.msk [tilespmem:v10+s19+$0x0], $0xffff  }
0x2d8: {  	v46 =	vld.idx.msk [tilespmem:v26+s19+$0x0], $0xffff  }
0x2d9: {  	v19 =	vadd.s32 s6, v14;
	v20 =	vadd.s32 s6, v17;
	v3 =	vor.u32 v33, v3;
	v26 =	vld.idx.msk [tilespmem:v26+s18+$0x0], $0xffff  }
0x2da: {  	v19 =	vand.u32 $0x38, v19;
	v42 =	vor.u32 v27, v1;
	v6 =	vor.u32 v37, v6;
	v25 =	vld.idx.msk [tilespmem:v9+s19+$0x0], $0xffff  }
0x2db: {  	v20 =	vand.u32 $0x38, v20;
	v59 =	vor.u32 v28, v1;
	v23 =	vor.u32 v42, v19;
	v9 =	vld.idx.msk [tilespmem:v9+s18+$0x0], $0xffff  }
0x2dc: {  	v60 =	vor.u32 v60, v1;
	v24 =	vor.u32 v59, v20;
	v18 =	vld.idx.msk [tilespmem:v4+s18+$0x0], $0xffff  }
0x2dd: {  	v32 =	vadd.s32 s6, v15;
	v30 =	vor.u32 v27, v2;
	v5 =	vor.u32 v60, v5;
	v4 =	vld.idx.msk [tilespmem:v4+s19+$0x0], $0xffff  }
0x2de: {  	s7 =	simm.s32 $0x8;
	v34 =	vand.u32 $0x38, v32;
	v19 =	vor.u32 v30, v19;
	v29 =	vor.u32 v0, v2;
	v3 =	vld.idx.msk [tilespmem:v3+s8+$0x0], $0xffff  }
0x2df: {  	v49 =	vadd.s32 s7, v16;
	v6 =	vld.idx.msk [tilespmem:v6+s8+$0x0], $0xffff;
	v39 =	vor.u32 v29, v34  }
0x2e0: {  	v57 =	vand.u32 $0x38, v49;
	v32 =	vor.u32 v28, v2;
	[tilespmem:$0x1FDE0] =	vst v31;
	v28 =	vor.u32 v63, v1;
	v23 =	vld.idx.msk [tilespmem:v23+s8+$0x0], $0xffff  }
0x2e1: {  	v20 =	vor.u32 v32, v20;
	v36 =	vor.u32 v0, v1;
	v24 =	vld.idx.msk [tilespmem:v24+s8+$0x0], $0xffff;
	v27 =	vmul.f32 v22, v22  }
0x2e2: {  	v0 =	vor.u32 v61, v1;
	v2 =	vld.idx.msk [tilespmem:v5+s8+$0x0], $0xffff;
	v49 =	vmul.f32 v48, v48;
	v40 =	vmul.f32 v25, v25  }
0x2e3: {  	v1 =	vor.u32 v28, v21;
	v52 =	vld.idx.msk [tilespmem:v19+s19+$0x0], $0xffff;
	v53 =	vmul.f32 v9, v9;
	v9 =	vmul.f32 v25, v9  }
0x2e4: {  	v38 =	vor.u32 v36, v34;
	v21 =	vmul.f32 v4, v4;
	v41 =	vmul.f32 v18, v18;
	v63 =	vld.idx.msk [tilespmem:v39+s18+$0x0], $0xffff  }
0x2e5: {  	[tilespmem:$0x1FDF0] =	vst v33;
	v34 =	vimm.f32 $0.0e+00;
	v4 =	vmul.f32 v4, v18;
	v5 =	vmul.f32 v23, v23;
	v50 =	vld.idx.msk [tilespmem:v39+s19+$0x0], $0xffff  }
0x2e6: {  	v8 =	vld.idx.msk [tilespmem:v8+s18+$0x0], $0xffff;
	v7 =	vor.u32 v0, v7;
	v47 =	vmul.f32 v6, v6;
	v51 =	vmul.f32 v3, v3  }
0x2e7: {  	[tilespmem:$0x1FF00] =	vst v24;
	v25 =	vadd.f32 v53, v34;
	v9 =	vmul.f32 v9, v6;
	v3 =	vmul.f32 v4, v3  }
0x2e8: {  	v58 =	vadd.f32 v41, v34;
	[tilespmem:$0x1FE50] =	vst v5;
	v5 =	vmul.f32 v24, v24;
	v24 =	vor.u32 v31, v57  }
0x2e9: {  	[tilespmem:$0x1FE80] =	vst v48;
	v31 =	vor.u32 v33, v57;
	v6 =	vadd.f32 v40, v25;
	v40 =	vmul.f32 v52, v52  }
0x2ea: {  	v61 =	vld.idx.msk [tilespmem:v38+s8+$0x0], $0xffff;
	v39 =	vadd.f32 v3, v34;
	v21 =	vadd.f32 v21, v58;
	v3 =	vmul.f32 v50, v63  }
0x2eb: {  	v58 =	vadd.s32 s7, v11;
	[tilespmem:$0x1FF40] =	vst v5;
	v5 =	vld.idx.msk [tilespmem:v1+s8+$0x0], $0xffff;
	v1 =	vmul.f32 v2, v2;
	v54 =	vmul.f32 v63, v63  }
0x2ec: {  	v48 =	vadd.f32 v6, v47;
	v6 =	vadd.s32 s7, v62;
	v33 =	vmul.f32 v50, v50;
	[tilespmem:$0x1FF30] =	vst v3;
	v3 =	vld.idx.msk [tilespmem:v19+s18+$0x0], $0xffff  }
0x2ed: {  	v10 =	vld.idx.msk [tilespmem:v10+s18+$0x0], $0xffff;
	v25 =	vadd.f32 v54, v34;
	v54 =	vand.u32 $0x38, v6;
	v6 =	vadd.s32 s7, v17  }
0x2ee: {  	v62 =	vand.u32 $0x38, v6;
	v6 =	vmul.f32 v22, v8;
	v8 =	vmul.f32 v8, v8  }
0x2ef: {  	v63 =	vmul.f32 v26, v26;
	v41 =	vadd.f32 v21, v51;
	[tilespmem:$0x1FF10] =	vst v1;
	v1 =	vmul.f32 v61, v61  }
0x2f0: {  	v44 =	vld.idx.msk [tilespmem:v20+s19+$0x0], $0xffff;
	v21 =	vadd.s32 s7, v12;
	v51 =	vand.u32 $0x38, v58;
	v8 =	vadd.f32 v8, v34  }
0x2f1: {  	[tilespmem:$0x1FF20] =	vst v1;
	v1 =	vld.idx.msk [tilespmem:v20+s18+$0x0], $0xffff;
	v22 =	vadd.s32 s7, v14;
	v57 =	vmul.f32 v3, v3;
	v3 =	vmul.f32 v52, v3  }
0x2f2: {  	v20 =	vld.idx.msk [tilespmem:v7+s8+$0x0], $0xffff;
	v2 =	vmul.f32 v6, v2;
	v6 =	vmul.f32 v10, v10;
	v19 =	vadd.f32 v27, v8  }
0x2f3: {  	v27 =	vmul.f32 v3, v23;
	v3 =	vand.u32 $0x38, v22;
	v22 =	vmul.f32 v46, v26  }
0x2f4: {  	v38 =	vadd.f32 v63, v34;
	v50 =	vmul.f32 v5, v5;
	v6 =	vadd.f32 v6, v34  }
0x2f5: {  	[tilespmem:$0x1FE00] =	vst v55;
	v63 =	vadd.f32 v57, v34;
	v57 =	vor.u32 v55, v51;
	v55 =	vmul.f32 v22, v5;
	v5 =	vld [tilespmem:$0x1FE80]  }
0x2f6: {  	v21 =	vand.u32 $0x38, v21;
	v6 =	vadd.f32 v49, v6  }
0x2f7: {  	[tilespmem:$0x1FE20] =	vst v35;
	v52 =	vadd.f32 v40, v63;
	v63 =	vor.u32 v35, v21;
	v35 =	vmul.f32 v20, v20;
	_ =	sdelay $0x1  }
0x2f8: {  	v23 =	vadd.s32 s7, v15;
	v35 =	vadd.f32 v6, v35;
	v6 =	vld [tilespmem:$0x1FE50]  }
0x2f9: {  	[tilespmem:$0x1FEC0] =	vst v0;
	v8 =	vmul.f32 v5, v10;
	v5 =	vand.u32 $0x38, v23;
	v23 =	vor.u32 v0, v21;
	v0 =	vld [tilespmem:$0x1FF00]  }
0x2fa: {  	v18 =	vmul.f32 v46, v46  }
0x2fb: {  	v56 =	vadd.s32 s7, v13  }
0x2fc: {  	v7 =	vand.u32 $0x38, v56;
	v18 =	vadd.f32 v18, v38;
	v47 =	vmul.f32 v44, v1  }
0x2fd: {  	[tilespmem:$0x1FE10] =	vst v45;
	v4 =	vor.u32 v45, v7;
	v45 =	vadd.f32 v52, v6  }
0x2fe: {  	[tilespmem:$0x1FE30] =	vst v37;
	v52 =	vadd.f32 v18, v50;
	v50 =	vadd.f32 v27, v34;
	v27 =	vmul.f32 v47, v0;
	v0 =	vld [tilespmem:$0x1FF10]  }
0x2ff: {  	[tilespmem:$0x1FE90] =	vst v60;
	v7 =	vor.u32 v37, v7;
	v37 =	vor.u32 v60, v51;
	v60 =	vmul.f32 v1, v1;
	_ =	sdelay $0x1  }
0x300: {  	v53 =	vmul.f32 v44, v44;
	v58 =	vld.idx.msk [tilespmem:v31+s8+$0x0], $0xffff;
	v26 =	vor.u32 v42, v3;
	v31 =	vadd.f32 v60, v34  }
0x301: {  	v25 =	vadd.f32 v33, v25  }
0x302: {  	v33 =	vadd.f32 v53, v31;
	v53 =	vadd.f32 v19, v0;
	v0 =	vld [tilespmem:$0x1FF20]  }
0x303: {  	[tilespmem:$0x1FE40] =	vst v42;
	v38 =	vld.idx.msk [tilespmem:v24+s18+$0x0], $0xffff  }
0x304: {  	[tilespmem:$0x1FE60] =	vst v59;
	v42 =	vor.u32 v59, v62;
	v59 =	vld.idx.msk [tilespmem:v4+s19+$0x0], $0xffff  }
0x305: {  	v51 =	vld.idx.msk [tilespmem:v26+s8+$0x0], $0xffff  }
0x306: {  	v26 =	vmul.f32 v8, v20;
	v8 =	vld.idx.msk [tilespmem:v4+s18+$0x0], $0xffff  }
0x307: {  	v4 =	vadd.f32 v25, v0;
	v0 =	vld [tilespmem:$0x1FF30]  }
0x308: {  	v1 =	vld.idx.msk [tilespmem:v7+s8+$0x0], $0xffff  }
0x309: {  	v22 =	vld.idx.msk [tilespmem:v24+s19+$0x0], $0xffff  }
0x30a: {  	[tilespmem:$0x1FE70] =	vst v43;
	v56 =	vld.idx.msk [tilespmem:v57+s19+$0x0], $0xffff;
	v10 =	vor.u32 v36, v5  }
0x30b: {  	[tilespmem:$0x1FED0] =	vst v32;
	v49 =	vadd.f32 v9, v34;
	v7 =	vld.idx.msk [tilespmem:v42+s8+$0x0], $0xffff;
	v9 =	vor.u32 v29, v5  }
0x30c: {  	[tilespmem:$0x1FEF0] =	vst v30;
	v6 =	vor.u32 v43, v54;
	v25 =	vmul.f32 v0, v61;
	v0 =	vld [tilespmem:$0x1FF40]  }
0x30d: {  	[tilespmem:$0x1FEE0] =	vst v28;
	v5 =	vor.u32 v32, v62;
	v62 =	vld.idx.msk [tilespmem:v37+s8+$0x0], $0xffff  }
0x30e: {  	[tilespmem:$0x1FEB0] =	vst v36;
	v60 =	vimm.f32 $0.0e+00;
	v18 =	vld.idx.msk [tilespmem:v63+s19+$0x0], $0xffff  }
0x30f: {  	v24 =	vor.u32 v28, v54;
	v21 =	vor.u32 v30, v3;
	v3 =	vmul.f32 v22, v22;
	v43 =	vld.idx.msk [tilespmem:v10+s8+$0x0], $0xffff  }
0x310: {  	v54 =	vadd.f32 v55, v34;
	v36 =	vmul.f32 v56, v56;
	v20 =	vmul.f32 v51, v51;
	v10 =	vld.idx.msk [tilespmem:v9+s18+$0x0], $0xffff  }
0x311: {  	[tilespmem:$0x1FEA0] =	vst v29;
	s7 =	simm.s32 $0x10;
	v47 =	vld.idx.msk [tilespmem:v6+s19+$0x0], $0xffff;
	v55 =	vadd.f32 v27, v34;
	v61 =	vimm.f32 $0.0e+00;
	v40 =	vadd.f32 v33, v0  }
.LBB3_25:
0x312: {  	v0 =	vmov v7  }
0x313: {  	[tilespmem:$0x1FD90] =	vst v0;
	v0 =	vld [tilespmem:$0x1FDE0];
	_ =	sdelay $0x1  }
0x314: {  	s15 =	smov.u32 s7  }
0x315: {  	v60 =	vadd.f32 v25, v60;
	v25 =	vadd.s32 s15, v16  }
0x316: {  	v19 =	vmul.f32 v7, v7;
	v7 =	vand.u32 $0x38, v25  }
0x317: {  	v32 =	vor.u32 v0, v7;
	v0 =	vld [tilespmem:$0x1FDF0];
	_ =	sdelay $0x3  }
0x318: {  	v9 =	vld.idx.msk [tilespmem:v9+s19+$0x0], $0xffff  }
0x319: {  	v7 =	vor.u32 v0, v7;
	v0 =	vmul.f32 v62, v62;
	_ =	sdelay $0x1  }
0x31a: {  	[tilespmem:$0x1FDA0] =	vst v0;
	v0 =	vmul.f32 v43, v43  }
0x31b: {  	v33 =	vld.idx.msk [tilespmem:v6+s18+$0x0], $0xffff;
	v6 =	vmul.f32 v8, v8  }
0x31c: {  	[tilespmem:$0x1FDB0] =	vst v0;
	v0 =	vmul.f32 v9, v10  }
0x31d: {  	v34 =	vadd.f32 v2, v34;
	v2 =	vmul.f32 v59, v59;
	v6 =	vadd.f32 v6, v48  }
0x31e: {  	v27 =	vmul.f32 v1, v1;
	[tilespmem:$0x1FDC0] =	vst v0;
	v0 =	vmul.f32 v9, v9  }
0x31f: {  	[tilespmem:$0x1FD70] =	vst v20;
	v20 =	vld.idx.msk [tilespmem:v23+s8+$0x0], $0xffff;
	v23 =	vmul.f32 v38, v38;
	v2 =	vadd.f32 v2, v6  }
0x320: {  	v22 =	vmul.f32 v22, v38;
	v44 =	vmul.f32 v10, v10;
	[tilespmem:$0x1FD80] =	vst v0;
	v0 =	vlaneseq.u32  }
0x321: {  	v10 =	vadd.f32 v2, v27;
	v9 =	vadd.f32 v23, v41;
	v2 =	vadd.s32 s15, v0;
	v0 =	vld [tilespmem:$0x1FE00]  }
0x322: {  	v6 =	vld.idx.msk [tilespmem:v21+s18+$0x0], $0xffff  }
0x323: {  	v29 =	vld.idx.msk [tilespmem:v24+s8+$0x0], $0xffff;
	v24 =	vmul.f32 v58, v58;
	v22 =	vmul.f32 v22, v58;
	v3 =	vadd.f32 v3, v9  }
0x324: {  	v31 =	vadd.s32 s15, v11;
	v8 =	vmul.f32 v59, v8  }
0x325: {  	v39 =	vadd.f32 v22, v39;
	v22 =	vld.idx.msk [tilespmem:v57+s18+$0x0], $0xffff;
	v46 =	vadd.f32 v3, v24;
	v3 =	vand.u32 $0x38, v31  }
0x326: {  	v57 =	vor.u32 v0, v3;
	v0 =	vld [tilespmem:$0x1FE20]  }
0x327: {  	v37 =	vld.idx.msk [tilespmem:v63+s18+$0x0], $0xffff;
	v1 =	vmul.f32 v8, v1;
	v63 =	vmul.f32 v6, v6  }
0x328: {  	v61 =	vadd.f32 v26, v61;
	v58 =	vld.idx.msk [tilespmem:v7+s8+$0x0], $0xffff  }
0x329: {  	v49 =	vadd.f32 v1, v49;
	v45 =	vadd.f32 v63, v45;
	v7 =	vld [tilespmem:$0x1FE40];
	v41 =	vadd.s32 s15, v12  }
0x32a: {  	v26 =	vld.idx.msk [tilespmem:v5+s19+$0x0], $0xffff;
	v59 =	vand.u32 $0x38, v41;
	v1 =	vand.u32 $0x38, v2;
	v2 =	vadd.s32 s15, v17  }
0x32b: {  	[tilespmem:$0x1FDD0] =	vst v19;
	v28 =	vmovc v18;
	v19 =	vand.u32 $0x38, v2;
	v2 =	vmul.f32 v56, v22;
	v63 =	vor.u32 v0, v59;
	v0 =	vld [tilespmem:$0x1FE10]  }
0x32c: {  	v25 =	vmul.f32 v18, v28;
	v18 =	vld.idx.msk [tilespmem:v21+s19+$0x0], $0xffff;
	v23 =	vadd.s32 s15, v14;
	v9 =	vmul.f32 v33, v33  }
0x32d: {  	v5 =	vld.idx.msk [tilespmem:v5+s18+$0x0], $0xffff;
	v2 =	vmul.f32 v2, v62;
	v62 =	vand.u32 $0x38, v23  }
0x32e: {  	v52 =	vadd.f32 v9, v52;
	v9 =	vadd.s32 s15, v13;
	v7 =	vor.u32 v7, v62  }
0x32f: {  	v24 =	vand.u32 $0x38, v9  }
0x330: {  	v42 =	vmov v40;
	v40 =	vor.u32 v0, v24;
	v0 =	vld [tilespmem:$0x1FEA0]  }
0x331: {  	v48 =	vadd.s32 s15, v15;
	v27 =	vmul.f32 v26, v26;
	v31 =	vmul.f32 v18, v6;
	v6 =	vld [tilespmem:$0x1FE90]  }
0x332: {  	v26 =	vmul.f32 v26, v5;
	v23 =	vand.u32 $0x38, v48;
	v48 =	vmul.f32 v5, v5;
	v5 =	vld [tilespmem:$0x1FEC0]  }
0x333: {  	v31 =	vmul.f32 v31, v51;
	v51 =	vld.idx.msk [tilespmem:v7+s8+$0x0], $0xffff  }
0x334: {  	v7 =	vld [tilespmem:$0x1FD70]  }
0x335: {  	v21 =	vmul.f32 v18, v18;
	v9 =	vor.u32 v0, v23;
	v0 =	vld [tilespmem:$0x1FEB0];
	_ =	sdelay $0x1  }
0x336: {  	v21 =	vadd.f32 v21, v45;
	v18 =	vld [tilespmem:$0x1FE60]  }
0x337: {  	v3 =	vor.u32 v6, v3;
	v6 =	vld [tilespmem:$0x1FE30]  }
0x338: {  	v45 =	vadd.f32 v21, v7;
	v7 =	vld [tilespmem:$0x1FEF0]  }
0x339: {  	v0 =	vor.u32 v0, v23;
	v23 =	vor.u32 v5, v59;
	v5 =	vld [tilespmem:$0x1FED0]  }
0x33a: {  	v22 =	vmul.f32 v22, v22  }
0x33b: {  	v30 =	vmul.f32 v47, v47;
	v4 =	vadd.f32 v44, v4;
	v8 =	vmul.f32 v29, v29;
	v38 =	vld.idx.msk [tilespmem:v32+s18+$0x0], $0xffff  }
0x33c: {  	v53 =	vadd.f32 v22, v53;
	v22 =	vld [tilespmem:$0x1FEE0];
	v41 =	vor.u32 v6, v24;
	v6 =	vmul.f32 v37, v37  }
0x33d: {  	v44 =	vmov v34;
	v30 =	vadd.f32 v30, v52;
	v21 =	vor.u32 v7, v62;
	v62 =	vld.idx.msk [tilespmem:v3+s8+$0x0], $0xffff  }
0x33e: {  	v34 =	vmovc v43;
	v43 =	vor.u32 v18, v19;
	v5 =	vor.u32 v5, v19;
	v19 =	vadd.f32 v6, v35;
	v6 =	vld [tilespmem:$0x1FE70]  }
0x33f: {  	v3 =	vld [tilespmem:$0x1FD90]  }
0x340: {  	v52 =	vadd.f32 v30, v8;
	v8 =	vld [tilespmem:$0x1FD80]  }
0x341: {  	v42 =	vadd.f32 v48, v42;
	v48 =	vmov v10;
	v10 =	vld [tilespmem:$0x1FDC0]  }
0x342: {  	v56 =	vld.idx.msk [tilespmem:v57+s19+$0x0], $0xffff  }
0x343: {  	v24 =	vor.u32 v22, v1;
	v6 =	vor.u32 v6, v1;
	v1 =	vld.idx.msk [tilespmem:v41+s8+$0x0], $0xffff  }
0x344: {  	v41 =	vmov v46;
	v46 =	vmul.f32 v26, v3;
	v3 =	vld [tilespmem:$0x1FDA0]  }
0x345: {  	v7 =	vld.idx.msk [tilespmem:v43+s8+$0x0], $0xffff  }
0x346: {  	v43 =	vld.idx.msk [tilespmem:v0+s8+$0x0], $0xffff  }
0x347: {  	v0 =	vld [tilespmem:$0x1FDD0];
	v19 =	vadd.f32 v25, v19;
	v25 =	vadd.f32 v36, v53  }
0x348: {  	v33 =	vmul.f32 v47, v33;
	v22 =	vld.idx.msk [tilespmem:v32+s19+$0x0], $0xffff  }
0x349: {  	p0 =	sne.s32 s7, $0x38;
	v50 =	vadd.f32 v31, v50;
	v35 =	vmul.f32 v20, v20;
	v53 =	vadd.f32 v25, v3;
	v3 =	vld [tilespmem:$0x1FDB0]  }
.Ltmp11:
0x34a: {  	v28 =	vmul.f32 v28, v37;
	v27 =	vadd.f32 v27, v42;
	v4 =	vadd.f32 v8, v4;
	v18 =	vld.idx.msk [tilespmem:v63+s19+$0x0], $0xffff;
	(pc) =	sbr.rel @p0 .LBB3_25-.Ltmp11, $4  }
0x34b: {  	v8 =	vld.idx.msk [tilespmem:v40+s18+$0x0], $0xffff;
	v36 =	vmul.f32 v56, v56;
	v35 =	vadd.f32 v19, v35;
	v19 =	vmul.f32 v33, v29  }
0x34c: {  	v59 =	vld.idx.msk [tilespmem:v40+s19+$0x0], $0xffff;
	v26 =	vmul.f32 v28, v20;
	v40 =	vadd.f32 v27, v0;
	v20 =	vmul.f32 v51, v51  }
0x34d: {  	v54 =	vadd.f32 v19, v54;
	v55 =	vadd.f32 v46, v55;
	v47 =	vld.idx.msk [tilespmem:v6+s19+$0x0], $0xffff;
	v25 =	vmul.f32 v10, v34  }
0x34e: {  	s7 =	sadd.s32 $0x8, s7;
	v34 =	vmov v44;
	v10 =	vld.idx.msk [tilespmem:v9+s18+$0x0], $0xffff;
	v4 =	vadd.f32 v4, v3;
	v3 =	vmul.f32 v22, v22  }
0x34f: {  	_ =	sdelay $0x3  }
0x350: {  	v0 =	vld.idx.msk [tilespmem:v5+s19+$0x0], $0xffff  }
0x351: {  	v9 =	vld.idx.msk [tilespmem:v9+s19+$0x0], $0xffff  }
0x352: {  	v19 =	vld.idx.msk [tilespmem:v24+s8+$0x0], $0xffff  }
0x353: {  	v42 =	vld.idx.msk [tilespmem:v21+s19+$0x0], $0xffff  }
0x354: {  	v6 =	vld.idx.msk [tilespmem:v6+s18+$0x0], $0xffff  }
0x355: {  	v21 =	vld.idx.msk [tilespmem:v21+s18+$0x0], $0xffff  }
0x356: {  	v24 =	vld.idx.msk [tilespmem:v57+s18+$0x0], $0xffff  }
0x357: {  	v22 =	vmul.f32 v22, v38;
	v27 =	vld.idx.msk [tilespmem:v63+s18+$0x0], $0xffff  }
0x358: {  	v57 =	vld.idx.msk [tilespmem:v5+s18+$0x0], $0xffff;
	v28 =	vmul.f32 v59, v8  }
0x359: {  	v22 =	vmul.f32 v22, v58  }
0x35a: {  	v23 =	vld.idx.msk [tilespmem:v23+s8+$0x0], $0xffff;
	v28 =	vmul.f32 v28, v1;
	v29 =	vmul.f32 v9, v10  }
0x35b: {  	v2 =	vadd.f32 v2, v34;
	v30 =	vmul.f32 v42, v21;
	v31 =	vmul.f32 v56, v24  }
0x35c: {  	v26 =	vadd.f32 v26, v61;
	v32 =	vmul.f32 v47, v6;
	v33 =	vmul.f32 v18, v27  }
0x35d: {  	v25 =	vadd.f32 v25, v60;
	v61 =	vmul.f32 v0, v57;
	v30 =	vmul.f32 v30, v51  }
0x35e: {  	v22 =	vadd.f32 v22, v39;
	v32 =	vmul.f32 v32, v19;
	v31 =	vmul.f32 v31, v62  }
0x35f: {  	v28 =	vadd.f32 v28, v49;
	v33 =	vmul.f32 v33, v23;
	v34 =	vmul.f32 v61, v7  }
0x360: {  	v29 =	vmul.f32 v29, v43;
	v30 =	vadd.f32 v30, v50;
	v32 =	vadd.f32 v32, v54  }
0x361: {  	v2 =	vadd.f32 v31, v2;
	v26 =	vadd.f32 v33, v26  }
0x362: {  	v63 =	vadd.f32 v34, v55;
	v25 =	vadd.f32 v29, v25  }
0x363: {  	v2 =	vadd.f32 v2, v32;
	v26 =	vadd.f32 v28, v26  }
0x364: {  	v25 =	vadd.f32 v25, v30;
	v22 =	vadd.f32 v63, v22  }
0x365: {  	v33 =	vld [tilespmem:$0x1FF50]  }
0x366: {  	v2 =	vadd.f32 v26, v2;
	v22 =	vadd.f32 v22, v25  }
0x367: {  	v34 =	vld [tilespmem:$0x1FF60]  }
0x368: {  	v2 =	vadd.f32 v22, v2;
	_ =	sdelay $0x1  }
0x369: {  	v2 =	vmul.f32 v2, v33;
	_ =	sdelay $0x1  }
0x36a: {  	v2 =	vadd.f32 v2, v34;
	_ =	sdelay $0x1  }
0x36b: {  	v2 =	vsub.f32 $0.0e+00, v2;
	_ =	sdelay $0x1  }
0x36c: {  	v2 =	vmul.f32 $1.442695020e+00, v2;
	_ =	sdelay $0x1  }
0x36d: {  	v37 =	vmul.f32 v7, v7;
	(erf) = vpow2.f32 v2  }
0x36e: {  	v44 =	vmul.f32 v38, v38;
	v46 =	vmul.f32 v1, v1  }
0x36f: {  	v39 =	vmul.f32 v8, v8;
	v8 =	vmul.f32 v59, v59  }
0x370: {  	v10 =	vmul.f32 v10, v10;
	v18 =	vmul.f32 v18, v18  }
0x371: {  	v6 =	vmul.f32 v6, v6;
	v9 =	vmul.f32 v9, v9  }
0x372: {  	v5 =	vmul.f32 v57, v57;
	v56 =	vmul.f32 v23, v23  }
0x373: {  	v0 =	vmul.f32 v0, v0;
	v57 =	vmul.f32 v43, v43;
	v7 =	vadd.f32 v39, v48  }
0x374: {  	v4 =	vadd.f32 v10, v4;
	v6 =	vadd.f32 v6, v52;
	v10 =	vmul.f32 v24, v24  }
0x375: {  	v49 =	vmul.f32 v47, v47;
	v5 =	vadd.f32 v5, v40;
	v22 =	vadd.f32 v44, v41  }
0x376: {  	v52 =	vmul.f32 v27, v27;
	v7 =	vadd.f32 v8, v7;
	v10 =	vadd.f32 v10, v53;
	v54 =	vpop (erf)  }
0x377: {  	v51 =	vmul.f32 v21, v21;
	v3 =	vadd.f32 v3, v22;
	v22 =	vadd.f32 $1.000000000e+00, v54  }
0x378: {  	v19 =	vmul.f32 v19, v19;
	v21 =	vadd.f32 v52, v35;
	v6 =	vadd.f32 v49, v6  }
0x379: {  	v4 =	vadd.f32 v9, v4;
	v0 =	vadd.f32 v0, v5;
	(erf) = vrcp.f32 v22  }
0x37a: {  	v50 =	vmul.f32 v58, v58;
	v1 =	vadd.f32 v7, v46;
	v7 =	vadd.f32 v51, v45  }
0x37b: {  	v55 =	vmul.f32 v42, v42;
	v18 =	vadd.f32 v18, v21;
	v10 =	vadd.f32 v36, v10  }
0x37c: {  	v8 =	vmul.f32 v62, v62;
	v58 =	vadd.f32 v6, v19;
	v4 =	vadd.f32 v4, v57  }
0x37d: {  	v0 =	vadd.f32 v0, v37;
	v7 =	vadd.f32 v55, v7  }
0x37e: {  	v18 =	vadd.f32 v18, v56;
	v59 =	vadd.f32 v10, v8;
	v8 =	vld [tilespmem:s5+$0x1BE80]  }
0x37f: {  	v7 =	vadd.f32 v7, v20;
	v3 =	vadd.f32 v3, v50  }
0x380: {  	v60 =	vadd.f32 v59, v58;
	v1 =	vadd.f32 v1, v18  }
0x381: {  	v4 =	vadd.f32 v4, v7;
	v0 =	vadd.f32 v0, v3  }
0x382: {  	v1 =	vadd.f32 v1, v60;
	v61 =	vpop (erf)  }
0x383: {  	v0 =	vadd.f32 v0, v4;
	v2 =	vsub.f32 v61, v8;
	_ =	sdelay $0x1  }
0x384: {  	v0 =	vadd.f32 v0, v1;
	v62 =	vmul.f32 v2, v2  }
0x385: {  	v63 =	vld [tilespmem:$0x1C0A0]  }
0x386: {  	s4 =	sadd.s32 $0x1, s4;
	v0 =	vmul.f32 $1.525878980e-08, v0;
	v1 =	vmul.f32 $6.103515630e-05, v62  }
0x387: {  	p0 =	sne.s32 s4, $0x8  }
.Ltmp12:
0x388: {  	v0 =	vadd.f32 v1, v0;
	(pc) =	sbr.rel @p0 .LBB3_24-.Ltmp12, $4  }
0x389: {  	v59 =	vld [tilespmem:$0x1FFC0]  }
0x38a: {  	v60 =	vld [tilespmem:$0x1FFE0];
	v0 =	vadd.f32 v0, v63  }
0x38b: {  	v61 =	vld [tilespmem:$0x1FFF0]  }
0x38c: {  	v62 =	vlaneseq.u32;
	v63 =	vld [tilespmem:$0x1FFD0];
	[tilespmem:$0x1C0A0] =	vst v0  }
0x38d: {  	_ =	swait.ge [sflag:s22], $0x2000  }
0x38e: {  	[sflag:s22] =	ssyncset.done $0x0  }
0x38f: {  	[sflag:s22] =	ssyncadd.s32 $0xFFFFE000  }
0x390: {  	_ =	swait.ge [sflag:s22], $0x2000  }
0x391: {  	[sflag:s22] =	ssyncset.done $0x0  }
0x392: {  	s6 =	simm.s32 $0x0;
	s4 =	simm.s32 $0x0;
	[sflag:s22] =	ssyncadd.s32 $0xFFFFE000  }
.LBB3_28:
0x393: {  	s5 =	sshll.u32 s4, $0x4  }
0x394: {  	v1 =	vmov s5  }
0x395: {  	v9 =	vld [tilespmem:$0x1FF70];
	v1 =	vshll.u32 v1, $0x6  }
0x396: {  	v4 =	vadd.s32 s6, v11;
	v1 =	vor.u32 v59, v1  }
0x397: {  	v20 =	vadd.s32 s6, v62;
	v26 =	vld [tilespmem:$0x1FF90];
	v4 =	vand.u32 $0x38, v4;
	v42 =	vor.u32 v60, v1  }
0x398: {  	v3 =	vld [tilespmem:$0x1FFA0];
	v20 =	vand.u32 $0x38, v20;
	v55 =	vor.u32 v63, v1;
	v7 =	vor.u32 v42, v4  }
0x399: {  	v5 =	vadd.s32 s6, v13;
	v0 =	vld [tilespmem:s5+$0x200];
	v25 =	vor.u32 v55, v20  }
0x39a: {  	v5 =	vand.u32 $0x38, v5;
	v46 =	vor.u32 v9, v1  }
0x39b: {  	v27 =	vld [tilespmem:$0x1FF80];
	v32 =	vadd.s32 s6, v15;
	v8 =	vor.u32 v46, v5  }
0x39c: {  	v2 =	vadd.s32 s6, v16;
	v28 =	vld [tilespmem:$0x1FFB0];
	v34 =	vand.u32 $0x38, v32;
	v29 =	vor.u32 v26, v1  }
0x39d: {  	v6 =	vadd.s32 s6, v12;
	v2 =	vand.u32 $0x38, v2;
	v39 =	vor.u32 v29, v34;
	v21 =	vld.idx.msk [tilespmem:v7+s26+$0x0], $0xffff  }
0x39e: {  	v6 =	vand.u32 $0x38, v6;
	v31 =	vor.u32 v3, v1;
	v0 =	vshll.u32 v0, $0x6;
	v56 =	vld.idx.msk [tilespmem:v25+s26+$0x0], $0xffff  }
0x39f: {  	v35 =	vor.u32 v61, v1;
	v33 =	vor.u32 v3, v0;
	v3 =	vor.u32 v31, v2;
	v25 =	vld.idx.msk [tilespmem:v25+s25+$0x0], $0xffff  }
0x3a0: {  	v54 =	vor.u32 v9, v0;
	v9 =	vor.u32 v35, v6;
	v24 =	vld.idx.msk [tilespmem:v8+s26+$0x0], $0xffff  }
0x3a1: {  	v8 =	vld.idx.msk [tilespmem:v8+s25+$0x0], $0xffff  }
0x3a2: {  	v18 =	vadd.s32 s6, v14;
	v19 =	vadd.s32 s6, v17;
	v2 =	vor.u32 v33, v2;
	v40 =	vld.idx.msk [tilespmem:v39+s25+$0x0], $0xffff  }
0x3a3: {  	v18 =	vand.u32 $0x38, v18;
	v37 =	vor.u32 v27, v0;
	v5 =	vor.u32 v54, v5;
	v49 =	vld.idx.msk [tilespmem:v39+s26+$0x0], $0xffff  }
0x3a4: {  	v19 =	vand.u32 $0x38, v19;
	v59 =	vor.u32 v28, v0;
	v22 =	vor.u32 v37, v18;
	v10 =	vld.idx.msk [tilespmem:v3+s25+$0x0], $0xffff  }
0x3a5: {  	v36 =	vor.u32 v26, v0;
	v23 =	vor.u32 v59, v19;
	v43 =	vld.idx.msk [tilespmem:v9+s26+$0x0], $0xffff  }
0x3a6: {  	v30 =	vor.u32 v27, v1;
	v38 =	vor.u32 v36, v34;
	v3 =	vld.idx.msk [tilespmem:v3+s26+$0x0], $0xffff  }
0x3a7: {  	s7 =	simm.s32 $0x8;
	v18 =	vor.u32 v30, v18;
	v2 =	vld.idx.msk [tilespmem:v2+s8+$0x0], $0xffff  }
0x3a8: {  	v48 =	vadd.s32 s7, v16;
	v32 =	vor.u32 v28, v1;
	v60 =	vor.u32 v60, v0;
	v5 =	vld.idx.msk [tilespmem:v5+s8+$0x0], $0xffff  }
0x3a9: {  	v28 =	vor.u32 v63, v0;
	v4 =	vor.u32 v60, v4;
	v26 =	vld.idx.msk [tilespmem:v22+s8+$0x0], $0xffff;
	v62 =	vmul.f32 v21, v21  }
0x3aa: {  	v22 =	vld.idx.msk [tilespmem:v23+s8+$0x0], $0xffff;
	v23 =	vor.u32 v61, v0;
	v58 =	vmul.f32 v56, v56;
	v41 =	vmul.f32 v24, v24  }
0x3ab: {  	v0 =	vor.u32 v28, v20;
	v61 =	vld.idx.msk [tilespmem:v38+s8+$0x0], $0xffff;
	v52 =	vmul.f32 v8, v8;
	v53 =	vmul.f32 v40, v40  }
0x3ac: {  	v19 =	vor.u32 v32, v19;
	v51 =	vld.idx.msk [tilespmem:v18+s26+$0x0], $0xffff;
	v8 =	vmul.f32 v24, v8;
	v38 =	vmul.f32 v3, v3  }
0x3ad: {  	v57 =	vand.u32 $0x38, v48;
	v18 =	vld.idx.msk [tilespmem:v18+s25+$0x0], $0xffff;
	v44 =	vmul.f32 v10, v10;
	v3 =	vmul.f32 v3, v10  }
0x3ae: {  	[tilespmem:$0x1FC20] =	vst v31;
	v34 =	vimm.f32 $0.0e+00;
	v1 =	vld.idx.msk [tilespmem:v4+s8+$0x0], $0xffff;
	v48 =	vmul.f32 v43, v43;
	v20 =	vmul.f32 v26, v26  }
0x3af: {  	[tilespmem:$0x1FC30] =	vst v33;
	v63 =	vor.u32 v23, v6;
	v47 =	vmul.f32 v5, v5;
	v50 =	vmul.f32 v2, v2  }
0x3b0: {  	v6 =	vld.idx.msk [tilespmem:v0+s8+$0x0], $0xffff;
	v0 =	vor.u32 v31, v57;
	v31 =	vor.u32 v33, v57;
	v33 =	vmul.f32 v49, v49  }
0x3b1: {  	v45 =	vld.idx.msk [tilespmem:v19+s26+$0x0], $0xffff;
	v24 =	vadd.f32 v52, v34;
	v5 =	vmul.f32 v8, v5;
	v57 =	vmul.f32 v25, v25  }
0x3b2: {  	v7 =	vld.idx.msk [tilespmem:v7+s25+$0x0], $0xffff;
	v4 =	vlaneseq.u32;
	v52 =	vmul.f32 v18, v18;
	v2 =	vmul.f32 v3, v2  }
0x3b3: {  	[tilespmem:$0x1FD30] =	vst v22;
	v18 =	vmul.f32 v51, v18;
	v3 =	vmul.f32 v1, v1;
	v8 =	vadd.f32 v41, v24  }
0x3b4: {  	[tilespmem:$0x1FC90] =	vst v20;
	v20 =	vmul.f32 v22, v22;
	v39 =	vadd.f32 v2, v34;
	v2 =	vadd.f32 v44, v34  }
0x3b5: {  	v22 =	vld.idx.msk [tilespmem:v19+s25+$0x0], $0xffff;
	v19 =	vmul.f32 v49, v40;
	v24 =	vadd.f32 v53, v34;
	v40 =	vmul.f32 v51, v51  }
0x3b6: {  	v53 =	vmul.f32 v45, v45;
	v2 =	vadd.f32 v38, v2;
	v38 =	vadd.f32 v8, v47;
	v8 =	vld.idx.msk [tilespmem:v9+s25+$0x0], $0xffff  }
0x3b7: {  	[tilespmem:$0x1FD40] =	vst v3;
	v3 =	vmul.f32 v61, v61;
	v44 =	vadd.f32 v57, v34;
	v9 =	vadd.s32 s7, v4  }
0x3b8: {  	v27 =	vmovc v43;
	v57 =	vadd.s32 s7, v11;
	v43 =	vand.u32 $0x38, v9;
	v9 =	vadd.s32 s7, v17  }
0x3b9: {  	[tilespmem:$0x1FD60] =	vst v20;
	v10 =	vand.u32 $0x38, v57;
	v4 =	vand.u32 $0x38, v9;
	v9 =	vmul.f32 v21, v7  }
0x3ba: {  	v20 =	vld.idx.msk [tilespmem:v63+s8+$0x0], $0xffff;
	v49 =	vmul.f32 v6, v6;
	v57 =	vor.u32 v42, v10;
	v7 =	vmul.f32 v7, v7  }
0x3bb: {  	v41 =	vadd.f32 v2, v50;
	v2 =	vmul.f32 v9, v1;
	v1 =	vmul.f32 v8, v8  }
0x3bc: {  	v51 =	vadd.f32 v58, v44;
	v47 =	vmul.f32 v45, v22;
	v45 =	vadd.s32 s7, v13  }
0x3bd: {  	v21 =	vadd.s32 s7, v14;
	v7 =	vadd.f32 v7, v34;
	v1 =	vadd.f32 v1, v34  }
0x3be: {  	v50 =	vadd.s32 s7, v12;
	v45 =	vand.u32 $0x38, v45;
	v9 =	vadd.f32 v52, v34  }
0x3bf: {  	[tilespmem:$0x1FC50] =	vst v46;
	v1 =	vadd.f32 v48, v1;
	v48 =	vadd.f32 v62, v7;
	v7 =	vmul.f32 v20, v20  }
0x3c0: {  	[tilespmem:$0x1FD50] =	vst v3;
	v3 =	vor.u32 v46, v45;
	v46 =	vmul.f32 v18, v26;
	v18 =	vmul.f32 v56, v25  }
0x3c1: {  	v25 =	vor.u32 v59, v4;
	v9 =	vadd.f32 v40, v9;
	v40 =	vadd.f32 v1, v7;
	v1 =	vld [tilespmem:$0x1FC90]  }
0x3c2: {  	[tilespmem:$0x1FC60] =	vst v35;
	v52 =	vadd.f32 v51, v49;
	v49 =	vadd.f32 v5, v34;
	v5 =	vor.u32 v32, v4;
	v4 =	vld [tilespmem:$0x1FD30]  }
0x3c3: {  	[tilespmem:$0x1FC80] =	vst v37;
	v44 =	vld.idx.msk [tilespmem:v0+s25+$0x0], $0xffff;
	v50 =	vand.u32 $0x38, v50;
	v21 =	vand.u32 $0x38, v21;
	v26 =	vadd.s32 s7, v15  }
0x3c4: {  	[tilespmem:$0x1FCA0] =	vst v59;
	v58 =	vld.idx.msk [tilespmem:v31+s8+$0x0], $0xffff;
	v63 =	vor.u32 v35, v50;
	v35 =	vmul.f32 v22, v22;
	v26 =	vand.u32 $0x38, v26  }
0x3c5: {  	v22 =	vld.idx.msk [tilespmem:v0+s26+$0x0], $0xffff;
	v8 =	vmul.f32 v27, v8;
	v27 =	vor.u32 v36, v26;
	v62 =	vor.u32 v54, v45  }
0x3c6: {  	v59 =	vld.idx.msk [tilespmem:v3+s26+$0x0], $0xffff;
	v45 =	vadd.f32 v9, v1;
	v9 =	vor.u32 v29, v26;
	v26 =	vadd.f32 v35, v34  }
0x3c7: {  	[tilespmem:$0x1FCE0] =	vst v36;
	v31 =	vmul.f32 v18, v6;
	v6 =	vor.u32 v55, v43;
	v36 =	vmul.f32 v47, v4;
	v4 =	vld [tilespmem:$0x1FD40]  }
0x3c8: {  	v7 =	vor.u32 v37, v21;
	v37 =	vadd.f32 v53, v26;
	v26 =	vmul.f32 v8, v20;
	v8 =	vld.idx.msk [tilespmem:v3+s25+$0x0], $0xffff  }
0x3c9: {  	[tilespmem:$0x1FC40] =	vst v42;
	v3 =	vld [tilespmem:$0x1FD50]  }
0x3ca: {  	[tilespmem:$0x1FCB0] =	vst v55;
	v56 =	vld.idx.msk [tilespmem:v57+s26+$0x0], $0xffff  }
0x3cb: {  	[tilespmem:$0x1FCD0] =	vst v29;
	v18 =	vld.idx.msk [tilespmem:v63+s26+$0x0], $0xffff  }
0x3cc: {  	[tilespmem:$0x1FD00] =	vst v32;
	v0 =	vadd.f32 v33, v24;
	v47 =	vld.idx.msk [tilespmem:v6+s26+$0x0], $0xffff  }
0x3cd: {  	[tilespmem:$0x1FD20] =	vst v30;
	v10 =	vor.u32 v60, v10;
	v51 =	vld.idx.msk [tilespmem:v7+s8+$0x0], $0xffff  }
0x3ce: {  	[tilespmem:$0x1FC70] =	vst v54;
	v53 =	vadd.f32 v48, v4;
	v4 =	vadd.f32 v0, v3;
	v0 =	vld [tilespmem:$0x1FD60]  }
0x3cf: {  	[tilespmem:$0x1FCC0] =	vst v60;
	v24 =	vor.u32 v28, v43;
	v43 =	vld.idx.msk [tilespmem:v27+s8+$0x0], $0xffff  }
0x3d0: {  	[tilespmem:$0x1FCF0] =	vst v23;
	v60 =	vimm.f32 $0.0e+00;
	v23 =	vor.u32 v23, v50;
	v50 =	vadd.f32 v46, v34;
	v1 =	vld.idx.msk [tilespmem:v62+s8+$0x0], $0xffff  }
0x3d1: {  	v54 =	vadd.f32 v31, v34;
	v21 =	vor.u32 v30, v21;
	v55 =	vadd.f32 v36, v34;
	v7 =	vld.idx.msk [tilespmem:v25+s8+$0x0], $0xffff  }
0x3d2: {  	[tilespmem:$0x1FD10] =	vst v28;
	v62 =	vld.idx.msk [tilespmem:v10+s8+$0x0], $0xffff;
	v35 =	vmul.f32 v56, v56;
	v25 =	vmul.f32 v19, v61;
	v61 =	vimm.f32 $0.0e+00  }
0x3d3: {  	s7 =	simm.s32 $0x10;
	v20 =	vmul.f32 v51, v51;
	v10 =	vld.idx.msk [tilespmem:v9+s25+$0x0], $0xffff;
	v3 =	vmul.f32 v22, v22;
	v42 =	vadd.f32 v37, v0  }
.LBB3_29:
0x3d4: {  	_ =	sdelay $0x1  }
0x3d5: {  	v9 =	vld.idx.msk [tilespmem:v9+s26+$0x0], $0xffff  }
0x3d6: {  	v22 =	vmul.f32 v22, v44  }
0x3d7: {  	v32 =	vld.idx.msk [tilespmem:v6+s25+$0x0], $0xffff;
	v6 =	vmul.f32 v8, v8  }
0x3d8: {  	v34 =	vadd.f32 v2, v34;
	v8 =	vmul.f32 v59, v8;
	v22 =	vmul.f32 v22, v58  }
0x3d9: {  	v61 =	vadd.f32 v26, v61;
	v2 =	vmul.f32 v44, v44;
	v33 =	vmul.f32 v10, v10  }
0x3da: {  	v10 =	vmul.f32 v9, v10;
	v9 =	vmul.f32 v9, v9;
	v39 =	vadd.f32 v22, v39;
	v22 =	vld.idx.msk [tilespmem:v57+s25+$0x0], $0xffff  }
0x3db: {  	v28 =	vld.idx.msk [tilespmem:v24+s8+$0x0], $0xffff;
	v24 =	vmul.f32 v58, v58;
	v0 =	vmul.f32 v7, v7;
	v2 =	vadd.f32 v2, v41  }
0x3dc: {  	s15 =	smov.u32 s7;
	v26 =	vmul.f32 v1, v1;
	v1 =	vmul.f32 v8, v1;
	[tilespmem:$0x1FBB0] =	vst v9;
	v9 =	vlaneseq.u32  }
0x3dd: {  	v2 =	vadd.f32 v3, v2;
	v3 =	vmul.f32 v32, v32;
	v9 =	vadd.s32 s15, v9  }
0x3de: {  	v19 =	vmovc v7;
	v49 =	vadd.f32 v1, v49;
	v1 =	vand.u32 $0x38, v9;
	v9 =	vadd.s32 s15, v17  }
0x3df: {  	[tilespmem:$0x1FBC0] =	vst v19;
	v19 =	vld [tilespmem:$0x1FC20];
	v3 =	vadd.f32 v3, v52;
	v52 =	vand.u32 $0x38, v9;
	v9 =	vmul.f32 v56, v22  }
0x3e0: {  	v6 =	vadd.f32 v6, v38  }
0x3e1: {  	[tilespmem:$0x1FC10] =	vst v0;
	v0 =	vmul.f32 v59, v59;
	v48 =	vadd.f32 v2, v24;
	v2 =	vmul.f32 v9, v62;
	v9 =	vld [tilespmem:$0x1FC40]  }
0x3e2: {  	v60 =	vadd.f32 v25, v60;
	v36 =	vld.idx.msk [tilespmem:v63+s25+$0x0], $0xffff;
	v25 =	vadd.s32 s15, v16  }
0x3e3: {  	v7 =	vand.u32 $0x38, v25;
	v0 =	vadd.f32 v0, v6;
	v6 =	vld.idx.msk [tilespmem:v21+s25+$0x0], $0xffff  }
0x3e4: {  	v30 =	vadd.s32 s15, v11;
	v27 =	vmov v18;
	v31 =	vor.u32 v19, v7;
	v19 =	vld [tilespmem:$0x1FC30]  }
0x3e5: {  	v25 =	vmul.f32 v18, v27;
	v18 =	vld.idx.msk [tilespmem:v21+s26+$0x0], $0xffff;
	v24 =	vand.u32 $0x38, v30  }
0x3e6: {  	v57 =	vor.u32 v9, v24;
	v9 =	vld [tilespmem:$0x1FC60]  }
0x3e7: {  	[tilespmem:$0x1FBA0] =	vst v20;
	v20 =	vld.idx.msk [tilespmem:v23+s8+$0x0], $0xffff  }
0x3e8: {  	v23 =	vld.idx.msk [tilespmem:v5+s26+$0x0], $0xffff;
	v4 =	vadd.f32 v33, v4;
	v46 =	vmul.f32 v6, v6  }
0x3e9: {  	v5 =	vld.idx.msk [tilespmem:v5+s25+$0x0], $0xffff;
	v33 =	vadd.s32 s15, v12;
	v7 =	vor.u32 v19, v7;
	v19 =	vmul.f32 v62, v62  }
0x3ea: {  	v62 =	vand.u32 $0x38, v33;
	v45 =	vadd.f32 v46, v45;
	v46 =	vmul.f32 v18, v6;
	v6 =	vld [tilespmem:$0x1FCD0]  }
0x3eb: {  	v63 =	vor.u32 v9, v62;
	v9 =	vld [tilespmem:$0x1FC50];
	_ =	sdelay $0x1  }
0x3ec: {  	v41 =	vadd.s32 s15, v15;
	[tilespmem:$0x1FBF0] =	vst v10;
	v10 =	vadd.f32 v0, v26  }
0x3ed: {  	v0 =	vmul.f32 v23, v23;
	v26 =	vmul.f32 v23, v5;
	v23 =	vadd.s32 s15, v13  }
0x3ee: {  	v37 =	vand.u32 $0x38, v41;
	v23 =	vand.u32 $0x38, v23  }
0x3ef: {  	v38 =	vor.u32 v9, v23;
	v9 =	vor.u32 v6, v37;
	v6 =	vld [tilespmem:$0x1FCE0];
	_ =	sdelay $0x4  }
0x3f0: {  	v30 =	vor.u32 v6, v37;
	v6 =	vld [tilespmem:$0x1FCC0];
	_ =	sdelay $0x3  }
0x3f1: {  	v33 =	vmul.f32 v5, v5;
	v5 =	vld [tilespmem:$0x1FCF0]  }
0x3f2: {  	v41 =	vor.u32 v6, v24;
	v6 =	vld [tilespmem:$0x1FC70];
	_ =	sdelay $0x2  }
0x3f3: {  	v8 =	vld.idx.msk [tilespmem:v31+s25+$0x0], $0xffff  }
0x3f4: {  	v44 =	vmov v34;
	v34 =	vmov v43;
	v21 =	vmul.f32 v18, v18;
	v18 =	vld [tilespmem:$0x1FCA0]  }
0x3f5: {  	[tilespmem:$0x1FBD0] =	vst v19;
	v19 =	vmul.f32 v43, v43;
	v43 =	vor.u32 v6, v23;
	v23 =	vor.u32 v5, v62;
	v5 =	vld [tilespmem:$0x1FD00];
	_ =	sdelay $0x1  }
0x3f6: {  	v29 =	vmul.f32 v47, v47  }
0x3f7: {  	v58 =	vld.idx.msk [tilespmem:v7+s8+$0x0], $0xffff;
	v6 =	vmul.f32 v36, v36  }
0x3f8: {  	v3 =	vadd.f32 v29, v3;
	[tilespmem:$0x1FC00] =	vst v8;
	v8 =	vmul.f32 v28, v28;
	v7 =	vld [tilespmem:$0x1FC80]  }
0x3f9: {  	v37 =	vor.u32 v18, v52;
	v5 =	vor.u32 v5, v52;
	v52 =	vadd.f32 v6, v40  }
0x3fa: {  	v22 =	vmul.f32 v22, v22  }
0x3fb: {  	v56 =	vadd.s32 s15, v14;
	v25 =	vadd.f32 v25, v52;
	v52 =	vadd.f32 v3, v8;
	v8 =	vld [tilespmem:$0x1FBB0]  }
0x3fc: {  	v53 =	vadd.f32 v22, v53;
	v22 =	vld [tilespmem:$0x1FD10];
	[tilespmem:$0x1FBE0] =	vst v19;
	v19 =	vand.u32 $0x38, v56  }
0x3fd: {  	v7 =	vor.u32 v7, v19;
	_ =	sdelay $0x2  }
0x3fe: {  	v4 =	vadd.f32 v8, v4;
	v8 =	vld [tilespmem:$0x1FBC0]  }
0x3ff: {  	v24 =	vor.u32 v22, v1;
	v22 =	vld.idx.msk [tilespmem:v31+s26+$0x0], $0xffff  }
0x400: {  	v31 =	vmul.f32 v46, v51;
	v51 =	vld.idx.msk [tilespmem:v7+s8+$0x0], $0xffff  }
0x401: {  	v7 =	vld [tilespmem:$0x1FBA0]  }
0x402: {  	v59 =	vld.idx.msk [tilespmem:v38+s26+$0x0], $0xffff  }
0x403: {  	v3 =	vmul.f32 v27, v36;
	v27 =	vmul.f32 v26, v8;
	v8 =	vld.idx.msk [tilespmem:v38+s25+$0x0], $0xffff  }
0x404: {  	v21 =	vadd.f32 v21, v45;
	v38 =	vmov v10;
	v10 =	vld [tilespmem:$0x1FBD0];
	_ =	sdelay $0x1  }
0x405: {  	v45 =	vadd.f32 v21, v7;
	v7 =	vld [tilespmem:$0x1FD20]  }
0x406: {  	v29 =	vadd.f32 v35, v53;
	v6 =	vld [tilespmem:$0x1FCB0]  }
0x407: {  	v56 =	vld.idx.msk [tilespmem:v57+s26+$0x0], $0xffff  }
0x408: {  	v53 =	vadd.f32 v29, v10;
	v10 =	vld [tilespmem:$0x1FBF0]  }
0x409: {  	v18 =	vld.idx.msk [tilespmem:v63+s26+$0x0], $0xffff  }
0x40a: {  	v62 =	vld.idx.msk [tilespmem:v41+s8+$0x0], $0xffff  }
0x40b: {  	v40 =	vmul.f32 v20, v20;
	v21 =	vor.u32 v7, v19;
	v7 =	vld.idx.msk [tilespmem:v37+s8+$0x0], $0xffff;
	v6 =	vor.u32 v6, v1  }
0x40c: {  	v32 =	vmul.f32 v47, v32;
	v26 =	vmul.f32 v3, v20;
	v3 =	vld [tilespmem:$0x1FBE0]  }
0x40d: {  	p0 =	sne.s32 s7, $0x38;
	v33 =	vadd.f32 v33, v42;
	v40 =	vadd.f32 v25, v40;
	v25 =	vmul.f32 v10, v34;
	v10 =	vld [tilespmem:$0x1FC10]  }
.Ltmp13:
0x40e: {  	v1 =	vld.idx.msk [tilespmem:v43+s8+$0x0], $0xffff;
	(pc) =	sbr.rel @p0 .LBB3_29-.Ltmp13, $4  }
0x40f: {  	v0 =	vadd.f32 v0, v33;
	v19 =	vmul.f32 v32, v28;
	v43 =	vld.idx.msk [tilespmem:v30+s8+$0x0], $0xffff  }
0x410: {  	v35 =	vmul.f32 v56, v56;
	v50 =	vadd.f32 v31, v50;
	v41 =	vmov v48;
	v47 =	vld.idx.msk [tilespmem:v6+s26+$0x0], $0xffff  }
0x411: {  	v54 =	vadd.f32 v19, v54;
	v20 =	vmul.f32 v51, v51;
	v55 =	vadd.f32 v27, v55;
	v34 =	vmovc v44;
	v44 =	vld [tilespmem:$0x1FC00]  }
0x412: {  	s7 =	sadd.s32 $0x8, s7;
	v4 =	vadd.f32 v4, v3;
	v3 =	vmul.f32 v22, v22;
	v42 =	vadd.f32 v0, v10;
	v10 =	vld.idx.msk [tilespmem:v9+s25+$0x0], $0xffff  }
0x413: {  	_ =	sdelay $0x3  }
0x414: {  	v0 =	vld.idx.msk [tilespmem:v5+s26+$0x0], $0xffff  }
0x415: {  	v9 =	vld.idx.msk [tilespmem:v9+s26+$0x0], $0xffff  }
0x416: {  	v19 =	vld.idx.msk [tilespmem:v24+s8+$0x0], $0xffff  }
0x417: {  	v37 =	vld.idx.msk [tilespmem:v21+s26+$0x0], $0xffff  }
0x418: {  	v6 =	vld.idx.msk [tilespmem:v6+s25+$0x0], $0xffff  }
0x419: {  	v21 =	vld.idx.msk [tilespmem:v21+s25+$0x0], $0xffff  }
0x41a: {  	v24 =	vld.idx.msk [tilespmem:v57+s25+$0x0], $0xffff  }
0x41b: {  	v27 =	vld.idx.msk [tilespmem:v63+s25+$0x0], $0xffff;
	v28 =	vmul.f32 v59, v8  }
0x41c: {  	v57 =	vld.idx.msk [tilespmem:v5+s25+$0x0], $0xffff;
	v22 =	vmul.f32 v22, v44  }
0x41d: {  	v28 =	vmul.f32 v28, v1  }
0x41e: {  	v23 =	vld.idx.msk [tilespmem:v23+s8+$0x0], $0xffff;
	v22 =	vmul.f32 v22, v58;
	v29 =	vmul.f32 v9, v10  }
0x41f: {  	v2 =	vadd.f32 v2, v34;
	v30 =	vmul.f32 v37, v21;
	v31 =	vmul.f32 v56, v24  }
0x420: {  	v26 =	vadd.f32 v26, v61;
	v32 =	vmul.f32 v47, v6;
	v33 =	vmul.f32 v18, v27  }
0x421: {  	v25 =	vadd.f32 v25, v60;
	v61 =	vmul.f32 v0, v57;
	v30 =	vmul.f32 v30, v51  }
0x422: {  	v28 =	vadd.f32 v28, v49;
	v32 =	vmul.f32 v32, v19;
	v31 =	vmul.f32 v31, v62  }
0x423: {  	v22 =	vadd.f32 v22, v39;
	v33 =	vmul.f32 v33, v23;
	v34 =	vmul.f32 v61, v7  }
0x424: {  	v29 =	vmul.f32 v29, v43;
	v30 =	vadd.f32 v30, v50;
	v32 =	vadd.f32 v32, v54  }
0x425: {  	v2 =	vadd.f32 v31, v2;
	v26 =	vadd.f32 v33, v26  }
0x426: {  	v63 =	vadd.f32 v34, v55;
	v25 =	vadd.f32 v29, v25  }
0x427: {  	v2 =	vadd.f32 v2, v32;
	v26 =	vadd.f32 v28, v26  }
0x428: {  	v25 =	vadd.f32 v25, v30;
	v22 =	vadd.f32 v63, v22  }
0x429: {  	v33 =	vld [tilespmem:$0x1FF50]  }
0x42a: {  	v2 =	vadd.f32 v26, v2;
	v22 =	vadd.f32 v22, v25  }
0x42b: {  	v34 =	vld [tilespmem:$0x1FF60]  }
0x42c: {  	v2 =	vadd.f32 v22, v2;
	_ =	sdelay $0x1  }
0x42d: {  	v2 =	vmul.f32 v2, v33;
	_ =	sdelay $0x1  }
0x42e: {  	v2 =	vadd.f32 v2, v34;
	_ =	sdelay $0x1  }
0x42f: {  	v2 =	vsub.f32 $0.0e+00, v2;
	_ =	sdelay $0x1  }
0x430: {  	v2 =	vmul.f32 $1.442695020e+00, v2;
	_ =	sdelay $0x1  }
0x431: {  	v36 =	vmul.f32 v7, v7;
	(erf) = vpow2.f32 v2  }
0x432: {  	v48 =	vmul.f32 v1, v1;
	v46 =	vmul.f32 v44, v44  }
0x433: {  	v49 =	vmul.f32 v47, v47;
	v10 =	vmul.f32 v10, v10  }
0x434: {  	v18 =	vmul.f32 v18, v18;
	v6 =	vmul.f32 v6, v6  }
0x435: {  	v9 =	vmul.f32 v9, v9;
	v5 =	vmul.f32 v57, v57  }
0x436: {  	v56 =	vmul.f32 v23, v23;
	v0 =	vmul.f32 v0, v0  }
0x437: {  	v39 =	vmul.f32 v8, v8;
	v4 =	vadd.f32 v10, v4;
	v6 =	vadd.f32 v6, v52  }
0x438: {  	v10 =	vmul.f32 v24, v24;
	v52 =	vmul.f32 v27, v27;
	v5 =	vadd.f32 v5, v42  }
0x439: {  	v57 =	vmul.f32 v43, v43;
	v7 =	vadd.f32 v39, v38;
	v22 =	vadd.f32 v46, v41  }
0x43a: {  	v51 =	vmul.f32 v21, v21;
	v10 =	vadd.f32 v10, v53;
	v21 =	vadd.f32 v52, v40;
	v54 =	vpop (erf)  }
0x43b: {  	v8 =	vmul.f32 v59, v59;
	v3 =	vadd.f32 v3, v22;
	v22 =	vadd.f32 $1.000000000e+00, v54  }
0x43c: {  	v19 =	vmul.f32 v19, v19;
	v6 =	vadd.f32 v49, v6;
	v4 =	vadd.f32 v9, v4  }
0x43d: {  	v0 =	vadd.f32 v0, v5;
	v7 =	vadd.f32 v8, v7;
	(erf) = vrcp.f32 v22  }
0x43e: {  	v50 =	vmul.f32 v58, v58;
	v18 =	vadd.f32 v18, v21;
	v10 =	vadd.f32 v35, v10  }
0x43f: {  	v55 =	vmul.f32 v37, v37;
	v1 =	vadd.f32 v7, v48;
	v7 =	vadd.f32 v51, v45  }
0x440: {  	v8 =	vmul.f32 v62, v62;
	v58 =	vadd.f32 v6, v19;
	v4 =	vadd.f32 v4, v57  }
0x441: {  	v0 =	vadd.f32 v0, v36;
	v7 =	vadd.f32 v55, v7  }
0x442: {  	v18 =	vadd.f32 v18, v56;
	v59 =	vadd.f32 v10, v8;
	v8 =	vld [tilespmem:s5+$0x1BF00]  }
0x443: {  	v7 =	vadd.f32 v7, v20;
	v3 =	vadd.f32 v3, v50  }
0x444: {  	v60 =	vadd.f32 v59, v58;
	v1 =	vadd.f32 v1, v18  }
0x445: {  	v4 =	vadd.f32 v4, v7;
	v0 =	vadd.f32 v0, v3  }
0x446: {  	v1 =	vadd.f32 v1, v60;
	v61 =	vpop (erf)  }
0x447: {  	v0 =	vadd.f32 v0, v4;
	v2 =	vsub.f32 v61, v8;
	_ =	sdelay $0x1  }
0x448: {  	v0 =	vadd.f32 v0, v1;
	v62 =	vmul.f32 v2, v2  }
0x449: {  	v63 =	vld [tilespmem:$0x1C0A0]  }
0x44a: {  	s4 =	sadd.s32 $0x1, s4;
	v0 =	vmul.f32 $1.525878980e-08, v0;
	v1 =	vmul.f32 $6.103515630e-05, v62  }
0x44b: {  	p0 =	sne.s32 s4, $0x8  }
.Ltmp14:
0x44c: {  	v0 =	vadd.f32 v1, v0;
	(pc) =	sbr.rel @p0 .LBB3_28-.Ltmp14, $4  }
0x44d: {  	v59 =	vld [tilespmem:$0x1FFC0]  }
0x44e: {  	v60 =	vld [tilespmem:$0x1FFE0];
	v0 =	vadd.f32 v0, v63  }
0x44f: {  	v61 =	vld [tilespmem:$0x1FFF0]  }
0x450: {  	v62 =	vlaneseq.u32;
	v63 =	vld [tilespmem:$0x1FFD0];
	[tilespmem:$0x1C0A0] =	vst v0  }
0x451: {  	_ =	swait.ge [sflag:s24], $0x2000  }
0x452: {  	[sflag:s24] =	ssyncset.done $0x0  }
0x453: {  	[sflag:s24] =	ssyncadd.s32 $0xFFFFE000  }
0x454: {  	_ =	swait.ge [sflag:s24], $0x2000  }
0x455: {  	[sflag:s24] =	ssyncset.done $0x0  }
0x456: {  	s6 =	simm.s32 $0x0;
	s4 =	simm.s32 $0x0;
	[sflag:s24] =	ssyncadd.s32 $0xFFFFE000  }
.LBB3_32:
0x457: {  	s5 =	sshll.u32 s4, $0x4  }
0x458: {  	v1 =	vmov s5  }
0x459: {  	v9 =	vld [tilespmem:$0x1FF70];
	v1 =	vshll.u32 v1, $0x6  }
0x45a: {  	v4 =	vadd.s32 s6, v11;
	v1 =	vor.u32 v59, v1  }
0x45b: {  	v20 =	vadd.s32 s6, v62;
	v26 =	vld [tilespmem:$0x1FF90];
	v4 =	vand.u32 $0x38, v4;
	v42 =	vor.u32 v60, v1  }
0x45c: {  	v3 =	vld [tilespmem:$0x1FFA0];
	v20 =	vand.u32 $0x38, v20;
	v55 =	vor.u32 v63, v1;
	v7 =	vor.u32 v42, v4  }
0x45d: {  	v5 =	vadd.s32 s6, v13;
	v0 =	vld [tilespmem:s5+$0x380];
	v25 =	vor.u32 v55, v20  }
0x45e: {  	v5 =	vand.u32 $0x38, v5;
	v46 =	vor.u32 v9, v1  }
0x45f: {  	v27 =	vld [tilespmem:$0x1FF80];
	v32 =	vadd.s32 s6, v15;
	v8 =	vor.u32 v46, v5  }
0x460: {  	v2 =	vadd.s32 s6, v16;
	v28 =	vld [tilespmem:$0x1FFB0];
	v34 =	vand.u32 $0x38, v32;
	v29 =	vor.u32 v26, v1  }
0x461: {  	v6 =	vadd.s32 s6, v12;
	v2 =	vand.u32 $0x38, v2;
	v39 =	vor.u32 v29, v34;
	v21 =	vld.idx.msk [tilespmem:v7+s3+$0x0], $0xffff  }
0x462: {  	v6 =	vand.u32 $0x38, v6;
	v31 =	vor.u32 v3, v1;
	v0 =	vshll.u32 v0, $0x6;
	v56 =	vld.idx.msk [tilespmem:v25+s3+$0x0], $0xffff  }
0x463: {  	v35 =	vor.u32 v61, v1;
	v33 =	vor.u32 v3, v0;
	v3 =	vor.u32 v31, v2;
	v25 =	vld.idx.msk [tilespmem:v25+s31+$0x0], $0xffff  }
0x464: {  	v54 =	vor.u32 v9, v0;
	v9 =	vor.u32 v35, v6;
	v24 =	vld.idx.msk [tilespmem:v8+s3+$0x0], $0xffff  }
0x465: {  	v8 =	vld.idx.msk [tilespmem:v8+s31+$0x0], $0xffff  }
0x466: {  	v18 =	vadd.s32 s6, v14;
	v19 =	vadd.s32 s6, v17;
	v2 =	vor.u32 v33, v2;
	v40 =	vld.idx.msk [tilespmem:v39+s31+$0x0], $0xffff  }
0x467: {  	v18 =	vand.u32 $0x38, v18;
	v37 =	vor.u32 v27, v0;
	v5 =	vor.u32 v54, v5;
	v49 =	vld.idx.msk [tilespmem:v39+s3+$0x0], $0xffff  }
0x468: {  	v19 =	vand.u32 $0x38, v19;
	v59 =	vor.u32 v28, v0;
	v22 =	vor.u32 v37, v18;
	v10 =	vld.idx.msk [tilespmem:v3+s31+$0x0], $0xffff  }
0x469: {  	v36 =	vor.u32 v26, v0;
	v23 =	vor.u32 v59, v19;
	v43 =	vld.idx.msk [tilespmem:v9+s3+$0x0], $0xffff  }
0x46a: {  	v30 =	vor.u32 v27, v1;
	v38 =	vor.u32 v36, v34;
	v3 =	vld.idx.msk [tilespmem:v3+s3+$0x0], $0xffff  }
0x46b: {  	s7 =	simm.s32 $0x8;
	v18 =	vor.u32 v30, v18;
	v2 =	vld.idx.msk [tilespmem:v2+s8+$0x0], $0xffff  }
0x46c: {  	v48 =	vadd.s32 s7, v16;
	v32 =	vor.u32 v28, v1;
	v60 =	vor.u32 v60, v0;
	v5 =	vld.idx.msk [tilespmem:v5+s8+$0x0], $0xffff  }
0x46d: {  	v28 =	vor.u32 v63, v0;
	v4 =	vor.u32 v60, v4;
	v26 =	vld.idx.msk [tilespmem:v22+s8+$0x0], $0xffff;
	v62 =	vmul.f32 v21, v21  }
0x46e: {  	v22 =	vld.idx.msk [tilespmem:v23+s8+$0x0], $0xffff;
	v23 =	vor.u32 v61, v0;
	v58 =	vmul.f32 v56, v56;
	v41 =	vmul.f32 v24, v24  }
0x46f: {  	v0 =	vor.u32 v28, v20;
	v61 =	vld.idx.msk [tilespmem:v38+s8+$0x0], $0xffff;
	v52 =	vmul.f32 v8, v8;
	v53 =	vmul.f32 v40, v40  }
0x470: {  	v19 =	vor.u32 v32, v19;
	v51 =	vld.idx.msk [tilespmem:v18+s3+$0x0], $0xffff;
	v8 =	vmul.f32 v24, v8;
	v38 =	vmul.f32 v3, v3  }
0x471: {  	v57 =	vand.u32 $0x38, v48;
	v18 =	vld.idx.msk [tilespmem:v18+s31+$0x0], $0xffff;
	v44 =	vmul.f32 v10, v10;
	v3 =	vmul.f32 v3, v10  }
0x472: {  	[tilespmem:$0x1FA50] =	vst v31;
	v34 =	vimm.f32 $0.0e+00;
	v1 =	vld.idx.msk [tilespmem:v4+s8+$0x0], $0xffff;
	v48 =	vmul.f32 v43, v43;
	v20 =	vmul.f32 v26, v26  }
0x473: {  	[tilespmem:$0x1FA60] =	vst v33;
	v63 =	vor.u32 v23, v6;
	v47 =	vmul.f32 v5, v5;
	v50 =	vmul.f32 v2, v2  }
0x474: {  	v6 =	vld.idx.msk [tilespmem:v0+s8+$0x0], $0xffff;
	v0 =	vor.u32 v31, v57;
	v31 =	vor.u32 v33, v57;
	v33 =	vmul.f32 v49, v49  }
0x475: {  	v45 =	vld.idx.msk [tilespmem:v19+s3+$0x0], $0xffff;
	v24 =	vadd.f32 v52, v34;
	v5 =	vmul.f32 v8, v5;
	v57 =	vmul.f32 v25, v25  }
0x476: {  	v7 =	vld.idx.msk [tilespmem:v7+s31+$0x0], $0xffff;
	v4 =	vlaneseq.u32;
	v52 =	vmul.f32 v18, v18;
	v2 =	vmul.f32 v3, v2  }
0x477: {  	[tilespmem:$0x1FB60] =	vst v22;
	v18 =	vmul.f32 v51, v18;
	v3 =	vmul.f32 v1, v1;
	v8 =	vadd.f32 v41, v24  }
0x478: {  	[tilespmem:$0x1FAC0] =	vst v20;
	v20 =	vmul.f32 v22, v22;
	v39 =	vadd.f32 v2, v34;
	v2 =	vadd.f32 v44, v34  }
0x479: {  	v22 =	vld.idx.msk [tilespmem:v19+s31+$0x0], $0xffff;
	v19 =	vmul.f32 v49, v40;
	v24 =	vadd.f32 v53, v34;
	v40 =	vmul.f32 v51, v51  }
0x47a: {  	v53 =	vmul.f32 v45, v45;
	v2 =	vadd.f32 v38, v2;
	v38 =	vadd.f32 v8, v47;
	v8 =	vld.idx.msk [tilespmem:v9+s31+$0x0], $0xffff  }
0x47b: {  	[tilespmem:$0x1FB70] =	vst v3;
	v3 =	vmul.f32 v61, v61;
	v44 =	vadd.f32 v57, v34;
	v9 =	vadd.s32 s7, v4  }
0x47c: {  	v27 =	vmovc v43;
	v57 =	vadd.s32 s7, v11;
	v43 =	vand.u32 $0x38, v9;
	v9 =	vadd.s32 s7, v17  }
0x47d: {  	[tilespmem:$0x1FB90] =	vst v20;
	v10 =	vand.u32 $0x38, v57;
	v4 =	vand.u32 $0x38, v9;
	v9 =	vmul.f32 v21, v7  }
0x47e: {  	v20 =	vld.idx.msk [tilespmem:v63+s8+$0x0], $0xffff;
	v49 =	vmul.f32 v6, v6;
	v57 =	vor.u32 v42, v10;
	v7 =	vmul.f32 v7, v7  }
0x47f: {  	v41 =	vadd.f32 v2, v50;
	v2 =	vmul.f32 v9, v1;
	v1 =	vmul.f32 v8, v8  }
0x480: {  	v51 =	vadd.f32 v58, v44;
	v47 =	vmul.f32 v45, v22;
	v45 =	vadd.s32 s7, v13  }
0x481: {  	v21 =	vadd.s32 s7, v14;
	v7 =	vadd.f32 v7, v34;
	v1 =	vadd.f32 v1, v34  }
0x482: {  	v50 =	vadd.s32 s7, v12;
	v45 =	vand.u32 $0x38, v45;
	v9 =	vadd.f32 v52, v34  }
0x483: {  	[tilespmem:$0x1FA80] =	vst v46;
	v1 =	vadd.f32 v48, v1;
	v48 =	vadd.f32 v62, v7;
	v7 =	vmul.f32 v20, v20  }
0x484: {  	[tilespmem:$0x1FB80] =	vst v3;
	v3 =	vor.u32 v46, v45;
	v46 =	vmul.f32 v18, v26;
	v18 =	vmul.f32 v56, v25  }
0x485: {  	v25 =	vor.u32 v59, v4;
	v9 =	vadd.f32 v40, v9;
	v40 =	vadd.f32 v1, v7;
	v1 =	vld [tilespmem:$0x1FAC0]  }
0x486: {  	[tilespmem:$0x1FA90] =	vst v35;
	v52 =	vadd.f32 v51, v49;
	v49 =	vadd.f32 v5, v34;
	v5 =	vor.u32 v32, v4;
	v4 =	vld [tilespmem:$0x1FB60]  }
0x487: {  	[tilespmem:$0x1FAB0] =	vst v37;
	v44 =	vld.idx.msk [tilespmem:v0+s31+$0x0], $0xffff;
	v50 =	vand.u32 $0x38, v50;
	v21 =	vand.u32 $0x38, v21;
	v26 =	vadd.s32 s7, v15  }
0x488: {  	[tilespmem:$0x1FAD0] =	vst v59;
	v58 =	vld.idx.msk [tilespmem:v31+s8+$0x0], $0xffff;
	v63 =	vor.u32 v35, v50;
	v35 =	vmul.f32 v22, v22;
	v26 =	vand.u32 $0x38, v26  }
0x489: {  	v22 =	vld.idx.msk [tilespmem:v0+s3+$0x0], $0xffff;
	v8 =	vmul.f32 v27, v8;
	v27 =	vor.u32 v36, v26;
	v62 =	vor.u32 v54, v45  }
0x48a: {  	v59 =	vld.idx.msk [tilespmem:v3+s3+$0x0], $0xffff;
	v45 =	vadd.f32 v9, v1;
	v9 =	vor.u32 v29, v26;
	v26 =	vadd.f32 v35, v34  }
0x48b: {  	[tilespmem:$0x1FB10] =	vst v36;
	v31 =	vmul.f32 v18, v6;
	v6 =	vor.u32 v55, v43;
	v36 =	vmul.f32 v47, v4;
	v4 =	vld [tilespmem:$0x1FB70]  }
0x48c: {  	v7 =	vor.u32 v37, v21;
	v37 =	vadd.f32 v53, v26;
	v26 =	vmul.f32 v8, v20;
	v8 =	vld.idx.msk [tilespmem:v3+s31+$0x0], $0xffff  }
0x48d: {  	[tilespmem:$0x1FA70] =	vst v42;
	v3 =	vld [tilespmem:$0x1FB80]  }
0x48e: {  	[tilespmem:$0x1FAE0] =	vst v55;
	v56 =	vld.idx.msk [tilespmem:v57+s3+$0x0], $0xffff  }
0x48f: {  	[tilespmem:$0x1FB00] =	vst v29;
	v18 =	vld.idx.msk [tilespmem:v63+s3+$0x0], $0xffff  }
0x490: {  	[tilespmem:$0x1FB30] =	vst v32;
	v0 =	vadd.f32 v33, v24;
	v47 =	vld.idx.msk [tilespmem:v6+s3+$0x0], $0xffff  }
0x491: {  	[tilespmem:$0x1FB50] =	vst v30;
	v10 =	vor.u32 v60, v10;
	v51 =	vld.idx.msk [tilespmem:v7+s8+$0x0], $0xffff  }
0x492: {  	[tilespmem:$0x1FAA0] =	vst v54;
	v53 =	vadd.f32 v48, v4;
	v4 =	vadd.f32 v0, v3;
	v0 =	vld [tilespmem:$0x1FB90]  }
0x493: {  	[tilespmem:$0x1FAF0] =	vst v60;
	v24 =	vor.u32 v28, v43;
	v43 =	vld.idx.msk [tilespmem:v27+s8+$0x0], $0xffff  }
0x494: {  	[tilespmem:$0x1FB20] =	vst v23;
	v60 =	vimm.f32 $0.0e+00;
	v23 =	vor.u32 v23, v50;
	v50 =	vadd.f32 v46, v34;
	v1 =	vld.idx.msk [tilespmem:v62+s8+$0x0], $0xffff  }
0x495: {  	v54 =	vadd.f32 v31, v34;
	v21 =	vor.u32 v30, v21;
	v55 =	vadd.f32 v36, v34;
	v7 =	vld.idx.msk [tilespmem:v25+s8+$0x0], $0xffff  }
0x496: {  	[tilespmem:$0x1FB40] =	vst v28;
	v62 =	vld.idx.msk [tilespmem:v10+s8+$0x0], $0xffff;
	v35 =	vmul.f32 v56, v56;
	v25 =	vmul.f32 v19, v61;
	v61 =	vimm.f32 $0.0e+00  }
0x497: {  	s7 =	simm.s32 $0x10;
	v20 =	vmul.f32 v51, v51;
	v10 =	vld.idx.msk [tilespmem:v9+s31+$0x0], $0xffff;
	v3 =	vmul.f32 v22, v22;
	v42 =	vadd.f32 v37, v0  }
.LBB3_33:
0x498: {  	_ =	sdelay $0x1  }
0x499: {  	v9 =	vld.idx.msk [tilespmem:v9+s3+$0x0], $0xffff  }
0x49a: {  	v22 =	vmul.f32 v22, v44  }
0x49b: {  	v32 =	vld.idx.msk [tilespmem:v6+s31+$0x0], $0xffff;
	v6 =	vmul.f32 v8, v8  }
0x49c: {  	v34 =	vadd.f32 v2, v34;
	v8 =	vmul.f32 v59, v8;
	v22 =	vmul.f32 v22, v58  }
0x49d: {  	v61 =	vadd.f32 v26, v61;
	v2 =	vmul.f32 v44, v44;
	v33 =	vmul.f32 v10, v10  }
0x49e: {  	v10 =	vmul.f32 v9, v10;
	v9 =	vmul.f32 v9, v9;
	v39 =	vadd.f32 v22, v39;
	v22 =	vld.idx.msk [tilespmem:v57+s31+$0x0], $0xffff  }
0x49f: {  	v28 =	vld.idx.msk [tilespmem:v24+s8+$0x0], $0xffff;
	v24 =	vmul.f32 v58, v58;
	v0 =	vmul.f32 v7, v7;
	v2 =	vadd.f32 v2, v41  }
0x4a0: {  	s15 =	smov.u32 s7;
	v26 =	vmul.f32 v1, v1;
	v1 =	vmul.f32 v8, v1;
	[tilespmem:$0x1F9E0] =	vst v9;
	v9 =	vlaneseq.u32  }
0x4a1: {  	v2 =	vadd.f32 v3, v2;
	v3 =	vmul.f32 v32, v32;
	v9 =	vadd.s32 s15, v9  }
0x4a2: {  	v19 =	vmovc v7;
	v49 =	vadd.f32 v1, v49;
	v1 =	vand.u32 $0x38, v9;
	v9 =	vadd.s32 s15, v17  }
0x4a3: {  	[tilespmem:$0x1F9F0] =	vst v19;
	v19 =	vld [tilespmem:$0x1FA50];
	v3 =	vadd.f32 v3, v52;
	v52 =	vand.u32 $0x38, v9;
	v9 =	vmul.f32 v56, v22  }
0x4a4: {  	v6 =	vadd.f32 v6, v38  }
0x4a5: {  	[tilespmem:$0x1FA40] =	vst v0;
	v0 =	vmul.f32 v59, v59;
	v48 =	vadd.f32 v2, v24;
	v2 =	vmul.f32 v9, v62;
	v9 =	vld [tilespmem:$0x1FA70]  }
0x4a6: {  	v60 =	vadd.f32 v25, v60;
	v36 =	vld.idx.msk [tilespmem:v63+s31+$0x0], $0xffff;
	v25 =	vadd.s32 s15, v16  }
0x4a7: {  	v7 =	vand.u32 $0x38, v25;
	v0 =	vadd.f32 v0, v6;
	v6 =	vld.idx.msk [tilespmem:v21+s31+$0x0], $0xffff  }
0x4a8: {  	v30 =	vadd.s32 s15, v11;
	v27 =	vmov v18;
	v31 =	vor.u32 v19, v7;
	v19 =	vld [tilespmem:$0x1FA60]  }
0x4a9: {  	v25 =	vmul.f32 v18, v27;
	v18 =	vld.idx.msk [tilespmem:v21+s3+$0x0], $0xffff;
	v24 =	vand.u32 $0x38, v30  }
0x4aa: {  	v57 =	vor.u32 v9, v24;
	v9 =	vld [tilespmem:$0x1FA90]  }
0x4ab: {  	[tilespmem:$0x1F9D0] =	vst v20;
	v20 =	vld.idx.msk [tilespmem:v23+s8+$0x0], $0xffff  }
0x4ac: {  	v23 =	vld.idx.msk [tilespmem:v5+s3+$0x0], $0xffff;
	v4 =	vadd.f32 v33, v4;
	v46 =	vmul.f32 v6, v6  }
0x4ad: {  	v5 =	vld.idx.msk [tilespmem:v5+s31+$0x0], $0xffff;
	v33 =	vadd.s32 s15, v12;
	v7 =	vor.u32 v19, v7;
	v19 =	vmul.f32 v62, v62  }
0x4ae: {  	v62 =	vand.u32 $0x38, v33;
	v45 =	vadd.f32 v46, v45;
	v46 =	vmul.f32 v18, v6;
	v6 =	vld [tilespmem:$0x1FB00]  }
0x4af: {  	v63 =	vor.u32 v9, v62;
	v9 =	vld [tilespmem:$0x1FA80];
	_ =	sdelay $0x1  }
0x4b0: {  	v41 =	vadd.s32 s15, v15;
	[tilespmem:$0x1FA20] =	vst v10;
	v10 =	vadd.f32 v0, v26  }
0x4b1: {  	v0 =	vmul.f32 v23, v23;
	v26 =	vmul.f32 v23, v5;
	v23 =	vadd.s32 s15, v13  }
0x4b2: {  	v37 =	vand.u32 $0x38, v41;
	v23 =	vand.u32 $0x38, v23  }
0x4b3: {  	v38 =	vor.u32 v9, v23;
	v9 =	vor.u32 v6, v37;
	v6 =	vld [tilespmem:$0x1FB10];
	_ =	sdelay $0x4  }
0x4b4: {  	v30 =	vor.u32 v6, v37;
	v6 =	vld [tilespmem:$0x1FAF0];
	_ =	sdelay $0x3  }
0x4b5: {  	v33 =	vmul.f32 v5, v5;
	v5 =	vld [tilespmem:$0x1FB20]  }
0x4b6: {  	v41 =	vor.u32 v6, v24;
	v6 =	vld [tilespmem:$0x1FAA0];
	_ =	sdelay $0x2  }
0x4b7: {  	v8 =	vld.idx.msk [tilespmem:v31+s31+$0x0], $0xffff  }
0x4b8: {  	v44 =	vmov v34;
	v34 =	vmov v43;
	v21 =	vmul.f32 v18, v18;
	v18 =	vld [tilespmem:$0x1FAD0]  }
0x4b9: {  	[tilespmem:$0x1FA00] =	vst v19;
	v19 =	vmul.f32 v43, v43;
	v43 =	vor.u32 v6, v23;
	v23 =	vor.u32 v5, v62;
	v5 =	vld [tilespmem:$0x1FB30];
	_ =	sdelay $0x1  }
0x4ba: {  	v29 =	vmul.f32 v47, v47  }
0x4bb: {  	v58 =	vld.idx.msk [tilespmem:v7+s8+$0x0], $0xffff;
	v6 =	vmul.f32 v36, v36  }
0x4bc: {  	v3 =	vadd.f32 v29, v3;
	[tilespmem:$0x1FA30] =	vst v8;
	v8 =	vmul.f32 v28, v28;
	v7 =	vld [tilespmem:$0x1FAB0]  }
0x4bd: {  	v37 =	vor.u32 v18, v52;
	v5 =	vor.u32 v5, v52;
	v52 =	vadd.f32 v6, v40  }
0x4be: {  	v22 =	vmul.f32 v22, v22  }
0x4bf: {  	v56 =	vadd.s32 s15, v14;
	v25 =	vadd.f32 v25, v52;
	v52 =	vadd.f32 v3, v8;
	v8 =	vld [tilespmem:$0x1F9E0]  }
0x4c0: {  	v53 =	vadd.f32 v22, v53;
	v22 =	vld [tilespmem:$0x1FB40];
	[tilespmem:$0x1FA10] =	vst v19;
	v19 =	vand.u32 $0x38, v56  }
0x4c1: {  	v7 =	vor.u32 v7, v19;
	_ =	sdelay $0x2  }
0x4c2: {  	v4 =	vadd.f32 v8, v4;
	v8 =	vld [tilespmem:$0x1F9F0]  }
0x4c3: {  	v24 =	vor.u32 v22, v1;
	v22 =	vld.idx.msk [tilespmem:v31+s3+$0x0], $0xffff  }
0x4c4: {  	v31 =	vmul.f32 v46, v51;
	v51 =	vld.idx.msk [tilespmem:v7+s8+$0x0], $0xffff  }
0x4c5: {  	v7 =	vld [tilespmem:$0x1F9D0]  }
0x4c6: {  	v59 =	vld.idx.msk [tilespmem:v38+s3+$0x0], $0xffff  }
0x4c7: {  	v3 =	vmul.f32 v27, v36;
	v27 =	vmul.f32 v26, v8;
	v8 =	vld.idx.msk [tilespmem:v38+s31+$0x0], $0xffff  }
0x4c8: {  	v21 =	vadd.f32 v21, v45;
	v38 =	vmov v10;
	v10 =	vld [tilespmem:$0x1FA00];
	_ =	sdelay $0x1  }
0x4c9: {  	v45 =	vadd.f32 v21, v7;
	v7 =	vld [tilespmem:$0x1FB50]  }
0x4ca: {  	v29 =	vadd.f32 v35, v53;
	v6 =	vld [tilespmem:$0x1FAE0]  }
0x4cb: {  	v56 =	vld.idx.msk [tilespmem:v57+s3+$0x0], $0xffff  }
0x4cc: {  	v53 =	vadd.f32 v29, v10;
	v10 =	vld [tilespmem:$0x1FA20]  }
0x4cd: {  	v18 =	vld.idx.msk [tilespmem:v63+s3+$0x0], $0xffff  }
0x4ce: {  	v62 =	vld.idx.msk [tilespmem:v41+s8+$0x0], $0xffff  }
0x4cf: {  	v40 =	vmul.f32 v20, v20;
	v21 =	vor.u32 v7, v19;
	v7 =	vld.idx.msk [tilespmem:v37+s8+$0x0], $0xffff;
	v6 =	vor.u32 v6, v1  }
0x4d0: {  	v32 =	vmul.f32 v47, v32;
	v26 =	vmul.f32 v3, v20;
	v3 =	vld [tilespmem:$0x1FA10]  }
0x4d1: {  	p0 =	sne.s32 s7, $0x38;
	v33 =	vadd.f32 v33, v42;
	v40 =	vadd.f32 v25, v40;
	v25 =	vmul.f32 v10, v34;
	v10 =	vld [tilespmem:$0x1FA40]  }
.Ltmp15:
0x4d2: {  	v1 =	vld.idx.msk [tilespmem:v43+s8+$0x0], $0xffff;
	(pc) =	sbr.rel @p0 .LBB3_33-.Ltmp15, $4  }
0x4d3: {  	v0 =	vadd.f32 v0, v33;
	v19 =	vmul.f32 v32, v28;
	v43 =	vld.idx.msk [tilespmem:v30+s8+$0x0], $0xffff  }
0x4d4: {  	v35 =	vmul.f32 v56, v56;
	v50 =	vadd.f32 v31, v50;
	v41 =	vmov v48;
	v47 =	vld.idx.msk [tilespmem:v6+s3+$0x0], $0xffff  }
0x4d5: {  	v54 =	vadd.f32 v19, v54;
	v20 =	vmul.f32 v51, v51;
	v55 =	vadd.f32 v27, v55;
	v34 =	vmovc v44;
	v44 =	vld [tilespmem:$0x1FA30]  }
0x4d6: {  	s7 =	sadd.s32 $0x8, s7;
	v4 =	vadd.f32 v4, v3;
	v3 =	vmul.f32 v22, v22;
	v42 =	vadd.f32 v0, v10;
	v10 =	vld.idx.msk [tilespmem:v9+s31+$0x0], $0xffff  }
0x4d7: {  	_ =	sdelay $0x3  }
0x4d8: {  	v0 =	vld.idx.msk [tilespmem:v5+s3+$0x0], $0xffff  }
0x4d9: {  	v9 =	vld.idx.msk [tilespmem:v9+s3+$0x0], $0xffff  }
0x4da: {  	v19 =	vld.idx.msk [tilespmem:v24+s8+$0x0], $0xffff  }
0x4db: {  	v37 =	vld.idx.msk [tilespmem:v21+s3+$0x0], $0xffff  }
0x4dc: {  	v6 =	vld.idx.msk [tilespmem:v6+s31+$0x0], $0xffff  }
0x4dd: {  	v21 =	vld.idx.msk [tilespmem:v21+s31+$0x0], $0xffff  }
0x4de: {  	v24 =	vld.idx.msk [tilespmem:v57+s31+$0x0], $0xffff  }
0x4df: {  	v27 =	vld.idx.msk [tilespmem:v63+s31+$0x0], $0xffff;
	v28 =	vmul.f32 v59, v8  }
0x4e0: {  	v57 =	vld.idx.msk [tilespmem:v5+s31+$0x0], $0xffff;
	v22 =	vmul.f32 v22, v44  }
0x4e1: {  	v28 =	vmul.f32 v28, v1  }
0x4e2: {  	v23 =	vld.idx.msk [tilespmem:v23+s8+$0x0], $0xffff;
	v22 =	vmul.f32 v22, v58;
	v29 =	vmul.f32 v9, v10  }
0x4e3: {  	v2 =	vadd.f32 v2, v34;
	v30 =	vmul.f32 v37, v21;
	v31 =	vmul.f32 v56, v24  }
0x4e4: {  	v26 =	vadd.f32 v26, v61;
	v32 =	vmul.f32 v47, v6;
	v33 =	vmul.f32 v18, v27  }
0x4e5: {  	v25 =	vadd.f32 v25, v60;
	v61 =	vmul.f32 v0, v57;
	v30 =	vmul.f32 v30, v51  }
0x4e6: {  	v28 =	vadd.f32 v28, v49;
	v32 =	vmul.f32 v32, v19;
	v31 =	vmul.f32 v31, v62  }
0x4e7: {  	v22 =	vadd.f32 v22, v39;
	v33 =	vmul.f32 v33, v23;
	v34 =	vmul.f32 v61, v7  }
0x4e8: {  	v29 =	vmul.f32 v29, v43;
	v30 =	vadd.f32 v30, v50;
	v32 =	vadd.f32 v32, v54  }
0x4e9: {  	v2 =	vadd.f32 v31, v2;
	v26 =	vadd.f32 v33, v26  }
0x4ea: {  	v63 =	vadd.f32 v34, v55;
	v25 =	vadd.f32 v29, v25  }
0x4eb: {  	v2 =	vadd.f32 v2, v32;
	v26 =	vadd.f32 v28, v26  }
0x4ec: {  	v25 =	vadd.f32 v25, v30;
	v22 =	vadd.f32 v63, v22  }
0x4ed: {  	v33 =	vld [tilespmem:$0x1FF50]  }
0x4ee: {  	v2 =	vadd.f32 v26, v2;
	v22 =	vadd.f32 v22, v25  }
0x4ef: {  	v34 =	vld [tilespmem:$0x1FF60]  }
0x4f0: {  	v2 =	vadd.f32 v22, v2;
	_ =	sdelay $0x1  }
0x4f1: {  	v2 =	vmul.f32 v2, v33;
	_ =	sdelay $0x1  }
0x4f2: {  	v2 =	vadd.f32 v2, v34;
	_ =	sdelay $0x1  }
0x4f3: {  	v2 =	vsub.f32 $0.0e+00, v2;
	_ =	sdelay $0x1  }
0x4f4: {  	v2 =	vmul.f32 $1.442695020e+00, v2;
	_ =	sdelay $0x1  }
0x4f5: {  	v36 =	vmul.f32 v7, v7;
	(erf) = vpow2.f32 v2  }
0x4f6: {  	v48 =	vmul.f32 v1, v1;
	v46 =	vmul.f32 v44, v44  }
0x4f7: {  	v49 =	vmul.f32 v47, v47;
	v10 =	vmul.f32 v10, v10  }
0x4f8: {  	v18 =	vmul.f32 v18, v18;
	v6 =	vmul.f32 v6, v6  }
0x4f9: {  	v9 =	vmul.f32 v9, v9;
	v5 =	vmul.f32 v57, v57  }
0x4fa: {  	v56 =	vmul.f32 v23, v23;
	v0 =	vmul.f32 v0, v0  }
0x4fb: {  	v39 =	vmul.f32 v8, v8;
	v4 =	vadd.f32 v10, v4;
	v6 =	vadd.f32 v6, v52  }
0x4fc: {  	v10 =	vmul.f32 v24, v24;
	v52 =	vmul.f32 v27, v27;
	v5 =	vadd.f32 v5, v42  }
0x4fd: {  	v57 =	vmul.f32 v43, v43;
	v7 =	vadd.f32 v39, v38;
	v22 =	vadd.f32 v46, v41  }
0x4fe: {  	v51 =	vmul.f32 v21, v21;
	v10 =	vadd.f32 v10, v53;
	v21 =	vadd.f32 v52, v40;
	v54 =	vpop (erf)  }
0x4ff: {  	v8 =	vmul.f32 v59, v59;
	v3 =	vadd.f32 v3, v22;
	v22 =	vadd.f32 $1.000000000e+00, v54  }
0x500: {  	v19 =	vmul.f32 v19, v19;
	v6 =	vadd.f32 v49, v6;
	v4 =	vadd.f32 v9, v4  }
0x501: {  	v0 =	vadd.f32 v0, v5;
	v7 =	vadd.f32 v8, v7;
	(erf) = vrcp.f32 v22  }
0x502: {  	v50 =	vmul.f32 v58, v58;
	v18 =	vadd.f32 v18, v21;
	v10 =	vadd.f32 v35, v10  }
0x503: {  	v55 =	vmul.f32 v37, v37;
	v1 =	vadd.f32 v7, v48;
	v7 =	vadd.f32 v51, v45  }
0x504: {  	v8 =	vmul.f32 v62, v62;
	v58 =	vadd.f32 v6, v19;
	v4 =	vadd.f32 v4, v57  }
0x505: {  	v0 =	vadd.f32 v0, v36;
	v7 =	vadd.f32 v55, v7  }
0x506: {  	v18 =	vadd.f32 v18, v56;
	v59 =	vadd.f32 v10, v8;
	v8 =	vld [tilespmem:s5+$0x1BF80]  }
0x507: {  	v7 =	vadd.f32 v7, v20;
	v3 =	vadd.f32 v3, v50  }
0x508: {  	v60 =	vadd.f32 v59, v58;
	v1 =	vadd.f32 v1, v18  }
0x509: {  	v4 =	vadd.f32 v4, v7;
	v0 =	vadd.f32 v0, v3  }
0x50a: {  	v1 =	vadd.f32 v1, v60;
	v61 =	vpop (erf)  }
0x50b: {  	v0 =	vadd.f32 v0, v4;
	v2 =	vsub.f32 v61, v8;
	_ =	sdelay $0x1  }
0x50c: {  	v0 =	vadd.f32 v0, v1;
	v62 =	vmul.f32 v2, v2  }
0x50d: {  	v63 =	vld [tilespmem:$0x1C0A0]  }
0x50e: {  	s4 =	sadd.s32 $0x1, s4;
	v0 =	vmul.f32 $1.525878980e-08, v0;
	v1 =	vmul.f32 $6.103515630e-05, v62  }
0x50f: {  	p0 =	sne.s32 s4, $0x8  }
.Ltmp16:
0x510: {  	v0 =	vadd.f32 v1, v0;
	(pc) =	sbr.rel @p0 .LBB3_32-.Ltmp16, $4  }
0x511: {  	v59 =	vld [tilespmem:$0x1FFC0]  }
0x512: {  	v60 =	vld [tilespmem:$0x1FFE0];
	v0 =	vadd.f32 v0, v63  }
0x513: {  	v61 =	vld [tilespmem:$0x1FFF0]  }
0x514: {  	v62 =	vlaneseq.u32;
	v63 =	vld [tilespmem:$0x1FFD0];
	[tilespmem:$0x1C0A0] =	vst v0  }
0x515: {  	s6 =	simm.s32 $0x0;
	s4 =	rddreg [dreg:$0x18]  }
0x516: {  	[tilespmem:s6], [sflag:$0x1] =	stream.linear.gather [hbm4b:s4+s6], $0x80, $0x38;
	[tilespmem:$0x1C0D0] =	vst v63  }
0x517: {  	s7 =	rddreg [dreg:$0x19]  }
0x518: {  	[tilespmem:s9], [sflag:$0x1] =	stream.linear.gather [hbm4b:s7+s6], $0x80, $0x38;
	[tilespmem:$0x1C0D0] =	vst v63  }
0x519: {  	s15 =	rddreg [dreg:$0x1a]  }
0x51a: {  	[tilespmem:s10], [sflag:$0x1] =	stream.linear.gather [hbm4b:s15+s6], $0x80, $0x38;
	[tilespmem:$0x1C0D0] =	vst v63  }
0x51b: {  	_ =	swait.ge [sflag:s17], $0x80  }
0x51c: {  	[sflag:s17] =	ssyncset.done $0x0  }
0x51d: {  	[sflag:s17] =	ssyncadd.s32 $0xFFFFFF80  }
0x51e: {  	_ =	swait.ge [sflag:s17], $0x80  }
0x51f: {  	[sflag:s17] =	ssyncset.done $0x0  }
0x520: {  	[sflag:s17] =	ssyncadd.s32 $0xFFFFFF80  }
0x521: {  	_ =	swait.ge [sflag:s17], $0x80  }
0x522: {  	[sflag:s17] =	ssyncset.done $0x0  }
0x523: {  	[sflag:s17] =	ssyncadd.s32 $0xFFFFFF80  }
0x524: {  	[tilespmem:s18], [sflag:$0x4] =	stream.indirect.gather [hbm4b:s28+s9], $0x40, s6, s9, $0xb8;
	[tilespmem:$0x1C0D0] =	vst v63  }
0x525: {  	_ = 	snop  }
0x526: {  	[tilespmem:s19], [sflag:$0x4] =	stream.indirect.gather [hbm4b:s30+s9], $0x40, s10, s9, $0xb8;
	[tilespmem:$0x1C0D0] =	vst v63  }
0x527: {  	_ =	swait.ge [sflag:s21], $0x2000  }
0x528: {  	[sflag:s21] =	ssyncset.done $0x0  }
0x529: {  	[sflag:s21] =	ssyncadd.s32 $0xFFFFE000  }
0x52a: {  	_ =	swait.ge [sflag:s21], $0x2000  }
0x52b: {  	[sflag:s21] =	ssyncset.done $0x0  }
0x52c: {  	s4 =	simm.s32 $0x0;
	[sflag:s21] =	ssyncadd.s32 $0xFFFFE000  }
.LBB3_36:
0x52d: {  	s5 =	sshll.u32 s4, $0x4  }
0x52e: {  	v1 =	vmov s5  }
0x52f: {  	v9 =	vld [tilespmem:$0x1FF70];
	v1 =	vshll.u32 v1, $0x6  }
0x530: {  	v4 =	vadd.s32 s6, v11;
	v1 =	vor.u32 v59, v1  }
0x531: {  	v20 =	vadd.s32 s6, v62;
	v26 =	vld [tilespmem:$0x1FF90];
	v4 =	vand.u32 $0x38, v4;
	v42 =	vor.u32 v60, v1  }
0x532: {  	v3 =	vld [tilespmem:$0x1FFA0];
	v20 =	vand.u32 $0x38, v20;
	v55 =	vor.u32 v63, v1;
	v7 =	vor.u32 v42, v4  }
0x533: {  	v5 =	vadd.s32 s6, v13;
	v0 =	vld [tilespmem:s5+$0x80];
	v25 =	vor.u32 v55, v20  }
0x534: {  	v5 =	vand.u32 $0x38, v5;
	v46 =	vor.u32 v9, v1  }
0x535: {  	v27 =	vld [tilespmem:$0x1FF80];
	v32 =	vadd.s32 s6, v15;
	v8 =	vor.u32 v46, v5  }
0x536: {  	v2 =	vadd.s32 s6, v16;
	v28 =	vld [tilespmem:$0x1FFB0];
	v34 =	vand.u32 $0x38, v32;
	v29 =	vor.u32 v26, v1  }
0x537: {  	v6 =	vadd.s32 s6, v12;
	v2 =	vand.u32 $0x38, v2;
	v39 =	vor.u32 v29, v34;
	v21 =	vld.idx.msk [tilespmem:v7+s19+$0x0], $0xffff  }
0x538: {  	v6 =	vand.u32 $0x38, v6;
	v31 =	vor.u32 v3, v1;
	v0 =	vshll.u32 v0, $0x6;
	v56 =	vld.idx.msk [tilespmem:v25+s19+$0x0], $0xffff  }
0x539: {  	v35 =	vor.u32 v61, v1;
	v33 =	vor.u32 v3, v0;
	v3 =	vor.u32 v31, v2;
	v25 =	vld.idx.msk [tilespmem:v25+s18+$0x0], $0xffff  }
0x53a: {  	v54 =	vor.u32 v9, v0;
	v9 =	vor.u32 v35, v6;
	v24 =	vld.idx.msk [tilespmem:v8+s19+$0x0], $0xffff  }
0x53b: {  	v8 =	vld.idx.msk [tilespmem:v8+s18+$0x0], $0xffff  }
0x53c: {  	v18 =	vadd.s32 s6, v14;
	v19 =	vadd.s32 s6, v17;
	v2 =	vor.u32 v33, v2;
	v40 =	vld.idx.msk [tilespmem:v39+s18+$0x0], $0xffff  }
0x53d: {  	v18 =	vand.u32 $0x38, v18;
	v37 =	vor.u32 v27, v0;
	v5 =	vor.u32 v54, v5;
	v49 =	vld.idx.msk [tilespmem:v39+s19+$0x0], $0xffff  }
0x53e: {  	v19 =	vand.u32 $0x38, v19;
	v59 =	vor.u32 v28, v0;
	v22 =	vor.u32 v37, v18;
	v10 =	vld.idx.msk [tilespmem:v3+s18+$0x0], $0xffff  }
0x53f: {  	v36 =	vor.u32 v26, v0;
	v23 =	vor.u32 v59, v19;
	v43 =	vld.idx.msk [tilespmem:v9+s19+$0x0], $0xffff  }
0x540: {  	v30 =	vor.u32 v27, v1;
	v38 =	vor.u32 v36, v34;
	v3 =	vld.idx.msk [tilespmem:v3+s19+$0x0], $0xffff  }
0x541: {  	s7 =	simm.s32 $0x8;
	v18 =	vor.u32 v30, v18;
	v2 =	vld.idx.msk [tilespmem:v2+s8+$0x0], $0xffff  }
0x542: {  	v48 =	vadd.s32 s7, v16;
	v32 =	vor.u32 v28, v1;
	v60 =	vor.u32 v60, v0;
	v5 =	vld.idx.msk [tilespmem:v5+s8+$0x0], $0xffff  }
0x543: {  	v28 =	vor.u32 v63, v0;
	v4 =	vor.u32 v60, v4;
	v26 =	vld.idx.msk [tilespmem:v22+s8+$0x0], $0xffff;
	v62 =	vmul.f32 v21, v21  }
0x544: {  	v22 =	vld.idx.msk [tilespmem:v23+s8+$0x0], $0xffff;
	v23 =	vor.u32 v61, v0;
	v58 =	vmul.f32 v56, v56;
	v41 =	vmul.f32 v24, v24  }
0x545: {  	v0 =	vor.u32 v28, v20;
	v61 =	vld.idx.msk [tilespmem:v38+s8+$0x0], $0xffff;
	v52 =	vmul.f32 v8, v8;
	v53 =	vmul.f32 v40, v40  }
0x546: {  	v19 =	vor.u32 v32, v19;
	v51 =	vld.idx.msk [tilespmem:v18+s19+$0x0], $0xffff;
	v8 =	vmul.f32 v24, v8;
	v38 =	vmul.f32 v3, v3  }
0x547: {  	v57 =	vand.u32 $0x38, v48;
	v18 =	vld.idx.msk [tilespmem:v18+s18+$0x0], $0xffff;
	v44 =	vmul.f32 v10, v10;
	v3 =	vmul.f32 v3, v10  }
0x548: {  	[tilespmem:$0x1F880] =	vst v31;
	v34 =	vimm.f32 $0.0e+00;
	v1 =	vld.idx.msk [tilespmem:v4+s8+$0x0], $0xffff;
	v48 =	vmul.f32 v43, v43;
	v20 =	vmul.f32 v26, v26  }
0x549: {  	[tilespmem:$0x1F890] =	vst v33;
	v63 =	vor.u32 v23, v6;
	v47 =	vmul.f32 v5, v5;
	v50 =	vmul.f32 v2, v2  }
0x54a: {  	v6 =	vld.idx.msk [tilespmem:v0+s8+$0x0], $0xffff;
	v0 =	vor.u32 v31, v57;
	v31 =	vor.u32 v33, v57;
	v33 =	vmul.f32 v49, v49  }
0x54b: {  	v45 =	vld.idx.msk [tilespmem:v19+s19+$0x0], $0xffff;
	v24 =	vadd.f32 v52, v34;
	v5 =	vmul.f32 v8, v5;
	v57 =	vmul.f32 v25, v25  }
0x54c: {  	v7 =	vld.idx.msk [tilespmem:v7+s18+$0x0], $0xffff;
	v4 =	vlaneseq.u32;
	v52 =	vmul.f32 v18, v18;
	v2 =	vmul.f32 v3, v2  }
0x54d: {  	[tilespmem:$0x1F990] =	vst v22;
	v18 =	vmul.f32 v51, v18;
	v3 =	vmul.f32 v1, v1;
	v8 =	vadd.f32 v41, v24  }
0x54e: {  	[tilespmem:$0x1F8F0] =	vst v20;
	v20 =	vmul.f32 v22, v22;
	v39 =	vadd.f32 v2, v34;
	v2 =	vadd.f32 v44, v34  }
0x54f: {  	v22 =	vld.idx.msk [tilespmem:v19+s18+$0x0], $0xffff;
	v19 =	vmul.f32 v49, v40;
	v24 =	vadd.f32 v53, v34;
	v40 =	vmul.f32 v51, v51  }
0x550: {  	v53 =	vmul.f32 v45, v45;
	v2 =	vadd.f32 v38, v2;
	v38 =	vadd.f32 v8, v47;
	v8 =	vld.idx.msk [tilespmem:v9+s18+$0x0], $0xffff  }
0x551: {  	[tilespmem:$0x1F9A0] =	vst v3;
	v3 =	vmul.f32 v61, v61;
	v44 =	vadd.f32 v57, v34;
	v9 =	vadd.s32 s7, v4  }
0x552: {  	v27 =	vmovc v43;
	v57 =	vadd.s32 s7, v11;
	v43 =	vand.u32 $0x38, v9;
	v9 =	vadd.s32 s7, v17  }
0x553: {  	[tilespmem:$0x1F9C0] =	vst v20;
	v10 =	vand.u32 $0x38, v57;
	v4 =	vand.u32 $0x38, v9;
	v9 =	vmul.f32 v21, v7  }
0x554: {  	v20 =	vld.idx.msk [tilespmem:v63+s8+$0x0], $0xffff;
	v49 =	vmul.f32 v6, v6;
	v57 =	vor.u32 v42, v10;
	v7 =	vmul.f32 v7, v7  }
0x555: {  	v41 =	vadd.f32 v2, v50;
	v2 =	vmul.f32 v9, v1;
	v1 =	vmul.f32 v8, v8  }
0x556: {  	v51 =	vadd.f32 v58, v44;
	v47 =	vmul.f32 v45, v22;
	v45 =	vadd.s32 s7, v13  }
0x557: {  	v21 =	vadd.s32 s7, v14;
	v7 =	vadd.f32 v7, v34;
	v1 =	vadd.f32 v1, v34  }
0x558: {  	v50 =	vadd.s32 s7, v12;
	v45 =	vand.u32 $0x38, v45;
	v9 =	vadd.f32 v52, v34  }
0x559: {  	[tilespmem:$0x1F8B0] =	vst v46;
	v1 =	vadd.f32 v48, v1;
	v48 =	vadd.f32 v62, v7;
	v7 =	vmul.f32 v20, v20  }
0x55a: {  	[tilespmem:$0x1F9B0] =	vst v3;
	v3 =	vor.u32 v46, v45;
	v46 =	vmul.f32 v18, v26;
	v18 =	vmul.f32 v56, v25  }
0x55b: {  	v25 =	vor.u32 v59, v4;
	v9 =	vadd.f32 v40, v9;
	v40 =	vadd.f32 v1, v7;
	v1 =	vld [tilespmem:$0x1F8F0]  }
0x55c: {  	[tilespmem:$0x1F8C0] =	vst v35;
	v52 =	vadd.f32 v51, v49;
	v49 =	vadd.f32 v5, v34;
	v5 =	vor.u32 v32, v4;
	v4 =	vld [tilespmem:$0x1F990]  }
0x55d: {  	[tilespmem:$0x1F8E0] =	vst v37;
	v44 =	vld.idx.msk [tilespmem:v0+s18+$0x0], $0xffff;
	v50 =	vand.u32 $0x38, v50;
	v21 =	vand.u32 $0x38, v21;
	v26 =	vadd.s32 s7, v15  }
0x55e: {  	[tilespmem:$0x1F900] =	vst v59;
	v58 =	vld.idx.msk [tilespmem:v31+s8+$0x0], $0xffff;
	v63 =	vor.u32 v35, v50;
	v35 =	vmul.f32 v22, v22;
	v26 =	vand.u32 $0x38, v26  }
0x55f: {  	v22 =	vld.idx.msk [tilespmem:v0+s19+$0x0], $0xffff;
	v8 =	vmul.f32 v27, v8;
	v27 =	vor.u32 v36, v26;
	v62 =	vor.u32 v54, v45  }
0x560: {  	v59 =	vld.idx.msk [tilespmem:v3+s19+$0x0], $0xffff;
	v45 =	vadd.f32 v9, v1;
	v9 =	vor.u32 v29, v26;
	v26 =	vadd.f32 v35, v34  }
0x561: {  	[tilespmem:$0x1F940] =	vst v36;
	v31 =	vmul.f32 v18, v6;
	v6 =	vor.u32 v55, v43;
	v36 =	vmul.f32 v47, v4;
	v4 =	vld [tilespmem:$0x1F9A0]  }
0x562: {  	v7 =	vor.u32 v37, v21;
	v37 =	vadd.f32 v53, v26;
	v26 =	vmul.f32 v8, v20;
	v8 =	vld.idx.msk [tilespmem:v3+s18+$0x0], $0xffff  }
0x563: {  	[tilespmem:$0x1F8A0] =	vst v42;
	v3 =	vld [tilespmem:$0x1F9B0]  }
0x564: {  	[tilespmem:$0x1F910] =	vst v55;
	v56 =	vld.idx.msk [tilespmem:v57+s19+$0x0], $0xffff  }
0x565: {  	[tilespmem:$0x1F930] =	vst v29;
	v18 =	vld.idx.msk [tilespmem:v63+s19+$0x0], $0xffff  }
0x566: {  	[tilespmem:$0x1F960] =	vst v32;
	v0 =	vadd.f32 v33, v24;
	v47 =	vld.idx.msk [tilespmem:v6+s19+$0x0], $0xffff  }
0x567: {  	[tilespmem:$0x1F980] =	vst v30;
	v10 =	vor.u32 v60, v10;
	v51 =	vld.idx.msk [tilespmem:v7+s8+$0x0], $0xffff  }
0x568: {  	[tilespmem:$0x1F8D0] =	vst v54;
	v53 =	vadd.f32 v48, v4;
	v4 =	vadd.f32 v0, v3;
	v0 =	vld [tilespmem:$0x1F9C0]  }
0x569: {  	[tilespmem:$0x1F920] =	vst v60;
	v24 =	vor.u32 v28, v43;
	v43 =	vld.idx.msk [tilespmem:v27+s8+$0x0], $0xffff  }
0x56a: {  	[tilespmem:$0x1F950] =	vst v23;
	v60 =	vimm.f32 $0.0e+00;
	v23 =	vor.u32 v23, v50;
	v50 =	vadd.f32 v46, v34;
	v1 =	vld.idx.msk [tilespmem:v62+s8+$0x0], $0xffff  }
0x56b: {  	v54 =	vadd.f32 v31, v34;
	v21 =	vor.u32 v30, v21;
	v55 =	vadd.f32 v36, v34;
	v7 =	vld.idx.msk [tilespmem:v25+s8+$0x0], $0xffff  }
0x56c: {  	[tilespmem:$0x1F970] =	vst v28;
	v62 =	vld.idx.msk [tilespmem:v10+s8+$0x0], $0xffff;
	v35 =	vmul.f32 v56, v56;
	v25 =	vmul.f32 v19, v61;
	v61 =	vimm.f32 $0.0e+00  }
0x56d: {  	s7 =	simm.s32 $0x10;
	v20 =	vmul.f32 v51, v51;
	v10 =	vld.idx.msk [tilespmem:v9+s18+$0x0], $0xffff;
	v3 =	vmul.f32 v22, v22;
	v42 =	vadd.f32 v37, v0  }
.LBB3_37:
0x56e: {  	_ =	sdelay $0x1  }
0x56f: {  	v9 =	vld.idx.msk [tilespmem:v9+s19+$0x0], $0xffff  }
0x570: {  	v22 =	vmul.f32 v22, v44  }
0x571: {  	v32 =	vld.idx.msk [tilespmem:v6+s18+$0x0], $0xffff;
	v6 =	vmul.f32 v8, v8  }
0x572: {  	v34 =	vadd.f32 v2, v34;
	v8 =	vmul.f32 v59, v8;
	v22 =	vmul.f32 v22, v58  }
0x573: {  	v61 =	vadd.f32 v26, v61;
	v2 =	vmul.f32 v44, v44;
	v33 =	vmul.f32 v10, v10  }
0x574: {  	v10 =	vmul.f32 v9, v10;
	v9 =	vmul.f32 v9, v9;
	v39 =	vadd.f32 v22, v39;
	v22 =	vld.idx.msk [tilespmem:v57+s18+$0x0], $0xffff  }
0x575: {  	v28 =	vld.idx.msk [tilespmem:v24+s8+$0x0], $0xffff;
	v24 =	vmul.f32 v58, v58;
	v0 =	vmul.f32 v7, v7;
	v2 =	vadd.f32 v2, v41  }
0x576: {  	s15 =	smov.u32 s7;
	v26 =	vmul.f32 v1, v1;
	v1 =	vmul.f32 v8, v1;
	[tilespmem:$0x1F810] =	vst v9;
	v9 =	vlaneseq.u32  }
0x577: {  	v2 =	vadd.f32 v3, v2;
	v3 =	vmul.f32 v32, v32;
	v9 =	vadd.s32 s15, v9  }
0x578: {  	v19 =	vmovc v7;
	v49 =	vadd.f32 v1, v49;
	v1 =	vand.u32 $0x38, v9;
	v9 =	vadd.s32 s15, v17  }
0x579: {  	[tilespmem:$0x1F820] =	vst v19;
	v19 =	vld [tilespmem:$0x1F880];
	v3 =	vadd.f32 v3, v52;
	v52 =	vand.u32 $0x38, v9;
	v9 =	vmul.f32 v56, v22  }
0x57a: {  	v6 =	vadd.f32 v6, v38  }
0x57b: {  	[tilespmem:$0x1F870] =	vst v0;
	v0 =	vmul.f32 v59, v59;
	v48 =	vadd.f32 v2, v24;
	v2 =	vmul.f32 v9, v62;
	v9 =	vld [tilespmem:$0x1F8A0]  }
0x57c: {  	v60 =	vadd.f32 v25, v60;
	v36 =	vld.idx.msk [tilespmem:v63+s18+$0x0], $0xffff;
	v25 =	vadd.s32 s15, v16  }
0x57d: {  	v7 =	vand.u32 $0x38, v25;
	v0 =	vadd.f32 v0, v6;
	v6 =	vld.idx.msk [tilespmem:v21+s18+$0x0], $0xffff  }
0x57e: {  	v30 =	vadd.s32 s15, v11;
	v27 =	vmov v18;
	v31 =	vor.u32 v19, v7;
	v19 =	vld [tilespmem:$0x1F890]  }
0x57f: {  	v25 =	vmul.f32 v18, v27;
	v18 =	vld.idx.msk [tilespmem:v21+s19+$0x0], $0xffff;
	v24 =	vand.u32 $0x38, v30  }
0x580: {  	v57 =	vor.u32 v9, v24;
	v9 =	vld [tilespmem:$0x1F8C0]  }
0x581: {  	[tilespmem:$0x1F800] =	vst v20;
	v20 =	vld.idx.msk [tilespmem:v23+s8+$0x0], $0xffff  }
0x582: {  	v23 =	vld.idx.msk [tilespmem:v5+s19+$0x0], $0xffff;
	v4 =	vadd.f32 v33, v4;
	v46 =	vmul.f32 v6, v6  }
0x583: {  	v5 =	vld.idx.msk [tilespmem:v5+s18+$0x0], $0xffff;
	v33 =	vadd.s32 s15, v12;
	v7 =	vor.u32 v19, v7;
	v19 =	vmul.f32 v62, v62  }
0x584: {  	v62 =	vand.u32 $0x38, v33;
	v45 =	vadd.f32 v46, v45;
	v46 =	vmul.f32 v18, v6;
	v6 =	vld [tilespmem:$0x1F930]  }
0x585: {  	v63 =	vor.u32 v9, v62;
	v9 =	vld [tilespmem:$0x1F8B0];
	_ =	sdelay $0x1  }
0x586: {  	v41 =	vadd.s32 s15, v15;
	[tilespmem:$0x1F850] =	vst v10;
	v10 =	vadd.f32 v0, v26  }
0x587: {  	v0 =	vmul.f32 v23, v23;
	v26 =	vmul.f32 v23, v5;
	v23 =	vadd.s32 s15, v13  }
0x588: {  	v37 =	vand.u32 $0x38, v41;
	v23 =	vand.u32 $0x38, v23  }
0x589: {  	v38 =	vor.u32 v9, v23;
	v9 =	vor.u32 v6, v37;
	v6 =	vld [tilespmem:$0x1F940];
	_ =	sdelay $0x4  }
0x58a: {  	v30 =	vor.u32 v6, v37;
	v6 =	vld [tilespmem:$0x1F920];
	_ =	sdelay $0x3  }
0x58b: {  	v33 =	vmul.f32 v5, v5;
	v5 =	vld [tilespmem:$0x1F950]  }
0x58c: {  	v41 =	vor.u32 v6, v24;
	v6 =	vld [tilespmem:$0x1F8D0];
	_ =	sdelay $0x2  }
0x58d: {  	v8 =	vld.idx.msk [tilespmem:v31+s18+$0x0], $0xffff  }
0x58e: {  	v44 =	vmov v34;
	v34 =	vmov v43;
	v21 =	vmul.f32 v18, v18;
	v18 =	vld [tilespmem:$0x1F900]  }
0x58f: {  	[tilespmem:$0x1F830] =	vst v19;
	v19 =	vmul.f32 v43, v43;
	v43 =	vor.u32 v6, v23;
	v23 =	vor.u32 v5, v62;
	v5 =	vld [tilespmem:$0x1F960];
	_ =	sdelay $0x1  }
0x590: {  	v29 =	vmul.f32 v47, v47  }
0x591: {  	v58 =	vld.idx.msk [tilespmem:v7+s8+$0x0], $0xffff;
	v6 =	vmul.f32 v36, v36  }
0x592: {  	v3 =	vadd.f32 v29, v3;
	[tilespmem:$0x1F860] =	vst v8;
	v8 =	vmul.f32 v28, v28;
	v7 =	vld [tilespmem:$0x1F8E0]  }
0x593: {  	v37 =	vor.u32 v18, v52;
	v5 =	vor.u32 v5, v52;
	v52 =	vadd.f32 v6, v40  }
0x594: {  	v22 =	vmul.f32 v22, v22  }
0x595: {  	v56 =	vadd.s32 s15, v14;
	v25 =	vadd.f32 v25, v52;
	v52 =	vadd.f32 v3, v8;
	v8 =	vld [tilespmem:$0x1F810]  }
0x596: {  	v53 =	vadd.f32 v22, v53;
	v22 =	vld [tilespmem:$0x1F970];
	[tilespmem:$0x1F840] =	vst v19;
	v19 =	vand.u32 $0x38, v56  }
0x597: {  	v7 =	vor.u32 v7, v19;
	_ =	sdelay $0x2  }
0x598: {  	v4 =	vadd.f32 v8, v4;
	v8 =	vld [tilespmem:$0x1F820]  }
0x599: {  	v24 =	vor.u32 v22, v1;
	v22 =	vld.idx.msk [tilespmem:v31+s19+$0x0], $0xffff  }
0x59a: {  	v31 =	vmul.f32 v46, v51;
	v51 =	vld.idx.msk [tilespmem:v7+s8+$0x0], $0xffff  }
0x59b: {  	v7 =	vld [tilespmem:$0x1F800]  }
0x59c: {  	v59 =	vld.idx.msk [tilespmem:v38+s19+$0x0], $0xffff  }
0x59d: {  	v3 =	vmul.f32 v27, v36;
	v27 =	vmul.f32 v26, v8;
	v8 =	vld.idx.msk [tilespmem:v38+s18+$0x0], $0xffff  }
0x59e: {  	v21 =	vadd.f32 v21, v45;
	v38 =	vmov v10;
	v10 =	vld [tilespmem:$0x1F830];
	_ =	sdelay $0x1  }
0x59f: {  	v45 =	vadd.f32 v21, v7;
	v7 =	vld [tilespmem:$0x1F980]  }
0x5a0: {  	v29 =	vadd.f32 v35, v53;
	v6 =	vld [tilespmem:$0x1F910]  }
0x5a1: {  	v56 =	vld.idx.msk [tilespmem:v57+s19+$0x0], $0xffff  }
0x5a2: {  	v53 =	vadd.f32 v29, v10;
	v10 =	vld [tilespmem:$0x1F850]  }
0x5a3: {  	v18 =	vld.idx.msk [tilespmem:v63+s19+$0x0], $0xffff  }
0x5a4: {  	v62 =	vld.idx.msk [tilespmem:v41+s8+$0x0], $0xffff  }
0x5a5: {  	v40 =	vmul.f32 v20, v20;
	v21 =	vor.u32 v7, v19;
	v7 =	vld.idx.msk [tilespmem:v37+s8+$0x0], $0xffff;
	v6 =	vor.u32 v6, v1  }
0x5a6: {  	v32 =	vmul.f32 v47, v32;
	v26 =	vmul.f32 v3, v20;
	v3 =	vld [tilespmem:$0x1F840]  }
0x5a7: {  	p0 =	sne.s32 s7, $0x38;
	v33 =	vadd.f32 v33, v42;
	v40 =	vadd.f32 v25, v40;
	v25 =	vmul.f32 v10, v34;
	v10 =	vld [tilespmem:$0x1F870]  }
.Ltmp17:
0x5a8: {  	v1 =	vld.idx.msk [tilespmem:v43+s8+$0x0], $0xffff;
	(pc) =	sbr.rel @p0 .LBB3_37-.Ltmp17, $4  }
0x5a9: {  	v0 =	vadd.f32 v0, v33;
	v19 =	vmul.f32 v32, v28;
	v43 =	vld.idx.msk [tilespmem:v30+s8+$0x0], $0xffff  }
0x5aa: {  	v35 =	vmul.f32 v56, v56;
	v50 =	vadd.f32 v31, v50;
	v41 =	vmov v48;
	v47 =	vld.idx.msk [tilespmem:v6+s19+$0x0], $0xffff  }
0x5ab: {  	v54 =	vadd.f32 v19, v54;
	v20 =	vmul.f32 v51, v51;
	v55 =	vadd.f32 v27, v55;
	v34 =	vmovc v44;
	v44 =	vld [tilespmem:$0x1F860]  }
0x5ac: {  	s7 =	sadd.s32 $0x8, s7;
	v4 =	vadd.f32 v4, v3;
	v3 =	vmul.f32 v22, v22;
	v42 =	vadd.f32 v0, v10;
	v10 =	vld.idx.msk [tilespmem:v9+s18+$0x0], $0xffff  }
0x5ad: {  	_ =	sdelay $0x3  }
0x5ae: {  	v0 =	vld.idx.msk [tilespmem:v5+s19+$0x0], $0xffff  }
0x5af: {  	v9 =	vld.idx.msk [tilespmem:v9+s19+$0x0], $0xffff  }
0x5b0: {  	v19 =	vld.idx.msk [tilespmem:v24+s8+$0x0], $0xffff  }
0x5b1: {  	v37 =	vld.idx.msk [tilespmem:v21+s19+$0x0], $0xffff  }
0x5b2: {  	v6 =	vld.idx.msk [tilespmem:v6+s18+$0x0], $0xffff  }
0x5b3: {  	v21 =	vld.idx.msk [tilespmem:v21+s18+$0x0], $0xffff  }
0x5b4: {  	v24 =	vld.idx.msk [tilespmem:v57+s18+$0x0], $0xffff  }
0x5b5: {  	v27 =	vld.idx.msk [tilespmem:v63+s18+$0x0], $0xffff;
	v28 =	vmul.f32 v59, v8  }
0x5b6: {  	v57 =	vld.idx.msk [tilespmem:v5+s18+$0x0], $0xffff;
	v22 =	vmul.f32 v22, v44  }
0x5b7: {  	v28 =	vmul.f32 v28, v1  }
0x5b8: {  	v23 =	vld.idx.msk [tilespmem:v23+s8+$0x0], $0xffff;
	v22 =	vmul.f32 v22, v58;
	v29 =	vmul.f32 v9, v10  }
0x5b9: {  	v2 =	vadd.f32 v2, v34;
	v30 =	vmul.f32 v37, v21;
	v31 =	vmul.f32 v56, v24  }
0x5ba: {  	v26 =	vadd.f32 v26, v61;
	v32 =	vmul.f32 v47, v6;
	v33 =	vmul.f32 v18, v27  }
0x5bb: {  	v25 =	vadd.f32 v25, v60;
	v61 =	vmul.f32 v0, v57;
	v30 =	vmul.f32 v30, v51  }
0x5bc: {  	v28 =	vadd.f32 v28, v49;
	v32 =	vmul.f32 v32, v19;
	v31 =	vmul.f32 v31, v62  }
0x5bd: {  	v22 =	vadd.f32 v22, v39;
	v33 =	vmul.f32 v33, v23;
	v34 =	vmul.f32 v61, v7  }
0x5be: {  	v29 =	vmul.f32 v29, v43;
	v30 =	vadd.f32 v30, v50;
	v32 =	vadd.f32 v32, v54  }
0x5bf: {  	v2 =	vadd.f32 v31, v2;
	v26 =	vadd.f32 v33, v26  }
0x5c0: {  	v63 =	vadd.f32 v34, v55;
	v25 =	vadd.f32 v29, v25  }
0x5c1: {  	v2 =	vadd.f32 v2, v32;
	v26 =	vadd.f32 v28, v26  }
0x5c2: {  	v25 =	vadd.f32 v25, v30;
	v22 =	vadd.f32 v63, v22  }
0x5c3: {  	v33 =	vld [tilespmem:$0x1FF50]  }
0x5c4: {  	v2 =	vadd.f32 v26, v2;
	v22 =	vadd.f32 v22, v25  }
0x5c5: {  	v34 =	vld [tilespmem:$0x1FF60]  }
0x5c6: {  	v2 =	vadd.f32 v22, v2;
	_ =	sdelay $0x1  }
0x5c7: {  	v2 =	vmul.f32 v2, v33;
	_ =	sdelay $0x1  }
0x5c8: {  	v2 =	vadd.f32 v2, v34;
	_ =	sdelay $0x1  }
0x5c9: {  	v2 =	vsub.f32 $0.0e+00, v2;
	_ =	sdelay $0x1  }
0x5ca: {  	v2 =	vmul.f32 $1.442695020e+00, v2;
	_ =	sdelay $0x1  }
0x5cb: {  	v36 =	vmul.f32 v7, v7;
	(erf) = vpow2.f32 v2  }
0x5cc: {  	v48 =	vmul.f32 v1, v1;
	v46 =	vmul.f32 v44, v44  }
0x5cd: {  	v49 =	vmul.f32 v47, v47;
	v10 =	vmul.f32 v10, v10  }
0x5ce: {  	v18 =	vmul.f32 v18, v18;
	v6 =	vmul.f32 v6, v6  }
0x5cf: {  	v9 =	vmul.f32 v9, v9;
	v5 =	vmul.f32 v57, v57  }
0x5d0: {  	v56 =	vmul.f32 v23, v23;
	v0 =	vmul.f32 v0, v0  }
0x5d1: {  	v39 =	vmul.f32 v8, v8;
	v4 =	vadd.f32 v10, v4;
	v6 =	vadd.f32 v6, v52  }
0x5d2: {  	v10 =	vmul.f32 v24, v24;
	v52 =	vmul.f32 v27, v27;
	v5 =	vadd.f32 v5, v42  }
0x5d3: {  	v57 =	vmul.f32 v43, v43;
	v7 =	vadd.f32 v39, v38;
	v22 =	vadd.f32 v46, v41  }
0x5d4: {  	v51 =	vmul.f32 v21, v21;
	v10 =	vadd.f32 v10, v53;
	v21 =	vadd.f32 v52, v40;
	v54 =	vpop (erf)  }
0x5d5: {  	v8 =	vmul.f32 v59, v59;
	v3 =	vadd.f32 v3, v22;
	v22 =	vadd.f32 $1.000000000e+00, v54  }
0x5d6: {  	v19 =	vmul.f32 v19, v19;
	v6 =	vadd.f32 v49, v6;
	v4 =	vadd.f32 v9, v4  }
0x5d7: {  	v0 =	vadd.f32 v0, v5;
	v7 =	vadd.f32 v8, v7;
	(erf) = vrcp.f32 v22  }
0x5d8: {  	v50 =	vmul.f32 v58, v58;
	v18 =	vadd.f32 v18, v21;
	v10 =	vadd.f32 v35, v10  }
0x5d9: {  	v55 =	vmul.f32 v37, v37;
	v1 =	vadd.f32 v7, v48;
	v7 =	vadd.f32 v51, v45  }
0x5da: {  	v8 =	vmul.f32 v62, v62;
	v58 =	vadd.f32 v6, v19;
	v4 =	vadd.f32 v4, v57  }
0x5db: {  	v0 =	vadd.f32 v0, v36;
	v7 =	vadd.f32 v55, v7  }
0x5dc: {  	v18 =	vadd.f32 v18, v56;
	v59 =	vadd.f32 v10, v8;
	v8 =	vld [tilespmem:s5+$0x1C000]  }
0x5dd: {  	v7 =	vadd.f32 v7, v20;
	v3 =	vadd.f32 v3, v50  }
0x5de: {  	v60 =	vadd.f32 v59, v58;
	v1 =	vadd.f32 v1, v18  }
0x5df: {  	v4 =	vadd.f32 v4, v7;
	v0 =	vadd.f32 v0, v3  }
0x5e0: {  	v1 =	vadd.f32 v1, v60;
	v61 =	vpop (erf)  }
0x5e1: {  	v0 =	vadd.f32 v0, v4;
	v2 =	vsub.f32 v61, v8;
	_ =	sdelay $0x1  }
0x5e2: {  	v0 =	vadd.f32 v0, v1;
	v62 =	vmul.f32 v2, v2  }
0x5e3: {  	v63 =	vld [tilespmem:$0x1C0A0]  }
0x5e4: {  	s4 =	sadd.s32 $0x1, s4;
	v0 =	vmul.f32 $1.525878980e-08, v0;
	v1 =	vmul.f32 $6.103515630e-05, v62  }
0x5e5: {  	p0 =	sne.s32 s4, $0x8  }
.Ltmp18:
0x5e6: {  	v0 =	vadd.f32 v1, v0;
	(pc) =	sbr.rel @p0 .LBB3_36-.Ltmp18, $4  }
0x5e7: {  	v59 =	vld [tilespmem:$0x1FFC0]  }
0x5e8: {  	v60 =	vld [tilespmem:$0x1FFE0];
	v0 =	vadd.f32 v0, v63  }
0x5e9: {  	v61 =	vld [tilespmem:$0x1FFF0]  }
0x5ea: {  	v62 =	vlaneseq.u32;
	v63 =	vld [tilespmem:$0x1FFD0];
	[tilespmem:$0x1C0A0] =	vst v0  }
0x5eb: {  	v0 =	vimm.s32 $0x0  }
0x5ec: {  	[tilespmem:$0x20] =	vst v0  }
0x5ed: {  	[tilespmem:$0xA0] =	vst v0  }
0x5ee: {  	[tilespmem:$0x120] =	vst v0  }
0x5ef: {  	[tilespmem:$0x30] =	vst v0  }
0x5f0: {  	[tilespmem:$0xB0] =	vst v0  }
0x5f1: {  	[tilespmem:$0x130] =	vst v0  }
0x5f2: {  	[tilespmem:$0x40] =	vst v0  }
0x5f3: {  	[tilespmem:$0xC0] =	vst v0  }
0x5f4: {  	[tilespmem:$0x140] =	vst v0  }
0x5f5: {  	[tilespmem:$0x50] =	vst v0  }
0x5f6: {  	[tilespmem:$0xD0] =	vst v0  }
0x5f7: {  	[tilespmem:$0x150] =	vst v0  }
0x5f8: {  	[tilespmem:$0x60] =	vst v0  }
0x5f9: {  	[tilespmem:$0xE0] =	vst v0  }
0x5fa: {  	[tilespmem:$0x160] =	vst v0  }
0x5fb: {  	[tilespmem:$0x70] =	vst v0  }
0x5fc: {  	[tilespmem:$0xF0] =	vst v0  }
0x5fd: {  	s4 =	simm.s32 $0x0;
	s5 =	rddreg [dreg:$0x1c];
	s7 =	simm.s32 $0x7;
	[tilespmem:$0x170] =	vst v0  }
0x5fe: {  	[tilespmem:s4], [sflag:$0x7] =	stream.linear.gather [hbm4b:s5+s4], $0x20, $0x38;
	[tilespmem:$0x1C0D0] =	vst v63  }
0x5ff: {  	_ =	swait.ge [sflag:s7], $0x20  }
0x600: {  	[sflag:s7] =	ssyncset.done $0x0  }
0x601: {  	s6 =	rddreg [dreg:$0x1d];
	[sflag:s7] =	ssyncadd.s32 $0xFFFFFFE0  }
0x602: {  	[tilespmem:s9], [sflag:$0x7] =	stream.linear.gather [hbm4b:s6+s4], $0x20, $0x38;
	[tilespmem:$0x1C0D0] =	vst v63  }
0x603: {  	_ =	swait.ge [sflag:s7], $0x20  }
0x604: {  	[sflag:s7] =	ssyncset.done $0x0  }
0x605: {  	s15 =	rddreg [dreg:$0x1f];
	[sflag:s7] =	ssyncadd.s32 $0xFFFFFFE0  }
0x606: {  	[tilespmem:s10], [sflag:$0x7] =	stream.linear.gather [hbm4b:s15+s4], $0x20, $0x38;
	[tilespmem:$0x1C0D0] =	vst v63  }
0x607: {  	_ =	swait.ge [sflag:s7], $0x20  }
0x608: {  	[sflag:s7] =	ssyncset.done $0x0  }
0x609: {  	[sflag:s7] =	ssyncadd.s32 $0xFFFFFFE0  }
0x60a: {  	[tilespmem:s18], [sflag:$0x4] =	stream.indirect.gather [hbm4b:s28+s9], $0x40, s4, s9, $0xb8;
	[tilespmem:$0x1C0D0] =	vst v63  }
0x60b: {  	_ = 	snop  }
0x60c: {  	[tilespmem:s19], [sflag:$0x4] =	stream.indirect.gather [hbm4b:s30+s9], $0x40, s10, s9, $0xb8;
	[tilespmem:$0x1C0D0] =	vst v63  }
0x60d: {  	_ =	swait.ge [sflag:s21], $0x2000  }
0x60e: {  	[sflag:s21] =	ssyncset.done $0x0  }
0x60f: {  	[sflag:s21] =	ssyncadd.s32 $0xFFFFE000  }
0x610: {  	_ =	swait.ge [sflag:s21], $0x2000  }
0x611: {  	[sflag:s21] =	ssyncset.done $0x0  }
0x612: {  	p1 =	por $0x1, $0x1;
	s5 =	simm.s32 $0x0;
	[sflag:s21] =	ssyncadd.s32 $0xFFFFE000  }
.LBB3_40:
0x613: {  	v29 =	vld [tilespmem:$0x1FF70]  }
0x614: {  	v0 =	vld [tilespmem:s5+$0x80]  }
0x615: {  	v1 =	vmov s5;
	v9 =	vld [tilespmem:$0x1FF90]  }
0x616: {  	v1 =	vshll.u32 v1, $0x6  }
0x617: {  	v27 =	vadd.s32 s4, v13;
	v6 =	vor.u32 v59, v1;
	v1 =	vld [tilespmem:$0x1FFB0]  }
0x618: {  	v27 =	vand.u32 $0x38, v27;
	v36 =	vor.u32 v29, v6  }
0x619: {  	v7 =	vld [tilespmem:$0x1FFA0];
	v8 =	vadd.s32 s4, v15;
	v0 =	vshll.u32 v0, $0x6;
	v33 =	vor.u32 v36, v27  }
0x61a: {  	v8 =	vand.u32 $0x38, v8;
	v22 =	vor.u32 v9, v0  }
0x61b: {  	v2 =	vadd.s32 s4, v17;
	v23 =	vor.u32 v9, v6;
	v10 =	vor.u32 v22, v8  }
0x61c: {  	v2 =	vand.u32 $0x38, v2;
	v21 =	vor.u32 v1, v0;
	v8 =	vor.u32 v23, v8  }
0x61d: {  	v4 =	vadd.s32 s4, v16;
	v9 =	vld [tilespmem:$0x1FF80];
	v1 =	vor.u32 v1, v6;
	v3 =	vor.u32 v21, v2  }
0x61e: {  	v4 =	vand.u32 $0x38, v4;
	v5 =	vor.u32 v1, v2;
	v2 =	vor.u32 v7, v0;
	v44 =	vld.idx.msk [tilespmem:v33+s18+$0x0], $0xffff  }
0x61f: {  	v18 =	vor.u32 v7, v6;
	v7 =	vor.u32 v2, v4;
	v46 =	vld.idx.msk [tilespmem:v33+s19+$0x0], $0xffff  }
0x620: {  	v4 =	vor.u32 v18, v4;
	v41 =	vld.idx.msk [tilespmem:v10+s8+$0x0], $0xffff  }
0x621: {  	v10 =	vld.idx.msk [tilespmem:v8+s18+$0x0], $0xffff  }
0x622: {  	v20 =	vld.idx.msk [tilespmem:v3+s8+$0x0], $0xffff;
	v3 =	vadd.s32 s4, v14  }
0x623: {  	v28 =	vor.u32 v63, v6;
	v19 =	vor.u32 v9, v0;
	v43 =	vld.idx.msk [tilespmem:v8+s19+$0x0], $0xffff;
	v3 =	vand.u32 $0x38, v3  }
0x624: {  	v31 =	vor.u32 v60, v6;
	v25 =	vor.u32 v9, v6;
	v38 =	vld.idx.msk [tilespmem:v7+s8+$0x0], $0xffff;
	v24 =	vor.u32 v19, v3  }
0x625: {  	v32 =	vor.u32 v63, v0;
	v37 =	vor.u32 v60, v0;
	v7 =	vld.idx.msk [tilespmem:v4+s18+$0x0], $0xffff;
	v26 =	vor.u32 v25, v3  }
0x626: {  	v9 =	vld.idx.msk [tilespmem:v4+s19+$0x0], $0xffff;
	v4 =	vor.u32 v61, v6;
	v6 =	vadd.s32 s4, v12;
	v3 =	vor.u32 v29, v0  }
0x627: {  	v39 =	vor.u32 v61, v0;
	v40 =	vld.idx.msk [tilespmem:v5+s18+$0x0], $0xffff;
	v0 =	vand.u32 $0x38, v6;
	v29 =	vor.u32 v3, v27  }
0x628: {  	v30 =	vimm.f32 $0.0e+00;
	v34 =	vimm.f32 $0.0e+00;
	v5 =	vld.idx.msk [tilespmem:v5+s19+$0x0], $0xffff;
	v49 =	vor.u32 v39, v0  }
0x629: {  	v35 =	vimm.f32 $0.0e+00;
	v8 =	vadd.s32 s4, v11;
	v48 =	vor.u32 v4, v0;
	v6 =	vld.idx.msk [tilespmem:v24+s8+$0x0], $0xffff  }
0x62a: {  	v33 =	vimm.f32 $0.0e+00;
	v50 =	vand.u32 $0x38, v8;
	v0 =	vadd.s32 s4, v62;
	v42 =	vld.idx.msk [tilespmem:v26+s18+$0x0], $0xffff  }
0x62b: {  	v47 =	vor.u32 v31, v50;
	v27 =	vimm.f32 $0.0e+00;
	v51 =	vand.u32 $0x38, v0;
	v45 =	vld.idx.msk [tilespmem:v26+s19+$0x0], $0xffff  }
0x62c: {  	p0 =	por p1, p1;
	s6 =	simm.s32 $0x8;
	v24 =	vimm.f32 $0.0e+00;
	v26 =	vimm.f32 $0.0e+00;
	v8 =	vld.idx.msk [tilespmem:v29+s8+$0x0], $0xffff;
	v29 =	vimm.f32 $0.0e+00  }
.LBB3_41:
0x62d: {  	p1 =	sne.s32 s6, $0x38;
	v0 =	vor.u32 v28, v51;
	v49 =	vld.idx.msk [tilespmem:v49+s8+$0x0], $0xffff  }
0x62e: {  	v52 =	vld.idx.msk [tilespmem:v48+s18+$0x0], $0xffff  }
0x62f: {  	v53 =	vadd.s32 s6, v17;
	v50 =	vor.u32 v37, v50;
	v5 =	vmul.f32 v5, v40;
	v48 =	vld.idx.msk [tilespmem:v48+s19+$0x0], $0xffff  }
0x630: {  	v51 =	vor.u32 v32, v51;
	v7 =	vmul.f32 v9, v7;
	v40 =	vand.u32 $0x38, v53;
	v53 =	vld.idx.msk [tilespmem:v47+s18+$0x0], $0xffff  }
0x631: {  	v9 =	vadd.s32 s6, v16;
	v54 =	vor.u32 v21, v40;
	v5 =	vmul.f32 v5, v20;
	v47 =	vld.idx.msk [tilespmem:v47+s19+$0x0], $0xffff  }
0x632: {  	v9 =	vand.u32 $0x38, v9;
	v55 =	vor.u32 v1, v40;
	v7 =	vmul.f32 v7, v38;
	v56 =	vld.idx.msk [tilespmem:v0+s18+$0x0], $0xffff  }
0x633: {  	v10 =	vmul.f32 v43, v10;
	v38 =	vor.u32 v2, v9;
	v24 =	vadd.f32 v5, v24;
	v0 =	vld.idx.msk [tilespmem:v0+s19+$0x0], $0xffff  }
0x634: {  	v9 =	vor.u32 v18, v9;
	v5 =	vadd.s32 s6, v15;
	v29 =	vadd.f32 v7, v29;
	v43 =	vld.idx.msk [tilespmem:v50+s8+$0x0], $0xffff  }
0x635: {  	v10 =	vmul.f32 v10, v41;
	v7 =	vmul.f32 v45, v42;
	v5 =	vand.u32 $0x38, v5;
	v50 =	vld.idx.msk [tilespmem:v51+s8+$0x0], $0xffff  }
0x636: {  	v40 =	vadd.s32 s6, v14;
	v42 =	vor.u32 v23, v5;
	v41 =	vor.u32 v22, v5;
	v20 =	vld.idx.msk [tilespmem:v54+s8+$0x0], $0xffff  }
0x637: {  	v45 =	vand.u32 $0x38, v40;
	v26 =	vadd.f32 v10, v26;
	v6 =	vmul.f32 v7, v6;
	v40 =	vld.idx.msk [tilespmem:v55+s18+$0x0], $0xffff  }
0x638: {  	v44 =	vmul.f32 v46, v44;
	v10 =	vmul.f32 v48, v52;
	v51 =	vor.u32 v19, v45;
	v5 =	vld.idx.msk [tilespmem:v55+s19+$0x0], $0xffff  }
0x639: {  	v45 =	vor.u32 v25, v45;
	v46 =	vmul.f32 v47, v53;
	v0 =	vmul.f32 v0, v56;
	v38 =	vld.idx.msk [tilespmem:v38+s8+$0x0], $0xffff  }
0x63a: {  	v8 =	vmul.f32 v44, v8;
	v27 =	vadd.f32 v6, v27;
	v10 =	vmul.f32 v10, v49;
	v7 =	vld.idx.msk [tilespmem:v9+s18+$0x0], $0xffff  }
0x63b: {  	v6 =	vadd.s32 s6, v13;
	v43 =	vmul.f32 v46, v43;
	v0 =	vmul.f32 v0, v50;
	v9 =	vld.idx.msk [tilespmem:v9+s19+$0x0], $0xffff  }
0x63c: {  	v33 =	vadd.f32 v8, v33;
	v6 =	vand.u32 $0x38, v6;
	v30 =	vadd.f32 v10, v30;
	v41 =	vld.idx.msk [tilespmem:v41+s8+$0x0], $0xffff  }
0x63d: {  	v8 =	vor.u32 v3, v6;
	v35 =	vadd.f32 v43, v35;
	v34 =	vadd.f32 v0, v34;
	v10 =	vld.idx.msk [tilespmem:v42+s18+$0x0], $0xffff  }
0x63e: {  	v46 =	vor.u32 v36, v6;
	v0 =	vadd.s32 s6, v12;
	v43 =	vld.idx.msk [tilespmem:v42+s19+$0x0], $0xffff  }
0x63f: {  	v0 =	vand.u32 $0x38, v0;
	v6 =	vld.idx.msk [tilespmem:v51+s8+$0x0], $0xffff  }
.Ltmp19:
0x640: {  	v49 =	vor.u32 v39, v0;
	v42 =	vld.idx.msk [tilespmem:v45+s18+$0x0], $0xffff;
	(pc) =	sbr.rel @p1 .LBB3_41-.Ltmp19, $4  }
0x641: {  	v44 =	vadd.s32 s6, v11;
	v48 =	vor.u32 v4, v0;
	v45 =	vld.idx.msk [tilespmem:v45+s19+$0x0], $0xffff  }
0x642: {  	v50 =	vand.u32 $0x38, v44;
	v8 =	vld.idx.msk [tilespmem:v8+s8+$0x0], $0xffff  }
0x643: {  	v47 =	vor.u32 v31, v50;
	v0 =	vadd.s32 s6, v62;
	v44 =	vld.idx.msk [tilespmem:v46+s18+$0x0], $0xffff  }
0x644: {  	s6 =	sadd.s32 $0x8, s6;
	v51 =	vand.u32 $0x38, v0;
	v46 =	vld.idx.msk [tilespmem:v46+s19+$0x0], $0xffff  }
0x645: {  	_ =	sdelay $0x3  }
0x646: {  	v0 =	vor.u32 v28, v51;
	v1 =	vld.idx.msk [tilespmem:v49+s8+$0x0], $0xffff  }
0x647: {  	v2 =	vld.idx.msk [tilespmem:v48+s18+$0x0], $0xffff  }
0x648: {  	v3 =	vor.u32 v37, v50;
	v4 =	vld.idx.msk [tilespmem:v48+s19+$0x0], $0xffff  }
0x649: {  	v18 =	vor.u32 v32, v51;
	v19 =	vld.idx.msk [tilespmem:v47+s18+$0x0], $0xffff  }
0x64a: {  	v21 =	vld.idx.msk [tilespmem:v47+s19+$0x0], $0xffff  }
0x64b: {  	v5 =	vmul.f32 v5, v40;
	v22 =	vld.idx.msk [tilespmem:v0+s18+$0x0], $0xffff  }
0x64c: {  	v7 =	vmul.f32 v9, v7;
	v9 =	vmul.f32 v43, v10;
	v0 =	vld.idx.msk [tilespmem:v0+s19+$0x0], $0xffff  }
0x64d: {  	v5 =	vmul.f32 v5, v20;
	v3 =	vld.idx.msk [tilespmem:v3+s8+$0x0], $0xffff  }
0x64e: {  	v7 =	vmul.f32 v7, v38;
	v9 =	vmul.f32 v9, v41;
	v10 =	vld.idx.msk [tilespmem:v18+s8+$0x0], $0xffff  }
0x64f: {  	v48 =	vmul.f32 v46, v44;
	v18 =	vmul.f32 v45, v42  }
0x650: {  	v5 =	vadd.f32 v5, v24;
	v2 =	vmul.f32 v4, v2;
	v19 =	vmul.f32 v21, v19  }
0x651: {  	v50 =	vadd.f32 v7, v29;
	v49 =	vmul.f32 v48, v8;
	v0 =	vmul.f32 v0, v22  }
0x652: {  	v51 =	vadd.f32 v9, v26;
	v1 =	vmul.f32 v2, v1;
	v6 =	vmul.f32 v18, v6  }
0x653: {  	v2 =	vadd.f32 v49, v33;
	v3 =	vmul.f32 v19, v3;
	v0 =	vmul.f32 v0, v10  }
0x654: {  	v1 =	vadd.f32 v1, v30;
	v6 =	vadd.f32 v6, v27  }
0x655: {  	v3 =	vadd.f32 v3, v35;
	v0 =	vadd.f32 v0, v34  }
0x656: {  	v53 =	vadd.f32 v5, v50;
	v1 =	vadd.f32 v2, v1  }
0x657: {  	v52 =	vadd.f32 v51, v6;
	v0 =	vadd.f32 v3, v0  }
0x658: {  	v56 =	vld [tilespmem:$0x1FF50]  }
0x659: {  	v54 =	vadd.f32 v53, v52;
	v0 =	vadd.f32 v1, v0  }
0x65a: {  	v57 =	vld [tilespmem:$0x1FF60]  }
0x65b: {  	v0 =	vadd.f32 v54, v0  }
0x65c: {  	v55 =	vld [tilespmem:s5+$0x1C080]  }
0x65d: {  	v0 =	vmul.f32 v0, v56;
	_ =	sdelay $0x1  }
0x65e: {  	v0 =	vadd.f32 v0, v57;
	_ =	sdelay $0x1  }
0x65f: {  	v0 =	vsub.f32 v55, v0;
	_ =	sdelay $0x1  }
0x660: {  	v58 =	vld [tilespmem:$0x1C0A0];
	v0 =	vmax.f32 v0, $0.0e+00  }
0x661: {  	v0 =	vmul.f32 v0, v0;
	_ =	sdelay $0x1  }
.Ltmp20:
0x662: {  	v0 =	vmul.f32 $1.953125030e-04, v0;
	(pc) =	sbr.rel @p0 .LBB3_40-.Ltmp20, $3  }
0x663: {  	_ = 	snop  }
0x664: {  	v0 =	vadd.f32 v0, v58;
	_ =	sdelay $0x1  }
0x665: {  	s5 =	simm.s32 $0x10;
	p1 =	por $0x0, $0x0;
	[tilespmem:$0x1C0A0] =	vst v0  }
0x666: {  	s5 =	sld [smem:$0x7F5];
	_ =	sdelay $0x1  }
0x667: {  	s4 =	simm.s32 $0x0;
	s6 =	simm.s32 $0x1C0A0  }
0x668: {  	[hbm4b:s5+s4] =	stream.linear.scatter [tilespmem:s6], [sflag:$0x7], $0x10, $0x38;
	[tilespmem:$0x1C0D0] =	vst v63  }
0x669: {  	_ =	swait.ge [sflag:s7], $0x10  }
0x66a: {  	s5 =	sld [smem:$0x7F4]  }
0x66b: {  	s15 =	sld [smem:$0x7FD];
	_ =	sdelay $0x1  }
0x66c: {  	s6 =	sadd.s32 $0x1, s5  }
0x66d: {  	p0 =	sne.s32 s6, s15  }
.Ltmp21:
0x66e: {  	_ = 	snop;
	(pc) =	sbr.rel @p0 .LBB3_1-.Ltmp21, $3  }
0x66f: {  	_ =	sdelay $0x1  }
0x670: {  	[sflag:s7] =	ssyncset.done $0x0  }
0x671: {  	[sflag:s7] =	ssyncadd.s32 $0xFFFFFFF0  }
0x672: {  	_ =	sfence.sel $0x180000  }
0x673: {  	[bflag:$0x0] =	sbarrier.arrive $0xFFFF  }
0x674: {  	_ =	strace $0x90000047  }
0x675: {  	s0 =	stileid.u32;
	[bflag:$0x2] =	sbarrier.arrive $0xFFFF  }
0x676: {  	p0 =	sne.s32 s0, $0x0;
	s0 =	rddreg [dreg:$0x1e]  }
0x677: {  	s0 =	sadd.s32 @!p0 $0x100000, s0  }
0x678: {  	[sflag:s0] =	ssyncadd.tile.s32 @!p0 $0x1;
	_ =	shalt  }
.Lfunc_end3:
_tile_overlayer_lowered:
.L_overlay_start_3:
0x679: {  	(tag) =	ssettag $0x3  }
0x67a: {  	s0 =	rddreg [dreg:$0x0];
	s2 =	stileid.u32  }
0x67b: {  	s1 =	rddreg [dreg:$0x1];
	p0 =	sne.s32 s2, $0x0  }
0x67c: {  	s3 =	rddreg [dreg:$0x2];
	[bflag:$0x3] =	sbarrier.arrive $0xFFFF;
	s2 =	simm.s32 @!p0 $0x1C07  }
0x67d: {  	[timem:s3], [sflag:s2] =	dma.local @!p0 [hbm:s0], s1  }
0x67e: {  	s0 =	simm.s32 @!p0 $0x7  }
0x67f: {  	_ =	swait.ge @!p0 [sflag:s0], s1  }
0x680: {  	s1 =	ssub.s32 @!p0 $0x0, s1;
	[sflag:s0] =	ssyncset.done @!p0 $0x0  }
0x681: {  	[sflag:s0] =	ssyncadd.s32 @!p0 s1  }
0x682: {  	[bflag:$0x3] =	sbarrier.arrive $0xFFFF  }
0x683: {  	_ =	shalt  }

</sc_bundles>
